<compile_context>
chip_gen: v7x
topology: tpu7x:2x2x1
jax: 0.10.2.dev20260603
libtpu: 0.0.44.dev20260713+nightly
codegen_flags: <defaults>
</compile_context>

<pallas_src>
import functools

import jax
import jax.numpy as jnp
from jax import lax
from jax.experimental import pallas as pl
from jax.experimental.pallas import tpu as pltpu
from jax.experimental.pallas import tpu_sc as plsc

_B, _CIN, _H, _W = 4, 128, 32, 32
_COUT = 512
_K = 9
_GADD, _RADD = 2, 2
_REGION = (8, 8)
_MIN_SIGMA = 0.05
_SIGMA_SCALE = 0.05
_SIGMA_BOOST = 2.0
_MMULT = 1.0
_HIDDEN = _CIN * 4
_VS = 4 + _GADD + _RADD

_NW = 32
_G = _B * _H * _W * _K
_GPW = _G // _NW
_BG = 16
_NBLK = _GPW // _BG
_NROW = _B * _H * _W

_INTERPRET = False


def _coords_hw(h, w):
    ci = jnp.arange(h, dtype=jnp.float32) / (h - 1)
    cj = jnp.arange(w, dtype=jnp.float32) / (w - 1)
    return jnp.stack([
        jnp.broadcast_to(ci[:, None], (h, w)),
        jnp.broadcast_to(cj[None, :], (h, w)),
    ], axis=0)


def _random_index_constants(b, h, w, k):
    kg = jax.random.key(42)
    kg1, kg2 = jax.random.split(kg)
    glob = jnp.stack([
        jax.random.randint(jax.random.fold_in(kg1, 0), (b, h, w, k, _GADD), 0, h),
        jax.random.randint(jax.random.fold_in(kg1, 1), (b, h, w, k, _GADD), 0, w),
    ], axis=-1).astype(jnp.int32)
    roff = jnp.stack([
        jax.random.randint(jax.random.fold_in(kg2, 0), (b, h, w, k, _RADD), 0, _REGION[0]) - _REGION[0] // 2,
        jax.random.randint(jax.random.fold_in(kg2, 1), (b, h, w, k, _RADD), 0, _REGION[1]) - _REGION[1] // 2,
    ], axis=-1).astype(jnp.int32)
    return glob, roff



def _bcast_lane(vec, lane):
    idx = jnp.full((16, 1), lane, jnp.int32)
    dn = lax.GatherDimensionNumbers(
        offset_dims=(), collapsed_slice_dims=(0,), start_index_map=(0,))
    return lax.gather(vec, idx, dn, (1,),
                      mode=lax.GatherScatterMode.PROMISE_IN_BOUNDS)


def _sc_gather_combine(xt, idxs, wts):

    @functools.partial(
        pl.kernel,
        out_type=jax.ShapeDtypeStruct((_G, _CIN), jnp.float32),
        mesh=plsc.VectorSubcoreMesh(core_axis_name="c", subcore_axis_name="s"),
        scratch_types=[
            pltpu.VMEM((_NBLK, 128), jnp.int32),
            pltpu.VMEM((_NBLK, 128), jnp.float32),
            pltpu.VMEM((2, 128, _CIN), jnp.float32),
            pltpu.VMEM((2, _BG, _CIN), jnp.float32),
            pltpu.SemaphoreType.DMA,
            pltpu.SemaphoreType.DMA,
            pltpu.SemaphoreType.DMA,
            pltpu.SemaphoreType.DMA,
        ],
    )
    def k(xt_hbm, idx_hbm, w_hbm, feat_hbm, idx_v, w_v, rows_v, out_v,
          gsem0, gsem1, osem0, osem1):
        wid = lax.axis_index("s") * 2 + lax.axis_index("c")
        pltpu.sync_copy(idx_hbm.at[wid], idx_v)
        pltpu.sync_copy(w_hbm.at[wid], w_v)

        def combine(buf, blk):
            def gbody(pr, carry):
                wvec = w_v[blk, pl.ds(pr * 16, 16)]
                for half in range(2):
                    row0 = (pr * 2 + half) * _VS
                    wb = [_bcast_lane(wvec, half * _VS + vs) for vs in range(_VS)]
                    for cp in range(_CIN // 16):
                        acc = None
                        for vs in range(_VS):
                            r = rows_v[buf, row0 + vs, pl.ds(cp * 16, 16)]
                            acc = wb[vs] * r if acc is None else acc + wb[vs] * r
                        out_v[buf, pr * 2 + half, pl.ds(cp * 16, 16)] = acc
                return carry
            lax.fori_loop(0, _BG // 2, gbody, 0)

        def gather(buf, blk, sem):
            return pltpu.async_copy(xt_hbm.at[idx_v.at[blk]], rows_v.at[buf], sem)

        def wait_gather(buf, sem):
            pltpu.make_async_copy(xt_hbm.at[idx_v.at[0]], rows_v.at[buf], sem).wait()

        def put_out(buf, blk, sem):
            base = pl.multiple_of(wid * _GPW + blk * _BG, 8)
            return pltpu.async_copy(out_v.at[buf],
                                    feat_hbm.at[pl.ds(base, _BG)], sem)

        def wait_out(buf, sem):
            pltpu.make_async_copy(out_v.at[buf],
                                  feat_hbm.at[pl.ds(0, _BG)], sem).wait()

        gather(0, 0, gsem0)

        def body(i, carry):
            blk0 = i * 2
            blk1 = i * 2 + 1
            gather(1, blk1, gsem1)
            wait_gather(0, gsem0)

            @pl.when(i >= 1)
            def _():
                wait_out(0, osem0)
            combine(0, blk0)
            put_out(0, blk0, osem0)

            @pl.when(i + 1 < _NBLK // 2)
            def _():
                gather(0, blk0 + 2, gsem0)
            wait_gather(1, gsem1)

            @pl.when(i >= 1)
            def _():
                wait_out(1, osem1)
            combine(1, blk1)
            put_out(1, blk1, osem1)
            return carry

        lax.fori_loop(0, _NBLK // 2, body, 0)
        wait_out(0, osem0)
        wait_out(1, osem1)

    return k(xt, idxs, wts)



def _matmul_kernel(wu_ref, feat_ref, bu_ref, out_ref):
    acc = lax.dot_general(wu_ref[...], feat_ref[...],
                          (((1,), (1,)), ((), ())),
                          preferred_element_type=jnp.float32)
    out_ref[...] = (acc + bu_ref[...])[None]


def _unify_matmul(wu_b, feat, bu):
    cout, kc = wu_b.shape
    p = _H * _W
    grid = (_B,)
    return pl.pallas_call(
        _matmul_kernel,
        grid=grid,
        in_specs=[
            pl.BlockSpec((cout, kc), lambda i: (0, 0)),
            pl.BlockSpec((p, kc), lambda i: (i, 0)),
            pl.BlockSpec((cout, 1), lambda i: (0, 0)),
        ],
        out_specs=pl.BlockSpec((1, cout, p), lambda i: (i, 0, 0)),
        out_shape=jax.ShapeDtypeStruct((_B, cout, p), jnp.float32),
        interpret=_INTERPRET,
    )(wu_b, feat, bu.reshape(cout, 1))



def kernel(x, W1, b1, W2, b2, Wu, bu):
    b, c, h, w = x.shape
    k = _K
    coords = _coords_hw(h, w)
    hw = jnp.array([h, w], dtype=jnp.float32)

    mids = coords * (hw - 1.0)[:, None, None]
    mids = mids.transpose(1, 2, 0).reshape(h * w, 1, 2)

    inp = coords.transpose(1, 2, 0).reshape(h * w, 2)
    hdn = jax.nn.relu(inp @ W1.T + b1)
    params = hdn @ W2.T + b2
    means = params[:, : k * 2].reshape(h * w, k, 2)
    sigmas_raw = params[:, k * 2:].reshape(h * w, k)
    means = mids + _MMULT * means
    s = hw - 1.0
    means = jnp.remainder(means, s)
    sigmas = (jax.nn.softplus(sigmas_raw + _SIGMA_BOOST) + _MIN_SIGMA)[..., None] * hw
    sigmas = sigmas * _SIGMA_SCALE

    fl = jnp.floor(jax.lax.stop_gradient(means)).astype(jnp.int32)
    offs = jnp.array([[0, 0], [0, 1], [1, 0], [1, 1]], dtype=jnp.int32)
    neigh = fl[:, :, None, :] + offs[None, None]
    neigh = jnp.broadcast_to(neigh[None], (b, h * w, k, 4, 2))
    glob, roff = _random_index_constants(b, h, w, k)
    glob = glob.reshape(b, h * w, k, _GADD, 2)
    roff = roff.reshape(b, h * w, k, _RADD, 2)
    rel = fl[None, :, :, None, :] + roff
    bounds = jnp.array([h, w], dtype=jnp.int32)
    indices = jnp.concatenate([neigh, glob, rel], axis=3)
    indices = jnp.remainder(indices, bounds)

    indfl = indices.astype(jnp.float32)
    eq = jnp.all(indices[:, :, :, :, None, :] == indices[:, :, :, None, :, :], axis=-1)
    tril = jnp.tril(jnp.ones((_VS, _VS), dtype=bool), -1)
    dups = jnp.any(eq & tril[None, None, None], axis=-1)

    diff = (indfl - means[None, :, :, None, :]) / sigmas[None, :, :, None, :]
    props = jnp.exp(-0.5 * jnp.sum(diff * diff, axis=-1))
    props = jnp.where(dups, 0.0, props)
    weights = props / jnp.sum(props, axis=3, keepdims=True)

    lin = indices[..., 0] * w + indices[..., 1]
    rowid = lin + (jnp.arange(b, dtype=jnp.int32) * (h * w))[:, None, None, None]
    idxs = rowid.reshape(_NW, _NBLK, 128)
    wts = weights.reshape(_NW, _NBLK, 128)

    xt = x.transpose(0, 2, 3, 1).reshape(b * h * w, c)

    feat = _sc_gather_combine(xt, idxs, wts)
    feat = feat.reshape(b * h * w, k * c)

    out = _unify_matmul(Wu, feat, bu)
    return out.reshape(b, _COUT, h, w)

# --- scband reference (transcript-rebuilt; emitter-appended) ---
"""Pipeline reference for scband-convolution-49117245997775 (READ-ONLY COPY).

The authoritative reference and input builder live on the scoring server;
editing this copy changes nothing except your own understanding.
"""

import jax, jax.numpy as jnp
import numpy as np

B, CIN, H, W = 4, 128, 32, 32
COUT = 512
K = 9
GADD, RADD = 2, 2
REGION = (8, 8)
MIN_SIGMA = 0.05
SIGMA_SCALE = 0.05
SIGMA_BOOST = 2.0
MMULT = 1.0
HIDDEN = CIN * 4
VS = 4 + GADD + RADD


def _coords(h, w):
    ci = jnp.arange(h, dtype=jnp.float32) / (h - 1)
    cj = jnp.arange(w, dtype=jnp.float32) / (w - 1)
    return jnp.stack([
        jnp.broadcast_to(ci[:, None], (h, w)),
        jnp.broadcast_to(cj[None, :], (h, w)),
    ], axis=0)


def setup_inputs(seed: int = 0) -> dict:
    key = jax.random.key(seed)
    ks = jax.random.split(key, 8)
    x = jax.random.normal(ks[0], (B, CIN, H, W), dtype=jnp.float32)
    W1 = jax.random.normal(ks[1], (HIDDEN, 2), dtype=jnp.float32) * 0.5
    b1 = jnp.zeros((HIDDEN,), dtype=jnp.float32)
    W2 = jax.random.normal(ks[2], (K * 3, HIDDEN), dtype=jnp.float32) * 0.02
    b2 = jnp.zeros((K * 3,), dtype=jnp.float32)
    Wu = jax.random.normal(ks[3], (COUT, K * CIN), dtype=jnp.float32) * (1.0 / np.sqrt(K * CIN))
    bu = jnp.zeros((COUT,), dtype=jnp.float32)
    return {"x": x, "W1": W1, "b1": b1, "W2": W2, "b2": b2, "Wu": Wu, "bu": bu}


def _forward(x, W1, b1, W2, b2, Wu, bu):
    b, c, h, w = x.shape
    k = K
    coords = _coords(h, w)
    hw = jnp.array([h, w], dtype=jnp.float32)
    # hyper: mids are actual pixel coordinates of each output pixel
    mids = coords[None] * (hw - 1.0)[None, :, None, None]
    mids = jnp.broadcast_to(mids, (b, 2, h, w)).transpose(0, 2, 3, 1)
    mids = jnp.broadcast_to(mids[:, :, :, None, :], (b, h, w, k, 2))
    inp = jnp.broadcast_to(coords[None], (b, 2, h, w)).transpose(0, 2, 3, 1)  # adaptive=False
    hdn = jax.nn.relu(inp @ W1.T + b1)
    params = hdn @ W2.T + b2  # (b,h,w,3k)
    means = params[..., : k * 2].reshape(b, h, w, k, 2)
    sigmas_raw = params[..., k * 2:].reshape(b, h, w, k)
    means = mids + MMULT * means
    s = hw - 1.0
    means = jnp.remainder(means, s)  # transform_means, method='modulo'
    sigmas = (jax.nn.softplus(sigmas_raw + SIGMA_BOOST) + MIN_SIGMA)[..., None] * hw  # transform_sigmas
    sigmas = sigmas * SIGMA_SCALE  # (b,h,w,k,2)
    mvalues = jnp.ones((b, h, w, k), dtype=jnp.float32)

    means_e = means[:, :, :, :, None, :]   # (b,h,w,k,1,2)
    sigmas_e = sigmas[:, :, :, :, None, :]
    mvalues_e = mvalues[..., None]         # (b,h,w,k,1)

    # ngenerate: 4 nearest integer neighbours + GADD global + RADD relative-region samples
    fl = jnp.floor(jax.lax.stop_gradient(means)).astype(jnp.int32)  # (b,h,w,k,2)
    offs = jnp.array([[0, 0], [0, 1], [1, 0], [1, 1]], dtype=jnp.int32)
    neigh = fl[:, :, :, :, None, :] + offs[None, None, None, None]  # (b,h,w,k,4,2)
    kg = jax.random.key(42)
    kg1, kg2 = jax.random.split(kg)
    glob = jnp.stack([
        jax.random.randint(jax.random.fold_in(kg1, 0), (b, h, w, k, GADD), 0, h),
        jax.random.randint(jax.random.fold_in(kg1, 1), (b, h, w, k, GADD), 0, w),
    ], axis=-1).astype(jnp.int32)
    roff = jnp.stack([
        jax.random.randint(jax.random.fold_in(kg2, 0), (b, h, w, k, RADD), 0, REGION[0]) - REGION[0] // 2,
        jax.random.randint(jax.random.fold_in(kg2, 1), (b, h, w, k, RADD), 0, REGION[1]) - REGION[1] // 2,
    ], axis=-1).astype(jnp.int32)
    rel = fl[:, :, :, :, None, :] + roff
    bounds = jnp.array([h, w], dtype=jnp.int32)
    indices = jnp.concatenate([neigh, glob, rel], axis=4)  # (b,h,w,k,VS,2)
    indices = jnp.remainder(indices, bounds)

    indfl = indices.astype(jnp.float32)
    # util.nduplicates: mark entries that duplicate an earlier tuple within the VS axis
    eq = jnp.all(indices[:, :, :, :, :, None, :] == indices[:, :, :, :, None, :, :], axis=-1)
    tril = jnp.tril(jnp.ones((VS, VS), dtype=bool), -1)
    dups = jnp.any(eq & tril[None, None, None, None], axis=-1)  # (b,h,w,k,VS)

    # sparse.densities: unnormalized diagonal Gaussian density
    diff = (indfl - means_e) / sigmas_e
    props = jnp.exp(-0.5 * jnp.sum(diff * diff, axis=-1))[..., None]  # (b,h,w,k,VS,1)
    props = jnp.where(dups[..., None], 0.0, props)
    props = props / jnp.sum(props, axis=4, keepdims=True)
    weights = props * jnp.broadcast_to(mvalues_e[:, :, :, :, None, :], props.shape)
    weights = jnp.sum(weights, axis=5)  # (b,h,w,k,VS)

    l = h * w * k * VS
    idx = indices.reshape(b, l, 2)
    lin = idx[..., 0] * w + idx[..., 1]
    flat = x.transpose(0, 2, 3, 1).reshape(b, h * w, c)
    features = jnp.take_along_axis(flat, lin[..., None], axis=1)  # (b,l,c)
    features = features.reshape(b, h, w, k, VS, c)
    features = features * weights[..., None]
    features = jnp.sum(features, axis=4)  # (b,h,w,k,c)
    features = features.reshape(b, h, w, k * c)
    out = features @ Wu.T + bu  # unify
    return out.transpose(0, 3, 1, 2)  # (b,cout,h,w)


def reference(x, W1, b1, W2, b2, Wu, bu):
    return _forward(x, W1, b1, W2, b2, Wu, bu)

if __name__ == "__main__":
    import jax
    _d = setup_inputs()
    print(jax.jit(kernel)(*tuple(_d.values())))

</pallas_src>

<mosaic_0001>
#map = affine_map<(d0, d1) -> (0, 0)>
#map1 = affine_map<(d0, d1) -> (0, 0, 0)>
module attributes {stable_mosaic.version = 14 : i64} {
  func.func @k(%arg0: i32, %arg1: i32, %arg2: memref<4096x128xf32, #tpu.memory_space<hbm>>, %arg3: memref<32x72x128xi32, #tpu.memory_space<hbm>>, %arg4: memref<32x72x128xf32, #tpu.memory_space<hbm>>, %arg5: memref<36864x128xf32, #tpu.memory_space<hbm>>, %arg6: memref<72x128xi32, #tpu.memory_space<vmem>>, %arg7: memref<72x128xf32, #tpu.memory_space<vmem>>, %arg8: memref<2x128x128xf32, #tpu.memory_space<vmem>>, %arg9: memref<2x16x128xf32, #tpu.memory_space<vmem>>, %arg10: memref<!tpu.dma_semaphore, #tpu.memory_space<semaphore_mem>>, %arg11: memref<!tpu.dma_semaphore, #tpu.memory_space<semaphore_mem>>, %arg12: memref<!tpu.dma_semaphore, #tpu.memory_space<semaphore_mem>>, %arg13: memref<!tpu.dma_semaphore, #tpu.memory_space<semaphore_mem>>) attributes {dimension_semantics = [#tpu.dimension_semantics<core_parallel>, #tpu.dimension_semantics<subcore_parallel>], iteration_bounds = array<i64: 2, 16>, scalar_prefetch = 0 : i64, scratch_operands = 8 : i64, tpu.core_type = #tpu.core_type<sc_vector_subcore>, window_params = [{transform_indices = #map}, {transform_indices = #map1}, {transform_indices = #map1}, {transform_indices = #map}]} {
    %mul3A = arith.constant 2 : i32
    %mul3A_0 = arith.muli %arg1, %mul3A : i32
    %add3A = arith.addi %mul3A_0, %arg0 : i32
    "tpu.region"() ({
      %run_scoped3A = tpu.sem_alloc : memref<!tpu.dma_semaphore, #tpu.memory_space<semaphore_mem>>
      %dma_start3A_46 = arith.constant 0 : i32
      %dma_start3A_47 = arith.constant 0 : i32
      %dma_start3A_48 = tpu.memref_slice %arg3[%add3A, %dma_start3A_46, %dma_start3A_47] : memref<32x72x128xi32, #tpu.memory_space<hbm>> -> memref<1x72x128xi32, #tpu.memory_space<hbm>>
      %dma_start3A_49 = tpu.memref_squeeze %dma_start3A_48 : memref<1x72x128xi32, #tpu.memory_space<hbm>> -> memref<72x128xi32, #tpu.memory_space<hbm>>
      %dma_start3A_50 = arith.constant 0 : i32
      %dma_start3A_51 = arith.constant 0 : i32
      %dma_start3A_52 = tpu.memref_slice %arg3[%add3A, %dma_start3A_50, %dma_start3A_51] : memref<32x72x128xi32, #tpu.memory_space<hbm>> -> memref<1x72x128xi32, #tpu.memory_space<hbm>>
      %dma_start3A_53 = tpu.memref_squeeze %dma_start3A_52 : memref<1x72x128xi32, #tpu.memory_space<hbm>> -> memref<72x128xi32, #tpu.memory_space<hbm>>
      tpu.enqueue_dma source(%dma_start3A_53 : memref<72x128xi32, #tpu.memory_space<hbm>>) target(%arg6 : memref<72x128xi32, #tpu.memory_space<vmem>>) target_semaphore(%run_scoped3A : memref<!tpu.dma_semaphore, #tpu.memory_space<semaphore_mem>>)
      %dma_wait3A_54 = arith.constant 0 : i32
      %dma_wait3A_55 = arith.constant 0 : i32
      %dma_wait3A_56 = tpu.memref_slice %arg3[%add3A, %dma_wait3A_54, %dma_wait3A_55] : memref<32x72x128xi32, #tpu.memory_space<hbm>> -> memref<1x72x128xi32, #tpu.memory_space<hbm>>
      %dma_wait3A_57 = tpu.memref_squeeze %dma_wait3A_56 : memref<1x72x128xi32, #tpu.memory_space<hbm>> -> memref<72x128xi32, #tpu.memory_space<hbm>>
      %dma_wait3A_58 = arith.constant 0 : i32
      %dma_wait3A_59 = arith.constant 0 : i32
      %dma_wait3A_60 = tpu.memref_slice %arg3[%add3A, %dma_wait3A_58, %dma_wait3A_59] : memref<32x72x128xi32, #tpu.memory_space<hbm>> -> memref<1x72x128xi32, #tpu.memory_space<hbm>>
      %dma_wait3A_61 = tpu.memref_squeeze %dma_wait3A_60 : memref<1x72x128xi32, #tpu.memory_space<hbm>> -> memref<72x128xi32, #tpu.memory_space<hbm>>
      tpu.wait_dma2 semaphore(%run_scoped3A : memref<!tpu.dma_semaphore, #tpu.memory_space<semaphore_mem>>) src(%dma_wait3A_61 : memref<72x128xi32, #tpu.memory_space<hbm>>) dst(%arg6 : memref<72x128xi32, #tpu.memory_space<vmem>>)
      tpu.yield
    }) : () -> ()
    "tpu.region"() ({
      %run_scoped3A = tpu.sem_alloc : memref<!tpu.dma_semaphore, #tpu.memory_space<semaphore_mem>>
      %dma_start3A_46 = arith.constant 0 : i32
      %dma_start3A_47 = arith.constant 0 : i32
      %dma_start3A_48 = tpu.memref_slice %arg4[%add3A, %dma_start3A_46, %dma_start3A_47] : memref<32x72x128xf32, #tpu.memory_space<hbm>> -> memref<1x72x128xf32, #tpu.memory_space<hbm>>
      %dma_start3A_49 = tpu.memref_squeeze %dma_start3A_48 : memref<1x72x128xf32, #tpu.memory_space<hbm>> -> memref<72x128xf32, #tpu.memory_space<hbm>>
      %dma_start3A_50 = arith.constant 0 : i32
      %dma_start3A_51 = arith.constant 0 : i32
      %dma_start3A_52 = tpu.memref_slice %arg4[%add3A, %dma_start3A_50, %dma_start3A_51] : memref<32x72x128xf32, #tpu.memory_space<hbm>> -> memref<1x72x128xf32, #tpu.memory_space<hbm>>
      %dma_start3A_53 = tpu.memref_squeeze %dma_start3A_52 : memref<1x72x128xf32, #tpu.memory_space<hbm>> -> memref<72x128xf32, #tpu.memory_space<hbm>>
      tpu.enqueue_dma source(%dma_start3A_53 : memref<72x128xf32, #tpu.memory_space<hbm>>) target(%arg7 : memref<72x128xf32, #tpu.memory_space<vmem>>) target_semaphore(%run_scoped3A : memref<!tpu.dma_semaphore, #tpu.memory_space<semaphore_mem>>)
      %dma_wait3A_54 = arith.constant 0 : i32
      %dma_wait3A_55 = arith.constant 0 : i32
      %dma_wait3A_56 = tpu.memref_slice %arg4[%add3A, %dma_wait3A_54, %dma_wait3A_55] : memref<32x72x128xf32, #tpu.memory_space<hbm>> -> memref<1x72x128xf32, #tpu.memory_space<hbm>>
      %dma_wait3A_57 = tpu.memref_squeeze %dma_wait3A_56 : memref<1x72x128xf32, #tpu.memory_space<hbm>> -> memref<72x128xf32, #tpu.memory_space<hbm>>
      %dma_wait3A_58 = arith.constant 0 : i32
      %dma_wait3A_59 = arith.constant 0 : i32
      %dma_wait3A_60 = tpu.memref_slice %arg4[%add3A, %dma_wait3A_58, %dma_wait3A_59] : memref<32x72x128xf32, #tpu.memory_space<hbm>> -> memref<1x72x128xf32, #tpu.memory_space<hbm>>
      %dma_wait3A_61 = tpu.memref_squeeze %dma_wait3A_60 : memref<1x72x128xf32, #tpu.memory_space<hbm>> -> memref<72x128xf32, #tpu.memory_space<hbm>>
      tpu.wait_dma2 semaphore(%run_scoped3A : memref<!tpu.dma_semaphore, #tpu.memory_space<semaphore_mem>>) src(%dma_wait3A_61 : memref<72x128xf32, #tpu.memory_space<hbm>>) dst(%arg7 : memref<72x128xf32, #tpu.memory_space<vmem>>)
      tpu.yield
    }) : () -> ()
    %dma_start3A = arith.constant 0 : i32
    %dma_start3A_1 = arith.constant 0 : i32
    %dma_start3A_2 = arith.constant 0 : i32
    %dma_start3A_3 = arith.constant 0 : i32
    %dma_start3A_4 = tpu.memref_slice %arg8[%dma_start3A_1, %dma_start3A_2, %dma_start3A_3] : memref<2x128x128xf32, #tpu.memory_space<vmem>> -> memref<1x128x128xf32, #tpu.memory_space<vmem>>
    %dma_start3A_5 = tpu.memref_squeeze %dma_start3A_4 : memref<1x128x128xf32, #tpu.memory_space<vmem>> -> memref<128x128xf32, #tpu.memory_space<vmem>>
    %dma_start3A_6 = arith.constant 0 : i32
    %dma_start3A_7 = tpu.memref_slice %arg6[%dma_start3A, %dma_start3A_6] : memref<72x128xi32, #tpu.memory_space<vmem>> -> memref<1x128xi32, #tpu.memory_space<vmem>>
    %dma_start3A_8 = tpu.memref_squeeze %dma_start3A_7 : memref<1x128xi32, #tpu.memory_space<vmem>> -> memref<128xi32, #tpu.memory_space<vmem>>
    %dma_start3A_9 = arith.constant 0 : i32
    %dma_start3A_10 = arith.constant 0 : i32
    %dma_start3A_11 = tpu.memref_slice %arg2[%dma_start3A_9, %dma_start3A_10] : memref<4096x128xf32, #tpu.memory_space<hbm>> -> memref<4096x128xf32, #tpu.memory_space<hbm>>
    tpu.enqueue_indirect_dma source(%dma_start3A_11 : memref<4096x128xf32, #tpu.memory_space<hbm>>) target(%dma_start3A_5 : memref<128x128xf32, #tpu.memory_space<vmem>>) offsets(%dma_start3A_8 : memref<128xi32, #tpu.memory_space<vmem>>) semaphore(%arg10 : memref<!tpu.dma_semaphore, #tpu.memory_space<semaphore_mem>>)
    %scan3A = arith.constant 0 : i32
    %scan3A_12 = arith.constant 0 : i32
    %scan3A_13 = arith.constant 36 : i32
    %scan3A_14 = arith.addi %scan3A_12, %scan3A_13 : i32
    %scan3A_15 = arith.constant 1 : i32
    scf.for %scan3A_46 = %scan3A_12 to %scan3A_14 step %scan3A_15  : i32 {
      %mul3A_47 = arith.constant 2 : i32
      %mul3A_48 = arith.muli %scan3A_46, %mul3A_47 : i32
      %mul3A_49 = arith.constant 2 : i32
      %mul3A_50 = arith.muli %scan3A_46, %mul3A_49 : i32
      %add3A_51 = arith.constant 1 : i32
      %add3A_52 = arith.addi %mul3A_50, %add3A_51 : i32
      %dma_start3A_53 = arith.constant 1 : i32
      %dma_start3A_54 = arith.constant 0 : i32
      %dma_start3A_55 = arith.constant 0 : i32
      %dma_start3A_56 = tpu.memref_slice %arg8[%dma_start3A_53, %dma_start3A_54, %dma_start3A_55] : memref<2x128x128xf32, #tpu.memory_space<vmem>> -> memref<1x128x128xf32, #tpu.memory_space<vmem>>
      %dma_start3A_57 = tpu.memref_squeeze %dma_start3A_56 : memref<1x128x128xf32, #tpu.memory_space<vmem>> -> memref<128x128xf32, #tpu.memory_space<vmem>>
      %dma_start3A_58 = arith.constant 0 : i32
      %dma_start3A_59 = tpu.memref_slice %arg6[%add3A_52, %dma_start3A_58] : memref<72x128xi32, #tpu.memory_space<vmem>> -> memref<1x128xi32, #tpu.memory_space<vmem>>
      %dma_start3A_60 = tpu.memref_squeeze %dma_start3A_59 : memref<1x128xi32, #tpu.memory_space<vmem>> -> memref<128xi32, #tpu.memory_space<vmem>>
      %dma_start3A_61 = arith.constant 0 : i32
      %dma_start3A_62 = arith.constant 0 : i32
      %dma_start3A_63 = tpu.memref_slice %arg2[%dma_start3A_61, %dma_start3A_62] : memref<4096x128xf32, #tpu.memory_space<hbm>> -> memref<4096x128xf32, #tpu.memory_space<hbm>>
      tpu.enqueue_indirect_dma source(%dma_start3A_63 : memref<4096x128xf32, #tpu.memory_space<hbm>>) target(%dma_start3A_57 : memref<128x128xf32, #tpu.memory_space<vmem>>) offsets(%dma_start3A_60 : memref<128xi32, #tpu.memory_space<vmem>>) semaphore(%arg11 : memref<!tpu.dma_semaphore, #tpu.memory_space<semaphore_mem>>)
      %dma_wait3A_64 = arith.constant 0 : i32
      %dma_wait3A_65 = arith.constant 0 : i32
      %dma_wait3A_66 = arith.constant 0 : i32
      %dma_wait3A_67 = arith.constant 0 : i32
      %dma_wait3A_68 = tpu.memref_slice %arg8[%dma_wait3A_65, %dma_wait3A_66, %dma_wait3A_67] : memref<2x128x128xf32, #tpu.memory_space<vmem>> -> memref<1x128x128xf32, #tpu.memory_space<vmem>>
      %dma_wait3A_69 = tpu.memref_squeeze %dma_wait3A_68 : memref<1x128x128xf32, #tpu.memory_space<vmem>> -> memref<128x128xf32, #tpu.memory_space<vmem>>
      %dma_wait3A_70 = arith.constant 0 : i32
      %dma_wait3A_71 = tpu.memref_slice %arg6[%dma_wait3A_64, %dma_wait3A_70] : memref<72x128xi32, #tpu.memory_space<vmem>> -> memref<1x128xi32, #tpu.memory_space<vmem>>
      %dma_wait3A_72 = tpu.memref_squeeze %dma_wait3A_71 : memref<1x128xi32, #tpu.memory_space<vmem>> -> memref<128xi32, #tpu.memory_space<vmem>>
      %dma_wait3A_73 = arith.constant 0 : i32
      %dma_wait3A_74 = arith.constant 0 : i32
      %dma_wait3A_75 = tpu.memref_slice %arg2[%dma_wait3A_73, %dma_wait3A_74] : memref<4096x128xf32, #tpu.memory_space<hbm>> -> memref<4096x128xf32, #tpu.memory_space<hbm>>
      tpu.wait_indirect_dma semaphore(%arg10 : memref<!tpu.dma_semaphore, #tpu.memory_space<semaphore_mem>>) src(%dma_wait3A_75 : memref<4096x128xf32, #tpu.memory_space<hbm>>) dst(%dma_wait3A_69 : memref<128x128xf32, #tpu.memory_space<vmem>>)
      %ge3A = arith.constant 1 : i32
      %ge3A_76 = arith.cmpi sge, %scan3A_46, %ge3A : i32
      %convert_element_type3A = arith.extui %ge3A_76 : i1 to i32
      %cond3A = arith.constant 0 : i32
      %cond3A_77 = arith.cmpi ne, %convert_element_type3A, %cond3A : i32
      scf.if %cond3A_77 {
        %dma_wait3A_150 = arith.constant 0 : i32
        %dma_wait3A_151 = arith.constant 0 : i32
        %dma_wait3A_152 = arith.constant 0 : i32
        %dma_wait3A_153 = tpu.memref_slice %arg9[%dma_wait3A_150, %dma_wait3A_151, %dma_wait3A_152] : memref<2x16x128xf32, #tpu.memory_space<vmem>> -> memref<1x16x128xf32, #tpu.memory_space<vmem>>
        %dma_wait3A_154 = tpu.memref_squeeze %dma_wait3A_153 : memref<1x16x128xf32, #tpu.memory_space<vmem>> -> memref<16x128xf32, #tpu.memory_space<vmem>>
        %dma_wait3A_155 = arith.constant 0 : i32
        %dma_wait3A_156 = arith.constant 0 : i32
        %dma_wait3A_157 = tpu.memref_slice %arg5[%dma_wait3A_155, %dma_wait3A_156] : memref<36864x128xf32, #tpu.memory_space<hbm>> -> memref<16x128xf32, #tpu.memory_space<hbm>>
        %dma_wait3A_158 = arith.constant 0 : i32
        %dma_wait3A_159 = arith.constant 0 : i32
        %dma_wait3A_160 = tpu.memref_slice %arg5[%dma_wait3A_158, %dma_wait3A_159] : memref<36864x128xf32, #tpu.memory_space<hbm>> -> memref<16x128xf32, #tpu.memory_space<hbm>>
        %dma_wait3A_161 = arith.constant 0 : i32
        %dma_wait3A_162 = arith.constant 0 : i32
        %dma_wait3A_163 = tpu.memref_slice %arg9[%dma_wait3A_150, %dma_wait3A_161, %dma_wait3A_162] : memref<2x16x128xf32, #tpu.memory_space<vmem>> -> memref<1x16x128xf32, #tpu.memory_space<vmem>>
        %dma_wait3A_164 = tpu.memref_squeeze %dma_wait3A_163 : memref<1x16x128xf32, #tpu.memory_space<vmem>> -> memref<16x128xf32, #tpu.memory_space<vmem>>
        tpu.wait_dma2 semaphore(%arg12 : memref<!tpu.dma_semaphore, #tpu.memory_space<semaphore_mem>>) src(%dma_wait3A_164 : memref<16x128xf32, #tpu.memory_space<vmem>>) dst(%dma_wait3A_160 : memref<16x128xf32, #tpu.memory_space<hbm>>)
      } else {
      }
      %scan3A_78 = arith.constant 0 : i32
      %scan3A_79 = arith.constant 0 : i32
      %scan3A_80 = arith.constant 8 : i32
      %scan3A_81 = arith.addi %scan3A_79, %scan3A_80 : i32
      %scan3A_82 = arith.constant 1 : i32
      scf.for %scan3A_150 = %scan3A_79 to %scan3A_81 step %scan3A_82  : i32 {
        %mul3A_151 = arith.constant 16 : i32
        %mul3A_152 = arith.muli %scan3A_150, %mul3A_151 : i32
        %get3A = arith.index_cast %mul3A_48 : i32 to index
        %get3A_153 = arith.index_cast %mul3A_152 : i32 to index
        %get3A_154 = tpu.vector_load %arg7[%get3A, %get3A_153] {strides = array<i32>} : memref<72x128xf32, #tpu.memory_space<vmem>>, vector<1x16xf32>,
        %get3A_155 = vector.shape_cast %get3A_154 : vector<1x16xf32> to vector<16xf32>
        %mul3A_156 = arith.constant 2 : i32
        %mul3A_157 = arith.muli %scan3A_150, %mul3A_156 : i32
        %add3A_158 = arith.constant 0 : i32
        %add3A_159 = arith.addi %mul3A_157, %add3A_158 : i32
        %mul3A_160 = arith.constant 8 : i32
        %mul3A_161 = arith.muli %add3A_159, %mul3A_160 : i32
        %broadcast_in_dim3A = arith.constant 0 : i32
        %broadcast_in_dim3A_162 = vector.broadcast %broadcast_in_dim3A : i32 to vector<16x1xi32>
        %gather3A = vector.shape_cast %broadcast_in_dim3A_162 : vector<16x1xi32> to vector<16xi32>
        %gather3A_163 = tpu.dynamic_gather %get3A_155[%gather3A] in [0] : vector<16xf32>, vector<16xi32> -> vector<16xf32>
        %broadcast_in_dim3A_164 = arith.constant 1 : i32
        %broadcast_in_dim3A_165 = vector.broadcast %broadcast_in_dim3A_164 : i32 to vector<16x1xi32>
        %gather3A_166 = vector.shape_cast %broadcast_in_dim3A_165 : vector<16x1xi32> to vector<16xi32>
        %gather3A_167 = tpu.dynamic_gather %get3A_155[%gather3A_166] in [0] : vector<16xf32>, vector<16xi32> -> vector<16xf32>
        %broadcast_in_dim3A_168 = arith.constant 2 : i32
        %broadcast_in_dim3A_169 = vector.broadcast %broadcast_in_dim3A_168 : i32 to vector<16x1xi32>
        %gather3A_170 = vector.shape_cast %broadcast_in_dim3A_169 : vector<16x1xi32> to vector<16xi32>
        %gather3A_171 = tpu.dynamic_gather %get3A_155[%gather3A_170] in [0] : vector<16xf32>, vector<16xi32> -> vector<16xf32>
        %broadcast_in_dim3A_172 = arith.constant 3 : i32
        %broadcast_in_dim3A_173 = vector.broadcast %broadcast_in_dim3A_172 : i32 to vector<16x1xi32>
        %gather3A_174 = vector.shape_cast %broadcast_in_dim3A_173 : vector<16x1xi32> to vector<16xi32>
        %gather3A_175 = tpu.dynamic_gather %get3A_155[%gather3A_174] in [0] : vector<16xf32>, vector<16xi32> -> vector<16xf32>
        %broadcast_in_dim3A_176 = arith.constant 4 : i32
        %broadcast_in_dim3A_177 = vector.broadcast %broadcast_in_dim3A_176 : i32 to vector<16x1xi32>
        %gather3A_178 = vector.shape_cast %broadcast_in_dim3A_177 : vector<16x1xi32> to vector<16xi32>
        %gather3A_179 = tpu.dynamic_gather %get3A_155[%gather3A_178] in [0] : vector<16xf32>, vector<16xi32> -> vector<16xf32>
        %broadcast_in_dim3A_180 = arith.constant 5 : i32
        %broadcast_in_dim3A_181 = vector.broadcast %broadcast_in_dim3A_180 : i32 to vector<16x1xi32>
        %gather3A_182 = vector.shape_cast %broadcast_in_dim3A_181 : vector<16x1xi32> to vector<16xi32>
        %gather3A_183 = tpu.dynamic_gather %get3A_155[%gather3A_182] in [0] : vector<16xf32>, vector<16xi32> -> vector<16xf32>
        %broadcast_in_dim3A_184 = arith.constant 6 : i32
        %broadcast_in_dim3A_185 = vector.broadcast %broadcast_in_dim3A_184 : i32 to vector<16x1xi32>
        %gather3A_186 = vector.shape_cast %broadcast_in_dim3A_185 : vector<16x1xi32> to vector<16xi32>
        %gather3A_187 = tpu.dynamic_gather %get3A_155[%gather3A_186] in [0] : vector<16xf32>, vector<16xi32> -> vector<16xf32>
        %broadcast_in_dim3A_188 = arith.constant 7 : i32
        %broadcast_in_dim3A_189 = vector.broadcast %broadcast_in_dim3A_188 : i32 to vector<16x1xi32>
        %gather3A_190 = vector.shape_cast %broadcast_in_dim3A_189 : vector<16x1xi32> to vector<16xi32>
        %gather3A_191 = tpu.dynamic_gather %get3A_155[%gather3A_190] in [0] : vector<16xf32>, vector<16xi32> -> vector<16xf32>
        %add3A_192 = arith.constant 0 : i32
        %add3A_193 = arith.addi %mul3A_161, %add3A_192 : i32
        %get3A_194 = arith.constant 0 : i32
        %get3A_195 = arith.index_cast %get3A_194 : i32 to index
        %get3A_196 = arith.index_cast %add3A_193 : i32 to index
        %get3A_197 = arith.constant 0 : index
        %get3A_198 = tpu.vector_load %arg8[%get3A_195, %get3A_196, %get3A_197] {strides = array<i32>} : memref<2x128x128xf32, #tpu.memory_space<vmem>>, vector<1x1x16xf32>,
        %get3A_199 = vector.shape_cast %get3A_198 : vector<1x1x16xf32> to vector<16xf32>
        %mul3A_200 = arith.mulf %gather3A_163, %get3A_199 : vector<16xf32>
        %add3A_201 = arith.constant 1 : i32
        %add3A_202 = arith.addi %mul3A_161, %add3A_201 : i32
        %get3A_203 = arith.constant 0 : i32
        %get3A_204 = arith.index_cast %get3A_203 : i32 to index
        %get3A_205 = arith.index_cast %add3A_202 : i32 to index
        %get3A_206 = arith.constant 0 : index
        %get3A_207 = tpu.vector_load %arg8[%get3A_204, %get3A_205, %get3A_206] {strides = array<i32>} : memref<2x128x128xf32, #tpu.memory_space<vmem>>, vector<1x1x16xf32>,
        %get3A_208 = vector.shape_cast %get3A_207 : vector<1x1x16xf32> to vector<16xf32>
        %mul3A_209 = arith.mulf %gather3A_167, %get3A_208 : vector<16xf32>
        %add3A_210 = arith.addf %mul3A_200, %mul3A_209 : vector<16xf32>
        %add3A_211 = arith.constant 2 : i32
        %add3A_212 = arith.addi %mul3A_161, %add3A_211 : i32
        %get3A_213 = arith.constant 0 : i32
        %get3A_214 = arith.index_cast %get3A_213 : i32 to index
        %get3A_215 = arith.index_cast %add3A_212 : i32 to index
        %get3A_216 = arith.constant 0 : index
        %get3A_217 = tpu.vector_load %arg8[%get3A_214, %get3A_215, %get3A_216] {strides = array<i32>} : memref<2x128x128xf32, #tpu.memory_space<vmem>>, vector<1x1x16xf32>,
        %get3A_218 = vector.shape_cast %get3A_217 : vector<1x1x16xf32> to vector<16xf32>
        %mul3A_219 = arith.mulf %gather3A_171, %get3A_218 : vector<16xf32>
        %add3A_220 = arith.addf %add3A_210, %mul3A_219 : vector<16xf32>
        %add3A_221 = arith.constant 3 : i32
        %add3A_222 = arith.addi %mul3A_161, %add3A_221 : i32
        %get3A_223 = arith.constant 0 : i32
        %get3A_224 = arith.index_cast %get3A_223 : i32 to index
        %get3A_225 = arith.index_cast %add3A_222 : i32 to index
        %get3A_226 = arith.constant 0 : index
        %get3A_227 = tpu.vector_load %arg8[%get3A_224, %get3A_225, %get3A_226] {strides = array<i32>} : memref<2x128x128xf32, #tpu.memory_space<vmem>>, vector<1x1x16xf32>,
        %get3A_228 = vector.shape_cast %get3A_227 : vector<1x1x16xf32> to vector<16xf32>
        %mul3A_229 = arith.mulf %gather3A_175, %get3A_228 : vector<16xf32>
        %add3A_230 = arith.addf %add3A_220, %mul3A_229 : vector<16xf32>
        %add3A_231 = arith.constant 4 : i32
        %add3A_232 = arith.addi %mul3A_161, %add3A_231 : i32
        %get3A_233 = arith.constant 0 : i32
        %get3A_234 = arith.index_cast %get3A_233 : i32 to index
        %get3A_235 = arith.index_cast %add3A_232 : i32 to index
        %get3A_236 = arith.constant 0 : index
        %get3A_237 = tpu.vector_load %arg8[%get3A_234, %get3A_235, %get3A_236] {strides = array<i32>} : memref<2x128x128xf32, #tpu.memory_space<vmem>>, vector<1x1x16xf32>,
        %get3A_238 = vector.shape_cast %get3A_237 : vector<1x1x16xf32> to vector<16xf32>
        %mul3A_239 = arith.mulf %gather3A_179, %get3A_238 : vector<16xf32>
        %add3A_240 = arith.addf %add3A_230, %mul3A_239 : vector<16xf32>
        %add3A_241 = arith.constant 5 : i32
        %add3A_242 = arith.addi %mul3A_161, %add3A_241 : i32
        %get3A_243 = arith.constant 0 : i32
        %get3A_244 = arith.index_cast %get3A_243 : i32 to index
        %get3A_245 = arith.index_cast %add3A_242 : i32 to index
        %get3A_246 = arith.constant 0 : index
        %get3A_247 = tpu.vector_load %arg8[%get3A_244, %get3A_245, %get3A_246] {strides = array<i32>} : memref<2x128x128xf32, #tpu.memory_space<vmem>>, vector<1x1x16xf32>,
        %get3A_248 = vector.shape_cast %get3A_247 : vector<1x1x16xf32> to vector<16xf32>
        %mul3A_249 = arith.mulf %gather3A_183, %get3A_248 : vector<16xf32>
        %add3A_250 = arith.addf %add3A_240, %mul3A_249 : vector<16xf32>
        %add3A_251 = arith.constant 6 : i32
        %add3A_252 = arith.addi %mul3A_161, %add3A_251 : i32
        %get3A_253 = arith.constant 0 : i32
        %get3A_254 = arith.index_cast %get3A_253 : i32 to index
        %get3A_255 = arith.index_cast %add3A_252 : i32 to index
        %get3A_256 = arith.constant 0 : index
        %get3A_257 = tpu.vector_load %arg8[%get3A_254, %get3A_255, %get3A_256] {strides = array<i32>} : memref<2x128x128xf32, #tpu.memory_space<vmem>>, vector<1x1x16xf32>,
        %get3A_258 = vector.shape_cast %get3A_257 : vector<1x1x16xf32> to vector<16xf32>
        %mul3A_259 = arith.mulf %gather3A_187, %get3A_258 : vector<16xf32>
        %add3A_260 = arith.addf %add3A_250, %mul3A_259 : vector<16xf32>
        %add3A_261 = arith.constant 7 : i32
        %add3A_262 = arith.addi %mul3A_161, %add3A_261 : i32
        %get3A_263 = arith.constant 0 : i32
        %get3A_264 = arith.index_cast %get3A_263 : i32 to index
        %get3A_265 = arith.index_cast %add3A_262 : i32 to index
        %get3A_266 = arith.constant 0 : index
        %get3A_267 = tpu.vector_load %arg8[%get3A_264, %get3A_265, %get3A_266] {strides = array<i32>} : memref<2x128x128xf32, #tpu.memory_space<vmem>>, vector<1x1x16xf32>,
        %get3A_268 = vector.shape_cast %get3A_267 : vector<1x1x16xf32> to vector<16xf32>
        %mul3A_269 = arith.mulf %gather3A_191, %get3A_268 : vector<16xf32>
        %add3A_270 = arith.addf %add3A_260, %mul3A_269 : vector<16xf32>
        %mul3A_271 = arith.constant 2 : i32
        %mul3A_272 = arith.muli %scan3A_150, %mul3A_271 : i32
        %add3A_273 = arith.constant 0 : i32
        %add3A_274 = arith.addi %mul3A_272, %add3A_273 : i32
        %swap3A = arith.constant 0 : i32
        %swap3A_275 = arith.index_cast %swap3A : i32 to index
        %swap3A_276 = arith.index_cast %add3A_274 : i32 to index
        %swap3A_277 = arith.constant 0 : index
        %swap3A_278 = tpu.vector_load %arg9[%swap3A_275, %swap3A_276, %swap3A_277] {strides = array<i32>} : memref<2x16x128xf32, #tpu.memory_space<vmem>>, vector<1x1x16xf32>,
        %swap3A_279 = vector.shape_cast %swap3A_278 : vector<1x1x16xf32> to vector<16xf32>
        %swap3A_280 = vector.shape_cast %add3A_270 : vector<16xf32> to vector<1x1x16xf32>
        tpu.vector_store %arg9[%swap3A_275, %swap3A_276, %swap3A_277], %swap3A_280 {strides = array<i32>} : memref<2x16x128xf32, #tpu.memory_space<vmem>>, vector<1x1x16xf32>,
        %add3A_281 = arith.constant 0 : i32
        %add3A_282 = arith.addi %mul3A_161, %add3A_281 : i32
        %get3A_283 = arith.constant 0 : i32
        %get3A_284 = arith.index_cast %get3A_283 : i32 to index
        %get3A_285 = arith.index_cast %add3A_282 : i32 to index
        %get3A_286 = arith.constant 16 : index
        %get3A_287 = tpu.vector_load %arg8[%get3A_284, %get3A_285, %get3A_286] {strides = array<i32>} : memref<2x128x128xf32, #tpu.memory_space<vmem>>, vector<1x1x16xf32>,
        %get3A_288 = vector.shape_cast %get3A_287 : vector<1x1x16xf32> to vector<16xf32>
        %mul3A_289 = arith.mulf %gather3A_163, %get3A_288 : vector<16xf32>
        %add3A_290 = arith.constant 1 : i32
        %add3A_291 = arith.addi %mul3A_161, %add3A_290 : i32
        %get3A_292 = arith.constant 0 : i32
        %get3A_293 = arith.index_cast %get3A_292 : i32 to index
        %get3A_294 = arith.index_cast %add3A_291 : i32 to index
        %get3A_295 = arith.constant 16 : index
        %get3A_296 = tpu.vector_load %arg8[%get3A_293, %get3A_294, %get3A_295] {strides = array<i32>} : memref<2x128x128xf32, #tpu.memory_space<vmem>>, vector<1x1x16xf32>,
        %get3A_297 = vector.shape_cast %get3A_296 : vector<1x1x16xf32> to vector<16xf32>
        %mul3A_298 = arith.mulf %gather3A_167, %get3A_297 : vector<16xf32>
        %add3A_299 = arith.addf %mul3A_289, %mul3A_298 : vector<16xf32>
        %add3A_300 = arith.constant 2 : i32
        %add3A_301 = arith.addi %mul3A_161, %add3A_300 : i32
        %get3A_302 = arith.constant 0 : i32
        %get3A_303 = arith.index_cast %get3A_302 : i32 to index
        %get3A_304 = arith.index_cast %add3A_301 : i32 to index
        %get3A_305 = arith.constant 16 : index
        %get3A_306 = tpu.vector_load %arg8[%get3A_303, %get3A_304, %get3A_305] {strides = array<i32>} : memref<2x128x128xf32, #tpu.memory_space<vmem>>, vector<1x1x16xf32>,
        %get3A_307 = vector.shape_cast %get3A_306 : vector<1x1x16xf32> to vector<16xf32>
        %mul3A_308 = arith.mulf %gather3A_171, %get3A_307 : vector<16xf32>
        %add3A_309 = arith.addf %add3A_299, %mul3A_308 : vector<16xf32>
        %add3A_310 = arith.constant 3 : i32
        %add3A_311 = arith.addi %mul3A_161, %add3A_310 : i32
        %get3A_312 = arith.constant 0 : i32
        %get3A_313 = arith.index_cast %get3A_312 : i32 to index
        %get3A_314 = arith.index_cast %add3A_311 : i32 to index
        %get3A_315 = arith.constant 16 : index
        %get3A_316 = tpu.vector_load %arg8[%get3A_313, %get3A_314, %get3A_315] {strides = array<i32>} : memref<2x128x128xf32, #tpu.memory_space<vmem>>, vector<1x1x16xf32>,
        %get3A_317 = vector.shape_cast %get3A_316 : vector<1x1x16xf32> to vector<16xf32>
        %mul3A_318 = arith.mulf %gather3A_175, %get3A_317 : vector<16xf32>
        %add3A_319 = arith.addf %add3A_309, %mul3A_318 : vector<16xf32>
        %add3A_320 = arith.constant 4 : i32
        %add3A_321 = arith.addi %mul3A_161, %add3A_320 : i32
        %get3A_322 = arith.constant 0 : i32
        %get3A_323 = arith.index_cast %get3A_322 : i32 to index
        %get3A_324 = arith.index_cast %add3A_321 : i32 to index
        %get3A_325 = arith.constant 16 : index
        %get3A_326 = tpu.vector_load %arg8[%get3A_323, %get3A_324, %get3A_325] {strides = array<i32>} : memref<2x128x128xf32, #tpu.memory_space<vmem>>, vector<1x1x16xf32>,
        %get3A_327 = vector.shape_cast %get3A_326 : vector<1x1x16xf32> to vector<16xf32>
        %mul3A_328 = arith.mulf %gather3A_179, %get3A_327 : vector<16xf32>
        %add3A_329 = arith.addf %add3A_319, %mul3A_328 : vector<16xf32>
        %add3A_330 = arith.constant 5 : i32
        %add3A_331 = arith.addi %mul3A_161, %add3A_330 : i32
        %get3A_332 = arith.constant 0 : i32
        %get3A_333 = arith.index_cast %get3A_332 : i32 to index
        %get3A_334 = arith.index_cast %add3A_331 : i32 to index
        %get3A_335 = arith.constant 16 : index
        %get3A_336 = tpu.vector_load %arg8[%get3A_333, %get3A_334, %get3A_335] {strides = array<i32>} : memref<2x128x128xf32, #tpu.memory_space<vmem>>, vector<1x1x16xf32>,
        %get3A_337 = vector.shape_cast %get3A_336 : vector<1x1x16xf32> to vector<16xf32>
        %mul3A_338 = arith.mulf %gather3A_183, %get3A_337 : vector<16xf32>
        %add3A_339 = arith.addf %add3A_329, %mul3A_338 : vector<16xf32>
        %add3A_340 = arith.constant 6 : i32
        %add3A_341 = arith.addi %mul3A_161, %add3A_340 : i32
        %get3A_342 = arith.constant 0 : i32
        %get3A_343 = arith.index_cast %get3A_342 : i32 to index
        %get3A_344 = arith.index_cast %add3A_341 : i32 to index
        %get3A_345 = arith.constant 16 : index
        %get3A_346 = tpu.vector_load %arg8[%get3A_343, %get3A_344, %get3A_345] {strides = array<i32>} : memref<2x128x128xf32, #tpu.memory_space<vmem>>, vector<1x1x16xf32>,
        %get3A_347 = vector.shape_cast %get3A_346 : vector<1x1x16xf32> to vector<16xf32>
        %mul3A_348 = arith.mulf %gather3A_187, %get3A_347 : vector<16xf32>
        %add3A_349 = arith.addf %add3A_339, %mul3A_348 : vector<16xf32>
        %add3A_350 = arith.constant 7 : i32
        %add3A_351 = arith.addi %mul3A_161, %add3A_350 : i32
        %get3A_352 = arith.constant 0 : i32
        %get3A_353 = arith.index_cast %get3A_352 : i32 to index
        %get3A_354 = arith.index_cast %add3A_351 : i32 to index
        %get3A_355 = arith.constant 16 : index
        %get3A_356 = tpu.vector_load %arg8[%get3A_353, %get3A_354, %get3A_355] {strides = array<i32>} : memref<2x128x128xf32, #tpu.memory_space<vmem>>, vector<1x1x16xf32>,
        %get3A_357 = vector.shape_cast %get3A_356 : vector<1x1x16xf32> to vector<16xf32>
        %mul3A_358 = arith.mulf %gather3A_191, %get3A_357 : vector<16xf32>
        %add3A_359 = arith.addf %add3A_349, %mul3A_358 : vector<16xf32>
        %mul3A_360 = arith.constant 2 : i32
        %mul3A_361 = arith.muli %scan3A_150, %mul3A_360 : i32
        %add3A_362 = arith.constant 0 : i32
        %add3A_363 = arith.addi %mul3A_361, %add3A_362 : i32
        %swap3A_364 = arith.constant 0 : i32
        %swap3A_365 = arith.index_cast %swap3A_364 : i32 to index
        %swap3A_366 = arith.index_cast %add3A_363 : i32 to index
        %swap3A_367 = arith.constant 16 : index
        %swap3A_368 = tpu.vector_load %arg9[%swap3A_365, %swap3A_366, %swap3A_367] {strides = array<i32>} : memref<2x16x128xf32, #tpu.memory_space<vmem>>, vector<1x1x16xf32>,
        %swap3A_369 = vector.shape_cast %swap3A_368 : vector<1x1x16xf32> to vector<16xf32>
        %swap3A_370 = vector.shape_cast %add3A_359 : vector<16xf32> to vector<1x1x16xf32>
        tpu.vector_store %arg9[%swap3A_365, %swap3A_366, %swap3A_367], %swap3A_370 {strides = array<i32>} : memref<2x16x128xf32, #tpu.memory_space<vmem>>, vector<1x1x16xf32>,
        %add3A_371 = arith.constant 0 : i32
        %add3A_372 = arith.addi %mul3A_161, %add3A_371 : i32
        %get3A_373 = arith.constant 0 : i32
        %get3A_374 = arith.index_cast %get3A_373 : i32 to index
        %get3A_375 = arith.index_cast %add3A_372 : i32 to index
        %get3A_376 = arith.constant 32 : index
        %get3A_377 = tpu.vector_load %arg8[%get3A_374, %get3A_375, %get3A_376] {strides = array<i32>} : memref<2x128x128xf32, #tpu.memory_space<vmem>>, vector<1x1x16xf32>,
        %get3A_378 = vector.shape_cast %get3A_377 : vector<1x1x16xf32> to vector<16xf32>
        %mul3A_379 = arith.mulf %gather3A_163, %get3A_378 : vector<16xf32>
        %add3A_380 = arith.constant 1 : i32
        %add3A_381 = arith.addi %mul3A_161, %add3A_380 : i32
        %get3A_382 = arith.constant 0 : i32
        %get3A_383 = arith.index_cast %get3A_382 : i32 to index
        %get3A_384 = arith.index_cast %add3A_381 : i32 to index
        %get3A_385 = arith.constant 32 : index
        %get3A_386 = tpu.vector_load %arg8[%get3A_383, %get3A_384, %get3A_385] {strides = array<i32>} : memref<2x128x128xf32, #tpu.memory_space<vmem>>, vector<1x1x16xf32>,
        %get3A_387 = vector.shape_cast %get3A_386 : vector<1x1x16xf32> to vector<16xf32>
        %mul3A_388 = arith.mulf %gather3A_167, %get3A_387 : vector<16xf32>
        %add3A_389 = arith.addf %mul3A_379, %mul3A_388 : vector<16xf32>
        %add3A_390 = arith.constant 2 : i32
        %add3A_391 = arith.addi %mul3A_161, %add3A_390 : i32
        %get3A_392 = arith.constant 0 : i32
        %get3A_393 = arith.index_cast %get3A_392 : i32 to index
        %get3A_394 = arith.index_cast %add3A_391 : i32 to index
        %get3A_395 = arith.constant 32 : index
        %get3A_396 = tpu.vector_load %arg8[%get3A_393, %get3A_394, %get3A_395] {strides = array<i32>} : memref<2x128x128xf32, #tpu.memory_space<vmem>>, vector<1x1x16xf32>,
        %get3A_397 = vector.shape_cast %get3A_396 : vector<1x1x16xf32> to vector<16xf32>
        %mul3A_398 = arith.mulf %gather3A_171, %get3A_397 : vector<16xf32>
        %add3A_399 = arith.addf %add3A_389, %mul3A_398 : vector<16xf32>
        %add3A_400 = arith.constant 3 : i32
        %add3A_401 = arith.addi %mul3A_161, %add3A_400 : i32
        %get3A_402 = arith.constant 0 : i32
        %get3A_403 = arith.index_cast %get3A_402 : i32 to index
        %get3A_404 = arith.index_cast %add3A_401 : i32 to index
        %get3A_405 = arith.constant 32 : index
        %get3A_406 = tpu.vector_load %arg8[%get3A_403, %get3A_404, %get3A_405] {strides = array<i32>} : memref<2x128x128xf32, #tpu.memory_space<vmem>>, vector<1x1x16xf32>,
        %get3A_407 = vector.shape_cast %get3A_406 : vector<1x1x16xf32> to vector<16xf32>
        %mul3A_408 = arith.mulf %gather3A_175, %get3A_407 : vector<16xf32>
        %add3A_409 = arith.addf %add3A_399, %mul3A_408 : vector<16xf32>
        %add3A_410 = arith.constant 4 : i32
        %add3A_411 = arith.addi %mul3A_161, %add3A_410 : i32
        %get3A_412 = arith.constant 0 : i32
        %get3A_413 = arith.index_cast %get3A_412 : i32 to index
        %get3A_414 = arith.index_cast %add3A_411 : i32 to index
        %get3A_415 = arith.constant 32 : index
        %get3A_416 = tpu.vector_load %arg8[%get3A_413, %get3A_414, %get3A_415] {strides = array<i32>} : memref<2x128x128xf32, #tpu.memory_space<vmem>>, vector<1x1x16xf32>,
        %get3A_417 = vector.shape_cast %get3A_416 : vector<1x1x16xf32> to vector<16xf32>
        %mul3A_418 = arith.mulf %gather3A_179, %get3A_417 : vector<16xf32>
        %add3A_419 = arith.addf %add3A_409, %mul3A_418 : vector<16xf32>
        %add3A_420 = arith.constant 5 : i32
        %add3A_421 = arith.addi %mul3A_161, %add3A_420 : i32
        %get3A_422 = arith.constant 0 : i32
        %get3A_423 = arith.index_cast %get3A_422 : i32 to index
        %get3A_424 = arith.index_cast %add3A_421 : i32 to index
        %get3A_425 = arith.constant 32 : index
        %get3A_426 = tpu.vector_load %arg8[%get3A_423, %get3A_424, %get3A_425] {strides = array<i32>} : memref<2x128x128xf32, #tpu.memory_space<vmem>>, vector<1x1x16xf32>,
        %get3A_427 = vector.shape_cast %get3A_426 : vector<1x1x16xf32> to vector<16xf32>
        %mul3A_428 = arith.mulf %gather3A_183, %get3A_427 : vector<16xf32>
        %add3A_429 = arith.addf %add3A_419, %mul3A_428 : vector<16xf32>
        %add3A_430 = arith.constant 6 : i32
        %add3A_431 = arith.addi %mul3A_161, %add3A_430 : i32
        %get3A_432 = arith.constant 0 : i32
        %get3A_433 = arith.index_cast %get3A_432 : i32 to index
        %get3A_434 = arith.index_cast %add3A_431 : i32 to index
        %get3A_435 = arith.constant 32 : index
        %get3A_436 = tpu.vector_load %arg8[%get3A_433, %get3A_434, %get3A_435] {strides = array<i32>} : memref<2x128x128xf32, #tpu.memory_space<vmem>>, vector<1x1x16xf32>,
        %get3A_437 = vector.shape_cast %get3A_436 : vector<1x1x16xf32> to vector<16xf32>
        %mul3A_438 = arith.mulf %gather3A_187, %get3A_437 : vector<16xf32>
        %add3A_439 = arith.addf %add3A_429, %mul3A_438 : vector<16xf32>
        %add3A_440 = arith.constant 7 : i32
        %add3A_441 = arith.addi %mul3A_161, %add3A_440 : i32
        %get3A_442 = arith.constant 0 : i32
        %get3A_443 = arith.index_cast %get3A_442 : i32 to index
        %get3A_444 = arith.index_cast %add3A_441 : i32 to index
        %get3A_445 = arith.constant 32 : index
        %get3A_446 = tpu.vector_load %arg8[%get3A_443, %get3A_444, %get3A_445] {strides = array<i32>} : memref<2x128x128xf32, #tpu.memory_space<vmem>>, vector<1x1x16xf32>,
        %get3A_447 = vector.shape_cast %get3A_446 : vector<1x1x16xf32> to vector<16xf32>
        %mul3A_448 = arith.mulf %gather3A_191, %get3A_447 : vector<16xf32>
        %add3A_449 = arith.addf %add3A_439, %mul3A_448 : vector<16xf32>
        %mul3A_450 = arith.constant 2 : i32
        %mul3A_451 = arith.muli %scan3A_150, %mul3A_450 : i32
        %add3A_452 = arith.constant 0 : i32
        %add3A_453 = arith.addi %mul3A_451, %add3A_452 : i32
        %swap3A_454 = arith.constant 0 : i32
        %swap3A_455 = arith.index_cast %swap3A_454 : i32 to index
        %swap3A_456 = arith.index_cast %add3A_453 : i32 to index
        %swap3A_457 = arith.constant 32 : index
        %swap3A_458 = tpu.vector_load %arg9[%swap3A_455, %swap3A_456, %swap3A_457] {strides = array<i32>} : memref<2x16x128xf32, #tpu.memory_space<vmem>>, vector<1x1x16xf32>,
        %swap3A_459 = vector.shape_cast %swap3A_458 : vector<1x1x16xf32> to vector<16xf32>
        %swap3A_460 = vector.shape_cast %add3A_449 : vector<16xf32> to vector<1x1x16xf32>
        tpu.vector_store %arg9[%swap3A_455, %swap3A_456, %swap3A_457], %swap3A_460 {strides = array<i32>} : memref<2x16x128xf32, #tpu.memory_space<vmem>>, vector<1x1x16xf32>,
        %add3A_461 = arith.constant 0 : i32
        %add3A_462 = arith.addi %mul3A_161, %add3A_461 : i32
        %get3A_463 = arith.constant 0 : i32
        %get3A_464 = arith.index_cast %get3A_463 : i32 to index
        %get3A_465 = arith.index_cast %add3A_462 : i32 to index
        %get3A_466 = arith.constant 48 : index
        %get3A_467 = tpu.vector_load %arg8[%get3A_464, %get3A_465, %get3A_466] {strides = array<i32>} : memref<2x128x128xf32, #tpu.memory_space<vmem>>, vector<1x1x16xf32>,
        %get3A_468 = vector.shape_cast %get3A_467 : vector<1x1x16xf32> to vector<16xf32>
        %mul3A_469 = arith.mulf %gather3A_163, %get3A_468 : vector<16xf32>
        %add3A_470 = arith.constant 1 : i32
        %add3A_471 = arith.addi %mul3A_161, %add3A_470 : i32
        %get3A_472 = arith.constant 0 : i32
        %get3A_473 = arith.index_cast %get3A_472 : i32 to index
        %get3A_474 = arith.index_cast %add3A_471 : i32 to index
        %get3A_475 = arith.constant 48 : index
        %get3A_476 = tpu.vector_load %arg8[%get3A_473, %get3A_474, %get3A_475] {strides = array<i32>} : memref<2x128x128xf32, #tpu.memory_space<vmem>>, vector<1x1x16xf32>,
        %get3A_477 = vector.shape_cast %get3A_476 : vector<1x1x16xf32> to vector<16xf32>
        %mul3A_478 = arith.mulf %gather3A_167, %get3A_477 : vector<16xf32>
        %add3A_479 = arith.addf %mul3A_469, %mul3A_478 : vector<16xf32>
        %add3A_480 = arith.constant 2 : i32
        %add3A_481 = arith.addi %mul3A_161, %add3A_480 : i32
        %get3A_482 = arith.constant 0 : i32
        %get3A_483 = arith.index_cast %get3A_482 : i32 to index
        %get3A_484 = arith.index_cast %add3A_481 : i32 to index
        %get3A_485 = arith.constant 48 : index
        %get3A_486 = tpu.vector_load %arg8[%get3A_483, %get3A_484, %get3A_485] {strides = array<i32>} : memref<2x128x128xf32, #tpu.memory_space<vmem>>, vector<1x1x16xf32>,
        %get3A_487 = vector.shape_cast %get3A_486 : vector<1x1x16xf32> to vector<16xf32>
        %mul3A_488 = arith.mulf %gather3A_171, %get3A_487 : vector<16xf32>
        %add3A_489 = arith.addf %add3A_479, %mul3A_488 : vector<16xf32>
        %add3A_490 = arith.constant 3 : i32
        %add3A_491 = arith.addi %mul3A_161, %add3A_490 : i32
        %get3A_492 = arith.constant 0 : i32
        %get3A_493 = arith.index_cast %get3A_492 : i32 to index
        %get3A_494 = arith.index_cast %add3A_491 : i32 to index
        %get3A_495 = arith.constant 48 : index
        %get3A_496 = tpu.vector_load %arg8[%get3A_493, %get3A_494, %get3A_495] {strides = array<i32>} : memref<2x128x128xf32, #tpu.memory_space<vmem>>, vector<1x1x16xf32>,
        %get3A_497 = vector.shape_cast %get3A_496 : vector<1x1x16xf32> to vector<16xf32>
        %mul3A_498 = arith.mulf %gather3A_175, %get3A_497 : vector<16xf32>
        %add3A_499 = arith.addf %add3A_489, %mul3A_498 : vector<16xf32>
        %add3A_500 = arith.constant 4 : i32
        %add3A_501 = arith.addi %mul3A_161, %add3A_500 : i32
        %get3A_502 = arith.constant 0 : i32
        %get3A_503 = arith.index_cast %get3A_502 : i32 to index
        %get3A_504 = arith.index_cast %add3A_501 : i32 to index
        %get3A_505 = arith.constant 48 : index
        %get3A_506 = tpu.vector_load %arg8[%get3A_503, %get3A_504, %get3A_505] {strides = array<i32>} : memref<2x128x128xf32, #tpu.memory_space<vmem>>, vector<1x1x16xf32>,
        %get3A_507 = vector.shape_cast %get3A_506 : vector<1x1x16xf32> to vector<16xf32>
        %mul3A_508 = arith.mulf %gather3A_179, %get3A_507 : vector<16xf32>
        %add3A_509 = arith.addf %add3A_499, %mul3A_508 : vector<16xf32>
        %add3A_510 = arith.constant 5 : i32
        %add3A_511 = arith.addi %mul3A_161, %add3A_510 : i32
        %get3A_512 = arith.constant 0 : i32
        %get3A_513 = arith.index_cast %get3A_512 : i32 to index
        %get3A_514 = arith.index_cast %add3A_511 : i32 to index
        %get3A_515 = arith.constant 48 : index
        %get3A_516 = tpu.vector_load %arg8[%get3A_513, %get3A_514, %get3A_515] {strides = array<i32>} : memref<2x128x128xf32, #tpu.memory_space<vmem>>, vector<1x1x16xf32>,
        %get3A_517 = vector.shape_cast %get3A_516 : vector<1x1x16xf32> to vector<16xf32>
        %mul3A_518 = arith.mulf %gather3A_183, %get3A_517 : vector<16xf32>
        %add3A_519 = arith.addf %add3A_509, %mul3A_518 : vector<16xf32>
        %add3A_520 = arith.constant 6 : i32
        %add3A_521 = arith.addi %mul3A_161, %add3A_520 : i32
        %get3A_522 = arith.constant 0 : i32
        %get3A_523 = arith.index_cast %get3A_522 : i32 to index
        %get3A_524 = arith.index_cast %add3A_521 : i32 to index
        %get3A_525 = arith.constant 48 : index
        %get3A_526 = tpu.vector_load %arg8[%get3A_523, %get3A_524, %get3A_525] {strides = array<i32>} : memref<2x128x128xf32, #tpu.memory_space<vmem>>, vector<1x1x16xf32>,
        %get3A_527 = vector.shape_cast %get3A_526 : vector<1x1x16xf32> to vector<16xf32>
        %mul3A_528 = arith.mulf %gather3A_187, %get3A_527 : vector<16xf32>
        %add3A_529 = arith.addf %add3A_519, %mul3A_528 : vector<16xf32>
        %add3A_530 = arith.constant 7 : i32
        %add3A_531 = arith.addi %mul3A_161, %add3A_530 : i32
        %get3A_532 = arith.constant 0 : i32
        %get3A_533 = arith.index_cast %get3A_532 : i32 to index
        %get3A_534 = arith.index_cast %add3A_531 : i32 to index
        %get3A_535 = arith.constant 48 : index
        %get3A_536 = tpu.vector_load %arg8[%get3A_533, %get3A_534, %get3A_535] {strides = array<i32>} : memref<2x128x128xf32, #tpu.memory_space<vmem>>, vector<1x1x16xf32>,
        %get3A_537 = vector.shape_cast %get3A_536 : vector<1x1x16xf32> to vector<16xf32>
        %mul3A_538 = arith.mulf %gather3A_191, %get3A_537 : vector<16xf32>
        %add3A_539 = arith.addf %add3A_529, %mul3A_538 : vector<16xf32>
        %mul3A_540 = arith.constant 2 : i32
        %mul3A_541 = arith.muli %scan3A_150, %mul3A_540 : i32
        %add3A_542 = arith.constant 0 : i32
        %add3A_543 = arith.addi %mul3A_541, %add3A_542 : i32
        %swap3A_544 = arith.constant 0 : i32
        %swap3A_545 = arith.index_cast %swap3A_544 : i32 to index
        %swap3A_546 = arith.index_cast %add3A_543 : i32 to index
        %swap3A_547 = arith.constant 48 : index
        %swap3A_548 = tpu.vector_load %arg9[%swap3A_545, %swap3A_546, %swap3A_547] {strides = array<i32>} : memref<2x16x128xf32, #tpu.memory_space<vmem>>, vector<1x1x16xf32>,
        %swap3A_549 = vector.shape_cast %swap3A_548 : vector<1x1x16xf32> to vector<16xf32>
        %swap3A_550 = vector.shape_cast %add3A_539 : vector<16xf32> to vector<1x1x16xf32>
        tpu.vector_store %arg9[%swap3A_545, %swap3A_546, %swap3A_547], %swap3A_550 {strides = array<i32>} : memref<2x16x128xf32, #tpu.memory_space<vmem>>, vector<1x1x16xf32>,
        %add3A_551 = arith.constant 0 : i32
        %add3A_552 = arith.addi %mul3A_161, %add3A_551 : i32
        %get3A_553 = arith.constant 0 : i32
        %get3A_554 = arith.index_cast %get3A_553 : i32 to index
        %get3A_555 = arith.index_cast %add3A_552 : i32 to index
        %get3A_556 = arith.constant 64 : index
        %get3A_557 = tpu.vector_load %arg8[%get3A_554, %get3A_555, %get3A_556] {strides = array<i32>} : memref<2x128x128xf32, #tpu.memory_space<vmem>>, vector<1x1x16xf32>,
        %get3A_558 = vector.shape_cast %get3A_557 : vector<1x1x16xf32> to vector<16xf32>
        %mul3A_559 = arith.mulf %gather3A_163, %get3A_558 : vector<16xf32>
        %add3A_560 = arith.constant 1 : i32
        %add3A_561 = arith.addi %mul3A_161, %add3A_560 : i32
        %get3A_562 = arith.constant 0 : i32
        %get3A_563 = arith.index_cast %get3A_562 : i32 to index
        %get3A_564 = arith.index_cast %add3A_561 : i32 to index
        %get3A_565 = arith.constant 64 : index
        %get3A_566 = tpu.vector_load %arg8[%get3A_563, %get3A_564, %get3A_565] {strides = array<i32>} : memref<2x128x128xf32, #tpu.memory_space<vmem>>, vector<1x1x16xf32>,
        %get3A_567 = vector.shape_cast %get3A_566 : vector<1x1x16xf32> to vector<16xf32>
        %mul3A_568 = arith.mulf %gather3A_167, %get3A_567 : vector<16xf32>
        %add3A_569 = arith.addf %mul3A_559, %mul3A_568 : vector<16xf32>
        %add3A_570 = arith.constant 2 : i32
        %add3A_571 = arith.addi %mul3A_161, %add3A_570 : i32
        %get3A_572 = arith.constant 0 : i32
        %get3A_573 = arith.index_cast %get3A_572 : i32 to index
        %get3A_574 = arith.index_cast %add3A_571 : i32 to index
        %get3A_575 = arith.constant 64 : index
        %get3A_576 = tpu.vector_load %arg8[%get3A_573, %get3A_574, %get3A_575] {strides = array<i32>} : memref<2x128x128xf32, #tpu.memory_space<vmem>>, vector<1x1x16xf32>,
        %get3A_577 = vector.shape_cast %get3A_576 : vector<1x1x16xf32> to vector<16xf32>
        %mul3A_578 = arith.mulf %gather3A_171, %get3A_577 : vector<16xf32>
        %add3A_579 = arith.addf %add3A_569, %mul3A_578 : vector<16xf32>
        %add3A_580 = arith.constant 3 : i32
        %add3A_581 = arith.addi %mul3A_161, %add3A_580 : i32
        %get3A_582 = arith.constant 0 : i32
        %get3A_583 = arith.index_cast %get3A_582 : i32 to index
        %get3A_584 = arith.index_cast %add3A_581 : i32 to index
        %get3A_585 = arith.constant 64 : index
        %get3A_586 = tpu.vector_load %arg8[%get3A_583, %get3A_584, %get3A_585] {strides = array<i32>} : memref<2x128x128xf32, #tpu.memory_space<vmem>>, vector<1x1x16xf32>,
        %get3A_587 = vector.shape_cast %get3A_586 : vector<1x1x16xf32> to vector<16xf32>
        %mul3A_588 = arith.mulf %gather3A_175, %get3A_587 : vector<16xf32>
        %add3A_589 = arith.addf %add3A_579, %mul3A_588 : vector<16xf32>
        %add3A_590 = arith.constant 4 : i32
        %add3A_591 = arith.addi %mul3A_161, %add3A_590 : i32
        %get3A_592 = arith.constant 0 : i32
        %get3A_593 = arith.index_cast %get3A_592 : i32 to index
        %get3A_594 = arith.index_cast %add3A_591 : i32 to index
        %get3A_595 = arith.constant 64 : index
        %get3A_596 = tpu.vector_load %arg8[%get3A_593, %get3A_594, %get3A_595] {strides = array<i32>} : memref<2x128x128xf32, #tpu.memory_space<vmem>>, vector<1x1x16xf32>,
        %get3A_597 = vector.shape_cast %get3A_596 : vector<1x1x16xf32> to vector<16xf32>
        %mul3A_598 = arith.mulf %gather3A_179, %get3A_597 : vector<16xf32>
        %add3A_599 = arith.addf %add3A_589, %mul3A_598 : vector<16xf32>
        %add3A_600 = arith.constant 5 : i32
        %add3A_601 = arith.addi %mul3A_161, %add3A_600 : i32
        %get3A_602 = arith.constant 0 : i32
        %get3A_603 = arith.index_cast %get3A_602 : i32 to index
        %get3A_604 = arith.index_cast %add3A_601 : i32 to index
        %get3A_605 = arith.constant 64 : index
        %get3A_606 = tpu.vector_load %arg8[%get3A_603, %get3A_604, %get3A_605] {strides = array<i32>} : memref<2x128x128xf32, #tpu.memory_space<vmem>>, vector<1x1x16xf32>,
        %get3A_607 = vector.shape_cast %get3A_606 : vector<1x1x16xf32> to vector<16xf32>
        %mul3A_608 = arith.mulf %gather3A_183, %get3A_607 : vector<16xf32>
        %add3A_609 = arith.addf %add3A_599, %mul3A_608 : vector<16xf32>
        %add3A_610 = arith.constant 6 : i32
        %add3A_611 = arith.addi %mul3A_161, %add3A_610 : i32
        %get3A_612 = arith.constant 0 : i32
        %get3A_613 = arith.index_cast %get3A_612 : i32 to index
        %get3A_614 = arith.index_cast %add3A_611 : i32 to index
        %get3A_615 = arith.constant 64 : index
        %get3A_616 = tpu.vector_load %arg8[%get3A_613, %get3A_614, %get3A_615] {strides = array<i32>} : memref<2x128x128xf32, #tpu.memory_space<vmem>>, vector<1x1x16xf32>,
        %get3A_617 = vector.shape_cast %get3A_616 : vector<1x1x16xf32> to vector<16xf32>
        %mul3A_618 = arith.mulf %gather3A_187, %get3A_617 : vector<16xf32>
        %add3A_619 = arith.addf %add3A_609, %mul3A_618 : vector<16xf32>
        %add3A_620 = arith.constant 7 : i32
        %add3A_621 = arith.addi %mul3A_161, %add3A_620 : i32
        %get3A_622 = arith.constant 0 : i32
        %get3A_623 = arith.index_cast %get3A_622 : i32 to index
        %get3A_624 = arith.index_cast %add3A_621 : i32 to index
        %get3A_625 = arith.constant 64 : index
        %get3A_626 = tpu.vector_load %arg8[%get3A_623, %get3A_624, %get3A_625] {strides = array<i32>} : memref<2x128x128xf32, #tpu.memory_space<vmem>>, vector<1x1x16xf32>,
        %get3A_627 = vector.shape_cast %get3A_626 : vector<1x1x16xf32> to vector<16xf32>
        %mul3A_628 = arith.mulf %gather3A_191, %get3A_627 : vector<16xf32>
        %add3A_629 = arith.addf %add3A_619, %mul3A_628 : vector<16xf32>
        %mul3A_630 = arith.constant 2 : i32
        %mul3A_631 = arith.muli %scan3A_150, %mul3A_630 : i32
        %add3A_632 = arith.constant 0 : i32
        %add3A_633 = arith.addi %mul3A_631, %add3A_632 : i32
        %swap3A_634 = arith.constant 0 : i32
        %swap3A_635 = arith.index_cast %swap3A_634 : i32 to index
        %swap3A_636 = arith.index_cast %add3A_633 : i32 to index
        %swap3A_637 = arith.constant 64 : index
        %swap3A_638 = tpu.vector_load %arg9[%swap3A_635, %swap3A_636, %swap3A_637] {strides = array<i32>} : memref<2x16x128xf32, #tpu.memory_space<vmem>>, vector<1x1x16xf32>,
        %swap3A_639 = vector.shape_cast %swap3A_638 : vector<1x1x16xf32> to vector<16xf32>
        %swap3A_640 = vector.shape_cast %add3A_629 : vector<16xf32> to vector<1x1x16xf32>
        tpu.vector_store %arg9[%swap3A_635, %swap3A_636, %swap3A_637], %swap3A_640 {strides = array<i32>} : memref<2x16x128xf32, #tpu.memory_space<vmem>>, vector<1x1x16xf32>,
        %add3A_641 = arith.constant 0 : i32
        %add3A_642 = arith.addi %mul3A_161, %add3A_641 : i32
        %get3A_643 = arith.constant 0 : i32
        %get3A_644 = arith.index_cast %get3A_643 : i32 to index
        %get3A_645 = arith.index_cast %add3A_642 : i32 to index
        %get3A_646 = arith.constant 80 : index
        %get3A_647 = tpu.vector_load %arg8[%get3A_644, %get3A_645, %get3A_646] {strides = array<i32>} : memref<2x128x128xf32, #tpu.memory_space<vmem>>, vector<1x1x16xf32>,
        %get3A_648 = vector.shape_cast %get3A_647 : vector<1x1x16xf32> to vector<16xf32>
        %mul3A_649 = arith.mulf %gather3A_163, %get3A_648 : vector<16xf32>
        %add3A_650 = arith.constant 1 : i32
        %add3A_651 = arith.addi %mul3A_161, %add3A_650 : i32
        %get3A_652 = arith.constant 0 : i32
        %get3A_653 = arith.index_cast %get3A_652 : i32 to index
        %get3A_654 = arith.index_cast %add3A_651 : i32 to index
        %get3A_655 = arith.constant 80 : index
        %get3A_656 = tpu.vector_load %arg8[%get3A_653, %get3A_654, %get3A_655] {strides = array<i32>} : memref<2x128x128xf32, #tpu.memory_space<vmem>>, vector<1x1x16xf32>,
        %get3A_657 = vector.shape_cast %get3A_656 : vector<1x1x16xf32> to vector<16xf32>
        %mul3A_658 = arith.mulf %gather3A_167, %get3A_657 : vector<16xf32>
        %add3A_659 = arith.addf %mul3A_649, %mul3A_658 : vector<16xf32>
        %add3A_660 = arith.constant 2 : i32
        %add3A_661 = arith.addi %mul3A_161, %add3A_660 : i32
        %get3A_662 = arith.constant 0 : i32
        %get3A_663 = arith.index_cast %get3A_662 : i32 to index
        %get3A_664 = arith.index_cast %add3A_661 : i32 to index
        %get3A_665 = arith.constant 80 : index
        %get3A_666 = tpu.vector_load %arg8[%get3A_663, %get3A_664, %get3A_665] {strides = array<i32>} : memref<2x128x128xf32, #tpu.memory_space<vmem>>, vector<1x1x16xf32>,
        %get3A_667 = vector.shape_cast %get3A_666 : vector<1x1x16xf32> to vector<16xf32>
        %mul3A_668 = arith.mulf %gather3A_171, %get3A_667 : vector<16xf32>
        %add3A_669 = arith.addf %add3A_659, %mul3A_668 : vector<16xf32>
        %add3A_670 = arith.constant 3 : i32
        %add3A_671 = arith.addi %mul3A_161, %add3A_670 : i32
        %get3A_672 = arith.constant 0 : i32
        %get3A_673 = arith.index_cast %get3A_672 : i32 to index
        %get3A_674 = arith.index_cast %add3A_671 : i32 to index
        %get3A_675 = arith.constant 80 : index
        %get3A_676 = tpu.vector_load %arg8[%get3A_673, %get3A_674, %get3A_675] {strides = array<i32>} : memref<2x128x128xf32, #tpu.memory_space<vmem>>, vector<1x1x16xf32>,
        %get3A_677 = vector.shape_cast %get3A_676 : vector<1x1x16xf32> to vector<16xf32>
        %mul3A_678 = arith.mulf %gather3A_175, %get3A_677 : vector<16xf32>
        %add3A_679 = arith.addf %add3A_669, %mul3A_678 : vector<16xf32>
        %add3A_680 = arith.constant 4 : i32
        %add3A_681 = arith.addi %mul3A_161, %add3A_680 : i32
        %get3A_682 = arith.constant 0 : i32
        %get3A_683 = arith.index_cast %get3A_682 : i32 to index
        %get3A_684 = arith.index_cast %add3A_681 : i32 to index
        %get3A_685 = arith.constant 80 : index
        %get3A_686 = tpu.vector_load %arg8[%get3A_683, %get3A_684, %get3A_685] {strides = array<i32>} : memref<2x128x128xf32, #tpu.memory_space<vmem>>, vector<1x1x16xf32>,
        %get3A_687 = vector.shape_cast %get3A_686 : vector<1x1x16xf32> to vector<16xf32>
        %mul3A_688 = arith.mulf %gather3A_179, %get3A_687 : vector<16xf32>
        %add3A_689 = arith.addf %add3A_679, %mul3A_688 : vector<16xf32>
        %add3A_690 = arith.constant 5 : i32
        %add3A_691 = arith.addi %mul3A_161, %add3A_690 : i32
        %get3A_692 = arith.constant 0 : i32
        %get3A_693 = arith.index_cast %get3A_692 : i32 to index
        %get3A_694 = arith.index_cast %add3A_691 : i32 to index
        %get3A_695 = arith.constant 80 : index
        %get3A_696 = tpu.vector_load %arg8[%get3A_693, %get3A_694, %get3A_695] {strides = array<i32>} : memref<2x128x128xf32, #tpu.memory_space<vmem>>, vector<1x1x16xf32>,
        %get3A_697 = vector.shape_cast %get3A_696 : vector<1x1x16xf32> to vector<16xf32>
        %mul3A_698 = arith.mulf %gather3A_183, %get3A_697 : vector<16xf32>
        %add3A_699 = arith.addf %add3A_689, %mul3A_698 : vector<16xf32>
        %add3A_700 = arith.constant 6 : i32
        %add3A_701 = arith.addi %mul3A_161, %add3A_700 : i32
        %get3A_702 = arith.constant 0 : i32
        %get3A_703 = arith.index_cast %get3A_702 : i32 to index
        %get3A_704 = arith.index_cast %add3A_701 : i32 to index
        %get3A_705 = arith.constant 80 : index
        %get3A_706 = tpu.vector_load %arg8[%get3A_703, %get3A_704, %get3A_705] {strides = array<i32>} : memref<2x128x128xf32, #tpu.memory_space<vmem>>, vector<1x1x16xf32>,
        %get3A_707 = vector.shape_cast %get3A_706 : vector<1x1x16xf32> to vector<16xf32>
        %mul3A_708 = arith.mulf %gather3A_187, %get3A_707 : vector<16xf32>
        %add3A_709 = arith.addf %add3A_699, %mul3A_708 : vector<16xf32>
        %add3A_710 = arith.constant 7 : i32
        %add3A_711 = arith.addi %mul3A_161, %add3A_710 : i32
        %get3A_712 = arith.constant 0 : i32
        %get3A_713 = arith.index_cast %get3A_712 : i32 to index
        %get3A_714 = arith.index_cast %add3A_711 : i32 to index
        %get3A_715 = arith.constant 80 : index
        %get3A_716 = tpu.vector_load %arg8[%get3A_713, %get3A_714, %get3A_715] {strides = array<i32>} : memref<2x128x128xf32, #tpu.memory_space<vmem>>, vector<1x1x16xf32>,
        %get3A_717 = vector.shape_cast %get3A_716 : vector<1x1x16xf32> to vector<16xf32>
        %mul3A_718 = arith.mulf %gather3A_191, %get3A_717 : vector<16xf32>
        %add3A_719 = arith.addf %add3A_709, %mul3A_718 : vector<16xf32>
        %mul3A_720 = arith.constant 2 : i32
        %mul3A_721 = arith.muli %scan3A_150, %mul3A_720 : i32
        %add3A_722 = arith.constant 0 : i32
        %add3A_723 = arith.addi %mul3A_721, %add3A_722 : i32
        %swap3A_724 = arith.constant 0 : i32
        %swap3A_725 = arith.index_cast %swap3A_724 : i32 to index
        %swap3A_726 = arith.index_cast %add3A_723 : i32 to index
        %swap3A_727 = arith.constant 80 : index
        %swap3A_728 = tpu.vector_load %arg9[%swap3A_725, %swap3A_726, %swap3A_727] {strides = array<i32>} : memref<2x16x128xf32, #tpu.memory_space<vmem>>, vector<1x1x16xf32>,
        %swap3A_729 = vector.shape_cast %swap3A_728 : vector<1x1x16xf32> to vector<16xf32>
        %swap3A_730 = vector.shape_cast %add3A_719 : vector<16xf32> to vector<1x1x16xf32>
        tpu.vector_store %arg9[%swap3A_725, %swap3A_726, %swap3A_727], %swap3A_730 {strides = array<i32>} : memref<2x16x128xf32, #tpu.memory_space<vmem>>, vector<1x1x16xf32>,
        %add3A_731 = arith.constant 0 : i32
        %add3A_732 = arith.addi %mul3A_161, %add3A_731 : i32
        %get3A_733 = arith.constant 0 : i32
        %get3A_734 = arith.index_cast %get3A_733 : i32 to index
        %get3A_735 = arith.index_cast %add3A_732 : i32 to index
        %get3A_736 = arith.constant 96 : index
        %get3A_737 = tpu.vector_load %arg8[%get3A_734, %get3A_735, %get3A_736] {strides = array<i32>} : memref<2x128x128xf32, #tpu.memory_space<vmem>>, vector<1x1x16xf32>,
        %get3A_738 = vector.shape_cast %get3A_737 : vector<1x1x16xf32> to vector<16xf32>
        %mul3A_739 = arith.mulf %gather3A_163, %get3A_738 : vector<16xf32>
        %add3A_740 = arith.constant 1 : i32
        %add3A_741 = arith.addi %mul3A_161, %add3A_740 : i32
        %get3A_742 = arith.constant 0 : i32
        %get3A_743 = arith.index_cast %get3A_742 : i32 to index
        %get3A_744 = arith.index_cast %add3A_741 : i32 to index
        %get3A_745 = arith.constant 96 : index
        %get3A_746 = tpu.vector_load %arg8[%get3A_743, %get3A_744, %get3A_745] {strides = array<i32>} : memref<2x128x128xf32, #tpu.memory_space<vmem>>, vector<1x1x16xf32>,
        %get3A_747 = vector.shape_cast %get3A_746 : vector<1x1x16xf32> to vector<16xf32>
        %mul3A_748 = arith.mulf %gather3A_167, %get3A_747 : vector<16xf32>
        %add3A_749 = arith.addf %mul3A_739, %mul3A_748 : vector<16xf32>
        %add3A_750 = arith.constant 2 : i32
        %add3A_751 = arith.addi %mul3A_161, %add3A_750 : i32
        %get3A_752 = arith.constant 0 : i32
        %get3A_753 = arith.index_cast %get3A_752 : i32 to index
        %get3A_754 = arith.index_cast %add3A_751 : i32 to index
        %get3A_755 = arith.constant 96 : index
        %get3A_756 = tpu.vector_load %arg8[%get3A_753, %get3A_754, %get3A_755] {strides = array<i32>} : memref<2x128x128xf32, #tpu.memory_space<vmem>>, vector<1x1x16xf32>,
        %get3A_757 = vector.shape_cast %get3A_756 : vector<1x1x16xf32> to vector<16xf32>
        %mul3A_758 = arith.mulf %gather3A_171, %get3A_757 : vector<16xf32>
        %add3A_759 = arith.addf %add3A_749, %mul3A_758 : vector<16xf32>
        %add3A_760 = arith.constant 3 : i32
        %add3A_761 = arith.addi %mul3A_161, %add3A_760 : i32
        %get3A_762 = arith.constant 0 : i32
        %get3A_763 = arith.index_cast %get3A_762 : i32 to index
        %get3A_764 = arith.index_cast %add3A_761 : i32 to index
        %get3A_765 = arith.constant 96 : index
        %get3A_766 = tpu.vector_load %arg8[%get3A_763, %get3A_764, %get3A_765] {strides = array<i32>} : memref<2x128x128xf32, #tpu.memory_space<vmem>>, vector<1x1x16xf32>,
        %get3A_767 = vector.shape_cast %get3A_766 : vector<1x1x16xf32> to vector<16xf32>
        %mul3A_768 = arith.mulf %gather3A_175, %get3A_767 : vector<16xf32>
        %add3A_769 = arith.addf %add3A_759, %mul3A_768 : vector<16xf32>
        %add3A_770 = arith.constant 4 : i32
        %add3A_771 = arith.addi %mul3A_161, %add3A_770 : i32
        %get3A_772 = arith.constant 0 : i32
        %get3A_773 = arith.index_cast %get3A_772 : i32 to index
        %get3A_774 = arith.index_cast %add3A_771 : i32 to index
        %get3A_775 = arith.constant 96 : index
        %get3A_776 = tpu.vector_load %arg8[%get3A_773, %get3A_774, %get3A_775] {strides = array<i32>} : memref<2x128x128xf32, #tpu.memory_space<vmem>>, vector<1x1x16xf32>,
        %get3A_777 = vector.shape_cast %get3A_776 : vector<1x1x16xf32> to vector<16xf32>
        %mul3A_778 = arith.mulf %gather3A_179, %get3A_777 : vector<16xf32>
        %add3A_779 = arith.addf %add3A_769, %mul3A_778 : vector<16xf32>
        %add3A_780 = arith.constant 5 : i32
        %add3A_781 = arith.addi %mul3A_161, %add3A_780 : i32
        %get3A_782 = arith.constant 0 : i32
        %get3A_783 = arith.index_cast %get3A_782 : i32 to index
        %get3A_784 = arith.index_cast %add3A_781 : i32 to index
        %get3A_785 = arith.constant 96 : index
        %get3A_786 = tpu.vector_load %arg8[%get3A_783, %get3A_784, %get3A_785] {strides = array<i32>} : memref<2x128x128xf32, #tpu.memory_space<vmem>>, vector<1x1x16xf32>,
        %get3A_787 = vector.shape_cast %get3A_786 : vector<1x1x16xf32> to vector<16xf32>
        %mul3A_788 = arith.mulf %gather3A_183, %get3A_787 : vector<16xf32>
        %add3A_789 = arith.addf %add3A_779, %mul3A_788 : vector<16xf32>
        %add3A_790 = arith.constant 6 : i32
        %add3A_791 = arith.addi %mul3A_161, %add3A_790 : i32
        %get3A_792 = arith.constant 0 : i32
        %get3A_793 = arith.index_cast %get3A_792 : i32 to index
        %get3A_794 = arith.index_cast %add3A_791 : i32 to index
        %get3A_795 = arith.constant 96 : index
        %get3A_796 = tpu.vector_load %arg8[%get3A_793, %get3A_794, %get3A_795] {strides = array<i32>} : memref<2x128x128xf32, #tpu.memory_space<vmem>>, vector<1x1x16xf32>,
        %get3A_797 = vector.shape_cast %get3A_796 : vector<1x1x16xf32> to vector<16xf32>
        %mul3A_798 = arith.mulf %gather3A_187, %get3A_797 : vector<16xf32>
        %add3A_799 = arith.addf %add3A_789, %mul3A_798 : vector<16xf32>
        %add3A_800 = arith.constant 7 : i32
        %add3A_801 = arith.addi %mul3A_161, %add3A_800 : i32
        %get3A_802 = arith.constant 0 : i32
        %get3A_803 = arith.index_cast %get3A_802 : i32 to index
        %get3A_804 = arith.index_cast %add3A_801 : i32 to index
        %get3A_805 = arith.constant 96 : index
        %get3A_806 = tpu.vector_load %arg8[%get3A_803, %get3A_804, %get3A_805] {strides = array<i32>} : memref<2x128x128xf32, #tpu.memory_space<vmem>>, vector<1x1x16xf32>,
        %get3A_807 = vector.shape_cast %get3A_806 : vector<1x1x16xf32> to vector<16xf32>
        %mul3A_808 = arith.mulf %gather3A_191, %get3A_807 : vector<16xf32>
        %add3A_809 = arith.addf %add3A_799, %mul3A_808 : vector<16xf32>
        %mul3A_810 = arith.constant 2 : i32
        %mul3A_811 = arith.muli %scan3A_150, %mul3A_810 : i32
        %add3A_812 = arith.constant 0 : i32
        %add3A_813 = arith.addi %mul3A_811, %add3A_812 : i32
        %swap3A_814 = arith.constant 0 : i32
        %swap3A_815 = arith.index_cast %swap3A_814 : i32 to index
        %swap3A_816 = arith.index_cast %add3A_813 : i32 to index
        %swap3A_817 = arith.constant 96 : index
        %swap3A_818 = tpu.vector_load %arg9[%swap3A_815, %swap3A_816, %swap3A_817] {strides = array<i32>} : memref<2x16x128xf32, #tpu.memory_space<vmem>>, vector<1x1x16xf32>,
        %swap3A_819 = vector.shape_cast %swap3A_818 : vector<1x1x16xf32> to vector<16xf32>
        %swap3A_820 = vector.shape_cast %add3A_809 : vector<16xf32> to vector<1x1x16xf32>
        tpu.vector_store %arg9[%swap3A_815, %swap3A_816, %swap3A_817], %swap3A_820 {strides = array<i32>} : memref<2x16x128xf32, #tpu.memory_space<vmem>>, vector<1x1x16xf32>,
        %add3A_821 = arith.constant 0 : i32
        %add3A_822 = arith.addi %mul3A_161, %add3A_821 : i32
        %get3A_823 = arith.constant 0 : i32
        %get3A_824 = arith.index_cast %get3A_823 : i32 to index
        %get3A_825 = arith.index_cast %add3A_822 : i32 to index
        %get3A_826 = arith.constant 112 : index
        %get3A_827 = tpu.vector_load %arg8[%get3A_824, %get3A_825, %get3A_826] {strides = array<i32>} : memref<2x128x128xf32, #tpu.memory_space<vmem>>, vector<1x1x16xf32>,
        %get3A_828 = vector.shape_cast %get3A_827 : vector<1x1x16xf32> to vector<16xf32>
        %mul3A_829 = arith.mulf %gather3A_163, %get3A_828 : vector<16xf32>
        %add3A_830 = arith.constant 1 : i32
        %add3A_831 = arith.addi %mul3A_161, %add3A_830 : i32
        %get3A_832 = arith.constant 0 : i32
        %get3A_833 = arith.index_cast %get3A_832 : i32 to index
        %get3A_834 = arith.index_cast %add3A_831 : i32 to index
        %get3A_835 = arith.constant 112 : index
        %get3A_836 = tpu.vector_load %arg8[%get3A_833, %get3A_834, %get3A_835] {strides = array<i32>} : memref<2x128x128xf32, #tpu.memory_space<vmem>>, vector<1x1x16xf32>,
        %get3A_837 = vector.shape_cast %get3A_836 : vector<1x1x16xf32> to vector<16xf32>
        %mul3A_838 = arith.mulf %gather3A_167, %get3A_837 : vector<16xf32>
        %add3A_839 = arith.addf %mul3A_829, %mul3A_838 : vector<16xf32>
        %add3A_840 = arith.constant 2 : i32
        %add3A_841 = arith.addi %mul3A_161, %add3A_840 : i32
        %get3A_842 = arith.constant 0 : i32
        %get3A_843 = arith.index_cast %get3A_842 : i32 to index
        %get3A_844 = arith.index_cast %add3A_841 : i32 to index
        %get3A_845 = arith.constant 112 : index
        %get3A_846 = tpu.vector_load %arg8[%get3A_843, %get3A_844, %get3A_845] {strides = array<i32>} : memref<2x128x128xf32, #tpu.memory_space<vmem>>, vector<1x1x16xf32>,
        %get3A_847 = vector.shape_cast %get3A_846 : vector<1x1x16xf32> to vector<16xf32>
        %mul3A_848 = arith.mulf %gather3A_171, %get3A_847 : vector<16xf32>
        %add3A_849 = arith.addf %add3A_839, %mul3A_848 : vector<16xf32>
        %add3A_850 = arith.constant 3 : i32
        %add3A_851 = arith.addi %mul3A_161, %add3A_850 : i32
        %get3A_852 = arith.constant 0 : i32
        %get3A_853 = arith.index_cast %get3A_852 : i32 to index
        %get3A_854 = arith.index_cast %add3A_851 : i32 to index
        %get3A_855 = arith.constant 112 : index
        %get3A_856 = tpu.vector_load %arg8[%get3A_853, %get3A_854, %get3A_855] {strides = array<i32>} : memref<2x128x128xf32, #tpu.memory_space<vmem>>, vector<1x1x16xf32>,
        %get3A_857 = vector.shape_cast %get3A_856 : vector<1x1x16xf32> to vector<16xf32>
        %mul3A_858 = arith.mulf %gather3A_175, %get3A_857 : vector<16xf32>
        %add3A_859 = arith.addf %add3A_849, %mul3A_858 : vector<16xf32>
        %add3A_860 = arith.constant 4 : i32
        %add3A_861 = arith.addi %mul3A_161, %add3A_860 : i32
        %get3A_862 = arith.constant 0 : i32
        %get3A_863 = arith.index_cast %get3A_862 : i32 to index
        %get3A_864 = arith.index_cast %add3A_861 : i32 to index
        %get3A_865 = arith.constant 112 : index
        %get3A_866 = tpu.vector_load %arg8[%get3A_863, %get3A_864, %get3A_865] {strides = array<i32>} : memref<2x128x128xf32, #tpu.memory_space<vmem>>, vector<1x1x16xf32>,
        %get3A_867 = vector.shape_cast %get3A_866 : vector<1x1x16xf32> to vector<16xf32>
        %mul3A_868 = arith.mulf %gather3A_179, %get3A_867 : vector<16xf32>
        %add3A_869 = arith.addf %add3A_859, %mul3A_868 : vector<16xf32>
        %add3A_870 = arith.constant 5 : i32
        %add3A_871 = arith.addi %mul3A_161, %add3A_870 : i32
        %get3A_872 = arith.constant 0 : i32
        %get3A_873 = arith.index_cast %get3A_872 : i32 to index
        %get3A_874 = arith.index_cast %add3A_871 : i32 to index
        %get3A_875 = arith.constant 112 : index
        %get3A_876 = tpu.vector_load %arg8[%get3A_873, %get3A_874, %get3A_875] {strides = array<i32>} : memref<2x128x128xf32, #tpu.memory_space<vmem>>, vector<1x1x16xf32>,
        %get3A_877 = vector.shape_cast %get3A_876 : vector<1x1x16xf32> to vector<16xf32>
        %mul3A_878 = arith.mulf %gather3A_183, %get3A_877 : vector<16xf32>
        %add3A_879 = arith.addf %add3A_869, %mul3A_878 : vector<16xf32>
        %add3A_880 = arith.constant 6 : i32
        %add3A_881 = arith.addi %mul3A_161, %add3A_880 : i32
        %get3A_882 = arith.constant 0 : i32
        %get3A_883 = arith.index_cast %get3A_882 : i32 to index
        %get3A_884 = arith.index_cast %add3A_881 : i32 to index
        %get3A_885 = arith.constant 112 : index
        %get3A_886 = tpu.vector_load %arg8[%get3A_883, %get3A_884, %get3A_885] {strides = array<i32>} : memref<2x128x128xf32, #tpu.memory_space<vmem>>, vector<1x1x16xf32>,
        %get3A_887 = vector.shape_cast %get3A_886 : vector<1x1x16xf32> to vector<16xf32>
        %mul3A_888 = arith.mulf %gather3A_187, %get3A_887 : vector<16xf32>
        %add3A_889 = arith.addf %add3A_879, %mul3A_888 : vector<16xf32>
        %add3A_890 = arith.constant 7 : i32
        %add3A_891 = arith.addi %mul3A_161, %add3A_890 : i32
        %get3A_892 = arith.constant 0 : i32
        %get3A_893 = arith.index_cast %get3A_892 : i32 to index
        %get3A_894 = arith.index_cast %add3A_891 : i32 to index
        %get3A_895 = arith.constant 112 : index
        %get3A_896 = tpu.vector_load %arg8[%get3A_893, %get3A_894, %get3A_895] {strides = array<i32>} : memref<2x128x128xf32, #tpu.memory_space<vmem>>, vector<1x1x16xf32>,
        %get3A_897 = vector.shape_cast %get3A_896 : vector<1x1x16xf32> to vector<16xf32>
        %mul3A_898 = arith.mulf %gather3A_191, %get3A_897 : vector<16xf32>
        %add3A_899 = arith.addf %add3A_889, %mul3A_898 : vector<16xf32>
        %mul3A_900 = arith.constant 2 : i32
        %mul3A_901 = arith.muli %scan3A_150, %mul3A_900 : i32
        %add3A_902 = arith.constant 0 : i32
        %add3A_903 = arith.addi %mul3A_901, %add3A_902 : i32
        %swap3A_904 = arith.constant 0 : i32
        %swap3A_905 = arith.index_cast %swap3A_904 : i32 to index
        %swap3A_906 = arith.index_cast %add3A_903 : i32 to index
        %swap3A_907 = arith.constant 112 : index
        %swap3A_908 = tpu.vector_load %arg9[%swap3A_905, %swap3A_906, %swap3A_907] {strides = array<i32>} : memref<2x16x128xf32, #tpu.memory_space<vmem>>, vector<1x1x16xf32>,
        %swap3A_909 = vector.shape_cast %swap3A_908 : vector<1x1x16xf32> to vector<16xf32>
        %swap3A_910 = vector.shape_cast %add3A_899 : vector<16xf32> to vector<1x1x16xf32>
        tpu.vector_store %arg9[%swap3A_905, %swap3A_906, %swap3A_907], %swap3A_910 {strides = array<i32>} : memref<2x16x128xf32, #tpu.memory_space<vmem>>, vector<1x1x16xf32>,
        %mul3A_911 = arith.constant 2 : i32
        %mul3A_912 = arith.muli %scan3A_150, %mul3A_911 : i32
        %add3A_913 = arith.constant 1 : i32
        %add3A_914 = arith.addi %mul3A_912, %add3A_913 : i32
        %mul3A_915 = arith.constant 8 : i32
        %mul3A_916 = arith.muli %add3A_914, %mul3A_915 : i32
        %broadcast_in_dim3A_917 = arith.constant 8 : i32
        %broadcast_in_dim3A_918 = vector.broadcast %broadcast_in_dim3A_917 : i32 to vector<16x1xi32>
        %gather3A_919 = vector.shape_cast %broadcast_in_dim3A_918 : vector<16x1xi32> to vector<16xi32>
        %gather3A_920 = tpu.dynamic_gather %get3A_155[%gather3A_919] in [0] : vector<16xf32>, vector<16xi32> -> vector<16xf32>
        %broadcast_in_dim3A_921 = arith.constant 9 : i32
        %broadcast_in_dim3A_922 = vector.broadcast %broadcast_in_dim3A_921 : i32 to vector<16x1xi32>
        %gather3A_923 = vector.shape_cast %broadcast_in_dim3A_922 : vector<16x1xi32> to vector<16xi32>
        %gather3A_924 = tpu.dynamic_gather %get3A_155[%gather3A_923] in [0] : vector<16xf32>, vector<16xi32> -> vector<16xf32>
        %broadcast_in_dim3A_925 = arith.constant 10 : i32
        %broadcast_in_dim3A_926 = vector.broadcast %broadcast_in_dim3A_925 : i32 to vector<16x1xi32>
        %gather3A_927 = vector.shape_cast %broadcast_in_dim3A_926 : vector<16x1xi32> to vector<16xi32>
        %gather3A_928 = tpu.dynamic_gather %get3A_155[%gather3A_927] in [0] : vector<16xf32>, vector<16xi32> -> vector<16xf32>
        %broadcast_in_dim3A_929 = arith.constant 11 : i32
        %broadcast_in_dim3A_930 = vector.broadcast %broadcast_in_dim3A_929 : i32 to vector<16x1xi32>
        %gather3A_931 = vector.shape_cast %broadcast_in_dim3A_930 : vector<16x1xi32> to vector<16xi32>
        %gather3A_932 = tpu.dynamic_gather %get3A_155[%gather3A_931] in [0] : vector<16xf32>, vector<16xi32> -> vector<16xf32>
        %broadcast_in_dim3A_933 = arith.constant 12 : i32
        %broadcast_in_dim3A_934 = vector.broadcast %broadcast_in_dim3A_933 : i32 to vector<16x1xi32>
        %gather3A_935 = vector.shape_cast %broadcast_in_dim3A_934 : vector<16x1xi32> to vector<16xi32>
        %gather3A_936 = tpu.dynamic_gather %get3A_155[%gather3A_935] in [0] : vector<16xf32>, vector<16xi32> -> vector<16xf32>
        %broadcast_in_dim3A_937 = arith.constant 13 : i32
        %broadcast_in_dim3A_938 = vector.broadcast %broadcast_in_dim3A_937 : i32 to vector<16x1xi32>
        %gather3A_939 = vector.shape_cast %broadcast_in_dim3A_938 : vector<16x1xi32> to vector<16xi32>
        %gather3A_940 = tpu.dynamic_gather %get3A_155[%gather3A_939] in [0] : vector<16xf32>, vector<16xi32> -> vector<16xf32>
        %broadcast_in_dim3A_941 = arith.constant 14 : i32
        %broadcast_in_dim3A_942 = vector.broadcast %broadcast_in_dim3A_941 : i32 to vector<16x1xi32>
        %gather3A_943 = vector.shape_cast %broadcast_in_dim3A_942 : vector<16x1xi32> to vector<16xi32>
        %gather3A_944 = tpu.dynamic_gather %get3A_155[%gather3A_943] in [0] : vector<16xf32>, vector<16xi32> -> vector<16xf32>
        %broadcast_in_dim3A_945 = arith.constant 15 : i32
        %broadcast_in_dim3A_946 = vector.broadcast %broadcast_in_dim3A_945 : i32 to vector<16x1xi32>
        %gather3A_947 = vector.shape_cast %broadcast_in_dim3A_946 : vector<16x1xi32> to vector<16xi32>
        %gather3A_948 = tpu.dynamic_gather %get3A_155[%gather3A_947] in [0] : vector<16xf32>, vector<16xi32> -> vector<16xf32>
        %add3A_949 = arith.constant 0 : i32
        %add3A_950 = arith.addi %mul3A_916, %add3A_949 : i32
        %get3A_951 = arith.constant 0 : i32
        %get3A_952 = arith.index_cast %get3A_951 : i32 to index
        %get3A_953 = arith.index_cast %add3A_950 : i32 to index
        %get3A_954 = arith.constant 0 : index
        %get3A_955 = tpu.vector_load %arg8[%get3A_952, %get3A_953, %get3A_954] {strides = array<i32>} : memref<2x128x128xf32, #tpu.memory_space<vmem>>, vector<1x1x16xf32>,
        %get3A_956 = vector.shape_cast %get3A_955 : vector<1x1x16xf32> to vector<16xf32>
        %mul3A_957 = arith.mulf %gather3A_920, %get3A_956 : vector<16xf32>
        %add3A_958 = arith.constant 1 : i32
        %add3A_959 = arith.addi %mul3A_916, %add3A_958 : i32
        %get3A_960 = arith.constant 0 : i32
        %get3A_961 = arith.index_cast %get3A_960 : i32 to index
        %get3A_962 = arith.index_cast %add3A_959 : i32 to index
        %get3A_963 = arith.constant 0 : index
        %get3A_964 = tpu.vector_load %arg8[%get3A_961, %get3A_962, %get3A_963] {strides = array<i32>} : memref<2x128x128xf32, #tpu.memory_space<vmem>>, vector<1x1x16xf32>,
        %get3A_965 = vector.shape_cast %get3A_964 : vector<1x1x16xf32> to vector<16xf32>
        %mul3A_966 = arith.mulf %gather3A_924, %get3A_965 : vector<16xf32>
        %add3A_967 = arith.addf %mul3A_957, %mul3A_966 : vector<16xf32>
        %add3A_968 = arith.constant 2 : i32
        %add3A_969 = arith.addi %mul3A_916, %add3A_968 : i32
        %get3A_970 = arith.constant 0 : i32
        %get3A_971 = arith.index_cast %get3A_970 : i32 to index
        %get3A_972 = arith.index_cast %add3A_969 : i32 to index
        %get3A_973 = arith.constant 0 : index
        %get3A_974 = tpu.vector_load %arg8[%get3A_971, %get3A_972, %get3A_973] {strides = array<i32>} : memref<2x128x128xf32, #tpu.memory_space<vmem>>, vector<1x1x16xf32>,
        %get3A_975 = vector.shape_cast %get3A_974 : vector<1x1x16xf32> to vector<16xf32>
        %mul3A_976 = arith.mulf %gather3A_928, %get3A_975 : vector<16xf32>
        %add3A_977 = arith.addf %add3A_967, %mul3A_976 : vector<16xf32>
        %add3A_978 = arith.constant 3 : i32
        %add3A_979 = arith.addi %mul3A_916, %add3A_978 : i32
        %get3A_980 = arith.constant 0 : i32
        %get3A_981 = arith.index_cast %get3A_980 : i32 to index
        %get3A_982 = arith.index_cast %add3A_979 : i32 to index
        %get3A_983 = arith.constant 0 : index
        %get3A_984 = tpu.vector_load %arg8[%get3A_981, %get3A_982, %get3A_983] {strides = array<i32>} : memref<2x128x128xf32, #tpu.memory_space<vmem>>, vector<1x1x16xf32>,
        %get3A_985 = vector.shape_cast %get3A_984 : vector<1x1x16xf32> to vector<16xf32>
        %mul3A_986 = arith.mulf %gather3A_932, %get3A_985 : vector<16xf32>
        %add3A_987 = arith.addf %add3A_977, %mul3A_986 : vector<16xf32>
        %add3A_988 = arith.constant 4 : i32
        %add3A_989 = arith.addi %mul3A_916, %add3A_988 : i32
        %get3A_990 = arith.constant 0 : i32
        %get3A_991 = arith.index_cast %get3A_990 : i32 to index
        %get3A_992 = arith.index_cast %add3A_989 : i32 to index
        %get3A_993 = arith.constant 0 : index
        %get3A_994 = tpu.vector_load %arg8[%get3A_991, %get3A_992, %get3A_993] {strides = array<i32>} : memref<2x128x128xf32, #tpu.memory_space<vmem>>, vector<1x1x16xf32>,
        %get3A_995 = vector.shape_cast %get3A_994 : vector<1x1x16xf32> to vector<16xf32>
        %mul3A_996 = arith.mulf %gather3A_936, %get3A_995 : vector<16xf32>
        %add3A_997 = arith.addf %add3A_987, %mul3A_996 : vector<16xf32>
        %add3A_998 = arith.constant 5 : i32
        %add3A_999 = arith.addi %mul3A_916, %add3A_998 : i32
        %get3A_1000 = arith.constant 0 : i32
        %get3A_1001 = arith.index_cast %get3A_1000 : i32 to index
        %get3A_1002 = arith.index_cast %add3A_999 : i32 to index
        %get3A_1003 = arith.constant 0 : index
        %get3A_1004 = tpu.vector_load %arg8[%get3A_1001, %get3A_1002, %get3A_1003] {strides = array<i32>} : memref<2x128x128xf32, #tpu.memory_space<vmem>>, vector<1x1x16xf32>,
        %get3A_1005 = vector.shape_cast %get3A_1004 : vector<1x1x16xf32> to vector<16xf32>
        %mul3A_1006 = arith.mulf %gather3A_940, %get3A_1005 : vector<16xf32>
        %add3A_1007 = arith.addf %add3A_997, %mul3A_1006 : vector<16xf32>
        %add3A_1008 = arith.constant 6 : i32
        %add3A_1009 = arith.addi %mul3A_916, %add3A_1008 : i32
        %get3A_1010 = arith.constant 0 : i32
        %get3A_1011 = arith.index_cast %get3A_1010 : i32 to index
        %get3A_1012 = arith.index_cast %add3A_1009 : i32 to index
        %get3A_1013 = arith.constant 0 : index
        %get3A_1014 = tpu.vector_load %arg8[%get3A_1011, %get3A_1012, %get3A_1013] {strides = array<i32>} : memref<2x128x128xf32, #tpu.memory_space<vmem>>, vector<1x1x16xf32>,
        %get3A_1015 = vector.shape_cast %get3A_1014 : vector<1x1x16xf32> to vector<16xf32>
        %mul3A_1016 = arith.mulf %gather3A_944, %get3A_1015 : vector<16xf32>
        %add3A_1017 = arith.addf %add3A_1007, %mul3A_1016 : vector<16xf32>
        %add3A_1018 = arith.constant 7 : i32
        %add3A_1019 = arith.addi %mul3A_916, %add3A_1018 : i32
        %get3A_1020 = arith.constant 0 : i32
        %get3A_1021 = arith.index_cast %get3A_1020 : i32 to index
        %get3A_1022 = arith.index_cast %add3A_1019 : i32 to index
        %get3A_1023 = arith.constant 0 : index
        %get3A_1024 = tpu.vector_load %arg8[%get3A_1021, %get3A_1022, %get3A_1023] {strides = array<i32>} : memref<2x128x128xf32, #tpu.memory_space<vmem>>, vector<1x1x16xf32>,
        %get3A_1025 = vector.shape_cast %get3A_1024 : vector<1x1x16xf32> to vector<16xf32>
        %mul3A_1026 = arith.mulf %gather3A_948, %get3A_1025 : vector<16xf32>
        %add3A_1027 = arith.addf %add3A_1017, %mul3A_1026 : vector<16xf32>
        %mul3A_1028 = arith.constant 2 : i32
        %mul3A_1029 = arith.muli %scan3A_150, %mul3A_1028 : i32
        %add3A_1030 = arith.constant 1 : i32
        %add3A_1031 = arith.addi %mul3A_1029, %add3A_1030 : i32
        %swap3A_1032 = arith.constant 0 : i32
        %swap3A_1033 = arith.index_cast %swap3A_1032 : i32 to index
        %swap3A_1034 = arith.index_cast %add3A_1031 : i32 to index
        %swap3A_1035 = arith.constant 0 : index
        %swap3A_1036 = tpu.vector_load %arg9[%swap3A_1033, %swap3A_1034, %swap3A_1035] {strides = array<i32>} : memref<2x16x128xf32, #tpu.memory_space<vmem>>, vector<1x1x16xf32>,
        %swap3A_1037 = vector.shape_cast %swap3A_1036 : vector<1x1x16xf32> to vector<16xf32>
        %swap3A_1038 = vector.shape_cast %add3A_1027 : vector<16xf32> to vector<1x1x16xf32>
        tpu.vector_store %arg9[%swap3A_1033, %swap3A_1034, %swap3A_1035], %swap3A_1038 {strides = array<i32>} : memref<2x16x128xf32, #tpu.memory_space<vmem>>, vector<1x1x16xf32>,
        %add3A_1039 = arith.constant 0 : i32
        %add3A_1040 = arith.addi %mul3A_916, %add3A_1039 : i32
        %get3A_1041 = arith.constant 0 : i32
        %get3A_1042 = arith.index_cast %get3A_1041 : i32 to index
        %get3A_1043 = arith.index_cast %add3A_1040 : i32 to index
        %get3A_1044 = arith.constant 16 : index
        %get3A_1045 = tpu.vector_load %arg8[%get3A_1042, %get3A_1043, %get3A_1044] {strides = array<i32>} : memref<2x128x128xf32, #tpu.memory_space<vmem>>, vector<1x1x16xf32>,
        %get3A_1046 = vector.shape_cast %get3A_1045 : vector<1x1x16xf32> to vector<16xf32>
        %mul3A_1047 = arith.mulf %gather3A_920, %get3A_1046 : vector<16xf32>
        %add3A_1048 = arith.constant 1 : i32
        %add3A_1049 = arith.addi %mul3A_916, %add3A_1048 : i32
        %get3A_1050 = arith.constant 0 : i32
        %get3A_1051 = arith.index_cast %get3A_1050 : i32 to index
        %get3A_1052 = arith.index_cast %add3A_1049 : i32 to index
        %get3A_1053 = arith.constant 16 : index
        %get3A_1054 = tpu.vector_load %arg8[%get3A_1051, %get3A_1052, %get3A_1053] {strides = array<i32>} : memref<2x128x128xf32, #tpu.memory_space<vmem>>, vector<1x1x16xf32>,
        %get3A_1055 = vector.shape_cast %get3A_1054 : vector<1x1x16xf32> to vector<16xf32>
        %mul3A_1056 = arith.mulf %gather3A_924, %get3A_1055 : vector<16xf32>
        %add3A_1057 = arith.addf %mul3A_1047, %mul3A_1056 : vector<16xf32>
        %add3A_1058 = arith.constant 2 : i32
        %add3A_1059 = arith.addi %mul3A_916, %add3A_1058 : i32
        %get3A_1060 = arith.constant 0 : i32
        %get3A_1061 = arith.index_cast %get3A_1060 : i32 to index
        %get3A_1062 = arith.index_cast %add3A_1059 : i32 to index
        %get3A_1063 = arith.constant 16 : index
        %get3A_1064 = tpu.vector_load %arg8[%get3A_1061, %get3A_1062, %get3A_1063] {strides = array<i32>} : memref<2x128x128xf32, #tpu.memory_space<vmem>>, vector<1x1x16xf32>,
        %get3A_1065 = vector.shape_cast %get3A_1064 : vector<1x1x16xf32> to vector<16xf32>
        %mul3A_1066 = arith.mulf %gather3A_928, %get3A_1065 : vector<16xf32>
        %add3A_1067 = arith.addf %add3A_1057, %mul3A_1066 : vector<16xf32>
        %add3A_1068 = arith.constant 3 : i32
        %add3A_1069 = arith.addi %mul3A_916, %add3A_1068 : i32
        %get3A_1070 = arith.constant 0 : i32
        %get3A_1071 = arith.index_cast %get3A_1070 : i32 to index
        %get3A_1072 = arith.index_cast %add3A_1069 : i32 to index
        %get3A_1073 = arith.constant 16 : index
        %get3A_1074 = tpu.vector_load %arg8[%get3A_1071, %get3A_1072, %get3A_1073] {strides = array<i32>} : memref<2x128x128xf32, #tpu.memory_space<vmem>>, vector<1x1x16xf32>,
        %get3A_1075 = vector.shape_cast %get3A_1074 : vector<1x1x16xf32> to vector<16xf32>
        %mul3A_1076 = arith.mulf %gather3A_932, %get3A_1075 : vector<16xf32>
        %add3A_1077 = arith.addf %add3A_1067, %mul3A_1076 : vector<16xf32>
        %add3A_1078 = arith.constant 4 : i32
        %add3A_1079 = arith.addi %mul3A_916, %add3A_1078 : i32
        %get3A_1080 = arith.constant 0 : i32
        %get3A_1081 = arith.index_cast %get3A_1080 : i32 to index
        %get3A_1082 = arith.index_cast %add3A_1079 : i32 to index
        %get3A_1083 = arith.constant 16 : index
        %get3A_1084 = tpu.vector_load %arg8[%get3A_1081, %get3A_1082, %get3A_1083] {strides = array<i32>} : memref<2x128x128xf32, #tpu.memory_space<vmem>>, vector<1x1x16xf32>,
        %get3A_1085 = vector.shape_cast %get3A_1084 : vector<1x1x16xf32> to vector<16xf32>
        %mul3A_1086 = arith.mulf %gather3A_936, %get3A_1085 : vector<16xf32>
        %add3A_1087 = arith.addf %add3A_1077, %mul3A_1086 : vector<16xf32>
        %add3A_1088 = arith.constant 5 : i32
        %add3A_1089 = arith.addi %mul3A_916, %add3A_1088 : i32
        %get3A_1090 = arith.constant 0 : i32
        %get3A_1091 = arith.index_cast %get3A_1090 : i32 to index
        %get3A_1092 = arith.index_cast %add3A_1089 : i32 to index
        %get3A_1093 = arith.constant 16 : index
        %get3A_1094 = tpu.vector_load %arg8[%get3A_1091, %get3A_1092, %get3A_1093] {strides = array<i32>} : memref<2x128x128xf32, #tpu.memory_space<vmem>>, vector<1x1x16xf32>,
        %get3A_1095 = vector.shape_cast %get3A_1094 : vector<1x1x16xf32> to vector<16xf32>
        %mul3A_1096 = arith.mulf %gather3A_940, %get3A_1095 : vector<16xf32>
        %add3A_1097 = arith.addf %add3A_1087, %mul3A_1096 : vector<16xf32>
        %add3A_1098 = arith.constant 6 : i32
        %add3A_1099 = arith.addi %mul3A_916, %add3A_1098 : i32
        %get3A_1100 = arith.constant 0 : i32
        %get3A_1101 = arith.index_cast %get3A_1100 : i32 to index
        %get3A_1102 = arith.index_cast %add3A_1099 : i32 to index
        %get3A_1103 = arith.constant 16 : index
        %get3A_1104 = tpu.vector_load %arg8[%get3A_1101, %get3A_1102, %get3A_1103] {strides = array<i32>} : memref<2x128x128xf32, #tpu.memory_space<vmem>>, vector<1x1x16xf32>,
        %get3A_1105 = vector.shape_cast %get3A_1104 : vector<1x1x16xf32> to vector<16xf32>
        %mul3A_1106 = arith.mulf %gather3A_944, %get3A_1105 : vector<16xf32>
        %add3A_1107 = arith.addf %add3A_1097, %mul3A_1106 : vector<16xf32>
        %add3A_1108 = arith.constant 7 : i32
        %add3A_1109 = arith.addi %mul3A_916, %add3A_1108 : i32
        %get3A_1110 = arith.constant 0 : i32
        %get3A_1111 = arith.index_cast %get3A_1110 : i32 to index
        %get3A_1112 = arith.index_cast %add3A_1109 : i32 to index
        %get3A_1113 = arith.constant 16 : index
        %get3A_1114 = tpu.vector_load %arg8[%get3A_1111, %get3A_1112, %get3A_1113] {strides = array<i32>} : memref<2x128x128xf32, #tpu.memory_space<vmem>>, vector<1x1x16xf32>,
        %get3A_1115 = vector.shape_cast %get3A_1114 : vector<1x1x16xf32> to vector<16xf32>
        %mul3A_1116 = arith.mulf %gather3A_948, %get3A_1115 : vector<16xf32>
        %add3A_1117 = arith.addf %add3A_1107, %mul3A_1116 : vector<16xf32>
        %mul3A_1118 = arith.constant 2 : i32
        %mul3A_1119 = arith.muli %scan3A_150, %mul3A_1118 : i32
        %add3A_1120 = arith.constant 1 : i32
        %add3A_1121 = arith.addi %mul3A_1119, %add3A_1120 : i32
        %swap3A_1122 = arith.constant 0 : i32
        %swap3A_1123 = arith.index_cast %swap3A_1122 : i32 to index
        %swap3A_1124 = arith.index_cast %add3A_1121 : i32 to index
        %swap3A_1125 = arith.constant 16 : index
        %swap3A_1126 = tpu.vector_load %arg9[%swap3A_1123, %swap3A_1124, %swap3A_1125] {strides = array<i32>} : memref<2x16x128xf32, #tpu.memory_space<vmem>>, vector<1x1x16xf32>,
        %swap3A_1127 = vector.shape_cast %swap3A_1126 : vector<1x1x16xf32> to vector<16xf32>
        %swap3A_1128 = vector.shape_cast %add3A_1117 : vector<16xf32> to vector<1x1x16xf32>
        tpu.vector_store %arg9[%swap3A_1123, %swap3A_1124, %swap3A_1125], %swap3A_1128 {strides = array<i32>} : memref<2x16x128xf32, #tpu.memory_space<vmem>>, vector<1x1x16xf32>,
        %add3A_1129 = arith.constant 0 : i32
        %add3A_1130 = arith.addi %mul3A_916, %add3A_1129 : i32
        %get3A_1131 = arith.constant 0 : i32
        %get3A_1132 = arith.index_cast %get3A_1131 : i32 to index
        %get3A_1133 = arith.index_cast %add3A_1130 : i32 to index
        %get3A_1134 = arith.constant 32 : index
        %get3A_1135 = tpu.vector_load %arg8[%get3A_1132, %get3A_1133, %get3A_1134] {strides = array<i32>} : memref<2x128x128xf32, #tpu.memory_space<vmem>>, vector<1x1x16xf32>,
        %get3A_1136 = vector.shape_cast %get3A_1135 : vector<1x1x16xf32> to vector<16xf32>
        %mul3A_1137 = arith.mulf %gather3A_920, %get3A_1136 : vector<16xf32>
        %add3A_1138 = arith.constant 1 : i32
        %add3A_1139 = arith.addi %mul3A_916, %add3A_1138 : i32
        %get3A_1140 = arith.constant 0 : i32
        %get3A_1141 = arith.index_cast %get3A_1140 : i32 to index
        %get3A_1142 = arith.index_cast %add3A_1139 : i32 to index
        %get3A_1143 = arith.constant 32 : index
        %get3A_1144 = tpu.vector_load %arg8[%get3A_1141, %get3A_1142, %get3A_1143] {strides = array<i32>} : memref<2x128x128xf32, #tpu.memory_space<vmem>>, vector<1x1x16xf32>,
        %get3A_1145 = vector.shape_cast %get3A_1144 : vector<1x1x16xf32> to vector<16xf32>
        %mul3A_1146 = arith.mulf %gather3A_924, %get3A_1145 : vector<16xf32>
        %add3A_1147 = arith.addf %mul3A_1137, %mul3A_1146 : vector<16xf32>
        %add3A_1148 = arith.constant 2 : i32
        %add3A_1149 = arith.addi %mul3A_916, %add3A_1148 : i32
        %get3A_1150 = arith.constant 0 : i32
        %get3A_1151 = arith.index_cast %get3A_1150 : i32 to index
        %get3A_1152 = arith.index_cast %add3A_1149 : i32 to index
        %get3A_1153 = arith.constant 32 : index
        %get3A_1154 = tpu.vector_load %arg8[%get3A_1151, %get3A_1152, %get3A_1153] {strides = array<i32>} : memref<2x128x128xf32, #tpu.memory_space<vmem>>, vector<1x1x16xf32>,
        %get3A_1155 = vector.shape_cast %get3A_1154 : vector<1x1x16xf32> to vector<16xf32>
        %mul3A_1156 = arith.mulf %gather3A_928, %get3A_1155 : vector<16xf32>
        %add3A_1157 = arith.addf %add3A_1147, %mul3A_1156 : vector<16xf32>
        %add3A_1158 = arith.constant 3 : i32
        %add3A_1159 = arith.addi %mul3A_916, %add3A_1158 : i32
        %get3A_1160 = arith.constant 0 : i32
        %get3A_1161 = arith.index_cast %get3A_1160 : i32 to index
        %get3A_1162 = arith.index_cast %add3A_1159 : i32 to index
        %get3A_1163 = arith.constant 32 : index
        %get3A_1164 = tpu.vector_load %arg8[%get3A_1161, %get3A_1162, %get3A_1163] {strides = array<i32>} : memref<2x128x128xf32, #tpu.memory_space<vmem>>, vector<1x1x16xf32>,
        %get3A_1165 = vector.shape_cast %get3A_1164 : vector<1x1x16xf32> to vector<16xf32>
        %mul3A_1166 = arith.mulf %gather3A_932, %get3A_1165 : vector<16xf32>
        %add3A_1167 = arith.addf %add3A_1157, %mul3A_1166 : vector<16xf32>
        %add3A_1168 = arith.constant 4 : i32
        %add3A_1169 = arith.addi %mul3A_916, %add3A_1168 : i32
        %get3A_1170 = arith.constant 0 : i32
        %get3A_1171 = arith.index_cast %get3A_1170 : i32 to index
        %get3A_1172 = arith.index_cast %add3A_1169 : i32 to index
        %get3A_1173 = arith.constant 32 : index
        %get3A_1174 = tpu.vector_load %arg8[%get3A_1171, %get3A_1172, %get3A_1173] {strides = array<i32>} : memref<2x128x128xf32, #tpu.memory_space<vmem>>, vector<1x1x16xf32>,
        %get3A_1175 = vector.shape_cast %get3A_1174 : vector<1x1x16xf32> to vector<16xf32>
        %mul3A_1176 = arith.mulf %gather3A_936, %get3A_1175 : vector<16xf32>
        %add3A_1177 = arith.addf %add3A_1167, %mul3A_1176 : vector<16xf32>
        %add3A_1178 = arith.constant 5 : i32
        %add3A_1179 = arith.addi %mul3A_916, %add3A_1178 : i32
        %get3A_1180 = arith.constant 0 : i32
        %get3A_1181 = arith.index_cast %get3A_1180 : i32 to index
        %get3A_1182 = arith.index_cast %add3A_1179 : i32 to index
        %get3A_1183 = arith.constant 32 : index
        %get3A_1184 = tpu.vector_load %arg8[%get3A_1181, %get3A_1182, %get3A_1183] {strides = array<i32>} : memref<2x128x128xf32, #tpu.memory_space<vmem>>, vector<1x1x16xf32>,
        %get3A_1185 = vector.shape_cast %get3A_1184 : vector<1x1x16xf32> to vector<16xf32>
        %mul3A_1186 = arith.mulf %gather3A_940, %get3A_1185 : vector<16xf32>
        %add3A_1187 = arith.addf %add3A_1177, %mul3A_1186 : vector<16xf32>
        %add3A_1188 = arith.constant 6 : i32
        %add3A_1189 = arith.addi %mul3A_916, %add3A_1188 : i32
        %get3A_1190 = arith.constant 0 : i32
        %get3A_1191 = arith.index_cast %get3A_1190 : i32 to index
        %get3A_1192 = arith.index_cast %add3A_1189 : i32 to index
        %get3A_1193 = arith.constant 32 : index
        %get3A_1194 = tpu.vector_load %arg8[%get3A_1191, %get3A_1192, %get3A_1193] {strides = array<i32>} : memref<2x128x128xf32, #tpu.memory_space<vmem>>, vector<1x1x16xf32>,
        %get3A_1195 = vector.shape_cast %get3A_1194 : vector<1x1x16xf32> to vector<16xf32>
        %mul3A_1196 = arith.mulf %gather3A_944, %get3A_1195 : vector<16xf32>
        %add3A_1197 = arith.addf %add3A_1187, %mul3A_1196 : vector<16xf32>
        %add3A_1198 = arith.constant 7 : i32
        %add3A_1199 = arith.addi %mul3A_916, %add3A_1198 : i32
        %get3A_1200 = arith.constant 0 : i32
        %get3A_1201 = arith.index_cast %get3A_1200 : i32 to index
        %get3A_1202 = arith.index_cast %add3A_1199 : i32 to index
        %get3A_1203 = arith.constant 32 : index
        %get3A_1204 = tpu.vector_load %arg8[%get3A_1201, %get3A_1202, %get3A_1203] {strides = array<i32>} : memref<2x128x128xf32, #tpu.memory_space<vmem>>, vector<1x1x16xf32>,
        %get3A_1205 = vector.shape_cast %get3A_1204 : vector<1x1x16xf32> to vector<16xf32>
        %mul3A_1206 = arith.mulf %gather3A_948, %get3A_1205 : vector<16xf32>
        %add3A_1207 = arith.addf %add3A_1197, %mul3A_1206 : vector<16xf32>
        %mul3A_1208 = arith.constant 2 : i32
        %mul3A_1209 = arith.muli %scan3A_150, %mul3A_1208 : i32
        %add3A_1210 = arith.constant 1 : i32
        %add3A_1211 = arith.addi %mul3A_1209, %add3A_1210 : i32
        %swap3A_1212 = arith.constant 0 : i32
        %swap3A_1213 = arith.index_cast %swap3A_1212 : i32 to index
        %swap3A_1214 = arith.index_cast %add3A_1211 : i32 to index
        %swap3A_1215 = arith.constant 32 : index
        %swap3A_1216 = tpu.vector_load %arg9[%swap3A_1213, %swap3A_1214, %swap3A_1215] {strides = array<i32>} : memref<2x16x128xf32, #tpu.memory_space<vmem>>, vector<1x1x16xf32>,
        %swap3A_1217 = vector.shape_cast %swap3A_1216 : vector<1x1x16xf32> to vector<16xf32>
        %swap3A_1218 = vector.shape_cast %add3A_1207 : vector<16xf32> to vector<1x1x16xf32>
        tpu.vector_store %arg9[%swap3A_1213, %swap3A_1214, %swap3A_1215], %swap3A_1218 {strides = array<i32>} : memref<2x16x128xf32, #tpu.memory_space<vmem>>, vector<1x1x16xf32>,
        %add3A_1219 = arith.constant 0 : i32
        %add3A_1220 = arith.addi %mul3A_916, %add3A_1219 : i32
        %get3A_1221 = arith.constant 0 : i32
        %get3A_1222 = arith.index_cast %get3A_1221 : i32 to index
        %get3A_1223 = arith.index_cast %add3A_1220 : i32 to index
        %get3A_1224 = arith.constant 48 : index
        %get3A_1225 = tpu.vector_load %arg8[%get3A_1222, %get3A_1223, %get3A_1224] {strides = array<i32>} : memref<2x128x128xf32, #tpu.memory_space<vmem>>, vector<1x1x16xf32>,
        %get3A_1226 = vector.shape_cast %get3A_1225 : vector<1x1x16xf32> to vector<16xf32>
        %mul3A_1227 = arith.mulf %gather3A_920, %get3A_1226 : vector<16xf32>
        %add3A_1228 = arith.constant 1 : i32
        %add3A_1229 = arith.addi %mul3A_916, %add3A_1228 : i32
        %get3A_1230 = arith.constant 0 : i32
        %get3A_1231 = arith.index_cast %get3A_1230 : i32 to index
        %get3A_1232 = arith.index_cast %add3A_1229 : i32 to index
        %get3A_1233 = arith.constant 48 : index
        %get3A_1234 = tpu.vector_load %arg8[%get3A_1231, %get3A_1232, %get3A_1233] {strides = array<i32>} : memref<2x128x128xf32, #tpu.memory_space<vmem>>, vector<1x1x16xf32>,
        %get3A_1235 = vector.shape_cast %get3A_1234 : vector<1x1x16xf32> to vector<16xf32>
        %mul3A_1236 = arith.mulf %gather3A_924, %get3A_1235 : vector<16xf32>
        %add3A_1237 = arith.addf %mul3A_1227, %mul3A_1236 : vector<16xf32>
        %add3A_1238 = arith.constant 2 : i32
        %add3A_1239 = arith.addi %mul3A_916, %add3A_1238 : i32
        %get3A_1240 = arith.constant 0 : i32
        %get3A_1241 = arith.index_cast %get3A_1240 : i32 to index
        %get3A_1242 = arith.index_cast %add3A_1239 : i32 to index
        %get3A_1243 = arith.constant 48 : index
        %get3A_1244 = tpu.vector_load %arg8[%get3A_1241, %get3A_1242, %get3A_1243] {strides = array<i32>} : memref<2x128x128xf32, #tpu.memory_space<vmem>>, vector<1x1x16xf32>,
        %get3A_1245 = vector.shape_cast %get3A_1244 : vector<1x1x16xf32> to vector<16xf32>
        %mul3A_1246 = arith.mulf %gather3A_928, %get3A_1245 : vector<16xf32>
        %add3A_1247 = arith.addf %add3A_1237, %mul3A_1246 : vector<16xf32>
        %add3A_1248 = arith.constant 3 : i32
        %add3A_1249 = arith.addi %mul3A_916, %add3A_1248 : i32
        %get3A_1250 = arith.constant 0 : i32
        %get3A_1251 = arith.index_cast %get3A_1250 : i32 to index
        %get3A_1252 = arith.index_cast %add3A_1249 : i32 to index
        %get3A_1253 = arith.constant 48 : index
        %get3A_1254 = tpu.vector_load %arg8[%get3A_1251, %get3A_1252, %get3A_1253] {strides = array<i32>} : memref<2x128x128xf32, #tpu.memory_space<vmem>>, vector<1x1x16xf32>,
        %get3A_1255 = vector.shape_cast %get3A_1254 : vector<1x1x16xf32> to vector<16xf32>
        %mul3A_1256 = arith.mulf %gather3A_932, %get3A_1255 : vector<16xf32>
        %add3A_1257 = arith.addf %add3A_1247, %mul3A_1256 : vector<16xf32>
        %add3A_1258 = arith.constant 4 : i32
        %add3A_1259 = arith.addi %mul3A_916, %add3A_1258 : i32
        %get3A_1260 = arith.constant 0 : i32
        %get3A_1261 = arith.index_cast %get3A_1260 : i32 to index
        %get3A_1262 = arith.index_cast %add3A_1259 : i32 to index
        %get3A_1263 = arith.constant 48 : index
        %get3A_1264 = tpu.vector_load %arg8[%get3A_1261, %get3A_1262, %get3A_1263] {strides = array<i32>} : memref<2x128x128xf32, #tpu.memory_space<vmem>>, vector<1x1x16xf32>,
        %get3A_1265 = vector.shape_cast %get3A_1264 : vector<1x1x16xf32> to vector<16xf32>
        %mul3A_1266 = arith.mulf %gather3A_936, %get3A_1265 : vector<16xf32>
        %add3A_1267 = arith.addf %add3A_1257, %mul3A_1266 : vector<16xf32>
        %add3A_1268 = arith.constant 5 : i32
        %add3A_1269 = arith.addi %mul3A_916, %add3A_1268 : i32
        %get3A_1270 = arith.constant 0 : i32
        %get3A_1271 = arith.index_cast %get3A_1270 : i32 to index
        %get3A_1272 = arith.index_cast %add3A_1269 : i32 to index
        %get3A_1273 = arith.constant 48 : index
        %get3A_1274 = tpu.vector_load %arg8[%get3A_1271, %get3A_1272, %get3A_1273] {strides = array<i32>} : memref<2x128x128xf32, #tpu.memory_space<vmem>>, vector<1x1x16xf32>,
        %get3A_1275 = vector.shape_cast %get3A_1274 : vector<1x1x16xf32> to vector<16xf32>
        %mul3A_1276 = arith.mulf %gather3A_940, %get3A_1275 : vector<16xf32>
        %add3A_1277 = arith.addf %add3A_1267, %mul3A_1276 : vector<16xf32>
        %add3A_1278 = arith.constant 6 : i32
        %add3A_1279 = arith.addi %mul3A_916, %add3A_1278 : i32
        %get3A_1280 = arith.constant 0 : i32
        %get3A_1281 = arith.index_cast %get3A_1280 : i32 to index
        %get3A_1282 = arith.index_cast %add3A_1279 : i32 to index
        %get3A_1283 = arith.constant 48 : index
        %get3A_1284 = tpu.vector_load %arg8[%get3A_1281, %get3A_1282, %get3A_1283] {strides = array<i32>} : memref<2x128x128xf32, #tpu.memory_space<vmem>>, vector<1x1x16xf32>,
        %get3A_1285 = vector.shape_cast %get3A_1284 : vector<1x1x16xf32> to vector<16xf32>
        %mul3A_1286 = arith.mulf %gather3A_944, %get3A_1285 : vector<16xf32>
        %add3A_1287 = arith.addf %add3A_1277, %mul3A_1286 : vector<16xf32>
        %add3A_1288 = arith.constant 7 : i32
        %add3A_1289 = arith.addi %mul3A_916, %add3A_1288 : i32
        %get3A_1290 = arith.constant 0 : i32
        %get3A_1291 = arith.index_cast %get3A_1290 : i32 to index
        %get3A_1292 = arith.index_cast %add3A_1289 : i32 to index
        %get3A_1293 = arith.constant 48 : index
        %get3A_1294 = tpu.vector_load %arg8[%get3A_1291, %get3A_1292, %get3A_1293] {strides = array<i32>} : memref<2x128x128xf32, #tpu.memory_space<vmem>>, vector<1x1x16xf32>,
        %get3A_1295 = vector.shape_cast %get3A_1294 : vector<1x1x16xf32> to vector<16xf32>
        %mul3A_1296 = arith.mulf %gather3A_948, %get3A_1295 : vector<16xf32>
        %add3A_1297 = arith.addf %add3A_1287, %mul3A_1296 : vector<16xf32>
        %mul3A_1298 = arith.constant 2 : i32
        %mul3A_1299 = arith.muli %scan3A_150, %mul3A_1298 : i32
        %add3A_1300 = arith.constant 1 : i32
        %add3A_1301 = arith.addi %mul3A_1299, %add3A_1300 : i32
        %swap3A_1302 = arith.constant 0 : i32
        %swap3A_1303 = arith.index_cast %swap3A_1302 : i32 to index
        %swap3A_1304 = arith.index_cast %add3A_1301 : i32 to index
        %swap3A_1305 = arith.constant 48 : index
        %swap3A_1306 = tpu.vector_load %arg9[%swap3A_1303, %swap3A_1304, %swap3A_1305] {strides = array<i32>} : memref<2x16x128xf32, #tpu.memory_space<vmem>>, vector<1x1x16xf32>,
        %swap3A_1307 = vector.shape_cast %swap3A_1306 : vector<1x1x16xf32> to vector<16xf32>
        %swap3A_1308 = vector.shape_cast %add3A_1297 : vector<16xf32> to vector<1x1x16xf32>
        tpu.vector_store %arg9[%swap3A_1303, %swap3A_1304, %swap3A_1305], %swap3A_1308 {strides = array<i32>} : memref<2x16x128xf32, #tpu.memory_space<vmem>>, vector<1x1x16xf32>,
        %add3A_1309 = arith.constant 0 : i32
        %add3A_1310 = arith.addi %mul3A_916, %add3A_1309 : i32
        %get3A_1311 = arith.constant 0 : i32
        %get3A_1312 = arith.index_cast %get3A_1311 : i32 to index
        %get3A_1313 = arith.index_cast %add3A_1310 : i32 to index
        %get3A_1314 = arith.constant 64 : index
        %get3A_1315 = tpu.vector_load %arg8[%get3A_1312, %get3A_1313, %get3A_1314] {strides = array<i32>} : memref<2x128x128xf32, #tpu.memory_space<vmem>>, vector<1x1x16xf32>,
        %get3A_1316 = vector.shape_cast %get3A_1315 : vector<1x1x16xf32> to vector<16xf32>
        %mul3A_1317 = arith.mulf %gather3A_920, %get3A_1316 : vector<16xf32>
        %add3A_1318 = arith.constant 1 : i32
        %add3A_1319 = arith.addi %mul3A_916, %add3A_1318 : i32
        %get3A_1320 = arith.constant 0 : i32
        %get3A_1321 = arith.index_cast %get3A_1320 : i32 to index
        %get3A_1322 = arith.index_cast %add3A_1319 : i32 to index
        %get3A_1323 = arith.constant 64 : index
        %get3A_1324 = tpu.vector_load %arg8[%get3A_1321, %get3A_1322, %get3A_1323] {strides = array<i32>} : memref<2x128x128xf32, #tpu.memory_space<vmem>>, vector<1x1x16xf32>,
        %get3A_1325 = vector.shape_cast %get3A_1324 : vector<1x1x16xf32> to vector<16xf32>
        %mul3A_1326 = arith.mulf %gather3A_924, %get3A_1325 : vector<16xf32>
        %add3A_1327 = arith.addf %mul3A_1317, %mul3A_1326 : vector<16xf32>
        %add3A_1328 = arith.constant 2 : i32
        %add3A_1329 = arith.addi %mul3A_916, %add3A_1328 : i32
        %get3A_1330 = arith.constant 0 : i32
        %get3A_1331 = arith.index_cast %get3A_1330 : i32 to index
        %get3A_1332 = arith.index_cast %add3A_1329 : i32 to index
        %get3A_1333 = arith.constant 64 : index
        %get3A_1334 = tpu.vector_load %arg8[%get3A_1331, %get3A_1332, %get3A_1333] {strides = array<i32>} : memref<2x128x128xf32, #tpu.memory_space<vmem>>, vector<1x1x16xf32>,
        %get3A_1335 = vector.shape_cast %get3A_1334 : vector<1x1x16xf32> to vector<16xf32>
        %mul3A_1336 = arith.mulf %gather3A_928, %get3A_1335 : vector<16xf32>
        %add3A_1337 = arith.addf %add3A_1327, %mul3A_1336 : vector<16xf32>
        %add3A_1338 = arith.constant 3 : i32
        %add3A_1339 = arith.addi %mul3A_916, %add3A_1338 : i32
        %get3A_1340 = arith.constant 0 : i32
        %get3A_1341 = arith.index_cast %get3A_1340 : i32 to index
        %get3A_1342 = arith.index_cast %add3A_1339 : i32 to index
        %get3A_1343 = arith.constant 64 : index
        %get3A_1344 = tpu.vector_load %arg8[%get3A_1341, %get3A_1342, %get3A_1343] {strides = array<i32>} : memref<2x128x128xf32, #tpu.memory_space<vmem>>, vector<1x1x16xf32>,
        %get3A_1345 = vector.shape_cast %get3A_1344 : vector<1x1x16xf32> to vector<16xf32>
        %mul3A_1346 = arith.mulf %gather3A_932, %get3A_1345 : vector<16xf32>
        %add3A_1347 = arith.addf %add3A_1337, %mul3A_1346 : vector<16xf32>
        %add3A_1348 = arith.constant 4 : i32
        %add3A_1349 = arith.addi %mul3A_916, %add3A_1348 : i32
        %get3A_1350 = arith.constant 0 : i32
        %get3A_1351 = arith.index_cast %get3A_1350 : i32 to index
        %get3A_1352 = arith.index_cast %add3A_1349 : i32 to index
        %get3A_1353 = arith.constant 64 : index
        %get3A_1354 = tpu.vector_load %arg8[%get3A_1351, %get3A_1352, %get3A_1353] {strides = array<i32>} : memref<2x128x128xf32, #tpu.memory_space<vmem>>, vector<1x1x16xf32>,
        %get3A_1355 = vector.shape_cast %get3A_1354 : vector<1x1x16xf32> to vector<16xf32>
        %mul3A_1356 = arith.mulf %gather3A_936, %get3A_1355 : vector<16xf32>
        %add3A_1357 = arith.addf %add3A_1347, %mul3A_1356 : vector<16xf32>
        %add3A_1358 = arith.constant 5 : i32
        %add3A_1359 = arith.addi %mul3A_916, %add3A_1358 : i32
        %get3A_1360 = arith.constant 0 : i32
        %get3A_1361 = arith.index_cast %get3A_1360 : i32 to index
        %get3A_1362 = arith.index_cast %add3A_1359 : i32 to index
        %get3A_1363 = arith.constant 64 : index
        %get3A_1364 = tpu.vector_load %arg8[%get3A_1361, %get3A_1362, %get3A_1363] {strides = array<i32>} : memref<2x128x128xf32, #tpu.memory_space<vmem>>, vector<1x1x16xf32>,
        %get3A_1365 = vector.shape_cast %get3A_1364 : vector<1x1x16xf32> to vector<16xf32>
        %mul3A_1366 = arith.mulf %gather3A_940, %get3A_1365 : vector<16xf32>
        %add3A_1367 = arith.addf %add3A_1357, %mul3A_1366 : vector<16xf32>
        %add3A_1368 = arith.constant 6 : i32
        %add3A_1369 = arith.addi %mul3A_916, %add3A_1368 : i32
        %get3A_1370 = arith.constant 0 : i32
        %get3A_1371 = arith.index_cast %get3A_1370 : i32 to index
        %get3A_1372 = arith.index_cast %add3A_1369 : i32 to index
        %get3A_1373 = arith.constant 64 : index
        %get3A_1374 = tpu.vector_load %arg8[%get3A_1371, %get3A_1372, %get3A_1373] {strides = array<i32>} : memref<2x128x128xf32, #tpu.memory_space<vmem>>, vector<1x1x16xf32>,
        %get3A_1375 = vector.shape_cast %get3A_1374 : vector<1x1x16xf32> to vector<16xf32>
        %mul3A_1376 = arith.mulf %gather3A_944, %get3A_1375 : vector<16xf32>
        %add3A_1377 = arith.addf %add3A_1367, %mul3A_1376 : vector<16xf32>
        %add3A_1378 = arith.constant 7 : i32
        %add3A_1379 = arith.addi %mul3A_916, %add3A_1378 : i32
        %get3A_1380 = arith.constant 0 : i32
        %get3A_1381 = arith.index_cast %get3A_1380 : i32 to index
        %get3A_1382 = arith.index_cast %add3A_1379 : i32 to index
        %get3A_1383 = arith.constant 64 : index
        %get3A_1384 = tpu.vector_load %arg8[%get3A_1381, %get3A_1382, %get3A_1383] {strides = array<i32>} : memref<2x128x128xf32, #tpu.memory_space<vmem>>, vector<1x1x16xf32>,
        %get3A_1385 = vector.shape_cast %get3A_1384 : vector<1x1x16xf32> to vector<16xf32>
        %mul3A_1386 = arith.mulf %gather3A_948, %get3A_1385 : vector<16xf32>
        %add3A_1387 = arith.addf %add3A_1377, %mul3A_1386 : vector<16xf32>
        %mul3A_1388 = arith.constant 2 : i32
        %mul3A_1389 = arith.muli %scan3A_150, %mul3A_1388 : i32
        %add3A_1390 = arith.constant 1 : i32
        %add3A_1391 = arith.addi %mul3A_1389, %add3A_1390 : i32
        %swap3A_1392 = arith.constant 0 : i32
        %swap3A_1393 = arith.index_cast %swap3A_1392 : i32 to index
        %swap3A_1394 = arith.index_cast %add3A_1391 : i32 to index
        %swap3A_1395 = arith.constant 64 : index
        %swap3A_1396 = tpu.vector_load %arg9[%swap3A_1393, %swap3A_1394, %swap3A_1395] {strides = array<i32>} : memref<2x16x128xf32, #tpu.memory_space<vmem>>, vector<1x1x16xf32>,
        %swap3A_1397 = vector.shape_cast %swap3A_1396 : vector<1x1x16xf32> to vector<16xf32>
        %swap3A_1398 = vector.shape_cast %add3A_1387 : vector<16xf32> to vector<1x1x16xf32>
        tpu.vector_store %arg9[%swap3A_1393, %swap3A_1394, %swap3A_1395], %swap3A_1398 {strides = array<i32>} : memref<2x16x128xf32, #tpu.memory_space<vmem>>, vector<1x1x16xf32>,
        %add3A_1399 = arith.constant 0 : i32
        %add3A_1400 = arith.addi %mul3A_916, %add3A_1399 : i32
        %get3A_1401 = arith.constant 0 : i32
        %get3A_1402 = arith.index_cast %get3A_1401 : i32 to index
        %get3A_1403 = arith.index_cast %add3A_1400 : i32 to index
        %get3A_1404 = arith.constant 80 : index
        %get3A_1405 = tpu.vector_load %arg8[%get3A_1402, %get3A_1403, %get3A_1404] {strides = array<i32>} : memref<2x128x128xf32, #tpu.memory_space<vmem>>, vector<1x1x16xf32>,
        %get3A_1406 = vector.shape_cast %get3A_1405 : vector<1x1x16xf32> to vector<16xf32>
        %mul3A_1407 = arith.mulf %gather3A_920, %get3A_1406 : vector<16xf32>
        %add3A_1408 = arith.constant 1 : i32
        %add3A_1409 = arith.addi %mul3A_916, %add3A_1408 : i32
        %get3A_1410 = arith.constant 0 : i32
        %get3A_1411 = arith.index_cast %get3A_1410 : i32 to index
        %get3A_1412 = arith.index_cast %add3A_1409 : i32 to index
        %get3A_1413 = arith.constant 80 : index
        %get3A_1414 = tpu.vector_load %arg8[%get3A_1411, %get3A_1412, %get3A_1413] {strides = array<i32>} : memref<2x128x128xf32, #tpu.memory_space<vmem>>, vector<1x1x16xf32>,
        %get3A_1415 = vector.shape_cast %get3A_1414 : vector<1x1x16xf32> to vector<16xf32>
        %mul3A_1416 = arith.mulf %gather3A_924, %get3A_1415 : vector<16xf32>
        %add3A_1417 = arith.addf %mul3A_1407, %mul3A_1416 : vector<16xf32>
        %add3A_1418 = arith.constant 2 : i32
        %add3A_1419 = arith.addi %mul3A_916, %add3A_1418 : i32
        %get3A_1420 = arith.constant 0 : i32
        %get3A_1421 = arith.index_cast %get3A_1420 : i32 to index
        %get3A_1422 = arith.index_cast %add3A_1419 : i32 to index
        %get3A_1423 = arith.constant 80 : index
        %get3A_1424 = tpu.vector_load %arg8[%get3A_1421, %get3A_1422, %get3A_1423] {strides = array<i32>} : memref<2x128x128xf32, #tpu.memory_space<vmem>>, vector<1x1x16xf32>,
        %get3A_1425 = vector.shape_cast %get3A_1424 : vector<1x1x16xf32> to vector<16xf32>
        %mul3A_1426 = arith.mulf %gather3A_928, %get3A_1425 : vector<16xf32>
        %add3A_1427 = arith.addf %add3A_1417, %mul3A_1426 : vector<16xf32>
        %add3A_1428 = arith.constant 3 : i32
        %add3A_1429 = arith.addi %mul3A_916, %add3A_1428 : i32
        %get3A_1430 = arith.constant 0 : i32
        %get3A_1431 = arith.index_cast %get3A_1430 : i32 to index
        %get3A_1432 = arith.index_cast %add3A_1429 : i32 to index
        %get3A_1433 = arith.constant 80 : index
        %get3A_1434 = tpu.vector_load %arg8[%get3A_1431, %get3A_1432, %get3A_1433] {strides = array<i32>} : memref<2x128x128xf32, #tpu.memory_space<vmem>>, vector<1x1x16xf32>,
        %get3A_1435 = vector.shape_cast %get3A_1434 : vector<1x1x16xf32> to vector<16xf32>
        %mul3A_1436 = arith.mulf %gather3A_932, %get3A_1435 : vector<16xf32>
        %add3A_1437 = arith.addf %add3A_1427, %mul3A_1436 : vector<16xf32>
        %add3A_1438 = arith.constant 4 : i32
        %add3A_1439 = arith.addi %mul3A_916, %add3A_1438 : i32
        %get3A_1440 = arith.constant 0 : i32
        %get3A_1441 = arith.index_cast %get3A_1440 : i32 to index
        %get3A_1442 = arith.index_cast %add3A_1439 : i32 to index
        %get3A_1443 = arith.constant 80 : index
        %get3A_1444 = tpu.vector_load %arg8[%get3A_1441, %get3A_1442, %get3A_1443] {strides = array<i32>} : memref<2x128x128xf32, #tpu.memory_space<vmem>>, vector<1x1x16xf32>,
        %get3A_1445 = vector.shape_cast %get3A_1444 : vector<1x1x16xf32> to vector<16xf32>
        %mul3A_1446 = arith.mulf %gather3A_936, %get3A_1445 : vector<16xf32>
        %add3A_1447 = arith.addf %add3A_1437, %mul3A_1446 : vector<16xf32>
        %add3A_1448 = arith.constant 5 : i32
        %add3A_1449 = arith.addi %mul3A_916, %add3A_1448 : i32
        %get3A_1450 = arith.constant 0 : i32
        %get3A_1451 = arith.index_cast %get3A_1450 : i32 to index
        %get3A_1452 = arith.index_cast %add3A_1449 : i32 to index
        %get3A_1453 = arith.constant 80 : index
        %get3A_1454 = tpu.vector_load %arg8[%get3A_1451, %get3A_1452, %get3A_1453] {strides = array<i32>} : memref<2x128x128xf32, #tpu.memory_space<vmem>>, vector<1x1x16xf32>,
        %get3A_1455 = vector.shape_cast %get3A_1454 : vector<1x1x16xf32> to vector<16xf32>
        %mul3A_1456 = arith.mulf %gather3A_940, %get3A_1455 : vector<16xf32>
        %add3A_1457 = arith.addf %add3A_1447, %mul3A_1456 : vector<16xf32>
        %add3A_1458 = arith.constant 6 : i32
        %add3A_1459 = arith.addi %mul3A_916, %add3A_1458 : i32
        %get3A_1460 = arith.constant 0 : i32
        %get3A_1461 = arith.index_cast %get3A_1460 : i32 to index
        %get3A_1462 = arith.index_cast %add3A_1459 : i32 to index
        %get3A_1463 = arith.constant 80 : index
        %get3A_1464 = tpu.vector_load %arg8[%get3A_1461, %get3A_1462, %get3A_1463] {strides = array<i32>} : memref<2x128x128xf32, #tpu.memory_space<vmem>>, vector<1x1x16xf32>,
        %get3A_1465 = vector.shape_cast %get3A_1464 : vector<1x1x16xf32> to vector<16xf32>
        %mul3A_1466 = arith.mulf %gather3A_944, %get3A_1465 : vector<16xf32>
        %add3A_1467 = arith.addf %add3A_1457, %mul3A_1466 : vector<16xf32>
        %add3A_1468 = arith.constant 7 : i32
        %add3A_1469 = arith.addi %mul3A_916, %add3A_1468 : i32
        %get3A_1470 = arith.constant 0 : i32
        %get3A_1471 = arith.index_cast %get3A_1470 : i32 to index
        %get3A_1472 = arith.index_cast %add3A_1469 : i32 to index
        %get3A_1473 = arith.constant 80 : index
        %get3A_1474 = tpu.vector_load %arg8[%get3A_1471, %get3A_1472, %get3A_1473] {strides = array<i32>} : memref<2x128x128xf32, #tpu.memory_space<vmem>>, vector<1x1x16xf32>,
        %get3A_1475 = vector.shape_cast %get3A_1474 : vector<1x1x16xf32> to vector<16xf32>
        %mul3A_1476 = arith.mulf %gather3A_948, %get3A_1475 : vector<16xf32>
        %add3A_1477 = arith.addf %add3A_1467, %mul3A_1476 : vector<16xf32>
        %mul3A_1478 = arith.constant 2 : i32
        %mul3A_1479 = arith.muli %scan3A_150, %mul3A_1478 : i32
        %add3A_1480 = arith.constant 1 : i32
        %add3A_1481 = arith.addi %mul3A_1479, %add3A_1480 : i32
        %swap3A_1482 = arith.constant 0 : i32
        %swap3A_1483 = arith.index_cast %swap3A_1482 : i32 to index
        %swap3A_1484 = arith.index_cast %add3A_1481 : i32 to index
        %swap3A_1485 = arith.constant 80 : index
        %swap3A_1486 = tpu.vector_load %arg9[%swap3A_1483, %swap3A_1484, %swap3A_1485] {strides = array<i32>} : memref<2x16x128xf32, #tpu.memory_space<vmem>>, vector<1x1x16xf32>,
        %swap3A_1487 = vector.shape_cast %swap3A_1486 : vector<1x1x16xf32> to vector<16xf32>
        %swap3A_1488 = vector.shape_cast %add3A_1477 : vector<16xf32> to vector<1x1x16xf32>
        tpu.vector_store %arg9[%swap3A_1483, %swap3A_1484, %swap3A_1485], %swap3A_1488 {strides = array<i32>} : memref<2x16x128xf32, #tpu.memory_space<vmem>>, vector<1x1x16xf32>,
        %add3A_1489 = arith.constant 0 : i32
        %add3A_1490 = arith.addi %mul3A_916, %add3A_1489 : i32
        %get3A_1491 = arith.constant 0 : i32
        %get3A_1492 = arith.index_cast %get3A_1491 : i32 to index
        %get3A_1493 = arith.index_cast %add3A_1490 : i32 to index
        %get3A_1494 = arith.constant 96 : index
        %get3A_1495 = tpu.vector_load %arg8[%get3A_1492, %get3A_1493, %get3A_1494] {strides = array<i32>} : memref<2x128x128xf32, #tpu.memory_space<vmem>>, vector<1x1x16xf32>,
        %get3A_1496 = vector.shape_cast %get3A_1495 : vector<1x1x16xf32> to vector<16xf32>
        %mul3A_1497 = arith.mulf %gather3A_920, %get3A_1496 : vector<16xf32>
        %add3A_1498 = arith.constant 1 : i32
        %add3A_1499 = arith.addi %mul3A_916, %add3A_1498 : i32
        %get3A_1500 = arith.constant 0 : i32
        %get3A_1501 = arith.index_cast %get3A_1500 : i32 to index
        %get3A_1502 = arith.index_cast %add3A_1499 : i32 to index
        %get3A_1503 = arith.constant 96 : index
        %get3A_1504 = tpu.vector_load %arg8[%get3A_1501, %get3A_1502, %get3A_1503] {strides = array<i32>} : memref<2x128x128xf32, #tpu.memory_space<vmem>>, vector<1x1x16xf32>,
        %get3A_1505 = vector.shape_cast %get3A_1504 : vector<1x1x16xf32> to vector<16xf32>
        %mul3A_1506 = arith.mulf %gather3A_924, %get3A_1505 : vector<16xf32>
        %add3A_1507 = arith.addf %mul3A_1497, %mul3A_1506 : vector<16xf32>
        %add3A_1508 = arith.constant 2 : i32
        %add3A_1509 = arith.addi %mul3A_916, %add3A_1508 : i32
        %get3A_1510 = arith.constant 0 : i32
        %get3A_1511 = arith.index_cast %get3A_1510 : i32 to index
        %get3A_1512 = arith.index_cast %add3A_1509 : i32 to index
        %get3A_1513 = arith.constant 96 : index
        %get3A_1514 = tpu.vector_load %arg8[%get3A_1511, %get3A_1512, %get3A_1513] {strides = array<i32>} : memref<2x128x128xf32, #tpu.memory_space<vmem>>, vector<1x1x16xf32>,
        %get3A_1515 = vector.shape_cast %get3A_1514 : vector<1x1x16xf32> to vector<16xf32>
        %mul3A_1516 = arith.mulf %gather3A_928, %get3A_1515 : vector<16xf32>
        %add3A_1517 = arith.addf %add3A_1507, %mul3A_1516 : vector<16xf32>
        %add3A_1518 = arith.constant 3 : i32
        %add3A_1519 = arith.addi %mul3A_916, %add3A_1518 : i32
        %get3A_1520 = arith.constant 0 : i32
        %get3A_1521 = arith.index_cast %get3A_1520 : i32 to index
        %get3A_1522 = arith.index_cast %add3A_1519 : i32 to index
        %get3A_1523 = arith.constant 96 : index
        %get3A_1524 = tpu.vector_load %arg8[%get3A_1521, %get3A_1522, %get3A_1523] {strides = array<i32>} : memref<2x128x128xf32, #tpu.memory_space<vmem>>, vector<1x1x16xf32>,
        %get3A_1525 = vector.shape_cast %get3A_1524 : vector<1x1x16xf32> to vector<16xf32>
        %mul3A_1526 = arith.mulf %gather3A_932, %get3A_1525 : vector<16xf32>
        %add3A_1527 = arith.addf %add3A_1517, %mul3A_1526 : vector<16xf32>
        %add3A_1528 = arith.constant 4 : i32
        %add3A_1529 = arith.addi %mul3A_916, %add3A_1528 : i32
        %get3A_1530 = arith.constant 0 : i32
        %get3A_1531 = arith.index_cast %get3A_1530 : i32 to index
        %get3A_1532 = arith.index_cast %add3A_1529 : i32 to index
        %get3A_1533 = arith.constant 96 : index
        %get3A_1534 = tpu.vector_load %arg8[%get3A_1531, %get3A_1532, %get3A_1533] {strides = array<i32>} : memref<2x128x128xf32, #tpu.memory_space<vmem>>, vector<1x1x16xf32>,
        %get3A_1535 = vector.shape_cast %get3A_1534 : vector<1x1x16xf32> to vector<16xf32>
        %mul3A_1536 = arith.mulf %gather3A_936, %get3A_1535 : vector<16xf32>
        %add3A_1537 = arith.addf %add3A_1527, %mul3A_1536 : vector<16xf32>
        %add3A_1538 = arith.constant 5 : i32
        %add3A_1539 = arith.addi %mul3A_916, %add3A_1538 : i32
        %get3A_1540 = arith.constant 0 : i32
        %get3A_1541 = arith.index_cast %get3A_1540 : i32 to index
        %get3A_1542 = arith.index_cast %add3A_1539 : i32 to index
        %get3A_1543 = arith.constant 96 : index
        %get3A_1544 = tpu.vector_load %arg8[%get3A_1541, %get3A_1542, %get3A_1543] {strides = array<i32>} : memref<2x128x128xf32, #tpu.memory_space<vmem>>, vector<1x1x16xf32>,
        %get3A_1545 = vector.shape_cast %get3A_1544 : vector<1x1x16xf32> to vector<16xf32>
        %mul3A_1546 = arith.mulf %gather3A_940, %get3A_1545 : vector<16xf32>
        %add3A_1547 = arith.addf %add3A_1537, %mul3A_1546 : vector<16xf32>
        %add3A_1548 = arith.constant 6 : i32
        %add3A_1549 = arith.addi %mul3A_916, %add3A_1548 : i32
        %get3A_1550 = arith.constant 0 : i32
        %get3A_1551 = arith.index_cast %get3A_1550 : i32 to index
        %get3A_1552 = arith.index_cast %add3A_1549 : i32 to index
        %get3A_1553 = arith.constant 96 : index
        %get3A_1554 = tpu.vector_load %arg8[%get3A_1551, %get3A_1552, %get3A_1553] {strides = array<i32>} : memref<2x128x128xf32, #tpu.memory_space<vmem>>, vector<1x1x16xf32>,
        %get3A_1555 = vector.shape_cast %get3A_1554 : vector<1x1x16xf32> to vector<16xf32>
        %mul3A_1556 = arith.mulf %gather3A_944, %get3A_1555 : vector<16xf32>
        %add3A_1557 = arith.addf %add3A_1547, %mul3A_1556 : vector<16xf32>
        %add3A_1558 = arith.constant 7 : i32
        %add3A_1559 = arith.addi %mul3A_916, %add3A_1558 : i32
        %get3A_1560 = arith.constant 0 : i32
        %get3A_1561 = arith.index_cast %get3A_1560 : i32 to index
        %get3A_1562 = arith.index_cast %add3A_1559 : i32 to index
        %get3A_1563 = arith.constant 96 : index
        %get3A_1564 = tpu.vector_load %arg8[%get3A_1561, %get3A_1562, %get3A_1563] {strides = array<i32>} : memref<2x128x128xf32, #tpu.memory_space<vmem>>, vector<1x1x16xf32>,
        %get3A_1565 = vector.shape_cast %get3A_1564 : vector<1x1x16xf32> to vector<16xf32>
        %mul3A_1566 = arith.mulf %gather3A_948, %get3A_1565 : vector<16xf32>
        %add3A_1567 = arith.addf %add3A_1557, %mul3A_1566 : vector<16xf32>
        %mul3A_1568 = arith.constant 2 : i32
        %mul3A_1569 = arith.muli %scan3A_150, %mul3A_1568 : i32
        %add3A_1570 = arith.constant 1 : i32
        %add3A_1571 = arith.addi %mul3A_1569, %add3A_1570 : i32
        %swap3A_1572 = arith.constant 0 : i32
        %swap3A_1573 = arith.index_cast %swap3A_1572 : i32 to index
        %swap3A_1574 = arith.index_cast %add3A_1571 : i32 to index
        %swap3A_1575 = arith.constant 96 : index
        %swap3A_1576 = tpu.vector_load %arg9[%swap3A_1573, %swap3A_1574, %swap3A_1575] {strides = array<i32>} : memref<2x16x128xf32, #tpu.memory_space<vmem>>, vector<1x1x16xf32>,
        %swap3A_1577 = vector.shape_cast %swap3A_1576 : vector<1x1x16xf32> to vector<16xf32>
        %swap3A_1578 = vector.shape_cast %add3A_1567 : vector<16xf32> to vector<1x1x16xf32>
        tpu.vector_store %arg9[%swap3A_1573, %swap3A_1574, %swap3A_1575], %swap3A_1578 {strides = array<i32>} : memref<2x16x128xf32, #tpu.memory_space<vmem>>, vector<1x1x16xf32>,
        %add3A_1579 = arith.constant 0 : i32
        %add3A_1580 = arith.addi %mul3A_916, %add3A_1579 : i32
        %get3A_1581 = arith.constant 0 : i32
        %get3A_1582 = arith.index_cast %get3A_1581 : i32 to index
        %get3A_1583 = arith.index_cast %add3A_1580 : i32 to index
        %get3A_1584 = arith.constant 112 : index
        %get3A_1585 = tpu.vector_load %arg8[%get3A_1582, %get3A_1583, %get3A_1584] {strides = array<i32>} : memref<2x128x128xf32, #tpu.memory_space<vmem>>, vector<1x1x16xf32>,
        %get3A_1586 = vector.shape_cast %get3A_1585 : vector<1x1x16xf32> to vector<16xf32>
        %mul3A_1587 = arith.mulf %gather3A_920, %get3A_1586 : vector<16xf32>
        %add3A_1588 = arith.constant 1 : i32
        %add3A_1589 = arith.addi %mul3A_916, %add3A_1588 : i32
        %get3A_1590 = arith.constant 0 : i32
        %get3A_1591 = arith.index_cast %get3A_1590 : i32 to index
        %get3A_1592 = arith.index_cast %add3A_1589 : i32 to index
        %get3A_1593 = arith.constant 112 : index
        %get3A_1594 = tpu.vector_load %arg8[%get3A_1591, %get3A_1592, %get3A_1593] {strides = array<i32>} : memref<2x128x128xf32, #tpu.memory_space<vmem>>, vector<1x1x16xf32>,
        %get3A_1595 = vector.shape_cast %get3A_1594 : vector<1x1x16xf32> to vector<16xf32>
        %mul3A_1596 = arith.mulf %gather3A_924, %get3A_1595 : vector<16xf32>
        %add3A_1597 = arith.addf %mul3A_1587, %mul3A_1596 : vector<16xf32>
        %add3A_1598 = arith.constant 2 : i32
        %add3A_1599 = arith.addi %mul3A_916, %add3A_1598 : i32
        %get3A_1600 = arith.constant 0 : i32
        %get3A_1601 = arith.index_cast %get3A_1600 : i32 to index
        %get3A_1602 = arith.index_cast %add3A_1599 : i32 to index
        %get3A_1603 = arith.constant 112 : index
        %get3A_1604 = tpu.vector_load %arg8[%get3A_1601, %get3A_1602, %get3A_1603] {strides = array<i32>} : memref<2x128x128xf32, #tpu.memory_space<vmem>>, vector<1x1x16xf32>,
        %get3A_1605 = vector.shape_cast %get3A_1604 : vector<1x1x16xf32> to vector<16xf32>
        %mul3A_1606 = arith.mulf %gather3A_928, %get3A_1605 : vector<16xf32>
        %add3A_1607 = arith.addf %add3A_1597, %mul3A_1606 : vector<16xf32>
        %add3A_1608 = arith.constant 3 : i32
        %add3A_1609 = arith.addi %mul3A_916, %add3A_1608 : i32
        %get3A_1610 = arith.constant 0 : i32
        %get3A_1611 = arith.index_cast %get3A_1610 : i32 to index
        %get3A_1612 = arith.index_cast %add3A_1609 : i32 to index
        %get3A_1613 = arith.constant 112 : index
        %get3A_1614 = tpu.vector_load %arg8[%get3A_1611, %get3A_1612, %get3A_1613] {strides = array<i32>} : memref<2x128x128xf32, #tpu.memory_space<vmem>>, vector<1x1x16xf32>,
        %get3A_1615 = vector.shape_cast %get3A_1614 : vector<1x1x16xf32> to vector<16xf32>
        %mul3A_1616 = arith.mulf %gather3A_932, %get3A_1615 : vector<16xf32>
        %add3A_1617 = arith.addf %add3A_1607, %mul3A_1616 : vector<16xf32>
        %add3A_1618 = arith.constant 4 : i32
        %add3A_1619 = arith.addi %mul3A_916, %add3A_1618 : i32
        %get3A_1620 = arith.constant 0 : i32
        %get3A_1621 = arith.index_cast %get3A_1620 : i32 to index
        %get3A_1622 = arith.index_cast %add3A_1619 : i32 to index
        %get3A_1623 = arith.constant 112 : index
        %get3A_1624 = tpu.vector_load %arg8[%get3A_1621, %get3A_1622, %get3A_1623] {strides = array<i32>} : memref<2x128x128xf32, #tpu.memory_space<vmem>>, vector<1x1x16xf32>,
        %get3A_1625 = vector.shape_cast %get3A_1624 : vector<1x1x16xf32> to vector<16xf32>
        %mul3A_1626 = arith.mulf %gather3A_936, %get3A_1625 : vector<16xf32>
        %add3A_1627 = arith.addf %add3A_1617, %mul3A_1626 : vector<16xf32>
        %add3A_1628 = arith.constant 5 : i32
        %add3A_1629 = arith.addi %mul3A_916, %add3A_1628 : i32
        %get3A_1630 = arith.constant 0 : i32
        %get3A_1631 = arith.index_cast %get3A_1630 : i32 to index
        %get3A_1632 = arith.index_cast %add3A_1629 : i32 to index
        %get3A_1633 = arith.constant 112 : index
        %get3A_1634 = tpu.vector_load %arg8[%get3A_1631, %get3A_1632, %get3A_1633] {strides = array<i32>} : memref<2x128x128xf32, #tpu.memory_space<vmem>>, vector<1x1x16xf32>,
        %get3A_1635 = vector.shape_cast %get3A_1634 : vector<1x1x16xf32> to vector<16xf32>
        %mul3A_1636 = arith.mulf %gather3A_940, %get3A_1635 : vector<16xf32>
        %add3A_1637 = arith.addf %add3A_1627, %mul3A_1636 : vector<16xf32>
        %add3A_1638 = arith.constant 6 : i32
        %add3A_1639 = arith.addi %mul3A_916, %add3A_1638 : i32
        %get3A_1640 = arith.constant 0 : i32
        %get3A_1641 = arith.index_cast %get3A_1640 : i32 to index
        %get3A_1642 = arith.index_cast %add3A_1639 : i32 to index
        %get3A_1643 = arith.constant 112 : index
        %get3A_1644 = tpu.vector_load %arg8[%get3A_1641, %get3A_1642, %get3A_1643] {strides = array<i32>} : memref<2x128x128xf32, #tpu.memory_space<vmem>>, vector<1x1x16xf32>,
        %get3A_1645 = vector.shape_cast %get3A_1644 : vector<1x1x16xf32> to vector<16xf32>
        %mul3A_1646 = arith.mulf %gather3A_944, %get3A_1645 : vector<16xf32>
        %add3A_1647 = arith.addf %add3A_1637, %mul3A_1646 : vector<16xf32>
        %add3A_1648 = arith.constant 7 : i32
        %add3A_1649 = arith.addi %mul3A_916, %add3A_1648 : i32
        %get3A_1650 = arith.constant 0 : i32
        %get3A_1651 = arith.index_cast %get3A_1650 : i32 to index
        %get3A_1652 = arith.index_cast %add3A_1649 : i32 to index
        %get3A_1653 = arith.constant 112 : index
        %get3A_1654 = tpu.vector_load %arg8[%get3A_1651, %get3A_1652, %get3A_1653] {strides = array<i32>} : memref<2x128x128xf32, #tpu.memory_space<vmem>>, vector<1x1x16xf32>,
        %get3A_1655 = vector.shape_cast %get3A_1654 : vector<1x1x16xf32> to vector<16xf32>
        %mul3A_1656 = arith.mulf %gather3A_948, %get3A_1655 : vector<16xf32>
        %add3A_1657 = arith.addf %add3A_1647, %mul3A_1656 : vector<16xf32>
        %mul3A_1658 = arith.constant 2 : i32
        %mul3A_1659 = arith.muli %scan3A_150, %mul3A_1658 : i32
        %add3A_1660 = arith.constant 1 : i32
        %add3A_1661 = arith.addi %mul3A_1659, %add3A_1660 : i32
        %swap3A_1662 = arith.constant 0 : i32
        %swap3A_1663 = arith.index_cast %swap3A_1662 : i32 to index
        %swap3A_1664 = arith.index_cast %add3A_1661 : i32 to index
        %swap3A_1665 = arith.constant 112 : index
        %swap3A_1666 = tpu.vector_load %arg9[%swap3A_1663, %swap3A_1664, %swap3A_1665] {strides = array<i32>} : memref<2x16x128xf32, #tpu.memory_space<vmem>>, vector<1x1x16xf32>,
        %swap3A_1667 = vector.shape_cast %swap3A_1666 : vector<1x1x16xf32> to vector<16xf32>
        %swap3A_1668 = vector.shape_cast %add3A_1657 : vector<16xf32> to vector<1x1x16xf32>
        tpu.vector_store %arg9[%swap3A_1663, %swap3A_1664, %swap3A_1665], %swap3A_1668 {strides = array<i32>} : memref<2x16x128xf32, #tpu.memory_space<vmem>>, vector<1x1x16xf32>,
      }
      %scan3A_83 = arith.constant 8 : i32
      %mul3A_84 = arith.constant 1152 : i32
      %mul3A_85 = arith.muli %add3A, %mul3A_84 : i32
      %mul3A_86 = arith.constant 16 : i32
      %mul3A_87 = arith.muli %mul3A_48, %mul3A_86 : i32
      %add3A_88 = arith.addi %mul3A_85, %mul3A_87 : i32
      %multiple_of3A = tpu.assume_multiple %add3A_88, 8 : i32
      %dma_start3A_89 = arith.constant 0 : i32
      %dma_start3A_90 = arith.constant 0 : i32
      %dma_start3A_91 = arith.constant 0 : i32
      %dma_start3A_92 = tpu.memref_slice %arg9[%dma_start3A_89, %dma_start3A_90, %dma_start3A_91] : memref<2x16x128xf32, #tpu.memory_space<vmem>> -> memref<1x16x128xf32, #tpu.memory_space<vmem>>
      %dma_start3A_93 = tpu.memref_squeeze %dma_start3A_92 : memref<1x16x128xf32, #tpu.memory_space<vmem>> -> memref<16x128xf32, #tpu.memory_space<vmem>>
      %dma_start3A_94 = arith.constant 0 : i32
      %dma_start3A_95 = tpu.memref_slice %arg5[%multiple_of3A, %dma_start3A_94] : memref<36864x128xf32, #tpu.memory_space<hbm>> -> memref<16x128xf32, #tpu.memory_space<hbm>>
      %dma_start3A_96 = arith.constant 0 : i32
      %dma_start3A_97 = tpu.memref_slice %arg5[%multiple_of3A, %dma_start3A_96] : memref<36864x128xf32, #tpu.memory_space<hbm>> -> memref<16x128xf32, #tpu.memory_space<hbm>>
      %dma_start3A_98 = arith.constant 0 : i32
      %dma_start3A_99 = arith.constant 0 : i32
      %dma_start3A_100 = tpu.memref_slice %arg9[%dma_start3A_89, %dma_start3A_98, %dma_start3A_99] : memref<2x16x128xf32, #tpu.memory_space<vmem>> -> memref<1x16x128xf32, #tpu.memory_space<vmem>>
      %dma_start3A_101 = tpu.memref_squeeze %dma_start3A_100 : memref<1x16x128xf32, #tpu.memory_space<vmem>> -> memref<16x128xf32, #tpu.memory_space<vmem>>
      tpu.enqueue_dma source(%dma_start3A_101 : memref<16x128xf32, #tpu.memory_space<vmem>>) target(%dma_start3A_97 : memref<16x128xf32, #tpu.memory_space<hbm>>) target_semaphore(%arg12 : memref<!tpu.dma_semaphore, #tpu.memory_space<semaphore_mem>>)
      %add3A_102 = arith.constant 1 : i32
      %add3A_103 = arith.addi %scan3A_46, %add3A_102 : i32
      %lt3A = arith.constant 36 : i32
      %lt3A_104 = arith.cmpi slt, %add3A_103, %lt3A : i32
      %convert_element_type3A_105 = arith.extui %lt3A_104 : i1 to i32
      %cond3A_106 = arith.constant 0 : i32
      %cond3A_107 = arith.cmpi ne, %convert_element_type3A_105, %cond3A_106 : i32
      scf.if %cond3A_107 {
        %add3A_150 = arith.constant 2 : i32
        %add3A_151 = arith.addi %mul3A_48, %add3A_150 : i32
        %dma_start3A_152 = arith.constant 0 : i32
        %dma_start3A_153 = arith.constant 0 : i32
        %dma_start3A_154 = arith.constant 0 : i32
        %dma_start3A_155 = tpu.memref_slice %arg8[%dma_start3A_152, %dma_start3A_153, %dma_start3A_154] : memref<2x128x128xf32, #tpu.memory_space<vmem>> -> memref<1x128x128xf32, #tpu.memory_space<vmem>>
        %dma_start3A_156 = tpu.memref_squeeze %dma_start3A_155 : memref<1x128x128xf32, #tpu.memory_space<vmem>> -> memref<128x128xf32, #tpu.memory_space<vmem>>
        %dma_start3A_157 = arith.constant 0 : i32
        %dma_start3A_158 = tpu.memref_slice %arg6[%add3A_151, %dma_start3A_157] : memref<72x128xi32, #tpu.memory_space<vmem>> -> memref<1x128xi32, #tpu.memory_space<vmem>>
        %dma_start3A_159 = tpu.memref_squeeze %dma_start3A_158 : memref<1x128xi32, #tpu.memory_space<vmem>> -> memref<128xi32, #tpu.memory_space<vmem>>
        %dma_start3A_160 = arith.constant 0 : i32
        %dma_start3A_161 = arith.constant 0 : i32
        %dma_start3A_162 = tpu.memref_slice %arg2[%dma_start3A_160, %dma_start3A_161] : memref<4096x128xf32, #tpu.memory_space<hbm>> -> memref<4096x128xf32, #tpu.memory_space<hbm>>
        tpu.enqueue_indirect_dma source(%dma_start3A_162 : memref<4096x128xf32, #tpu.memory_space<hbm>>) target(%dma_start3A_156 : memref<128x128xf32, #tpu.memory_space<vmem>>) offsets(%dma_start3A_159 : memref<128xi32, #tpu.memory_space<vmem>>) semaphore(%arg10 : memref<!tpu.dma_semaphore, #tpu.memory_space<semaphore_mem>>)
      } else {
      }
      %dma_wait3A_108 = arith.constant 0 : i32
      %dma_wait3A_109 = arith.constant 1 : i32
      %dma_wait3A_110 = arith.constant 0 : i32
      %dma_wait3A_111 = arith.constant 0 : i32
      %dma_wait3A_112 = tpu.memref_slice %arg8[%dma_wait3A_109, %dma_wait3A_110, %dma_wait3A_111] : memref<2x128x128xf32, #tpu.memory_space<vmem>> -> memref<1x128x128xf32, #tpu.memory_space<vmem>>
      %dma_wait3A_113 = tpu.memref_squeeze %dma_wait3A_112 : memref<1x128x128xf32, #tpu.memory_space<vmem>> -> memref<128x128xf32, #tpu.memory_space<vmem>>
      %dma_wait3A_114 = arith.constant 0 : i32
      %dma_wait3A_115 = tpu.memref_slice %arg6[%dma_wait3A_108, %dma_wait3A_114] : memref<72x128xi32, #tpu.memory_space<vmem>> -> memref<1x128xi32, #tpu.memory_space<vmem>>
      %dma_wait3A_116 = tpu.memref_squeeze %dma_wait3A_115 : memref<1x128xi32, #tpu.memory_space<vmem>> -> memref<128xi32, #tpu.memory_space<vmem>>
      %dma_wait3A_117 = arith.constant 0 : i32
      %dma_wait3A_118 = arith.constant 0 : i32
      %dma_wait3A_119 = tpu.memref_slice %arg2[%dma_wait3A_117, %dma_wait3A_118] : memref<4096x128xf32, #tpu.memory_space<hbm>> -> memref<4096x128xf32, #tpu.memory_space<hbm>>
      tpu.wait_indirect_dma semaphore(%arg11 : memref<!tpu.dma_semaphore, #tpu.memory_space<semaphore_mem>>) src(%dma_wait3A_119 : memref<4096x128xf32, #tpu.memory_space<hbm>>) dst(%dma_wait3A_113 : memref<128x128xf32, #tpu.memory_space<vmem>>)
      %ge3A_120 = arith.constant 1 : i32
      %ge3A_121 = arith.cmpi sge, %scan3A_46, %ge3A_120 : i32
      %convert_element_type3A_122 = arith.extui %ge3A_121 : i1 to i32
      %cond3A_123 = arith.constant 0 : i32
      %cond3A_124 = arith.cmpi ne, %convert_element_type3A_122, %cond3A_123 : i32
      scf.if %cond3A_124 {
        %dma_wait3A_150 = arith.constant 1 : i32
        %dma_wait3A_151 = arith.constant 0 : i32
        %dma_wait3A_152 = arith.constant 0 : i32
        %dma_wait3A_153 = tpu.memref_slice %arg9[%dma_wait3A_150, %dma_wait3A_151, %dma_wait3A_152] : memref<2x16x128xf32, #tpu.memory_space<vmem>> -> memref<1x16x128xf32, #tpu.memory_space<vmem>>
        %dma_wait3A_154 = tpu.memref_squeeze %dma_wait3A_153 : memref<1x16x128xf32, #tpu.memory_space<vmem>> -> memref<16x128xf32, #tpu.memory_space<vmem>>
        %dma_wait3A_155 = arith.constant 0 : i32
        %dma_wait3A_156 = arith.constant 0 : i32
        %dma_wait3A_157 = tpu.memref_slice %arg5[%dma_wait3A_155, %dma_wait3A_156] : memref<36864x128xf32, #tpu.memory_space<hbm>> -> memref<16x128xf32, #tpu.memory_space<hbm>>
        %dma_wait3A_158 = arith.constant 0 : i32
        %dma_wait3A_159 = arith.constant 0 : i32
        %dma_wait3A_160 = tpu.memref_slice %arg5[%dma_wait3A_158, %dma_wait3A_159] : memref<36864x128xf32, #tpu.memory_space<hbm>> -> memref<16x128xf32, #tpu.memory_space<hbm>>
        %dma_wait3A_161 = arith.constant 0 : i32
        %dma_wait3A_162 = arith.constant 0 : i32
        %dma_wait3A_163 = tpu.memref_slice %arg9[%dma_wait3A_150, %dma_wait3A_161, %dma_wait3A_162] : memref<2x16x128xf32, #tpu.memory_space<vmem>> -> memref<1x16x128xf32, #tpu.memory_space<vmem>>
        %dma_wait3A_164 = tpu.memref_squeeze %dma_wait3A_163 : memref<1x16x128xf32, #tpu.memory_space<vmem>> -> memref<16x128xf32, #tpu.memory_space<vmem>>
        tpu.wait_dma2 semaphore(%arg13 : memref<!tpu.dma_semaphore, #tpu.memory_space<semaphore_mem>>) src(%dma_wait3A_164 : memref<16x128xf32, #tpu.memory_space<vmem>>) dst(%dma_wait3A_160 : memref<16x128xf32, #tpu.memory_space<hbm>>)
      } else {
      }
      %scan3A_125 = arith.constant 0 : i32
      %scan3A_126 = arith.constant 0 : i32
      %scan3A_127 = arith.constant 8 : i32
      %scan3A_128 = arith.addi %scan3A_126, %scan3A_127 : i32
      %scan3A_129 = arith.constant 1 : i32
      scf.for %scan3A_150 = %scan3A_126 to %scan3A_128 step %scan3A_129  : i32 {
        %mul3A_151 = arith.constant 16 : i32
        %mul3A_152 = arith.muli %scan3A_150, %mul3A_151 : i32
        %get3A = arith.index_cast %add3A_52 : i32 to index
        %get3A_153 = arith.index_cast %mul3A_152 : i32 to index
        %get3A_154 = tpu.vector_load %arg7[%get3A, %get3A_153] {strides = array<i32>} : memref<72x128xf32, #tpu.memory_space<vmem>>, vector<1x16xf32>,
        %get3A_155 = vector.shape_cast %get3A_154 : vector<1x16xf32> to vector<16xf32>
        %mul3A_156 = arith.constant 2 : i32
        %mul3A_157 = arith.muli %scan3A_150, %mul3A_156 : i32
        %add3A_158 = arith.constant 0 : i32
        %add3A_159 = arith.addi %mul3A_157, %add3A_158 : i32
        %mul3A_160 = arith.constant 8 : i32
        %mul3A_161 = arith.muli %add3A_159, %mul3A_160 : i32
        %broadcast_in_dim3A = arith.constant 0 : i32
        %broadcast_in_dim3A_162 = vector.broadcast %broadcast_in_dim3A : i32 to vector<16x1xi32>
        %gather3A = vector.shape_cast %broadcast_in_dim3A_162 : vector<16x1xi32> to vector<16xi32>
        %gather3A_163 = tpu.dynamic_gather %get3A_155[%gather3A] in [0] : vector<16xf32>, vector<16xi32> -> vector<16xf32>
        %broadcast_in_dim3A_164 = arith.constant 1 : i32
        %broadcast_in_dim3A_165 = vector.broadcast %broadcast_in_dim3A_164 : i32 to vector<16x1xi32>
        %gather3A_166 = vector.shape_cast %broadcast_in_dim3A_165 : vector<16x1xi32> to vector<16xi32>
        %gather3A_167 = tpu.dynamic_gather %get3A_155[%gather3A_166] in [0] : vector<16xf32>, vector<16xi32> -> vector<16xf32>
        %broadcast_in_dim3A_168 = arith.constant 2 : i32
        %broadcast_in_dim3A_169 = vector.broadcast %broadcast_in_dim3A_168 : i32 to vector<16x1xi32>
        %gather3A_170 = vector.shape_cast %broadcast_in_dim3A_169 : vector<16x1xi32> to vector<16xi32>
        %gather3A_171 = tpu.dynamic_gather %get3A_155[%gather3A_170] in [0] : vector<16xf32>, vector<16xi32> -> vector<16xf32>
        %broadcast_in_dim3A_172 = arith.constant 3 : i32
        %broadcast_in_dim3A_173 = vector.broadcast %broadcast_in_dim3A_172 : i32 to vector<16x1xi32>
        %gather3A_174 = vector.shape_cast %broadcast_in_dim3A_173 : vector<16x1xi32> to vector<16xi32>
        %gather3A_175 = tpu.dynamic_gather %get3A_155[%gather3A_174] in [0] : vector<16xf32>, vector<16xi32> -> vector<16xf32>
        %broadcast_in_dim3A_176 = arith.constant 4 : i32
        %broadcast_in_dim3A_177 = vector.broadcast %broadcast_in_dim3A_176 : i32 to vector<16x1xi32>
        %gather3A_178 = vector.shape_cast %broadcast_in_dim3A_177 : vector<16x1xi32> to vector<16xi32>
        %gather3A_179 = tpu.dynamic_gather %get3A_155[%gather3A_178] in [0] : vector<16xf32>, vector<16xi32> -> vector<16xf32>
        %broadcast_in_dim3A_180 = arith.constant 5 : i32
        %broadcast_in_dim3A_181 = vector.broadcast %broadcast_in_dim3A_180 : i32 to vector<16x1xi32>
        %gather3A_182 = vector.shape_cast %broadcast_in_dim3A_181 : vector<16x1xi32> to vector<16xi32>
        %gather3A_183 = tpu.dynamic_gather %get3A_155[%gather3A_182] in [0] : vector<16xf32>, vector<16xi32> -> vector<16xf32>
        %broadcast_in_dim3A_184 = arith.constant 6 : i32
        %broadcast_in_dim3A_185 = vector.broadcast %broadcast_in_dim3A_184 : i32 to vector<16x1xi32>
        %gather3A_186 = vector.shape_cast %broadcast_in_dim3A_185 : vector<16x1xi32> to vector<16xi32>
        %gather3A_187 = tpu.dynamic_gather %get3A_155[%gather3A_186] in [0] : vector<16xf32>, vector<16xi32> -> vector<16xf32>
        %broadcast_in_dim3A_188 = arith.constant 7 : i32
        %broadcast_in_dim3A_189 = vector.broadcast %broadcast_in_dim3A_188 : i32 to vector<16x1xi32>
        %gather3A_190 = vector.shape_cast %broadcast_in_dim3A_189 : vector<16x1xi32> to vector<16xi32>
        %gather3A_191 = tpu.dynamic_gather %get3A_155[%gather3A_190] in [0] : vector<16xf32>, vector<16xi32> -> vector<16xf32>
        %add3A_192 = arith.constant 0 : i32
        %add3A_193 = arith.addi %mul3A_161, %add3A_192 : i32
        %get3A_194 = arith.constant 1 : i32
        %get3A_195 = arith.index_cast %get3A_194 : i32 to index
        %get3A_196 = arith.index_cast %add3A_193 : i32 to index
        %get3A_197 = arith.constant 0 : index
        %get3A_198 = tpu.vector_load %arg8[%get3A_195, %get3A_196, %get3A_197] {strides = array<i32>} : memref<2x128x128xf32, #tpu.memory_space<vmem>>, vector<1x1x16xf32>,
        %get3A_199 = vector.shape_cast %get3A_198 : vector<1x1x16xf32> to vector<16xf32>
        %mul3A_200 = arith.mulf %gather3A_163, %get3A_199 : vector<16xf32>
        %add3A_201 = arith.constant 1 : i32
        %add3A_202 = arith.addi %mul3A_161, %add3A_201 : i32
        %get3A_203 = arith.constant 1 : i32
        %get3A_204 = arith.index_cast %get3A_203 : i32 to index
        %get3A_205 = arith.index_cast %add3A_202 : i32 to index
        %get3A_206 = arith.constant 0 : index
        %get3A_207 = tpu.vector_load %arg8[%get3A_204, %get3A_205, %get3A_206] {strides = array<i32>} : memref<2x128x128xf32, #tpu.memory_space<vmem>>, vector<1x1x16xf32>,
        %get3A_208 = vector.shape_cast %get3A_207 : vector<1x1x16xf32> to vector<16xf32>
        %mul3A_209 = arith.mulf %gather3A_167, %get3A_208 : vector<16xf32>
        %add3A_210 = arith.addf %mul3A_200, %mul3A_209 : vector<16xf32>
        %add3A_211 = arith.constant 2 : i32
        %add3A_212 = arith.addi %mul3A_161, %add3A_211 : i32
        %get3A_213 = arith.constant 1 : i32
        %get3A_214 = arith.index_cast %get3A_213 : i32 to index
        %get3A_215 = arith.index_cast %add3A_212 : i32 to index
        %get3A_216 = arith.constant 0 : index
        %get3A_217 = tpu.vector_load %arg8[%get3A_214, %get3A_215, %get3A_216] {strides = array<i32>} : memref<2x128x128xf32, #tpu.memory_space<vmem>>, vector<1x1x16xf32>,
        %get3A_218 = vector.shape_cast %get3A_217 : vector<1x1x16xf32> to vector<16xf32>
        %mul3A_219 = arith.mulf %gather3A_171, %get3A_218 : vector<16xf32>
        %add3A_220 = arith.addf %add3A_210, %mul3A_219 : vector<16xf32>
        %add3A_221 = arith.constant 3 : i32
        %add3A_222 = arith.addi %mul3A_161, %add3A_221 : i32
        %get3A_223 = arith.constant 1 : i32
        %get3A_224 = arith.index_cast %get3A_223 : i32 to index
        %get3A_225 = arith.index_cast %add3A_222 : i32 to index
        %get3A_226 = arith.constant 0 : index
        %get3A_227 = tpu.vector_load %arg8[%get3A_224, %get3A_225, %get3A_226] {strides = array<i32>} : memref<2x128x128xf32, #tpu.memory_space<vmem>>, vector<1x1x16xf32>,
        %get3A_228 = vector.shape_cast %get3A_227 : vector<1x1x16xf32> to vector<16xf32>
        %mul3A_229 = arith.mulf %gather3A_175, %get3A_228 : vector<16xf32>
        %add3A_230 = arith.addf %add3A_220, %mul3A_229 : vector<16xf32>
        %add3A_231 = arith.constant 4 : i32
        %add3A_232 = arith.addi %mul3A_161, %add3A_231 : i32
        %get3A_233 = arith.constant 1 : i32
        %get3A_234 = arith.index_cast %get3A_233 : i32 to index
        %get3A_235 = arith.index_cast %add3A_232 : i32 to index
        %get3A_236 = arith.constant 0 : index
        %get3A_237 = tpu.vector_load %arg8[%get3A_234, %get3A_235, %get3A_236] {strides = array<i32>} : memref<2x128x128xf32, #tpu.memory_space<vmem>>, vector<1x1x16xf32>,
        %get3A_238 = vector.shape_cast %get3A_237 : vector<1x1x16xf32> to vector<16xf32>
        %mul3A_239 = arith.mulf %gather3A_179, %get3A_238 : vector<16xf32>
        %add3A_240 = arith.addf %add3A_230, %mul3A_239 : vector<16xf32>
        %add3A_241 = arith.constant 5 : i32
        %add3A_242 = arith.addi %mul3A_161, %add3A_241 : i32
        %get3A_243 = arith.constant 1 : i32
        %get3A_244 = arith.index_cast %get3A_243 : i32 to index
        %get3A_245 = arith.index_cast %add3A_242 : i32 to index
        %get3A_246 = arith.constant 0 : index
        %get3A_247 = tpu.vector_load %arg8[%get3A_244, %get3A_245, %get3A_246] {strides = array<i32>} : memref<2x128x128xf32, #tpu.memory_space<vmem>>, vector<1x1x16xf32>,
        %get3A_248 = vector.shape_cast %get3A_247 : vector<1x1x16xf32> to vector<16xf32>
        %mul3A_249 = arith.mulf %gather3A_183, %get3A_248 : vector<16xf32>
        %add3A_250 = arith.addf %add3A_240, %mul3A_249 : vector<16xf32>
        %add3A_251 = arith.constant 6 : i32
        %add3A_252 = arith.addi %mul3A_161, %add3A_251 : i32
        %get3A_253 = arith.constant 1 : i32
        %get3A_254 = arith.index_cast %get3A_253 : i32 to index
        %get3A_255 = arith.index_cast %add3A_252 : i32 to index
        %get3A_256 = arith.constant 0 : index
        %get3A_257 = tpu.vector_load %arg8[%get3A_254, %get3A_255, %get3A_256] {strides = array<i32>} : memref<2x128x128xf32, #tpu.memory_space<vmem>>, vector<1x1x16xf32>,
        %get3A_258 = vector.shape_cast %get3A_257 : vector<1x1x16xf32> to vector<16xf32>
        %mul3A_259 = arith.mulf %gather3A_187, %get3A_258 : vector<16xf32>
        %add3A_260 = arith.addf %add3A_250, %mul3A_259 : vector<16xf32>
        %add3A_261 = arith.constant 7 : i32
        %add3A_262 = arith.addi %mul3A_161, %add3A_261 : i32
        %get3A_263 = arith.constant 1 : i32
        %get3A_264 = arith.index_cast %get3A_263 : i32 to index
        %get3A_265 = arith.index_cast %add3A_262 : i32 to index
        %get3A_266 = arith.constant 0 : index
        %get3A_267 = tpu.vector_load %arg8[%get3A_264, %get3A_265, %get3A_266] {strides = array<i32>} : memref<2x128x128xf32, #tpu.memory_space<vmem>>, vector<1x1x16xf32>,
        %get3A_268 = vector.shape_cast %get3A_267 : vector<1x1x16xf32> to vector<16xf32>
        %mul3A_269 = arith.mulf %gather3A_191, %get3A_268 : vector<16xf32>
        %add3A_270 = arith.addf %add3A_260, %mul3A_269 : vector<16xf32>
        %mul3A_271 = arith.constant 2 : i32
        %mul3A_272 = arith.muli %scan3A_150, %mul3A_271 : i32
        %add3A_273 = arith.constant 0 : i32
        %add3A_274 = arith.addi %mul3A_272, %add3A_273 : i32
        %swap3A = arith.constant 1 : i32
        %swap3A_275 = arith.index_cast %swap3A : i32 to index
        %swap3A_276 = arith.index_cast %add3A_274 : i32 to index
        %swap3A_277 = arith.constant 0 : index
        %swap3A_278 = tpu.vector_load %arg9[%swap3A_275, %swap3A_276, %swap3A_277] {strides = array<i32>} : memref<2x16x128xf32, #tpu.memory_space<vmem>>, vector<1x1x16xf32>,
        %swap3A_279 = vector.shape_cast %swap3A_278 : vector<1x1x16xf32> to vector<16xf32>
        %swap3A_280 = vector.shape_cast %add3A_270 : vector<16xf32> to vector<1x1x16xf32>
        tpu.vector_store %arg9[%swap3A_275, %swap3A_276, %swap3A_277], %swap3A_280 {strides = array<i32>} : memref<2x16x128xf32, #tpu.memory_space<vmem>>, vector<1x1x16xf32>,
        %add3A_281 = arith.constant 0 : i32
        %add3A_282 = arith.addi %mul3A_161, %add3A_281 : i32
        %get3A_283 = arith.constant 1 : i32
        %get3A_284 = arith.index_cast %get3A_283 : i32 to index
        %get3A_285 = arith.index_cast %add3A_282 : i32 to index
        %get3A_286 = arith.constant 16 : index
        %get3A_287 = tpu.vector_load %arg8[%get3A_284, %get3A_285, %get3A_286] {strides = array<i32>} : memref<2x128x128xf32, #tpu.memory_space<vmem>>, vector<1x1x16xf32>,
        %get3A_288 = vector.shape_cast %get3A_287 : vector<1x1x16xf32> to vector<16xf32>
        %mul3A_289 = arith.mulf %gather3A_163, %get3A_288 : vector<16xf32>
        %add3A_290 = arith.constant 1 : i32
        %add3A_291 = arith.addi %mul3A_161, %add3A_290 : i32
        %get3A_292 = arith.constant 1 : i32
        %get3A_293 = arith.index_cast %get3A_292 : i32 to index
        %get3A_294 = arith.index_cast %add3A_291 : i32 to index
        %get3A_295 = arith.constant 16 : index
        %get3A_296 = tpu.vector_load %arg8[%get3A_293, %get3A_294, %get3A_295] {strides = array<i32>} : memref<2x128x128xf32, #tpu.memory_space<vmem>>, vector<1x1x16xf32>,
        %get3A_297 = vector.shape_cast %get3A_296 : vector<1x1x16xf32> to vector<16xf32>
        %mul3A_298 = arith.mulf %gather3A_167, %get3A_297 : vector<16xf32>
        %add3A_299 = arith.addf %mul3A_289, %mul3A_298 : vector<16xf32>
        %add3A_300 = arith.constant 2 : i32
        %add3A_301 = arith.addi %mul3A_161, %add3A_300 : i32
        %get3A_302 = arith.constant 1 : i32
        %get3A_303 = arith.index_cast %get3A_302 : i32 to index
        %get3A_304 = arith.index_cast %add3A_301 : i32 to index
        %get3A_305 = arith.constant 16 : index
        %get3A_306 = tpu.vector_load %arg8[%get3A_303, %get3A_304, %get3A_305] {strides = array<i32>} : memref<2x128x128xf32, #tpu.memory_space<vmem>>, vector<1x1x16xf32>,
        %get3A_307 = vector.shape_cast %get3A_306 : vector<1x1x16xf32> to vector<16xf32>
        %mul3A_308 = arith.mulf %gather3A_171, %get3A_307 : vector<16xf32>
        %add3A_309 = arith.addf %add3A_299, %mul3A_308 : vector<16xf32>
        %add3A_310 = arith.constant 3 : i32
        %add3A_311 = arith.addi %mul3A_161, %add3A_310 : i32
        %get3A_312 = arith.constant 1 : i32
        %get3A_313 = arith.index_cast %get3A_312 : i32 to index
        %get3A_314 = arith.index_cast %add3A_311 : i32 to index
        %get3A_315 = arith.constant 16 : index
        %get3A_316 = tpu.vector_load %arg8[%get3A_313, %get3A_314, %get3A_315] {strides = array<i32>} : memref<2x128x128xf32, #tpu.memory_space<vmem>>, vector<1x1x16xf32>,
        %get3A_317 = vector.shape_cast %get3A_316 : vector<1x1x16xf32> to vector<16xf32>
        %mul3A_318 = arith.mulf %gather3A_175, %get3A_317 : vector<16xf32>
        %add3A_319 = arith.addf %add3A_309, %mul3A_318 : vector<16xf32>
        %add3A_320 = arith.constant 4 : i32
        %add3A_321 = arith.addi %mul3A_161, %add3A_320 : i32
        %get3A_322 = arith.constant 1 : i32
        %get3A_323 = arith.index_cast %get3A_322 : i32 to index
        %get3A_324 = arith.index_cast %add3A_321 : i32 to index
        %get3A_325 = arith.constant 16 : index
        %get3A_326 = tpu.vector_load %arg8[%get3A_323, %get3A_324, %get3A_325] {strides = array<i32>} : memref<2x128x128xf32, #tpu.memory_space<vmem>>, vector<1x1x16xf32>,
        %get3A_327 = vector.shape_cast %get3A_326 : vector<1x1x16xf32> to vector<16xf32>
        %mul3A_328 = arith.mulf %gather3A_179, %get3A_327 : vector<16xf32>
        %add3A_329 = arith.addf %add3A_319, %mul3A_328 : vector<16xf32>
        %add3A_330 = arith.constant 5 : i32
        %add3A_331 = arith.addi %mul3A_161, %add3A_330 : i32
        %get3A_332 = arith.constant 1 : i32
        %get3A_333 = arith.index_cast %get3A_332 : i32 to index
        %get3A_334 = arith.index_cast %add3A_331 : i32 to index
        %get3A_335 = arith.constant 16 : index
        %get3A_336 = tpu.vector_load %arg8[%get3A_333, %get3A_334, %get3A_335] {strides = array<i32>} : memref<2x128x128xf32, #tpu.memory_space<vmem>>, vector<1x1x16xf32>,
        %get3A_337 = vector.shape_cast %get3A_336 : vector<1x1x16xf32> to vector<16xf32>
        %mul3A_338 = arith.mulf %gather3A_183, %get3A_337 : vector<16xf32>
        %add3A_339 = arith.addf %add3A_329, %mul3A_338 : vector<16xf32>
        %add3A_340 = arith.constant 6 : i32
        %add3A_341 = arith.addi %mul3A_161, %add3A_340 : i32
        %get3A_342 = arith.constant 1 : i32
        %get3A_343 = arith.index_cast %get3A_342 : i32 to index
        %get3A_344 = arith.index_cast %add3A_341 : i32 to index
        %get3A_345 = arith.constant 16 : index
        %get3A_346 = tpu.vector_load %arg8[%get3A_343, %get3A_344, %get3A_345] {strides = array<i32>} : memref<2x128x128xf32, #tpu.memory_space<vmem>>, vector<1x1x16xf32>,
        %get3A_347 = vector.shape_cast %get3A_346 : vector<1x1x16xf32> to vector<16xf32>
        %mul3A_348 = arith.mulf %gather3A_187, %get3A_347 : vector<16xf32>
        %add3A_349 = arith.addf %add3A_339, %mul3A_348 : vector<16xf32>
        %add3A_350 = arith.constant 7 : i32
        %add3A_351 = arith.addi %mul3A_161, %add3A_350 : i32
        %get3A_352 = arith.constant 1 : i32
        %get3A_353 = arith.index_cast %get3A_352 : i32 to index
        %get3A_354 = arith.index_cast %add3A_351 : i32 to index
        %get3A_355 = arith.constant 16 : index
        %get3A_356 = tpu.vector_load %arg8[%get3A_353, %get3A_354, %get3A_355] {strides = array<i32>} : memref<2x128x128xf32, #tpu.memory_space<vmem>>, vector<1x1x16xf32>,
        %get3A_357 = vector.shape_cast %get3A_356 : vector<1x1x16xf32> to vector<16xf32>
        %mul3A_358 = arith.mulf %gather3A_191, %get3A_357 : vector<16xf32>
        %add3A_359 = arith.addf %add3A_349, %mul3A_358 : vector<16xf32>
        %mul3A_360 = arith.constant 2 : i32
        %mul3A_361 = arith.muli %scan3A_150, %mul3A_360 : i32
        %add3A_362 = arith.constant 0 : i32
        %add3A_363 = arith.addi %mul3A_361, %add3A_362 : i32
        %swap3A_364 = arith.constant 1 : i32
        %swap3A_365 = arith.index_cast %swap3A_364 : i32 to index
        %swap3A_366 = arith.index_cast %add3A_363 : i32 to index
        %swap3A_367 = arith.constant 16 : index
        %swap3A_368 = tpu.vector_load %arg9[%swap3A_365, %swap3A_366, %swap3A_367] {strides = array<i32>} : memref<2x16x128xf32, #tpu.memory_space<vmem>>, vector<1x1x16xf32>,
        %swap3A_369 = vector.shape_cast %swap3A_368 : vector<1x1x16xf32> to vector<16xf32>
        %swap3A_370 = vector.shape_cast %add3A_359 : vector<16xf32> to vector<1x1x16xf32>
        tpu.vector_store %arg9[%swap3A_365, %swap3A_366, %swap3A_367], %swap3A_370 {strides = array<i32>} : memref<2x16x128xf32, #tpu.memory_space<vmem>>, vector<1x1x16xf32>,
        %add3A_371 = arith.constant 0 : i32
        %add3A_372 = arith.addi %mul3A_161, %add3A_371 : i32
        %get3A_373 = arith.constant 1 : i32
        %get3A_374 = arith.index_cast %get3A_373 : i32 to index
        %get3A_375 = arith.index_cast %add3A_372 : i32 to index
        %get3A_376 = arith.constant 32 : index
        %get3A_377 = tpu.vector_load %arg8[%get3A_374, %get3A_375, %get3A_376] {strides = array<i32>} : memref<2x128x128xf32, #tpu.memory_space<vmem>>, vector<1x1x16xf32>,
        %get3A_378 = vector.shape_cast %get3A_377 : vector<1x1x16xf32> to vector<16xf32>
        %mul3A_379 = arith.mulf %gather3A_163, %get3A_378 : vector<16xf32>
        %add3A_380 = arith.constant 1 : i32
        %add3A_381 = arith.addi %mul3A_161, %add3A_380 : i32
        %get3A_382 = arith.constant 1 : i32
        %get3A_383 = arith.index_cast %get3A_382 : i32 to index
        %get3A_384 = arith.index_cast %add3A_381 : i32 to index
        %get3A_385 = arith.constant 32 : index
        %get3A_386 = tpu.vector_load %arg8[%get3A_383, %get3A_384, %get3A_385] {strides = array<i32>} : memref<2x128x128xf32, #tpu.memory_space<vmem>>, vector<1x1x16xf32>,
        %get3A_387 = vector.shape_cast %get3A_386 : vector<1x1x16xf32> to vector<16xf32>
        %mul3A_388 = arith.mulf %gather3A_167, %get3A_387 : vector<16xf32>
        %add3A_389 = arith.addf %mul3A_379, %mul3A_388 : vector<16xf32>
        %add3A_390 = arith.constant 2 : i32
        %add3A_391 = arith.addi %mul3A_161, %add3A_390 : i32
        %get3A_392 = arith.constant 1 : i32
        %get3A_393 = arith.index_cast %get3A_392 : i32 to index
        %get3A_394 = arith.index_cast %add3A_391 : i32 to index
        %get3A_395 = arith.constant 32 : index
        %get3A_396 = tpu.vector_load %arg8[%get3A_393, %get3A_394, %get3A_395] {strides = array<i32>} : memref<2x128x128xf32, #tpu.memory_space<vmem>>, vector<1x1x16xf32>,
        %get3A_397 = vector.shape_cast %get3A_396 : vector<1x1x16xf32> to vector<16xf32>
        %mul3A_398 = arith.mulf %gather3A_171, %get3A_397 : vector<16xf32>
        %add3A_399 = arith.addf %add3A_389, %mul3A_398 : vector<16xf32>
        %add3A_400 = arith.constant 3 : i32
        %add3A_401 = arith.addi %mul3A_161, %add3A_400 : i32
        %get3A_402 = arith.constant 1 : i32
        %get3A_403 = arith.index_cast %get3A_402 : i32 to index
        %get3A_404 = arith.index_cast %add3A_401 : i32 to index
        %get3A_405 = arith.constant 32 : index
        %get3A_406 = tpu.vector_load %arg8[%get3A_403, %get3A_404, %get3A_405] {strides = array<i32>} : memref<2x128x128xf32, #tpu.memory_space<vmem>>, vector<1x1x16xf32>,
        %get3A_407 = vector.shape_cast %get3A_406 : vector<1x1x16xf32> to vector<16xf32>
        %mul3A_408 = arith.mulf %gather3A_175, %get3A_407 : vector<16xf32>
        %add3A_409 = arith.addf %add3A_399, %mul3A_408 : vector<16xf32>
        %add3A_410 = arith.constant 4 : i32
        %add3A_411 = arith.addi %mul3A_161, %add3A_410 : i32
        %get3A_412 = arith.constant 1 : i32
        %get3A_413 = arith.index_cast %get3A_412 : i32 to index
        %get3A_414 = arith.index_cast %add3A_411 : i32 to index
        %get3A_415 = arith.constant 32 : index
        %get3A_416 = tpu.vector_load %arg8[%get3A_413, %get3A_414, %get3A_415] {strides = array<i32>} : memref<2x128x128xf32, #tpu.memory_space<vmem>>, vector<1x1x16xf32>,
        %get3A_417 = vector.shape_cast %get3A_416 : vector<1x1x16xf32> to vector<16xf32>
        %mul3A_418 = arith.mulf %gather3A_179, %get3A_417 : vector<16xf32>
        %add3A_419 = arith.addf %add3A_409, %mul3A_418 : vector<16xf32>
        %add3A_420 = arith.constant 5 : i32
        %add3A_421 = arith.addi %mul3A_161, %add3A_420 : i32
        %get3A_422 = arith.constant 1 : i32
        %get3A_423 = arith.index_cast %get3A_422 : i32 to index
        %get3A_424 = arith.index_cast %add3A_421 : i32 to index
        %get3A_425 = arith.constant 32 : index
        %get3A_426 = tpu.vector_load %arg8[%get3A_423, %get3A_424, %get3A_425] {strides = array<i32>} : memref<2x128x128xf32, #tpu.memory_space<vmem>>, vector<1x1x16xf32>,
        %get3A_427 = vector.shape_cast %get3A_426 : vector<1x1x16xf32> to vector<16xf32>
        %mul3A_428 = arith.mulf %gather3A_183, %get3A_427 : vector<16xf32>
        %add3A_429 = arith.addf %add3A_419, %mul3A_428 : vector<16xf32>
        %add3A_430 = arith.constant 6 : i32
        %add3A_431 = arith.addi %mul3A_161, %add3A_430 : i32
        %get3A_432 = arith.constant 1 : i32
        %get3A_433 = arith.index_cast %get3A_432 : i32 to index
        %get3A_434 = arith.index_cast %add3A_431 : i32 to index
        %get3A_435 = arith.constant 32 : index
        %get3A_436 = tpu.vector_load %arg8[%get3A_433, %get3A_434, %get3A_435] {strides = array<i32>} : memref<2x128x128xf32, #tpu.memory_space<vmem>>, vector<1x1x16xf32>,
        %get3A_437 = vector.shape_cast %get3A_436 : vector<1x1x16xf32> to vector<16xf32>
        %mul3A_438 = arith.mulf %gather3A_187, %get3A_437 : vector<16xf32>
        %add3A_439 = arith.addf %add3A_429, %mul3A_438 : vector<16xf32>
        %add3A_440 = arith.constant 7 : i32
        %add3A_441 = arith.addi %mul3A_161, %add3A_440 : i32
        %get3A_442 = arith.constant 1 : i32
        %get3A_443 = arith.index_cast %get3A_442 : i32 to index
        %get3A_444 = arith.index_cast %add3A_441 : i32 to index
        %get3A_445 = arith.constant 32 : index
        %get3A_446 = tpu.vector_load %arg8[%get3A_443, %get3A_444, %get3A_445] {strides = array<i32>} : memref<2x128x128xf32, #tpu.memory_space<vmem>>, vector<1x1x16xf32>,
        %get3A_447 = vector.shape_cast %get3A_446 : vector<1x1x16xf32> to vector<16xf32>
        %mul3A_448 = arith.mulf %gather3A_191, %get3A_447 : vector<16xf32>
        %add3A_449 = arith.addf %add3A_439, %mul3A_448 : vector<16xf32>
        %mul3A_450 = arith.constant 2 : i32
        %mul3A_451 = arith.muli %scan3A_150, %mul3A_450 : i32
        %add3A_452 = arith.constant 0 : i32
        %add3A_453 = arith.addi %mul3A_451, %add3A_452 : i32
        %swap3A_454 = arith.constant 1 : i32
        %swap3A_455 = arith.index_cast %swap3A_454 : i32 to index
        %swap3A_456 = arith.index_cast %add3A_453 : i32 to index
        %swap3A_457 = arith.constant 32 : index
        %swap3A_458 = tpu.vector_load %arg9[%swap3A_455, %swap3A_456, %swap3A_457] {strides = array<i32>} : memref<2x16x128xf32, #tpu.memory_space<vmem>>, vector<1x1x16xf32>,
        %swap3A_459 = vector.shape_cast %swap3A_458 : vector<1x1x16xf32> to vector<16xf32>
        %swap3A_460 = vector.shape_cast %add3A_449 : vector<16xf32> to vector<1x1x16xf32>
        tpu.vector_store %arg9[%swap3A_455, %swap3A_456, %swap3A_457], %swap3A_460 {strides = array<i32>} : memref<2x16x128xf32, #tpu.memory_space<vmem>>, vector<1x1x16xf32>,
        %add3A_461 = arith.constant 0 : i32
        %add3A_462 = arith.addi %mul3A_161, %add3A_461 : i32
        %get3A_463 = arith.constant 1 : i32
        %get3A_464 = arith.index_cast %get3A_463 : i32 to index
        %get3A_465 = arith.index_cast %add3A_462 : i32 to index
        %get3A_466 = arith.constant 48 : index
        %get3A_467 = tpu.vector_load %arg8[%get3A_464, %get3A_465, %get3A_466] {strides = array<i32>} : memref<2x128x128xf32, #tpu.memory_space<vmem>>, vector<1x1x16xf32>,
        %get3A_468 = vector.shape_cast %get3A_467 : vector<1x1x16xf32> to vector<16xf32>
        %mul3A_469 = arith.mulf %gather3A_163, %get3A_468 : vector<16xf32>
        %add3A_470 = arith.constant 1 : i32
        %add3A_471 = arith.addi %mul3A_161, %add3A_470 : i32
        %get3A_472 = arith.constant 1 : i32
        %get3A_473 = arith.index_cast %get3A_472 : i32 to index
        %get3A_474 = arith.index_cast %add3A_471 : i32 to index
        %get3A_475 = arith.constant 48 : index
        %get3A_476 = tpu.vector_load %arg8[%get3A_473, %get3A_474, %get3A_475] {strides = array<i32>} : memref<2x128x128xf32, #tpu.memory_space<vmem>>, vector<1x1x16xf32>,
        %get3A_477 = vector.shape_cast %get3A_476 : vector<1x1x16xf32> to vector<16xf32>
        %mul3A_478 = arith.mulf %gather3A_167, %get3A_477 : vector<16xf32>
        %add3A_479 = arith.addf %mul3A_469, %mul3A_478 : vector<16xf32>
        %add3A_480 = arith.constant 2 : i32
        %add3A_481 = arith.addi %mul3A_161, %add3A_480 : i32
        %get3A_482 = arith.constant 1 : i32
        %get3A_483 = arith.index_cast %get3A_482 : i32 to index
        %get3A_484 = arith.index_cast %add3A_481 : i32 to index
        %get3A_485 = arith.constant 48 : index
        %get3A_486 = tpu.vector_load %arg8[%get3A_483, %get3A_484, %get3A_485] {strides = array<i32>} : memref<2x128x128xf32, #tpu.memory_space<vmem>>, vector<1x1x16xf32>,
        %get3A_487 = vector.shape_cast %get3A_486 : vector<1x1x16xf32> to vector<16xf32>
        %mul3A_488 = arith.mulf %gather3A_171, %get3A_487 : vector<16xf32>
        %add3A_489 = arith.addf %add3A_479, %mul3A_488 : vector<16xf32>
        %add3A_490 = arith.constant 3 : i32
        %add3A_491 = arith.addi %mul3A_161, %add3A_490 : i32
        %get3A_492 = arith.constant 1 : i32
        %get3A_493 = arith.index_cast %get3A_492 : i32 to index
        %get3A_494 = arith.index_cast %add3A_491 : i32 to index
        %get3A_495 = arith.constant 48 : index
        %get3A_496 = tpu.vector_load %arg8[%get3A_493, %get3A_494, %get3A_495] {strides = array<i32>} : memref<2x128x128xf32, #tpu.memory_space<vmem>>, vector<1x1x16xf32>,
        %get3A_497 = vector.shape_cast %get3A_496 : vector<1x1x16xf32> to vector<16xf32>
        %mul3A_498 = arith.mulf %gather3A_175, %get3A_497 : vector<16xf32>
        %add3A_499 = arith.addf %add3A_489, %mul3A_498 : vector<16xf32>
        %add3A_500 = arith.constant 4 : i32
        %add3A_501 = arith.addi %mul3A_161, %add3A_500 : i32
        %get3A_502 = arith.constant 1 : i32
        %get3A_503 = arith.index_cast %get3A_502 : i32 to index
        %get3A_504 = arith.index_cast %add3A_501 : i32 to index
        %get3A_505 = arith.constant 48 : index
        %get3A_506 = tpu.vector_load %arg8[%get3A_503, %get3A_504, %get3A_505] {strides = array<i32>} : memref<2x128x128xf32, #tpu.memory_space<vmem>>, vector<1x1x16xf32>,
        %get3A_507 = vector.shape_cast %get3A_506 : vector<1x1x16xf32> to vector<16xf32>
        %mul3A_508 = arith.mulf %gather3A_179, %get3A_507 : vector<16xf32>
        %add3A_509 = arith.addf %add3A_499, %mul3A_508 : vector<16xf32>
        %add3A_510 = arith.constant 5 : i32
        %add3A_511 = arith.addi %mul3A_161, %add3A_510 : i32
        %get3A_512 = arith.constant 1 : i32
        %get3A_513 = arith.index_cast %get3A_512 : i32 to index
        %get3A_514 = arith.index_cast %add3A_511 : i32 to index
        %get3A_515 = arith.constant 48 : index
        %get3A_516 = tpu.vector_load %arg8[%get3A_513, %get3A_514, %get3A_515] {strides = array<i32>} : memref<2x128x128xf32, #tpu.memory_space<vmem>>, vector<1x1x16xf32>,
        %get3A_517 = vector.shape_cast %get3A_516 : vector<1x1x16xf32> to vector<16xf32>
        %mul3A_518 = arith.mulf %gather3A_183, %get3A_517 : vector<16xf32>
        %add3A_519 = arith.addf %add3A_509, %mul3A_518 : vector<16xf32>
        %add3A_520 = arith.constant 6 : i32
        %add3A_521 = arith.addi %mul3A_161, %add3A_520 : i32
        %get3A_522 = arith.constant 1 : i32
        %get3A_523 = arith.index_cast %get3A_522 : i32 to index
        %get3A_524 = arith.index_cast %add3A_521 : i32 to index
        %get3A_525 = arith.constant 48 : index
        %get3A_526 = tpu.vector_load %arg8[%get3A_523, %get3A_524, %get3A_525] {strides = array<i32>} : memref<2x128x128xf32, #tpu.memory_space<vmem>>, vector<1x1x16xf32>,
        %get3A_527 = vector.shape_cast %get3A_526 : vector<1x1x16xf32> to vector<16xf32>
        %mul3A_528 = arith.mulf %gather3A_187, %get3A_527 : vector<16xf32>
        %add3A_529 = arith.addf %add3A_519, %mul3A_528 : vector<16xf32>
        %add3A_530 = arith.constant 7 : i32
        %add3A_531 = arith.addi %mul3A_161, %add3A_530 : i32
        %get3A_532 = arith.constant 1 : i32
        %get3A_533 = arith.index_cast %get3A_532 : i32 to index
        %get3A_534 = arith.index_cast %add3A_531 : i32 to index
        %get3A_535 = arith.constant 48 : index
        %get3A_536 = tpu.vector_load %arg8[%get3A_533, %get3A_534, %get3A_535] {strides = array<i32>} : memref<2x128x128xf32, #tpu.memory_space<vmem>>, vector<1x1x16xf32>,
        %get3A_537 = vector.shape_cast %get3A_536 : vector<1x1x16xf32> to vector<16xf32>
        %mul3A_538 = arith.mulf %gather3A_191, %get3A_537 : vector<16xf32>
        %add3A_539 = arith.addf %add3A_529, %mul3A_538 : vector<16xf32>
        %mul3A_540 = arith.constant 2 : i32
        %mul3A_541 = arith.muli %scan3A_150, %mul3A_540 : i32
        %add3A_542 = arith.constant 0 : i32
        %add3A_543 = arith.addi %mul3A_541, %add3A_542 : i32
        %swap3A_544 = arith.constant 1 : i32
        %swap3A_545 = arith.index_cast %swap3A_544 : i32 to index
        %swap3A_546 = arith.index_cast %add3A_543 : i32 to index
        %swap3A_547 = arith.constant 48 : index
        %swap3A_548 = tpu.vector_load %arg9[%swap3A_545, %swap3A_546, %swap3A_547] {strides = array<i32>} : memref<2x16x128xf32, #tpu.memory_space<vmem>>, vector<1x1x16xf32>,
        %swap3A_549 = vector.shape_cast %swap3A_548 : vector<1x1x16xf32> to vector<16xf32>
        %swap3A_550 = vector.shape_cast %add3A_539 : vector<16xf32> to vector<1x1x16xf32>
        tpu.vector_store %arg9[%swap3A_545, %swap3A_546, %swap3A_547], %swap3A_550 {strides = array<i32>} : memref<2x16x128xf32, #tpu.memory_space<vmem>>, vector<1x1x16xf32>,
        %add3A_551 = arith.constant 0 : i32
        %add3A_552 = arith.addi %mul3A_161, %add3A_551 : i32
        %get3A_553 = arith.constant 1 : i32
        %get3A_554 = arith.index_cast %get3A_553 : i32 to index
        %get3A_555 = arith.index_cast %add3A_552 : i32 to index
        %get3A_556 = arith.constant 64 : index
        %get3A_557 = tpu.vector_load %arg8[%get3A_554, %get3A_555, %get3A_556] {strides = array<i32>} : memref<2x128x128xf32, #tpu.memory_space<vmem>>, vector<1x1x16xf32>,
        %get3A_558 = vector.shape_cast %get3A_557 : vector<1x1x16xf32> to vector<16xf32>
        %mul3A_559 = arith.mulf %gather3A_163, %get3A_558 : vector<16xf32>
        %add3A_560 = arith.constant 1 : i32
        %add3A_561 = arith.addi %mul3A_161, %add3A_560 : i32
        %get3A_562 = arith.constant 1 : i32
        %get3A_563 = arith.index_cast %get3A_562 : i32 to index
        %get3A_564 = arith.index_cast %add3A_561 : i32 to index
        %get3A_565 = arith.constant 64 : index
        %get3A_566 = tpu.vector_load %arg8[%get3A_563, %get3A_564, %get3A_565] {strides = array<i32>} : memref<2x128x128xf32, #tpu.memory_space<vmem>>, vector<1x1x16xf32>,
        %get3A_567 = vector.shape_cast %get3A_566 : vector<1x1x16xf32> to vector<16xf32>
        %mul3A_568 = arith.mulf %gather3A_167, %get3A_567 : vector<16xf32>
        %add3A_569 = arith.addf %mul3A_559, %mul3A_568 : vector<16xf32>
        %add3A_570 = arith.constant 2 : i32
        %add3A_571 = arith.addi %mul3A_161, %add3A_570 : i32
        %get3A_572 = arith.constant 1 : i32
        %get3A_573 = arith.index_cast %get3A_572 : i32 to index
        %get3A_574 = arith.index_cast %add3A_571 : i32 to index
        %get3A_575 = arith.constant 64 : index
        %get3A_576 = tpu.vector_load %arg8[%get3A_573, %get3A_574, %get3A_575] {strides = array<i32>} : memref<2x128x128xf32, #tpu.memory_space<vmem>>, vector<1x1x16xf32>,
        %get3A_577 = vector.shape_cast %get3A_576 : vector<1x1x16xf32> to vector<16xf32>
        %mul3A_578 = arith.mulf %gather3A_171, %get3A_577 : vector<16xf32>
        %add3A_579 = arith.addf %add3A_569, %mul3A_578 : vector<16xf32>
        %add3A_580 = arith.constant 3 : i32
        %add3A_581 = arith.addi %mul3A_161, %add3A_580 : i32
        %get3A_582 = arith.constant 1 : i32
        %get3A_583 = arith.index_cast %get3A_582 : i32 to index
        %get3A_584 = arith.index_cast %add3A_581 : i32 to index
        %get3A_585 = arith.constant 64 : index
        %get3A_586 = tpu.vector_load %arg8[%get3A_583, %get3A_584, %get3A_585] {strides = array<i32>} : memref<2x128x128xf32, #tpu.memory_space<vmem>>, vector<1x1x16xf32>,
        %get3A_587 = vector.shape_cast %get3A_586 : vector<1x1x16xf32> to vector<16xf32>
        %mul3A_588 = arith.mulf %gather3A_175, %get3A_587 : vector<16xf32>
        %add3A_589 = arith.addf %add3A_579, %mul3A_588 : vector<16xf32>
        %add3A_590 = arith.constant 4 : i32
        %add3A_591 = arith.addi %mul3A_161, %add3A_590 : i32
        %get3A_592 = arith.constant 1 : i32
        %get3A_593 = arith.index_cast %get3A_592 : i32 to index
        %get3A_594 = arith.index_cast %add3A_591 : i32 to index
        %get3A_595 = arith.constant 64 : index
        %get3A_596 = tpu.vector_load %arg8[%get3A_593, %get3A_594, %get3A_595] {strides = array<i32>} : memref<2x128x128xf32, #tpu.memory_space<vmem>>, vector<1x1x16xf32>,
        %get3A_597 = vector.shape_cast %get3A_596 : vector<1x1x16xf32> to vector<16xf32>
        %mul3A_598 = arith.mulf %gather3A_179, %get3A_597 : vector<16xf32>
        %add3A_599 = arith.addf %add3A_589, %mul3A_598 : vector<16xf32>
        %add3A_600 = arith.constant 5 : i32
        %add3A_601 = arith.addi %mul3A_161, %add3A_600 : i32
        %get3A_602 = arith.constant 1 : i32
        %get3A_603 = arith.index_cast %get3A_602 : i32 to index
        %get3A_604 = arith.index_cast %add3A_601 : i32 to index
        %get3A_605 = arith.constant 64 : index
        %get3A_606 = tpu.vector_load %arg8[%get3A_603, %get3A_604, %get3A_605] {strides = array<i32>} : memref<2x128x128xf32, #tpu.memory_space<vmem>>, vector<1x1x16xf32>,
        %get3A_607 = vector.shape_cast %get3A_606 : vector<1x1x16xf32> to vector<16xf32>
        %mul3A_608 = arith.mulf %gather3A_183, %get3A_607 : vector<16xf32>
        %add3A_609 = arith.addf %add3A_599, %mul3A_608 : vector<16xf32>
        %add3A_610 = arith.constant 6 : i32
        %add3A_611 = arith.addi %mul3A_161, %add3A_610 : i32
        %get3A_612 = arith.constant 1 : i32
        %get3A_613 = arith.index_cast %get3A_612 : i32 to index
        %get3A_614 = arith.index_cast %add3A_611 : i32 to index
        %get3A_615 = arith.constant 64 : index
        %get3A_616 = tpu.vector_load %arg8[%get3A_613, %get3A_614, %get3A_615] {strides = array<i32>} : memref<2x128x128xf32, #tpu.memory_space<vmem>>, vector<1x1x16xf32>,
        %get3A_617 = vector.shape_cast %get3A_616 : vector<1x1x16xf32> to vector<16xf32>
        %mul3A_618 = arith.mulf %gather3A_187, %get3A_617 : vector<16xf32>
        %add3A_619 = arith.addf %add3A_609, %mul3A_618 : vector<16xf32>
        %add3A_620 = arith.constant 7 : i32
        %add3A_621 = arith.addi %mul3A_161, %add3A_620 : i32
        %get3A_622 = arith.constant 1 : i32
        %get3A_623 = arith.index_cast %get3A_622 : i32 to index
        %get3A_624 = arith.index_cast %add3A_621 : i32 to index
        %get3A_625 = arith.constant 64 : index
        %get3A_626 = tpu.vector_load %arg8[%get3A_623, %get3A_624, %get3A_625] {strides = array<i32>} : memref<2x128x128xf32, #tpu.memory_space<vmem>>, vector<1x1x16xf32>,
        %get3A_627 = vector.shape_cast %get3A_626 : vector<1x1x16xf32> to vector<16xf32>
        %mul3A_628 = arith.mulf %gather3A_191, %get3A_627 : vector<16xf32>
        %add3A_629 = arith.addf %add3A_619, %mul3A_628 : vector<16xf32>
        %mul3A_630 = arith.constant 2 : i32
        %mul3A_631 = arith.muli %scan3A_150, %mul3A_630 : i32
        %add3A_632 = arith.constant 0 : i32
        %add3A_633 = arith.addi %mul3A_631, %add3A_632 : i32
        %swap3A_634 = arith.constant 1 : i32
        %swap3A_635 = arith.index_cast %swap3A_634 : i32 to index
        %swap3A_636 = arith.index_cast %add3A_633 : i32 to index
        %swap3A_637 = arith.constant 64 : index
        %swap3A_638 = tpu.vector_load %arg9[%swap3A_635, %swap3A_636, %swap3A_637] {strides = array<i32>} : memref<2x16x128xf32, #tpu.memory_space<vmem>>, vector<1x1x16xf32>,
        %swap3A_639 = vector.shape_cast %swap3A_638 : vector<1x1x16xf32> to vector<16xf32>
        %swap3A_640 = vector.shape_cast %add3A_629 : vector<16xf32> to vector<1x1x16xf32>
        tpu.vector_store %arg9[%swap3A_635, %swap3A_636, %swap3A_637], %swap3A_640 {strides = array<i32>} : memref<2x16x128xf32, #tpu.memory_space<vmem>>, vector<1x1x16xf32>,
        %add3A_641 = arith.constant 0 : i32
        %add3A_642 = arith.addi %mul3A_161, %add3A_641 : i32
        %get3A_643 = arith.constant 1 : i32
        %get3A_644 = arith.index_cast %get3A_643 : i32 to index
        %get3A_645 = arith.index_cast %add3A_642 : i32 to index
        %get3A_646 = arith.constant 80 : index
        %get3A_647 = tpu.vector_load %arg8[%get3A_644, %get3A_645, %get3A_646] {strides = array<i32>} : memref<2x128x128xf32, #tpu.memory_space<vmem>>, vector<1x1x16xf32>,
        %get3A_648 = vector.shape_cast %get3A_647 : vector<1x1x16xf32> to vector<16xf32>
        %mul3A_649 = arith.mulf %gather3A_163, %get3A_648 : vector<16xf32>
        %add3A_650 = arith.constant 1 : i32
        %add3A_651 = arith.addi %mul3A_161, %add3A_650 : i32
        %get3A_652 = arith.constant 1 : i32
        %get3A_653 = arith.index_cast %get3A_652 : i32 to index
        %get3A_654 = arith.index_cast %add3A_651 : i32 to index
        %get3A_655 = arith.constant 80 : index
        %get3A_656 = tpu.vector_load %arg8[%get3A_653, %get3A_654, %get3A_655] {strides = array<i32>} : memref<2x128x128xf32, #tpu.memory_space<vmem>>, vector<1x1x16xf32>,
        %get3A_657 = vector.shape_cast %get3A_656 : vector<1x1x16xf32> to vector<16xf32>
        %mul3A_658 = arith.mulf %gather3A_167, %get3A_657 : vector<16xf32>
        %add3A_659 = arith.addf %mul3A_649, %mul3A_658 : vector<16xf32>
        %add3A_660 = arith.constant 2 : i32
        %add3A_661 = arith.addi %mul3A_161, %add3A_660 : i32
        %get3A_662 = arith.constant 1 : i32
        %get3A_663 = arith.index_cast %get3A_662 : i32 to index
        %get3A_664 = arith.index_cast %add3A_661 : i32 to index
        %get3A_665 = arith.constant 80 : index
        %get3A_666 = tpu.vector_load %arg8[%get3A_663, %get3A_664, %get3A_665] {strides = array<i32>} : memref<2x128x128xf32, #tpu.memory_space<vmem>>, vector<1x1x16xf32>,
        %get3A_667 = vector.shape_cast %get3A_666 : vector<1x1x16xf32> to vector<16xf32>
        %mul3A_668 = arith.mulf %gather3A_171, %get3A_667 : vector<16xf32>
        %add3A_669 = arith.addf %add3A_659, %mul3A_668 : vector<16xf32>
        %add3A_670 = arith.constant 3 : i32
        %add3A_671 = arith.addi %mul3A_161, %add3A_670 : i32
        %get3A_672 = arith.constant 1 : i32
        %get3A_673 = arith.index_cast %get3A_672 : i32 to index
        %get3A_674 = arith.index_cast %add3A_671 : i32 to index
        %get3A_675 = arith.constant 80 : index
        %get3A_676 = tpu.vector_load %arg8[%get3A_673, %get3A_674, %get3A_675] {strides = array<i32>} : memref<2x128x128xf32, #tpu.memory_space<vmem>>, vector<1x1x16xf32>,
        %get3A_677 = vector.shape_cast %get3A_676 : vector<1x1x16xf32> to vector<16xf32>
        %mul3A_678 = arith.mulf %gather3A_175, %get3A_677 : vector<16xf32>
        %add3A_679 = arith.addf %add3A_669, %mul3A_678 : vector<16xf32>
        %add3A_680 = arith.constant 4 : i32
        %add3A_681 = arith.addi %mul3A_161, %add3A_680 : i32
        %get3A_682 = arith.constant 1 : i32
        %get3A_683 = arith.index_cast %get3A_682 : i32 to index
        %get3A_684 = arith.index_cast %add3A_681 : i32 to index
        %get3A_685 = arith.constant 80 : index
        %get3A_686 = tpu.vector_load %arg8[%get3A_683, %get3A_684, %get3A_685] {strides = array<i32>} : memref<2x128x128xf32, #tpu.memory_space<vmem>>, vector<1x1x16xf32>,
        %get3A_687 = vector.shape_cast %get3A_686 : vector<1x1x16xf32> to vector<16xf32>
        %mul3A_688 = arith.mulf %gather3A_179, %get3A_687 : vector<16xf32>
        %add3A_689 = arith.addf %add3A_679, %mul3A_688 : vector<16xf32>
        %add3A_690 = arith.constant 5 : i32
        %add3A_691 = arith.addi %mul3A_161, %add3A_690 : i32
        %get3A_692 = arith.constant 1 : i32
        %get3A_693 = arith.index_cast %get3A_692 : i32 to index
        %get3A_694 = arith.index_cast %add3A_691 : i32 to index
        %get3A_695 = arith.constant 80 : index
        %get3A_696 = tpu.vector_load %arg8[%get3A_693, %get3A_694, %get3A_695] {strides = array<i32>} : memref<2x128x128xf32, #tpu.memory_space<vmem>>, vector<1x1x16xf32>,
        %get3A_697 = vector.shape_cast %get3A_696 : vector<1x1x16xf32> to vector<16xf32>
        %mul3A_698 = arith.mulf %gather3A_183, %get3A_697 : vector<16xf32>
        %add3A_699 = arith.addf %add3A_689, %mul3A_698 : vector<16xf32>
        %add3A_700 = arith.constant 6 : i32
        %add3A_701 = arith.addi %mul3A_161, %add3A_700 : i32
        %get3A_702 = arith.constant 1 : i32
        %get3A_703 = arith.index_cast %get3A_702 : i32 to index
        %get3A_704 = arith.index_cast %add3A_701 : i32 to index
        %get3A_705 = arith.constant 80 : index
        %get3A_706 = tpu.vector_load %arg8[%get3A_703, %get3A_704, %get3A_705] {strides = array<i32>} : memref<2x128x128xf32, #tpu.memory_space<vmem>>, vector<1x1x16xf32>,
        %get3A_707 = vector.shape_cast %get3A_706 : vector<1x1x16xf32> to vector<16xf32>
        %mul3A_708 = arith.mulf %gather3A_187, %get3A_707 : vector<16xf32>
        %add3A_709 = arith.addf %add3A_699, %mul3A_708 : vector<16xf32>
        %add3A_710 = arith.constant 7 : i32
        %add3A_711 = arith.addi %mul3A_161, %add3A_710 : i32
        %get3A_712 = arith.constant 1 : i32
        %get3A_713 = arith.index_cast %get3A_712 : i32 to index
        %get3A_714 = arith.index_cast %add3A_711 : i32 to index
        %get3A_715 = arith.constant 80 : index
        %get3A_716 = tpu.vector_load %arg8[%get3A_713, %get3A_714, %get3A_715] {strides = array<i32>} : memref<2x128x128xf32, #tpu.memory_space<vmem>>, vector<1x1x16xf32>,
        %get3A_717 = vector.shape_cast %get3A_716 : vector<1x1x16xf32> to vector<16xf32>
        %mul3A_718 = arith.mulf %gather3A_191, %get3A_717 : vector<16xf32>
        %add3A_719 = arith.addf %add3A_709, %mul3A_718 : vector<16xf32>
        %mul3A_720 = arith.constant 2 : i32
        %mul3A_721 = arith.muli %scan3A_150, %mul3A_720 : i32
        %add3A_722 = arith.constant 0 : i32
        %add3A_723 = arith.addi %mul3A_721, %add3A_722 : i32
        %swap3A_724 = arith.constant 1 : i32
        %swap3A_725 = arith.index_cast %swap3A_724 : i32 to index
        %swap3A_726 = arith.index_cast %add3A_723 : i32 to index
        %swap3A_727 = arith.constant 80 : index
        %swap3A_728 = tpu.vector_load %arg9[%swap3A_725, %swap3A_726, %swap3A_727] {strides = array<i32>} : memref<2x16x128xf32, #tpu.memory_space<vmem>>, vector<1x1x16xf32>,
        %swap3A_729 = vector.shape_cast %swap3A_728 : vector<1x1x16xf32> to vector<16xf32>
        %swap3A_730 = vector.shape_cast %add3A_719 : vector<16xf32> to vector<1x1x16xf32>
        tpu.vector_store %arg9[%swap3A_725, %swap3A_726, %swap3A_727], %swap3A_730 {strides = array<i32>} : memref<2x16x128xf32, #tpu.memory_space<vmem>>, vector<1x1x16xf32>,
        %add3A_731 = arith.constant 0 : i32
        %add3A_732 = arith.addi %mul3A_161, %add3A_731 : i32
        %get3A_733 = arith.constant 1 : i32
        %get3A_734 = arith.index_cast %get3A_733 : i32 to index
        %get3A_735 = arith.index_cast %add3A_732 : i32 to index
        %get3A_736 = arith.constant 96 : index
        %get3A_737 = tpu.vector_load %arg8[%get3A_734, %get3A_735, %get3A_736] {strides = array<i32>} : memref<2x128x128xf32, #tpu.memory_space<vmem>>, vector<1x1x16xf32>,
        %get3A_738 = vector.shape_cast %get3A_737 : vector<1x1x16xf32> to vector<16xf32>
        %mul3A_739 = arith.mulf %gather3A_163, %get3A_738 : vector<16xf32>
        %add3A_740 = arith.constant 1 : i32
        %add3A_741 = arith.addi %mul3A_161, %add3A_740 : i32
        %get3A_742 = arith.constant 1 : i32
        %get3A_743 = arith.index_cast %get3A_742 : i32 to index
        %get3A_744 = arith.index_cast %add3A_741 : i32 to index
        %get3A_745 = arith.constant 96 : index
        %get3A_746 = tpu.vector_load %arg8[%get3A_743, %get3A_744, %get3A_745] {strides = array<i32>} : memref<2x128x128xf32, #tpu.memory_space<vmem>>, vector<1x1x16xf32>,
        %get3A_747 = vector.shape_cast %get3A_746 : vector<1x1x16xf32> to vector<16xf32>
        %mul3A_748 = arith.mulf %gather3A_167, %get3A_747 : vector<16xf32>
        %add3A_749 = arith.addf %mul3A_739, %mul3A_748 : vector<16xf32>
        %add3A_750 = arith.constant 2 : i32
        %add3A_751 = arith.addi %mul3A_161, %add3A_750 : i32
        %get3A_752 = arith.constant 1 : i32
        %get3A_753 = arith.index_cast %get3A_752 : i32 to index
        %get3A_754 = arith.index_cast %add3A_751 : i32 to index
        %get3A_755 = arith.constant 96 : index
        %get3A_756 = tpu.vector_load %arg8[%get3A_753, %get3A_754, %get3A_755] {strides = array<i32>} : memref<2x128x128xf32, #tpu.memory_space<vmem>>, vector<1x1x16xf32>,
        %get3A_757 = vector.shape_cast %get3A_756 : vector<1x1x16xf32> to vector<16xf32>
        %mul3A_758 = arith.mulf %gather3A_171, %get3A_757 : vector<16xf32>
        %add3A_759 = arith.addf %add3A_749, %mul3A_758 : vector<16xf32>
        %add3A_760 = arith.constant 3 : i32
        %add3A_761 = arith.addi %mul3A_161, %add3A_760 : i32
        %get3A_762 = arith.constant 1 : i32
        %get3A_763 = arith.index_cast %get3A_762 : i32 to index
        %get3A_764 = arith.index_cast %add3A_761 : i32 to index
        %get3A_765 = arith.constant 96 : index
        %get3A_766 = tpu.vector_load %arg8[%get3A_763, %get3A_764, %get3A_765] {strides = array<i32>} : memref<2x128x128xf32, #tpu.memory_space<vmem>>, vector<1x1x16xf32>,
        %get3A_767 = vector.shape_cast %get3A_766 : vector<1x1x16xf32> to vector<16xf32>
        %mul3A_768 = arith.mulf %gather3A_175, %get3A_767 : vector<16xf32>
        %add3A_769 = arith.addf %add3A_759, %mul3A_768 : vector<16xf32>
        %add3A_770 = arith.constant 4 : i32
        %add3A_771 = arith.addi %mul3A_161, %add3A_770 : i32
        %get3A_772 = arith.constant 1 : i32
        %get3A_773 = arith.index_cast %get3A_772 : i32 to index
        %get3A_774 = arith.index_cast %add3A_771 : i32 to index
        %get3A_775 = arith.constant 96 : index
        %get3A_776 = tpu.vector_load %arg8[%get3A_773, %get3A_774, %get3A_775] {strides = array<i32>} : memref<2x128x128xf32, #tpu.memory_space<vmem>>, vector<1x1x16xf32>,
        %get3A_777 = vector.shape_cast %get3A_776 : vector<1x1x16xf32> to vector<16xf32>
        %mul3A_778 = arith.mulf %gather3A_179, %get3A_777 : vector<16xf32>
        %add3A_779 = arith.addf %add3A_769, %mul3A_778 : vector<16xf32>
        %add3A_780 = arith.constant 5 : i32
        %add3A_781 = arith.addi %mul3A_161, %add3A_780 : i32
        %get3A_782 = arith.constant 1 : i32
        %get3A_783 = arith.index_cast %get3A_782 : i32 to index
        %get3A_784 = arith.index_cast %add3A_781 : i32 to index
        %get3A_785 = arith.constant 96 : index
        %get3A_786 = tpu.vector_load %arg8[%get3A_783, %get3A_784, %get3A_785] {strides = array<i32>} : memref<2x128x128xf32, #tpu.memory_space<vmem>>, vector<1x1x16xf32>,
        %get3A_787 = vector.shape_cast %get3A_786 : vector<1x1x16xf32> to vector<16xf32>
        %mul3A_788 = arith.mulf %gather3A_183, %get3A_787 : vector<16xf32>
        %add3A_789 = arith.addf %add3A_779, %mul3A_788 : vector<16xf32>
        %add3A_790 = arith.constant 6 : i32
        %add3A_791 = arith.addi %mul3A_161, %add3A_790 : i32
        %get3A_792 = arith.constant 1 : i32
        %get3A_793 = arith.index_cast %get3A_792 : i32 to index
        %get3A_794 = arith.index_cast %add3A_791 : i32 to index
        %get3A_795 = arith.constant 96 : index
        %get3A_796 = tpu.vector_load %arg8[%get3A_793, %get3A_794, %get3A_795] {strides = array<i32>} : memref<2x128x128xf32, #tpu.memory_space<vmem>>, vector<1x1x16xf32>,
        %get3A_797 = vector.shape_cast %get3A_796 : vector<1x1x16xf32> to vector<16xf32>
        %mul3A_798 = arith.mulf %gather3A_187, %get3A_797 : vector<16xf32>
        %add3A_799 = arith.addf %add3A_789, %mul3A_798 : vector<16xf32>
        %add3A_800 = arith.constant 7 : i32
        %add3A_801 = arith.addi %mul3A_161, %add3A_800 : i32
        %get3A_802 = arith.constant 1 : i32
        %get3A_803 = arith.index_cast %get3A_802 : i32 to index
        %get3A_804 = arith.index_cast %add3A_801 : i32 to index
        %get3A_805 = arith.constant 96 : index
        %get3A_806 = tpu.vector_load %arg8[%get3A_803, %get3A_804, %get3A_805] {strides = array<i32>} : memref<2x128x128xf32, #tpu.memory_space<vmem>>, vector<1x1x16xf32>,
        %get3A_807 = vector.shape_cast %get3A_806 : vector<1x1x16xf32> to vector<16xf32>
        %mul3A_808 = arith.mulf %gather3A_191, %get3A_807 : vector<16xf32>
        %add3A_809 = arith.addf %add3A_799, %mul3A_808 : vector<16xf32>
        %mul3A_810 = arith.constant 2 : i32
        %mul3A_811 = arith.muli %scan3A_150, %mul3A_810 : i32
        %add3A_812 = arith.constant 0 : i32
        %add3A_813 = arith.addi %mul3A_811, %add3A_812 : i32
        %swap3A_814 = arith.constant 1 : i32
        %swap3A_815 = arith.index_cast %swap3A_814 : i32 to index
        %swap3A_816 = arith.index_cast %add3A_813 : i32 to index
        %swap3A_817 = arith.constant 96 : index
        %swap3A_818 = tpu.vector_load %arg9[%swap3A_815, %swap3A_816, %swap3A_817] {strides = array<i32>} : memref<2x16x128xf32, #tpu.memory_space<vmem>>, vector<1x1x16xf32>,
        %swap3A_819 = vector.shape_cast %swap3A_818 : vector<1x1x16xf32> to vector<16xf32>
        %swap3A_820 = vector.shape_cast %add3A_809 : vector<16xf32> to vector<1x1x16xf32>
        tpu.vector_store %arg9[%swap3A_815, %swap3A_816, %swap3A_817], %swap3A_820 {strides = array<i32>} : memref<2x16x128xf32, #tpu.memory_space<vmem>>, vector<1x1x16xf32>,
        %add3A_821 = arith.constant 0 : i32
        %add3A_822 = arith.addi %mul3A_161, %add3A_821 : i32
        %get3A_823 = arith.constant 1 : i32
        %get3A_824 = arith.index_cast %get3A_823 : i32 to index
        %get3A_825 = arith.index_cast %add3A_822 : i32 to index
        %get3A_826 = arith.constant 112 : index
        %get3A_827 = tpu.vector_load %arg8[%get3A_824, %get3A_825, %get3A_826] {strides = array<i32>} : memref<2x128x128xf32, #tpu.memory_space<vmem>>, vector<1x1x16xf32>,
        %get3A_828 = vector.shape_cast %get3A_827 : vector<1x1x16xf32> to vector<16xf32>
        %mul3A_829 = arith.mulf %gather3A_163, %get3A_828 : vector<16xf32>
        %add3A_830 = arith.constant 1 : i32
        %add3A_831 = arith.addi %mul3A_161, %add3A_830 : i32
        %get3A_832 = arith.constant 1 : i32
        %get3A_833 = arith.index_cast %get3A_832 : i32 to index
        %get3A_834 = arith.index_cast %add3A_831 : i32 to index
        %get3A_835 = arith.constant 112 : index
        %get3A_836 = tpu.vector_load %arg8[%get3A_833, %get3A_834, %get3A_835] {strides = array<i32>} : memref<2x128x128xf32, #tpu.memory_space<vmem>>, vector<1x1x16xf32>,
        %get3A_837 = vector.shape_cast %get3A_836 : vector<1x1x16xf32> to vector<16xf32>
        %mul3A_838 = arith.mulf %gather3A_167, %get3A_837 : vector<16xf32>
        %add3A_839 = arith.addf %mul3A_829, %mul3A_838 : vector<16xf32>
        %add3A_840 = arith.constant 2 : i32
        %add3A_841 = arith.addi %mul3A_161, %add3A_840 : i32
        %get3A_842 = arith.constant 1 : i32
        %get3A_843 = arith.index_cast %get3A_842 : i32 to index
        %get3A_844 = arith.index_cast %add3A_841 : i32 to index
        %get3A_845 = arith.constant 112 : index
        %get3A_846 = tpu.vector_load %arg8[%get3A_843, %get3A_844, %get3A_845] {strides = array<i32>} : memref<2x128x128xf32, #tpu.memory_space<vmem>>, vector<1x1x16xf32>,
        %get3A_847 = vector.shape_cast %get3A_846 : vector<1x1x16xf32> to vector<16xf32>
        %mul3A_848 = arith.mulf %gather3A_171, %get3A_847 : vector<16xf32>
        %add3A_849 = arith.addf %add3A_839, %mul3A_848 : vector<16xf32>
        %add3A_850 = arith.constant 3 : i32
        %add3A_851 = arith.addi %mul3A_161, %add3A_850 : i32
        %get3A_852 = arith.constant 1 : i32
        %get3A_853 = arith.index_cast %get3A_852 : i32 to index
        %get3A_854 = arith.index_cast %add3A_851 : i32 to index
        %get3A_855 = arith.constant 112 : index
        %get3A_856 = tpu.vector_load %arg8[%get3A_853, %get3A_854, %get3A_855] {strides = array<i32>} : memref<2x128x128xf32, #tpu.memory_space<vmem>>, vector<1x1x16xf32>,
        %get3A_857 = vector.shape_cast %get3A_856 : vector<1x1x16xf32> to vector<16xf32>
        %mul3A_858 = arith.mulf %gather3A_175, %get3A_857 : vector<16xf32>
        %add3A_859 = arith.addf %add3A_849, %mul3A_858 : vector<16xf32>
        %add3A_860 = arith.constant 4 : i32
        %add3A_861 = arith.addi %mul3A_161, %add3A_860 : i32
        %get3A_862 = arith.constant 1 : i32
        %get3A_863 = arith.index_cast %get3A_862 : i32 to index
        %get3A_864 = arith.index_cast %add3A_861 : i32 to index
        %get3A_865 = arith.constant 112 : index
        %get3A_866 = tpu.vector_load %arg8[%get3A_863, %get3A_864, %get3A_865] {strides = array<i32>} : memref<2x128x128xf32, #tpu.memory_space<vmem>>, vector<1x1x16xf32>,
        %get3A_867 = vector.shape_cast %get3A_866 : vector<1x1x16xf32> to vector<16xf32>
        %mul3A_868 = arith.mulf %gather3A_179, %get3A_867 : vector<16xf32>
        %add3A_869 = arith.addf %add3A_859, %mul3A_868 : vector<16xf32>
        %add3A_870 = arith.constant 5 : i32
        %add3A_871 = arith.addi %mul3A_161, %add3A_870 : i32
        %get3A_872 = arith.constant 1 : i32
        %get3A_873 = arith.index_cast %get3A_872 : i32 to index
        %get3A_874 = arith.index_cast %add3A_871 : i32 to index
        %get3A_875 = arith.constant 112 : index
        %get3A_876 = tpu.vector_load %arg8[%get3A_873, %get3A_874, %get3A_875] {strides = array<i32>} : memref<2x128x128xf32, #tpu.memory_space<vmem>>, vector<1x1x16xf32>,
        %get3A_877 = vector.shape_cast %get3A_876 : vector<1x1x16xf32> to vector<16xf32>
        %mul3A_878 = arith.mulf %gather3A_183, %get3A_877 : vector<16xf32>
        %add3A_879 = arith.addf %add3A_869, %mul3A_878 : vector<16xf32>
        %add3A_880 = arith.constant 6 : i32
        %add3A_881 = arith.addi %mul3A_161, %add3A_880 : i32
        %get3A_882 = arith.constant 1 : i32
        %get3A_883 = arith.index_cast %get3A_882 : i32 to index
        %get3A_884 = arith.index_cast %add3A_881 : i32 to index
        %get3A_885 = arith.constant 112 : index
        %get3A_886 = tpu.vector_load %arg8[%get3A_883, %get3A_884, %get3A_885] {strides = array<i32>} : memref<2x128x128xf32, #tpu.memory_space<vmem>>, vector<1x1x16xf32>,
        %get3A_887 = vector.shape_cast %get3A_886 : vector<1x1x16xf32> to vector<16xf32>
        %mul3A_888 = arith.mulf %gather3A_187, %get3A_887 : vector<16xf32>
        %add3A_889 = arith.addf %add3A_879, %mul3A_888 : vector<16xf32>
        %add3A_890 = arith.constant 7 : i32
        %add3A_891 = arith.addi %mul3A_161, %add3A_890 : i32
        %get3A_892 = arith.constant 1 : i32
        %get3A_893 = arith.index_cast %get3A_892 : i32 to index
        %get3A_894 = arith.index_cast %add3A_891 : i32 to index
        %get3A_895 = arith.constant 112 : index
        %get3A_896 = tpu.vector_load %arg8[%get3A_893, %get3A_894, %get3A_895] {strides = array<i32>} : memref<2x128x128xf32, #tpu.memory_space<vmem>>, vector<1x1x16xf32>,
        %get3A_897 = vector.shape_cast %get3A_896 : vector<1x1x16xf32> to vector<16xf32>
        %mul3A_898 = arith.mulf %gather3A_191, %get3A_897 : vector<16xf32>
        %add3A_899 = arith.addf %add3A_889, %mul3A_898 : vector<16xf32>
        %mul3A_900 = arith.constant 2 : i32
        %mul3A_901 = arith.muli %scan3A_150, %mul3A_900 : i32
        %add3A_902 = arith.constant 0 : i32
        %add3A_903 = arith.addi %mul3A_901, %add3A_902 : i32
        %swap3A_904 = arith.constant 1 : i32
        %swap3A_905 = arith.index_cast %swap3A_904 : i32 to index
        %swap3A_906 = arith.index_cast %add3A_903 : i32 to index
        %swap3A_907 = arith.constant 112 : index
        %swap3A_908 = tpu.vector_load %arg9[%swap3A_905, %swap3A_906, %swap3A_907] {strides = array<i32>} : memref<2x16x128xf32, #tpu.memory_space<vmem>>, vector<1x1x16xf32>,
        %swap3A_909 = vector.shape_cast %swap3A_908 : vector<1x1x16xf32> to vector<16xf32>
        %swap3A_910 = vector.shape_cast %add3A_899 : vector<16xf32> to vector<1x1x16xf32>
        tpu.vector_store %arg9[%swap3A_905, %swap3A_906, %swap3A_907], %swap3A_910 {strides = array<i32>} : memref<2x16x128xf32, #tpu.memory_space<vmem>>, vector<1x1x16xf32>,
        %mul3A_911 = arith.constant 2 : i32
        %mul3A_912 = arith.muli %scan3A_150, %mul3A_911 : i32
        %add3A_913 = arith.constant 1 : i32
        %add3A_914 = arith.addi %mul3A_912, %add3A_913 : i32
        %mul3A_915 = arith.constant 8 : i32
        %mul3A_916 = arith.muli %add3A_914, %mul3A_915 : i32
        %broadcast_in_dim3A_917 = arith.constant 8 : i32
        %broadcast_in_dim3A_918 = vector.broadcast %broadcast_in_dim3A_917 : i32 to vector<16x1xi32>
        %gather3A_919 = vector.shape_cast %broadcast_in_dim3A_918 : vector<16x1xi32> to vector<16xi32>
        %gather3A_920 = tpu.dynamic_gather %get3A_155[%gather3A_919] in [0] : vector<16xf32>, vector<16xi32> -> vector<16xf32>
        %broadcast_in_dim3A_921 = arith.constant 9 : i32
        %broadcast_in_dim3A_922 = vector.broadcast %broadcast_in_dim3A_921 : i32 to vector<16x1xi32>
        %gather3A_923 = vector.shape_cast %broadcast_in_dim3A_922 : vector<16x1xi32> to vector<16xi32>
        %gather3A_924 = tpu.dynamic_gather %get3A_155[%gather3A_923] in [0] : vector<16xf32>, vector<16xi32> -> vector<16xf32>
        %broadcast_in_dim3A_925 = arith.constant 10 : i32
        %broadcast_in_dim3A_926 = vector.broadcast %broadcast_in_dim3A_925 : i32 to vector<16x1xi32>
        %gather3A_927 = vector.shape_cast %broadcast_in_dim3A_926 : vector<16x1xi32> to vector<16xi32>
        %gather3A_928 = tpu.dynamic_gather %get3A_155[%gather3A_927] in [0] : vector<16xf32>, vector<16xi32> -> vector<16xf32>
        %broadcast_in_dim3A_929 = arith.constant 11 : i32
        %broadcast_in_dim3A_930 = vector.broadcast %broadcast_in_dim3A_929 : i32 to vector<16x1xi32>
        %gather3A_931 = vector.shape_cast %broadcast_in_dim3A_930 : vector<16x1xi32> to vector<16xi32>
        %gather3A_932 = tpu.dynamic_gather %get3A_155[%gather3A_931] in [0] : vector<16xf32>, vector<16xi32> -> vector<16xf32>
        %broadcast_in_dim3A_933 = arith.constant 12 : i32
        %broadcast_in_dim3A_934 = vector.broadcast %broadcast_in_dim3A_933 : i32 to vector<16x1xi32>
        %gather3A_935 = vector.shape_cast %broadcast_in_dim3A_934 : vector<16x1xi32> to vector<16xi32>
        %gather3A_936 = tpu.dynamic_gather %get3A_155[%gather3A_935] in [0] : vector<16xf32>, vector<16xi32> -> vector<16xf32>
        %broadcast_in_dim3A_937 = arith.constant 13 : i32
        %broadcast_in_dim3A_938 = vector.broadcast %broadcast_in_dim3A_937 : i32 to vector<16x1xi32>
        %gather3A_939 = vector.shape_cast %broadcast_in_dim3A_938 : vector<16x1xi32> to vector<16xi32>
        %gather3A_940 = tpu.dynamic_gather %get3A_155[%gather3A_939] in [0] : vector<16xf32>, vector<16xi32> -> vector<16xf32>
        %broadcast_in_dim3A_941 = arith.constant 14 : i32
        %broadcast_in_dim3A_942 = vector.broadcast %broadcast_in_dim3A_941 : i32 to vector<16x1xi32>
        %gather3A_943 = vector.shape_cast %broadcast_in_dim3A_942 : vector<16x1xi32> to vector<16xi32>
        %gather3A_944 = tpu.dynamic_gather %get3A_155[%gather3A_943] in [0] : vector<16xf32>, vector<16xi32> -> vector<16xf32>
        %broadcast_in_dim3A_945 = arith.constant 15 : i32
        %broadcast_in_dim3A_946 = vector.broadcast %broadcast_in_dim3A_945 : i32 to vector<16x1xi32>
        %gather3A_947 = vector.shape_cast %broadcast_in_dim3A_946 : vector<16x1xi32> to vector<16xi32>
        %gather3A_948 = tpu.dynamic_gather %get3A_155[%gather3A_947] in [0] : vector<16xf32>, vector<16xi32> -> vector<16xf32>
        %add3A_949 = arith.constant 0 : i32
        %add3A_950 = arith.addi %mul3A_916, %add3A_949 : i32
        %get3A_951 = arith.constant 1 : i32
        %get3A_952 = arith.index_cast %get3A_951 : i32 to index
        %get3A_953 = arith.index_cast %add3A_950 : i32 to index
        %get3A_954 = arith.constant 0 : index
        %get3A_955 = tpu.vector_load %arg8[%get3A_952, %get3A_953, %get3A_954] {strides = array<i32>} : memref<2x128x128xf32, #tpu.memory_space<vmem>>, vector<1x1x16xf32>,
        %get3A_956 = vector.shape_cast %get3A_955 : vector<1x1x16xf32> to vector<16xf32>
        %mul3A_957 = arith.mulf %gather3A_920, %get3A_956 : vector<16xf32>
        %add3A_958 = arith.constant 1 : i32
        %add3A_959 = arith.addi %mul3A_916, %add3A_958 : i32
        %get3A_960 = arith.constant 1 : i32
        %get3A_961 = arith.index_cast %get3A_960 : i32 to index
        %get3A_962 = arith.index_cast %add3A_959 : i32 to index
        %get3A_963 = arith.constant 0 : index
        %get3A_964 = tpu.vector_load %arg8[%get3A_961, %get3A_962, %get3A_963] {strides = array<i32>} : memref<2x128x128xf32, #tpu.memory_space<vmem>>, vector<1x1x16xf32>,
        %get3A_965 = vector.shape_cast %get3A_964 : vector<1x1x16xf32> to vector<16xf32>
        %mul3A_966 = arith.mulf %gather3A_924, %get3A_965 : vector<16xf32>
        %add3A_967 = arith.addf %mul3A_957, %mul3A_966 : vector<16xf32>
        %add3A_968 = arith.constant 2 : i32
        %add3A_969 = arith.addi %mul3A_916, %add3A_968 : i32
        %get3A_970 = arith.constant 1 : i32
        %get3A_971 = arith.index_cast %get3A_970 : i32 to index
        %get3A_972 = arith.index_cast %add3A_969 : i32 to index
        %get3A_973 = arith.constant 0 : index
        %get3A_974 = tpu.vector_load %arg8[%get3A_971, %get3A_972, %get3A_973] {strides = array<i32>} : memref<2x128x128xf32, #tpu.memory_space<vmem>>, vector<1x1x16xf32>,
        %get3A_975 = vector.shape_cast %get3A_974 : vector<1x1x16xf32> to vector<16xf32>
        %mul3A_976 = arith.mulf %gather3A_928, %get3A_975 : vector<16xf32>
        %add3A_977 = arith.addf %add3A_967, %mul3A_976 : vector<16xf32>
        %add3A_978 = arith.constant 3 : i32
        %add3A_979 = arith.addi %mul3A_916, %add3A_978 : i32
        %get3A_980 = arith.constant 1 : i32
        %get3A_981 = arith.index_cast %get3A_980 : i32 to index
        %get3A_982 = arith.index_cast %add3A_979 : i32 to index
        %get3A_983 = arith.constant 0 : index
        %get3A_984 = tpu.vector_load %arg8[%get3A_981, %get3A_982, %get3A_983] {strides = array<i32>} : memref<2x128x128xf32, #tpu.memory_space<vmem>>, vector<1x1x16xf32>,
        %get3A_985 = vector.shape_cast %get3A_984 : vector<1x1x16xf32> to vector<16xf32>
        %mul3A_986 = arith.mulf %gather3A_932, %get3A_985 : vector<16xf32>
        %add3A_987 = arith.addf %add3A_977, %mul3A_986 : vector<16xf32>
        %add3A_988 = arith.constant 4 : i32
        %add3A_989 = arith.addi %mul3A_916, %add3A_988 : i32
        %get3A_990 = arith.constant 1 : i32
        %get3A_991 = arith.index_cast %get3A_990 : i32 to index
        %get3A_992 = arith.index_cast %add3A_989 : i32 to index
        %get3A_993 = arith.constant 0 : index
        %get3A_994 = tpu.vector_load %arg8[%get3A_991, %get3A_992, %get3A_993] {strides = array<i32>} : memref<2x128x128xf32, #tpu.memory_space<vmem>>, vector<1x1x16xf32>,
        %get3A_995 = vector.shape_cast %get3A_994 : vector<1x1x16xf32> to vector<16xf32>
        %mul3A_996 = arith.mulf %gather3A_936, %get3A_995 : vector<16xf32>
        %add3A_997 = arith.addf %add3A_987, %mul3A_996 : vector<16xf32>
        %add3A_998 = arith.constant 5 : i32
        %add3A_999 = arith.addi %mul3A_916, %add3A_998 : i32
        %get3A_1000 = arith.constant 1 : i32
        %get3A_1001 = arith.index_cast %get3A_1000 : i32 to index
        %get3A_1002 = arith.index_cast %add3A_999 : i32 to index
        %get3A_1003 = arith.constant 0 : index
        %get3A_1004 = tpu.vector_load %arg8[%get3A_1001, %get3A_1002, %get3A_1003] {strides = array<i32>} : memref<2x128x128xf32, #tpu.memory_space<vmem>>, vector<1x1x16xf32>,
        %get3A_1005 = vector.shape_cast %get3A_1004 : vector<1x1x16xf32> to vector<16xf32>
        %mul3A_1006 = arith.mulf %gather3A_940, %get3A_1005 : vector<16xf32>
        %add3A_1007 = arith.addf %add3A_997, %mul3A_1006 : vector<16xf32>
        %add3A_1008 = arith.constant 6 : i32
        %add3A_1009 = arith.addi %mul3A_916, %add3A_1008 : i32
        %get3A_1010 = arith.constant 1 : i32
        %get3A_1011 = arith.index_cast %get3A_1010 : i32 to index
        %get3A_1012 = arith.index_cast %add3A_1009 : i32 to index
        %get3A_1013 = arith.constant 0 : index
        %get3A_1014 = tpu.vector_load %arg8[%get3A_1011, %get3A_1012, %get3A_1013] {strides = array<i32>} : memref<2x128x128xf32, #tpu.memory_space<vmem>>, vector<1x1x16xf32>,
        %get3A_1015 = vector.shape_cast %get3A_1014 : vector<1x1x16xf32> to vector<16xf32>
        %mul3A_1016 = arith.mulf %gather3A_944, %get3A_1015 : vector<16xf32>
        %add3A_1017 = arith.addf %add3A_1007, %mul3A_1016 : vector<16xf32>
        %add3A_1018 = arith.constant 7 : i32
        %add3A_1019 = arith.addi %mul3A_916, %add3A_1018 : i32
        %get3A_1020 = arith.constant 1 : i32
        %get3A_1021 = arith.index_cast %get3A_1020 : i32 to index
        %get3A_1022 = arith.index_cast %add3A_1019 : i32 to index
        %get3A_1023 = arith.constant 0 : index
        %get3A_1024 = tpu.vector_load %arg8[%get3A_1021, %get3A_1022, %get3A_1023] {strides = array<i32>} : memref<2x128x128xf32, #tpu.memory_space<vmem>>, vector<1x1x16xf32>,
        %get3A_1025 = vector.shape_cast %get3A_1024 : vector<1x1x16xf32> to vector<16xf32>
        %mul3A_1026 = arith.mulf %gather3A_948, %get3A_1025 : vector<16xf32>
        %add3A_1027 = arith.addf %add3A_1017, %mul3A_1026 : vector<16xf32>
        %mul3A_1028 = arith.constant 2 : i32
        %mul3A_1029 = arith.muli %scan3A_150, %mul3A_1028 : i32
        %add3A_1030 = arith.constant 1 : i32
        %add3A_1031 = arith.addi %mul3A_1029, %add3A_1030 : i32
        %swap3A_1032 = arith.constant 1 : i32
        %swap3A_1033 = arith.index_cast %swap3A_1032 : i32 to index
        %swap3A_1034 = arith.index_cast %add3A_1031 : i32 to index
        %swap3A_1035 = arith.constant 0 : index
        %swap3A_1036 = tpu.vector_load %arg9[%swap3A_1033, %swap3A_1034, %swap3A_1035] {strides = array<i32>} : memref<2x16x128xf32, #tpu.memory_space<vmem>>, vector<1x1x16xf32>,
        %swap3A_1037 = vector.shape_cast %swap3A_1036 : vector<1x1x16xf32> to vector<16xf32>
        %swap3A_1038 = vector.shape_cast %add3A_1027 : vector<16xf32> to vector<1x1x16xf32>
        tpu.vector_store %arg9[%swap3A_1033, %swap3A_1034, %swap3A_1035], %swap3A_1038 {strides = array<i32>} : memref<2x16x128xf32, #tpu.memory_space<vmem>>, vector<1x1x16xf32>,
        %add3A_1039 = arith.constant 0 : i32
        %add3A_1040 = arith.addi %mul3A_916, %add3A_1039 : i32
        %get3A_1041 = arith.constant 1 : i32
        %get3A_1042 = arith.index_cast %get3A_1041 : i32 to index
        %get3A_1043 = arith.index_cast %add3A_1040 : i32 to index
        %get3A_1044 = arith.constant 16 : index
        %get3A_1045 = tpu.vector_load %arg8[%get3A_1042, %get3A_1043, %get3A_1044] {strides = array<i32>} : memref<2x128x128xf32, #tpu.memory_space<vmem>>, vector<1x1x16xf32>,
        %get3A_1046 = vector.shape_cast %get3A_1045 : vector<1x1x16xf32> to vector<16xf32>
        %mul3A_1047 = arith.mulf %gather3A_920, %get3A_1046 : vector<16xf32>
        %add3A_1048 = arith.constant 1 : i32
        %add3A_1049 = arith.addi %mul3A_916, %add3A_1048 : i32
        %get3A_1050 = arith.constant 1 : i32
        %get3A_1051 = arith.index_cast %get3A_1050 : i32 to index
        %get3A_1052 = arith.index_cast %add3A_1049 : i32 to index
        %get3A_1053 = arith.constant 16 : index
        %get3A_1054 = tpu.vector_load %arg8[%get3A_1051, %get3A_1052, %get3A_1053] {strides = array<i32>} : memref<2x128x128xf32, #tpu.memory_space<vmem>>, vector<1x1x16xf32>,
        %get3A_1055 = vector.shape_cast %get3A_1054 : vector<1x1x16xf32> to vector<16xf32>
        %mul3A_1056 = arith.mulf %gather3A_924, %get3A_1055 : vector<16xf32>
        %add3A_1057 = arith.addf %mul3A_1047, %mul3A_1056 : vector<16xf32>
        %add3A_1058 = arith.constant 2 : i32
        %add3A_1059 = arith.addi %mul3A_916, %add3A_1058 : i32
        %get3A_1060 = arith.constant 1 : i32
        %get3A_1061 = arith.index_cast %get3A_1060 : i32 to index
        %get3A_1062 = arith.index_cast %add3A_1059 : i32 to index
        %get3A_1063 = arith.constant 16 : index
        %get3A_1064 = tpu.vector_load %arg8[%get3A_1061, %get3A_1062, %get3A_1063] {strides = array<i32>} : memref<2x128x128xf32, #tpu.memory_space<vmem>>, vector<1x1x16xf32>,
        %get3A_1065 = vector.shape_cast %get3A_1064 : vector<1x1x16xf32> to vector<16xf32>
        %mul3A_1066 = arith.mulf %gather3A_928, %get3A_1065 : vector<16xf32>
        %add3A_1067 = arith.addf %add3A_1057, %mul3A_1066 : vector<16xf32>
        %add3A_1068 = arith.constant 3 : i32
        %add3A_1069 = arith.addi %mul3A_916, %add3A_1068 : i32
        %get3A_1070 = arith.constant 1 : i32
        %get3A_1071 = arith.index_cast %get3A_1070 : i32 to index
        %get3A_1072 = arith.index_cast %add3A_1069 : i32 to index
        %get3A_1073 = arith.constant 16 : index
        %get3A_1074 = tpu.vector_load %arg8[%get3A_1071, %get3A_1072, %get3A_1073] {strides = array<i32>} : memref<2x128x128xf32, #tpu.memory_space<vmem>>, vector<1x1x16xf32>,
        %get3A_1075 = vector.shape_cast %get3A_1074 : vector<1x1x16xf32> to vector<16xf32>
        %mul3A_1076 = arith.mulf %gather3A_932, %get3A_1075 : vector<16xf32>
        %add3A_1077 = arith.addf %add3A_1067, %mul3A_1076 : vector<16xf32>
        %add3A_1078 = arith.constant 4 : i32
        %add3A_1079 = arith.addi %mul3A_916, %add3A_1078 : i32
        %get3A_1080 = arith.constant 1 : i32
        %get3A_1081 = arith.index_cast %get3A_1080 : i32 to index
        %get3A_1082 = arith.index_cast %add3A_1079 : i32 to index
        %get3A_1083 = arith.constant 16 : index
        %get3A_1084 = tpu.vector_load %arg8[%get3A_1081, %get3A_1082, %get3A_1083] {strides = array<i32>} : memref<2x128x128xf32, #tpu.memory_space<vmem>>, vector<1x1x16xf32>,
        %get3A_1085 = vector.shape_cast %get3A_1084 : vector<1x1x16xf32> to vector<16xf32>
        %mul3A_1086 = arith.mulf %gather3A_936, %get3A_1085 : vector<16xf32>
        %add3A_1087 = arith.addf %add3A_1077, %mul3A_1086 : vector<16xf32>
        %add3A_1088 = arith.constant 5 : i32
        %add3A_1089 = arith.addi %mul3A_916, %add3A_1088 : i32
        %get3A_1090 = arith.constant 1 : i32
        %get3A_1091 = arith.index_cast %get3A_1090 : i32 to index
        %get3A_1092 = arith.index_cast %add3A_1089 : i32 to index
        %get3A_1093 = arith.constant 16 : index
        %get3A_1094 = tpu.vector_load %arg8[%get3A_1091, %get3A_1092, %get3A_1093] {strides = array<i32>} : memref<2x128x128xf32, #tpu.memory_space<vmem>>, vector<1x1x16xf32>,
        %get3A_1095 = vector.shape_cast %get3A_1094 : vector<1x1x16xf32> to vector<16xf32>
        %mul3A_1096 = arith.mulf %gather3A_940, %get3A_1095 : vector<16xf32>
        %add3A_1097 = arith.addf %add3A_1087, %mul3A_1096 : vector<16xf32>
        %add3A_1098 = arith.constant 6 : i32
        %add3A_1099 = arith.addi %mul3A_916, %add3A_1098 : i32
        %get3A_1100 = arith.constant 1 : i32
        %get3A_1101 = arith.index_cast %get3A_1100 : i32 to index
        %get3A_1102 = arith.index_cast %add3A_1099 : i32 to index
        %get3A_1103 = arith.constant 16 : index
        %get3A_1104 = tpu.vector_load %arg8[%get3A_1101, %get3A_1102, %get3A_1103] {strides = array<i32>} : memref<2x128x128xf32, #tpu.memory_space<vmem>>, vector<1x1x16xf32>,
        %get3A_1105 = vector.shape_cast %get3A_1104 : vector<1x1x16xf32> to vector<16xf32>
        %mul3A_1106 = arith.mulf %gather3A_944, %get3A_1105 : vector<16xf32>
        %add3A_1107 = arith.addf %add3A_1097, %mul3A_1106 : vector<16xf32>
        %add3A_1108 = arith.constant 7 : i32
        %add3A_1109 = arith.addi %mul3A_916, %add3A_1108 : i32
        %get3A_1110 = arith.constant 1 : i32
        %get3A_1111 = arith.index_cast %get3A_1110 : i32 to index
        %get3A_1112 = arith.index_cast %add3A_1109 : i32 to index
        %get3A_1113 = arith.constant 16 : index
        %get3A_1114 = tpu.vector_load %arg8[%get3A_1111, %get3A_1112, %get3A_1113] {strides = array<i32>} : memref<2x128x128xf32, #tpu.memory_space<vmem>>, vector<1x1x16xf32>,
        %get3A_1115 = vector.shape_cast %get3A_1114 : vector<1x1x16xf32> to vector<16xf32>
        %mul3A_1116 = arith.mulf %gather3A_948, %get3A_1115 : vector<16xf32>
        %add3A_1117 = arith.addf %add3A_1107, %mul3A_1116 : vector<16xf32>
        %mul3A_1118 = arith.constant 2 : i32
        %mul3A_1119 = arith.muli %scan3A_150, %mul3A_1118 : i32
        %add3A_1120 = arith.constant 1 : i32
        %add3A_1121 = arith.addi %mul3A_1119, %add3A_1120 : i32
        %swap3A_1122 = arith.constant 1 : i32
        %swap3A_1123 = arith.index_cast %swap3A_1122 : i32 to index
        %swap3A_1124 = arith.index_cast %add3A_1121 : i32 to index
        %swap3A_1125 = arith.constant 16 : index
        %swap3A_1126 = tpu.vector_load %arg9[%swap3A_1123, %swap3A_1124, %swap3A_1125] {strides = array<i32>} : memref<2x16x128xf32, #tpu.memory_space<vmem>>, vector<1x1x16xf32>,
        %swap3A_1127 = vector.shape_cast %swap3A_1126 : vector<1x1x16xf32> to vector<16xf32>
        %swap3A_1128 = vector.shape_cast %add3A_1117 : vector<16xf32> to vector<1x1x16xf32>
        tpu.vector_store %arg9[%swap3A_1123, %swap3A_1124, %swap3A_1125], %swap3A_1128 {strides = array<i32>} : memref<2x16x128xf32, #tpu.memory_space<vmem>>, vector<1x1x16xf32>,
        %add3A_1129 = arith.constant 0 : i32
        %add3A_1130 = arith.addi %mul3A_916, %add3A_1129 : i32
        %get3A_1131 = arith.constant 1 : i32
        %get3A_1132 = arith.index_cast %get3A_1131 : i32 to index
        %get3A_1133 = arith.index_cast %add3A_1130 : i32 to index
        %get3A_1134 = arith.constant 32 : index
        %get3A_1135 = tpu.vector_load %arg8[%get3A_1132, %get3A_1133, %get3A_1134] {strides = array<i32>} : memref<2x128x128xf32, #tpu.memory_space<vmem>>, vector<1x1x16xf32>,
        %get3A_1136 = vector.shape_cast %get3A_1135 : vector<1x1x16xf32> to vector<16xf32>
        %mul3A_1137 = arith.mulf %gather3A_920, %get3A_1136 : vector<16xf32>
        %add3A_1138 = arith.constant 1 : i32
        %add3A_1139 = arith.addi %mul3A_916, %add3A_1138 : i32
        %get3A_1140 = arith.constant 1 : i32
        %get3A_1141 = arith.index_cast %get3A_1140 : i32 to index
        %get3A_1142 = arith.index_cast %add3A_1139 : i32 to index
        %get3A_1143 = arith.constant 32 : index
        %get3A_1144 = tpu.vector_load %arg8[%get3A_1141, %get3A_1142, %get3A_1143] {strides = array<i32>} : memref<2x128x128xf32, #tpu.memory_space<vmem>>, vector<1x1x16xf32>,
        %get3A_1145 = vector.shape_cast %get3A_1144 : vector<1x1x16xf32> to vector<16xf32>
        %mul3A_1146 = arith.mulf %gather3A_924, %get3A_1145 : vector<16xf32>
        %add3A_1147 = arith.addf %mul3A_1137, %mul3A_1146 : vector<16xf32>
        %add3A_1148 = arith.constant 2 : i32
        %add3A_1149 = arith.addi %mul3A_916, %add3A_1148 : i32
        %get3A_1150 = arith.constant 1 : i32
        %get3A_1151 = arith.index_cast %get3A_1150 : i32 to index
        %get3A_1152 = arith.index_cast %add3A_1149 : i32 to index
        %get3A_1153 = arith.constant 32 : index
        %get3A_1154 = tpu.vector_load %arg8[%get3A_1151, %get3A_1152, %get3A_1153] {strides = array<i32>} : memref<2x128x128xf32, #tpu.memory_space<vmem>>, vector<1x1x16xf32>,
        %get3A_1155 = vector.shape_cast %get3A_1154 : vector<1x1x16xf32> to vector<16xf32>
        %mul3A_1156 = arith.mulf %gather3A_928, %get3A_1155 : vector<16xf32>
        %add3A_1157 = arith.addf %add3A_1147, %mul3A_1156 : vector<16xf32>
        %add3A_1158 = arith.constant 3 : i32
        %add3A_1159 = arith.addi %mul3A_916, %add3A_1158 : i32
        %get3A_1160 = arith.constant 1 : i32
        %get3A_1161 = arith.index_cast %get3A_1160 : i32 to index
        %get3A_1162 = arith.index_cast %add3A_1159 : i32 to index
        %get3A_1163 = arith.constant 32 : index
        %get3A_1164 = tpu.vector_load %arg8[%get3A_1161, %get3A_1162, %get3A_1163] {strides = array<i32>} : memref<2x128x128xf32, #tpu.memory_space<vmem>>, vector<1x1x16xf32>,
        %get3A_1165 = vector.shape_cast %get3A_1164 : vector<1x1x16xf32> to vector<16xf32>
        %mul3A_1166 = arith.mulf %gather3A_932, %get3A_1165 : vector<16xf32>
        %add3A_1167 = arith.addf %add3A_1157, %mul3A_1166 : vector<16xf32>
        %add3A_1168 = arith.constant 4 : i32
        %add3A_1169 = arith.addi %mul3A_916, %add3A_1168 : i32
        %get3A_1170 = arith.constant 1 : i32
        %get3A_1171 = arith.index_cast %get3A_1170 : i32 to index
        %get3A_1172 = arith.index_cast %add3A_1169 : i32 to index
        %get3A_1173 = arith.constant 32 : index
        %get3A_1174 = tpu.vector_load %arg8[%get3A_1171, %get3A_1172, %get3A_1173] {strides = array<i32>} : memref<2x128x128xf32, #tpu.memory_space<vmem>>, vector<1x1x16xf32>,
        %get3A_1175 = vector.shape_cast %get3A_1174 : vector<1x1x16xf32> to vector<16xf32>
        %mul3A_1176 = arith.mulf %gather3A_936, %get3A_1175 : vector<16xf32>
        %add3A_1177 = arith.addf %add3A_1167, %mul3A_1176 : vector<16xf32>
        %add3A_1178 = arith.constant 5 : i32
        %add3A_1179 = arith.addi %mul3A_916, %add3A_1178 : i32
        %get3A_1180 = arith.constant 1 : i32
        %get3A_1181 = arith.index_cast %get3A_1180 : i32 to index
        %get3A_1182 = arith.index_cast %add3A_1179 : i32 to index
        %get3A_1183 = arith.constant 32 : index
        %get3A_1184 = tpu.vector_load %arg8[%get3A_1181, %get3A_1182, %get3A_1183] {strides = array<i32>} : memref<2x128x128xf32, #tpu.memory_space<vmem>>, vector<1x1x16xf32>,
        %get3A_1185 = vector.shape_cast %get3A_1184 : vector<1x1x16xf32> to vector<16xf32>
        %mul3A_1186 = arith.mulf %gather3A_940, %get3A_1185 : vector<16xf32>
        %add3A_1187 = arith.addf %add3A_1177, %mul3A_1186 : vector<16xf32>
        %add3A_1188 = arith.constant 6 : i32
        %add3A_1189 = arith.addi %mul3A_916, %add3A_1188 : i32
        %get3A_1190 = arith.constant 1 : i32
        %get3A_1191 = arith.index_cast %get3A_1190 : i32 to index
        %get3A_1192 = arith.index_cast %add3A_1189 : i32 to index
        %get3A_1193 = arith.constant 32 : index
        %get3A_1194 = tpu.vector_load %arg8[%get3A_1191, %get3A_1192, %get3A_1193] {strides = array<i32>} : memref<2x128x128xf32, #tpu.memory_space<vmem>>, vector<1x1x16xf32>,
        %get3A_1195 = vector.shape_cast %get3A_1194 : vector<1x1x16xf32> to vector<16xf32>
        %mul3A_1196 = arith.mulf %gather3A_944, %get3A_1195 : vector<16xf32>
        %add3A_1197 = arith.addf %add3A_1187, %mul3A_1196 : vector<16xf32>
        %add3A_1198 = arith.constant 7 : i32
        %add3A_1199 = arith.addi %mul3A_916, %add3A_1198 : i32
        %get3A_1200 = arith.constant 1 : i32
        %get3A_1201 = arith.index_cast %get3A_1200 : i32 to index
        %get3A_1202 = arith.index_cast %add3A_1199 : i32 to index
        %get3A_1203 = arith.constant 32 : index
        %get3A_1204 = tpu.vector_load %arg8[%get3A_1201, %get3A_1202, %get3A_1203] {strides = array<i32>} : memref<2x128x128xf32, #tpu.memory_space<vmem>>, vector<1x1x16xf32>,
        %get3A_1205 = vector.shape_cast %get3A_1204 : vector<1x1x16xf32> to vector<16xf32>
        %mul3A_1206 = arith.mulf %gather3A_948, %get3A_1205 : vector<16xf32>
        %add3A_1207 = arith.addf %add3A_1197, %mul3A_1206 : vector<16xf32>
        %mul3A_1208 = arith.constant 2 : i32
        %mul3A_1209 = arith.muli %scan3A_150, %mul3A_1208 : i32
        %add3A_1210 = arith.constant 1 : i32
        %add3A_1211 = arith.addi %mul3A_1209, %add3A_1210 : i32
        %swap3A_1212 = arith.constant 1 : i32
        %swap3A_1213 = arith.index_cast %swap3A_1212 : i32 to index
        %swap3A_1214 = arith.index_cast %add3A_1211 : i32 to index
        %swap3A_1215 = arith.constant 32 : index
        %swap3A_1216 = tpu.vector_load %arg9[%swap3A_1213, %swap3A_1214, %swap3A_1215] {strides = array<i32>} : memref<2x16x128xf32, #tpu.memory_space<vmem>>, vector<1x1x16xf32>,
        %swap3A_1217 = vector.shape_cast %swap3A_1216 : vector<1x1x16xf32> to vector<16xf32>
        %swap3A_1218 = vector.shape_cast %add3A_1207 : vector<16xf32> to vector<1x1x16xf32>
        tpu.vector_store %arg9[%swap3A_1213, %swap3A_1214, %swap3A_1215], %swap3A_1218 {strides = array<i32>} : memref<2x16x128xf32, #tpu.memory_space<vmem>>, vector<1x1x16xf32>,
        %add3A_1219 = arith.constant 0 : i32
        %add3A_1220 = arith.addi %mul3A_916, %add3A_1219 : i32
        %get3A_1221 = arith.constant 1 : i32
        %get3A_1222 = arith.index_cast %get3A_1221 : i32 to index
        %get3A_1223 = arith.index_cast %add3A_1220 : i32 to index
        %get3A_1224 = arith.constant 48 : index
        %get3A_1225 = tpu.vector_load %arg8[%get3A_1222, %get3A_1223, %get3A_1224] {strides = array<i32>} : memref<2x128x128xf32, #tpu.memory_space<vmem>>, vector<1x1x16xf32>,
        %get3A_1226 = vector.shape_cast %get3A_1225 : vector<1x1x16xf32> to vector<16xf32>
        %mul3A_1227 = arith.mulf %gather3A_920, %get3A_1226 : vector<16xf32>
        %add3A_1228 = arith.constant 1 : i32
        %add3A_1229 = arith.addi %mul3A_916, %add3A_1228 : i32
        %get3A_1230 = arith.constant 1 : i32
        %get3A_1231 = arith.index_cast %get3A_1230 : i32 to index
        %get3A_1232 = arith.index_cast %add3A_1229 : i32 to index
        %get3A_1233 = arith.constant 48 : index
        %get3A_1234 = tpu.vector_load %arg8[%get3A_1231, %get3A_1232, %get3A_1233] {strides = array<i32>} : memref<2x128x128xf32, #tpu.memory_space<vmem>>, vector<1x1x16xf32>,
        %get3A_1235 = vector.shape_cast %get3A_1234 : vector<1x1x16xf32> to vector<16xf32>
        %mul3A_1236 = arith.mulf %gather3A_924, %get3A_1235 : vector<16xf32>
        %add3A_1237 = arith.addf %mul3A_1227, %mul3A_1236 : vector<16xf32>
        %add3A_1238 = arith.constant 2 : i32
        %add3A_1239 = arith.addi %mul3A_916, %add3A_1238 : i32
        %get3A_1240 = arith.constant 1 : i32
        %get3A_1241 = arith.index_cast %get3A_1240 : i32 to index
        %get3A_1242 = arith.index_cast %add3A_1239 : i32 to index
        %get3A_1243 = arith.constant 48 : index
        %get3A_1244 = tpu.vector_load %arg8[%get3A_1241, %get3A_1242, %get3A_1243] {strides = array<i32>} : memref<2x128x128xf32, #tpu.memory_space<vmem>>, vector<1x1x16xf32>,
        %get3A_1245 = vector.shape_cast %get3A_1244 : vector<1x1x16xf32> to vector<16xf32>
        %mul3A_1246 = arith.mulf %gather3A_928, %get3A_1245 : vector<16xf32>
        %add3A_1247 = arith.addf %add3A_1237, %mul3A_1246 : vector<16xf32>
        %add3A_1248 = arith.constant 3 : i32
        %add3A_1249 = arith.addi %mul3A_916, %add3A_1248 : i32
        %get3A_1250 = arith.constant 1 : i32
        %get3A_1251 = arith.index_cast %get3A_1250 : i32 to index
        %get3A_1252 = arith.index_cast %add3A_1249 : i32 to index
        %get3A_1253 = arith.constant 48 : index
        %get3A_1254 = tpu.vector_load %arg8[%get3A_1251, %get3A_1252, %get3A_1253] {strides = array<i32>} : memref<2x128x128xf32, #tpu.memory_space<vmem>>, vector<1x1x16xf32>,
        %get3A_1255 = vector.shape_cast %get3A_1254 : vector<1x1x16xf32> to vector<16xf32>
        %mul3A_1256 = arith.mulf %gather3A_932, %get3A_1255 : vector<16xf32>
        %add3A_1257 = arith.addf %add3A_1247, %mul3A_1256 : vector<16xf32>
        %add3A_1258 = arith.constant 4 : i32
        %add3A_1259 = arith.addi %mul3A_916, %add3A_1258 : i32
        %get3A_1260 = arith.constant 1 : i32
        %get3A_1261 = arith.index_cast %get3A_1260 : i32 to index
        %get3A_1262 = arith.index_cast %add3A_1259 : i32 to index
        %get3A_1263 = arith.constant 48 : index
        %get3A_1264 = tpu.vector_load %arg8[%get3A_1261, %get3A_1262, %get3A_1263] {strides = array<i32>} : memref<2x128x128xf32, #tpu.memory_space<vmem>>, vector<1x1x16xf32>,
        %get3A_1265 = vector.shape_cast %get3A_1264 : vector<1x1x16xf32> to vector<16xf32>
        %mul3A_1266 = arith.mulf %gather3A_936, %get3A_1265 : vector<16xf32>
        %add3A_1267 = arith.addf %add3A_1257, %mul3A_1266 : vector<16xf32>
        %add3A_1268 = arith.constant 5 : i32
        %add3A_1269 = arith.addi %mul3A_916, %add3A_1268 : i32
        %get3A_1270 = arith.constant 1 : i32
        %get3A_1271 = arith.index_cast %get3A_1270 : i32 to index
        %get3A_1272 = arith.index_cast %add3A_1269 : i32 to index
        %get3A_1273 = arith.constant 48 : index
        %get3A_1274 = tpu.vector_load %arg8[%get3A_1271, %get3A_1272, %get3A_1273] {strides = array<i32>} : memref<2x128x128xf32, #tpu.memory_space<vmem>>, vector<1x1x16xf32>,
        %get3A_1275 = vector.shape_cast %get3A_1274 : vector<1x1x16xf32> to vector<16xf32>
        %mul3A_1276 = arith.mulf %gather3A_940, %get3A_1275 : vector<16xf32>
        %add3A_1277 = arith.addf %add3A_1267, %mul3A_1276 : vector<16xf32>
        %add3A_1278 = arith.constant 6 : i32
        %add3A_1279 = arith.addi %mul3A_916, %add3A_1278 : i32
        %get3A_1280 = arith.constant 1 : i32
        %get3A_1281 = arith.index_cast %get3A_1280 : i32 to index
        %get3A_1282 = arith.index_cast %add3A_1279 : i32 to index
        %get3A_1283 = arith.constant 48 : index
        %get3A_1284 = tpu.vector_load %arg8[%get3A_1281, %get3A_1282, %get3A_1283] {strides = array<i32>} : memref<2x128x128xf32, #tpu.memory_space<vmem>>, vector<1x1x16xf32>,
        %get3A_1285 = vector.shape_cast %get3A_1284 : vector<1x1x16xf32> to vector<16xf32>
        %mul3A_1286 = arith.mulf %gather3A_944, %get3A_1285 : vector<16xf32>
        %add3A_1287 = arith.addf %add3A_1277, %mul3A_1286 : vector<16xf32>
        %add3A_1288 = arith.constant 7 : i32
        %add3A_1289 = arith.addi %mul3A_916, %add3A_1288 : i32
        %get3A_1290 = arith.constant 1 : i32
        %get3A_1291 = arith.index_cast %get3A_1290 : i32 to index
        %get3A_1292 = arith.index_cast %add3A_1289 : i32 to index
        %get3A_1293 = arith.constant 48 : index
        %get3A_1294 = tpu.vector_load %arg8[%get3A_1291, %get3A_1292, %get3A_1293] {strides = array<i32>} : memref<2x128x128xf32, #tpu.memory_space<vmem>>, vector<1x1x16xf32>,
        %get3A_1295 = vector.shape_cast %get3A_1294 : vector<1x1x16xf32> to vector<16xf32>
        %mul3A_1296 = arith.mulf %gather3A_948, %get3A_1295 : vector<16xf32>
        %add3A_1297 = arith.addf %add3A_1287, %mul3A_1296 : vector<16xf32>
        %mul3A_1298 = arith.constant 2 : i32
        %mul3A_1299 = arith.muli %scan3A_150, %mul3A_1298 : i32
        %add3A_1300 = arith.constant 1 : i32
        %add3A_1301 = arith.addi %mul3A_1299, %add3A_1300 : i32
        %swap3A_1302 = arith.constant 1 : i32
        %swap3A_1303 = arith.index_cast %swap3A_1302 : i32 to index
        %swap3A_1304 = arith.index_cast %add3A_1301 : i32 to index
        %swap3A_1305 = arith.constant 48 : index
        %swap3A_1306 = tpu.vector_load %arg9[%swap3A_1303, %swap3A_1304, %swap3A_1305] {strides = array<i32>} : memref<2x16x128xf32, #tpu.memory_space<vmem>>, vector<1x1x16xf32>,
        %swap3A_1307 = vector.shape_cast %swap3A_1306 : vector<1x1x16xf32> to vector<16xf32>
        %swap3A_1308 = vector.shape_cast %add3A_1297 : vector<16xf32> to vector<1x1x16xf32>
        tpu.vector_store %arg9[%swap3A_1303, %swap3A_1304, %swap3A_1305], %swap3A_1308 {strides = array<i32>} : memref<2x16x128xf32, #tpu.memory_space<vmem>>, vector<1x1x16xf32>,
        %add3A_1309 = arith.constant 0 : i32
        %add3A_1310 = arith.addi %mul3A_916, %add3A_1309 : i32
        %get3A_1311 = arith.constant 1 : i32
        %get3A_1312 = arith.index_cast %get3A_1311 : i32 to index
        %get3A_1313 = arith.index_cast %add3A_1310 : i32 to index
        %get3A_1314 = arith.constant 64 : index
        %get3A_1315 = tpu.vector_load %arg8[%get3A_1312, %get3A_1313, %get3A_1314] {strides = array<i32>} : memref<2x128x128xf32, #tpu.memory_space<vmem>>, vector<1x1x16xf32>,
        %get3A_1316 = vector.shape_cast %get3A_1315 : vector<1x1x16xf32> to vector<16xf32>
        %mul3A_1317 = arith.mulf %gather3A_920, %get3A_1316 : vector<16xf32>
        %add3A_1318 = arith.constant 1 : i32
        %add3A_1319 = arith.addi %mul3A_916, %add3A_1318 : i32
        %get3A_1320 = arith.constant 1 : i32
        %get3A_1321 = arith.index_cast %get3A_1320 : i32 to index
        %get3A_1322 = arith.index_cast %add3A_1319 : i32 to index
        %get3A_1323 = arith.constant 64 : index
        %get3A_1324 = tpu.vector_load %arg8[%get3A_1321, %get3A_1322, %get3A_1323] {strides = array<i32>} : memref<2x128x128xf32, #tpu.memory_space<vmem>>, vector<1x1x16xf32>,
        %get3A_1325 = vector.shape_cast %get3A_1324 : vector<1x1x16xf32> to vector<16xf32>
        %mul3A_1326 = arith.mulf %gather3A_924, %get3A_1325 : vector<16xf32>
        %add3A_1327 = arith.addf %mul3A_1317, %mul3A_1326 : vector<16xf32>
        %add3A_1328 = arith.constant 2 : i32
        %add3A_1329 = arith.addi %mul3A_916, %add3A_1328 : i32
        %get3A_1330 = arith.constant 1 : i32
        %get3A_1331 = arith.index_cast %get3A_1330 : i32 to index
        %get3A_1332 = arith.index_cast %add3A_1329 : i32 to index
        %get3A_1333 = arith.constant 64 : index
        %get3A_1334 = tpu.vector_load %arg8[%get3A_1331, %get3A_1332, %get3A_1333] {strides = array<i32>} : memref<2x128x128xf32, #tpu.memory_space<vmem>>, vector<1x1x16xf32>,
        %get3A_1335 = vector.shape_cast %get3A_1334 : vector<1x1x16xf32> to vector<16xf32>
        %mul3A_1336 = arith.mulf %gather3A_928, %get3A_1335 : vector<16xf32>
        %add3A_1337 = arith.addf %add3A_1327, %mul3A_1336 : vector<16xf32>
        %add3A_1338 = arith.constant 3 : i32
        %add3A_1339 = arith.addi %mul3A_916, %add3A_1338 : i32
        %get3A_1340 = arith.constant 1 : i32
        %get3A_1341 = arith.index_cast %get3A_1340 : i32 to index
        %get3A_1342 = arith.index_cast %add3A_1339 : i32 to index
        %get3A_1343 = arith.constant 64 : index
        %get3A_1344 = tpu.vector_load %arg8[%get3A_1341, %get3A_1342, %get3A_1343] {strides = array<i32>} : memref<2x128x128xf32, #tpu.memory_space<vmem>>, vector<1x1x16xf32>,
        %get3A_1345 = vector.shape_cast %get3A_1344 : vector<1x1x16xf32> to vector<16xf32>
        %mul3A_1346 = arith.mulf %gather3A_932, %get3A_1345 : vector<16xf32>
        %add3A_1347 = arith.addf %add3A_1337, %mul3A_1346 : vector<16xf32>
        %add3A_1348 = arith.constant 4 : i32
        %add3A_1349 = arith.addi %mul3A_916, %add3A_1348 : i32
        %get3A_1350 = arith.constant 1 : i32
        %get3A_1351 = arith.index_cast %get3A_1350 : i32 to index
        %get3A_1352 = arith.index_cast %add3A_1349 : i32 to index
        %get3A_1353 = arith.constant 64 : index
        %get3A_1354 = tpu.vector_load %arg8[%get3A_1351, %get3A_1352, %get3A_1353] {strides = array<i32>} : memref<2x128x128xf32, #tpu.memory_space<vmem>>, vector<1x1x16xf32>,
        %get3A_1355 = vector.shape_cast %get3A_1354 : vector<1x1x16xf32> to vector<16xf32>
        %mul3A_1356 = arith.mulf %gather3A_936, %get3A_1355 : vector<16xf32>
        %add3A_1357 = arith.addf %add3A_1347, %mul3A_1356 : vector<16xf32>
        %add3A_1358 = arith.constant 5 : i32
        %add3A_1359 = arith.addi %mul3A_916, %add3A_1358 : i32
        %get3A_1360 = arith.constant 1 : i32
        %get3A_1361 = arith.index_cast %get3A_1360 : i32 to index
        %get3A_1362 = arith.index_cast %add3A_1359 : i32 to index
        %get3A_1363 = arith.constant 64 : index
        %get3A_1364 = tpu.vector_load %arg8[%get3A_1361, %get3A_1362, %get3A_1363] {strides = array<i32>} : memref<2x128x128xf32, #tpu.memory_space<vmem>>, vector<1x1x16xf32>,
        %get3A_1365 = vector.shape_cast %get3A_1364 : vector<1x1x16xf32> to vector<16xf32>
        %mul3A_1366 = arith.mulf %gather3A_940, %get3A_1365 : vector<16xf32>
        %add3A_1367 = arith.addf %add3A_1357, %mul3A_1366 : vector<16xf32>
        %add3A_1368 = arith.constant 6 : i32
        %add3A_1369 = arith.addi %mul3A_916, %add3A_1368 : i32
        %get3A_1370 = arith.constant 1 : i32
        %get3A_1371 = arith.index_cast %get3A_1370 : i32 to index
        %get3A_1372 = arith.index_cast %add3A_1369 : i32 to index
        %get3A_1373 = arith.constant 64 : index
        %get3A_1374 = tpu.vector_load %arg8[%get3A_1371, %get3A_1372, %get3A_1373] {strides = array<i32>} : memref<2x128x128xf32, #tpu.memory_space<vmem>>, vector<1x1x16xf32>,
        %get3A_1375 = vector.shape_cast %get3A_1374 : vector<1x1x16xf32> to vector<16xf32>
        %mul3A_1376 = arith.mulf %gather3A_944, %get3A_1375 : vector<16xf32>
        %add3A_1377 = arith.addf %add3A_1367, %mul3A_1376 : vector<16xf32>
        %add3A_1378 = arith.constant 7 : i32
        %add3A_1379 = arith.addi %mul3A_916, %add3A_1378 : i32
        %get3A_1380 = arith.constant 1 : i32
        %get3A_1381 = arith.index_cast %get3A_1380 : i32 to index
        %get3A_1382 = arith.index_cast %add3A_1379 : i32 to index
        %get3A_1383 = arith.constant 64 : index
        %get3A_1384 = tpu.vector_load %arg8[%get3A_1381, %get3A_1382, %get3A_1383] {strides = array<i32>} : memref<2x128x128xf32, #tpu.memory_space<vmem>>, vector<1x1x16xf32>,
        %get3A_1385 = vector.shape_cast %get3A_1384 : vector<1x1x16xf32> to vector<16xf32>
        %mul3A_1386 = arith.mulf %gather3A_948, %get3A_1385 : vector<16xf32>
        %add3A_1387 = arith.addf %add3A_1377, %mul3A_1386 : vector<16xf32>
        %mul3A_1388 = arith.constant 2 : i32
        %mul3A_1389 = arith.muli %scan3A_150, %mul3A_1388 : i32
        %add3A_1390 = arith.constant 1 : i32
        %add3A_1391 = arith.addi %mul3A_1389, %add3A_1390 : i32
        %swap3A_1392 = arith.constant 1 : i32
        %swap3A_1393 = arith.index_cast %swap3A_1392 : i32 to index
        %swap3A_1394 = arith.index_cast %add3A_1391 : i32 to index
        %swap3A_1395 = arith.constant 64 : index
        %swap3A_1396 = tpu.vector_load %arg9[%swap3A_1393, %swap3A_1394, %swap3A_1395] {strides = array<i32>} : memref<2x16x128xf32, #tpu.memory_space<vmem>>, vector<1x1x16xf32>,
        %swap3A_1397 = vector.shape_cast %swap3A_1396 : vector<1x1x16xf32> to vector<16xf32>
        %swap3A_1398 = vector.shape_cast %add3A_1387 : vector<16xf32> to vector<1x1x16xf32>
        tpu.vector_store %arg9[%swap3A_1393, %swap3A_1394, %swap3A_1395], %swap3A_1398 {strides = array<i32>} : memref<2x16x128xf32, #tpu.memory_space<vmem>>, vector<1x1x16xf32>,
        %add3A_1399 = arith.constant 0 : i32
        %add3A_1400 = arith.addi %mul3A_916, %add3A_1399 : i32
        %get3A_1401 = arith.constant 1 : i32
        %get3A_1402 = arith.index_cast %get3A_1401 : i32 to index
        %get3A_1403 = arith.index_cast %add3A_1400 : i32 to index
        %get3A_1404 = arith.constant 80 : index
        %get3A_1405 = tpu.vector_load %arg8[%get3A_1402, %get3A_1403, %get3A_1404] {strides = array<i32>} : memref<2x128x128xf32, #tpu.memory_space<vmem>>, vector<1x1x16xf32>,
        %get3A_1406 = vector.shape_cast %get3A_1405 : vector<1x1x16xf32> to vector<16xf32>
        %mul3A_1407 = arith.mulf %gather3A_920, %get3A_1406 : vector<16xf32>
        %add3A_1408 = arith.constant 1 : i32
        %add3A_1409 = arith.addi %mul3A_916, %add3A_1408 : i32
        %get3A_1410 = arith.constant 1 : i32
        %get3A_1411 = arith.index_cast %get3A_1410 : i32 to index
        %get3A_1412 = arith.index_cast %add3A_1409 : i32 to index
        %get3A_1413 = arith.constant 80 : index
        %get3A_1414 = tpu.vector_load %arg8[%get3A_1411, %get3A_1412, %get3A_1413] {strides = array<i32>} : memref<2x128x128xf32, #tpu.memory_space<vmem>>, vector<1x1x16xf32>,
        %get3A_1415 = vector.shape_cast %get3A_1414 : vector<1x1x16xf32> to vector<16xf32>
        %mul3A_1416 = arith.mulf %gather3A_924, %get3A_1415 : vector<16xf32>
        %add3A_1417 = arith.addf %mul3A_1407, %mul3A_1416 : vector<16xf32>
        %add3A_1418 = arith.constant 2 : i32
        %add3A_1419 = arith.addi %mul3A_916, %add3A_1418 : i32
        %get3A_1420 = arith.constant 1 : i32
        %get3A_1421 = arith.index_cast %get3A_1420 : i32 to index
        %get3A_1422 = arith.index_cast %add3A_1419 : i32 to index
        %get3A_1423 = arith.constant 80 : index
        %get3A_1424 = tpu.vector_load %arg8[%get3A_1421, %get3A_1422, %get3A_1423] {strides = array<i32>} : memref<2x128x128xf32, #tpu.memory_space<vmem>>, vector<1x1x16xf32>,
        %get3A_1425 = vector.shape_cast %get3A_1424 : vector<1x1x16xf32> to vector<16xf32>
        %mul3A_1426 = arith.mulf %gather3A_928, %get3A_1425 : vector<16xf32>
        %add3A_1427 = arith.addf %add3A_1417, %mul3A_1426 : vector<16xf32>
        %add3A_1428 = arith.constant 3 : i32
        %add3A_1429 = arith.addi %mul3A_916, %add3A_1428 : i32
        %get3A_1430 = arith.constant 1 : i32
        %get3A_1431 = arith.index_cast %get3A_1430 : i32 to index
        %get3A_1432 = arith.index_cast %add3A_1429 : i32 to index
        %get3A_1433 = arith.constant 80 : index
        %get3A_1434 = tpu.vector_load %arg8[%get3A_1431, %get3A_1432, %get3A_1433] {strides = array<i32>} : memref<2x128x128xf32, #tpu.memory_space<vmem>>, vector<1x1x16xf32>,
        %get3A_1435 = vector.shape_cast %get3A_1434 : vector<1x1x16xf32> to vector<16xf32>
        %mul3A_1436 = arith.mulf %gather3A_932, %get3A_1435 : vector<16xf32>
        %add3A_1437 = arith.addf %add3A_1427, %mul3A_1436 : vector<16xf32>
        %add3A_1438 = arith.constant 4 : i32
        %add3A_1439 = arith.addi %mul3A_916, %add3A_1438 : i32
        %get3A_1440 = arith.constant 1 : i32
        %get3A_1441 = arith.index_cast %get3A_1440 : i32 to index
        %get3A_1442 = arith.index_cast %add3A_1439 : i32 to index
        %get3A_1443 = arith.constant 80 : index
        %get3A_1444 = tpu.vector_load %arg8[%get3A_1441, %get3A_1442, %get3A_1443] {strides = array<i32>} : memref<2x128x128xf32, #tpu.memory_space<vmem>>, vector<1x1x16xf32>,
        %get3A_1445 = vector.shape_cast %get3A_1444 : vector<1x1x16xf32> to vector<16xf32>
        %mul3A_1446 = arith.mulf %gather3A_936, %get3A_1445 : vector<16xf32>
        %add3A_1447 = arith.addf %add3A_1437, %mul3A_1446 : vector<16xf32>
        %add3A_1448 = arith.constant 5 : i32
        %add3A_1449 = arith.addi %mul3A_916, %add3A_1448 : i32
        %get3A_1450 = arith.constant 1 : i32
        %get3A_1451 = arith.index_cast %get3A_1450 : i32 to index
        %get3A_1452 = arith.index_cast %add3A_1449 : i32 to index
        %get3A_1453 = arith.constant 80 : index
        %get3A_1454 = tpu.vector_load %arg8[%get3A_1451, %get3A_1452, %get3A_1453] {strides = array<i32>} : memref<2x128x128xf32, #tpu.memory_space<vmem>>, vector<1x1x16xf32>,
        %get3A_1455 = vector.shape_cast %get3A_1454 : vector<1x1x16xf32> to vector<16xf32>
        %mul3A_1456 = arith.mulf %gather3A_940, %get3A_1455 : vector<16xf32>
        %add3A_1457 = arith.addf %add3A_1447, %mul3A_1456 : vector<16xf32>
        %add3A_1458 = arith.constant 6 : i32
        %add3A_1459 = arith.addi %mul3A_916, %add3A_1458 : i32
        %get3A_1460 = arith.constant 1 : i32
        %get3A_1461 = arith.index_cast %get3A_1460 : i32 to index
        %get3A_1462 = arith.index_cast %add3A_1459 : i32 to index
        %get3A_1463 = arith.constant 80 : index
        %get3A_1464 = tpu.vector_load %arg8[%get3A_1461, %get3A_1462, %get3A_1463] {strides = array<i32>} : memref<2x128x128xf32, #tpu.memory_space<vmem>>, vector<1x1x16xf32>,
        %get3A_1465 = vector.shape_cast %get3A_1464 : vector<1x1x16xf32> to vector<16xf32>
        %mul3A_1466 = arith.mulf %gather3A_944, %get3A_1465 : vector<16xf32>
        %add3A_1467 = arith.addf %add3A_1457, %mul3A_1466 : vector<16xf32>
        %add3A_1468 = arith.constant 7 : i32
        %add3A_1469 = arith.addi %mul3A_916, %add3A_1468 : i32
        %get3A_1470 = arith.constant 1 : i32
        %get3A_1471 = arith.index_cast %get3A_1470 : i32 to index
        %get3A_1472 = arith.index_cast %add3A_1469 : i32 to index
        %get3A_1473 = arith.constant 80 : index
        %get3A_1474 = tpu.vector_load %arg8[%get3A_1471, %get3A_1472, %get3A_1473] {strides = array<i32>} : memref<2x128x128xf32, #tpu.memory_space<vmem>>, vector<1x1x16xf32>,
        %get3A_1475 = vector.shape_cast %get3A_1474 : vector<1x1x16xf32> to vector<16xf32>
        %mul3A_1476 = arith.mulf %gather3A_948, %get3A_1475 : vector<16xf32>
        %add3A_1477 = arith.addf %add3A_1467, %mul3A_1476 : vector<16xf32>
        %mul3A_1478 = arith.constant 2 : i32
        %mul3A_1479 = arith.muli %scan3A_150, %mul3A_1478 : i32
        %add3A_1480 = arith.constant 1 : i32
        %add3A_1481 = arith.addi %mul3A_1479, %add3A_1480 : i32
        %swap3A_1482 = arith.constant 1 : i32
        %swap3A_1483 = arith.index_cast %swap3A_1482 : i32 to index
        %swap3A_1484 = arith.index_cast %add3A_1481 : i32 to index
        %swap3A_1485 = arith.constant 80 : index
        %swap3A_1486 = tpu.vector_load %arg9[%swap3A_1483, %swap3A_1484, %swap3A_1485] {strides = array<i32>} : memref<2x16x128xf32, #tpu.memory_space<vmem>>, vector<1x1x16xf32>,
        %swap3A_1487 = vector.shape_cast %swap3A_1486 : vector<1x1x16xf32> to vector<16xf32>
        %swap3A_1488 = vector.shape_cast %add3A_1477 : vector<16xf32> to vector<1x1x16xf32>
        tpu.vector_store %arg9[%swap3A_1483, %swap3A_1484, %swap3A_1485], %swap3A_1488 {strides = array<i32>} : memref<2x16x128xf32, #tpu.memory_space<vmem>>, vector<1x1x16xf32>,
        %add3A_1489 = arith.constant 0 : i32
        %add3A_1490 = arith.addi %mul3A_916, %add3A_1489 : i32
        %get3A_1491 = arith.constant 1 : i32
        %get3A_1492 = arith.index_cast %get3A_1491 : i32 to index
        %get3A_1493 = arith.index_cast %add3A_1490 : i32 to index
        %get3A_1494 = arith.constant 96 : index
        %get3A_1495 = tpu.vector_load %arg8[%get3A_1492, %get3A_1493, %get3A_1494] {strides = array<i32>} : memref<2x128x128xf32, #tpu.memory_space<vmem>>, vector<1x1x16xf32>,
        %get3A_1496 = vector.shape_cast %get3A_1495 : vector<1x1x16xf32> to vector<16xf32>
        %mul3A_1497 = arith.mulf %gather3A_920, %get3A_1496 : vector<16xf32>
        %add3A_1498 = arith.constant 1 : i32
        %add3A_1499 = arith.addi %mul3A_916, %add3A_1498 : i32
        %get3A_1500 = arith.constant 1 : i32
        %get3A_1501 = arith.index_cast %get3A_1500 : i32 to index
        %get3A_1502 = arith.index_cast %add3A_1499 : i32 to index
        %get3A_1503 = arith.constant 96 : index
        %get3A_1504 = tpu.vector_load %arg8[%get3A_1501, %get3A_1502, %get3A_1503] {strides = array<i32>} : memref<2x128x128xf32, #tpu.memory_space<vmem>>, vector<1x1x16xf32>,
        %get3A_1505 = vector.shape_cast %get3A_1504 : vector<1x1x16xf32> to vector<16xf32>
        %mul3A_1506 = arith.mulf %gather3A_924, %get3A_1505 : vector<16xf32>
        %add3A_1507 = arith.addf %mul3A_1497, %mul3A_1506 : vector<16xf32>
        %add3A_1508 = arith.constant 2 : i32
        %add3A_1509 = arith.addi %mul3A_916, %add3A_1508 : i32
        %get3A_1510 = arith.constant 1 : i32
        %get3A_1511 = arith.index_cast %get3A_1510 : i32 to index
        %get3A_1512 = arith.index_cast %add3A_1509 : i32 to index
        %get3A_1513 = arith.constant 96 : index
        %get3A_1514 = tpu.vector_load %arg8[%get3A_1511, %get3A_1512, %get3A_1513] {strides = array<i32>} : memref<2x128x128xf32, #tpu.memory_space<vmem>>, vector<1x1x16xf32>,
        %get3A_1515 = vector.shape_cast %get3A_1514 : vector<1x1x16xf32> to vector<16xf32>
        %mul3A_1516 = arith.mulf %gather3A_928, %get3A_1515 : vector<16xf32>
        %add3A_1517 = arith.addf %add3A_1507, %mul3A_1516 : vector<16xf32>
        %add3A_1518 = arith.constant 3 : i32
        %add3A_1519 = arith.addi %mul3A_916, %add3A_1518 : i32
        %get3A_1520 = arith.constant 1 : i32
        %get3A_1521 = arith.index_cast %get3A_1520 : i32 to index
        %get3A_1522 = arith.index_cast %add3A_1519 : i32 to index
        %get3A_1523 = arith.constant 96 : index
        %get3A_1524 = tpu.vector_load %arg8[%get3A_1521, %get3A_1522, %get3A_1523] {strides = array<i32>} : memref<2x128x128xf32, #tpu.memory_space<vmem>>, vector<1x1x16xf32>,
        %get3A_1525 = vector.shape_cast %get3A_1524 : vector<1x1x16xf32> to vector<16xf32>
        %mul3A_1526 = arith.mulf %gather3A_932, %get3A_1525 : vector<16xf32>
        %add3A_1527 = arith.addf %add3A_1517, %mul3A_1526 : vector<16xf32>
        %add3A_1528 = arith.constant 4 : i32
        %add3A_1529 = arith.addi %mul3A_916, %add3A_1528 : i32
        %get3A_1530 = arith.constant 1 : i32
        %get3A_1531 = arith.index_cast %get3A_1530 : i32 to index
        %get3A_1532 = arith.index_cast %add3A_1529 : i32 to index
        %get3A_1533 = arith.constant 96 : index
        %get3A_1534 = tpu.vector_load %arg8[%get3A_1531, %get3A_1532, %get3A_1533] {strides = array<i32>} : memref<2x128x128xf32, #tpu.memory_space<vmem>>, vector<1x1x16xf32>,
        %get3A_1535 = vector.shape_cast %get3A_1534 : vector<1x1x16xf32> to vector<16xf32>
        %mul3A_1536 = arith.mulf %gather3A_936, %get3A_1535 : vector<16xf32>
        %add3A_1537 = arith.addf %add3A_1527, %mul3A_1536 : vector<16xf32>
        %add3A_1538 = arith.constant 5 : i32
        %add3A_1539 = arith.addi %mul3A_916, %add3A_1538 : i32
        %get3A_1540 = arith.constant 1 : i32
        %get3A_1541 = arith.index_cast %get3A_1540 : i32 to index
        %get3A_1542 = arith.index_cast %add3A_1539 : i32 to index
        %get3A_1543 = arith.constant 96 : index
        %get3A_1544 = tpu.vector_load %arg8[%get3A_1541, %get3A_1542, %get3A_1543] {strides = array<i32>} : memref<2x128x128xf32, #tpu.memory_space<vmem>>, vector<1x1x16xf32>,
        %get3A_1545 = vector.shape_cast %get3A_1544 : vector<1x1x16xf32> to vector<16xf32>
        %mul3A_1546 = arith.mulf %gather3A_940, %get3A_1545 : vector<16xf32>
        %add3A_1547 = arith.addf %add3A_1537, %mul3A_1546 : vector<16xf32>
        %add3A_1548 = arith.constant 6 : i32
        %add3A_1549 = arith.addi %mul3A_916, %add3A_1548 : i32
        %get3A_1550 = arith.constant 1 : i32
        %get3A_1551 = arith.index_cast %get3A_1550 : i32 to index
        %get3A_1552 = arith.index_cast %add3A_1549 : i32 to index
        %get3A_1553 = arith.constant 96 : index
        %get3A_1554 = tpu.vector_load %arg8[%get3A_1551, %get3A_1552, %get3A_1553] {strides = array<i32>} : memref<2x128x128xf32, #tpu.memory_space<vmem>>, vector<1x1x16xf32>,
        %get3A_1555 = vector.shape_cast %get3A_1554 : vector<1x1x16xf32> to vector<16xf32>
        %mul3A_1556 = arith.mulf %gather3A_944, %get3A_1555 : vector<16xf32>
        %add3A_1557 = arith.addf %add3A_1547, %mul3A_1556 : vector<16xf32>
        %add3A_1558 = arith.constant 7 : i32
        %add3A_1559 = arith.addi %mul3A_916, %add3A_1558 : i32
        %get3A_1560 = arith.constant 1 : i32
        %get3A_1561 = arith.index_cast %get3A_1560 : i32 to index
        %get3A_1562 = arith.index_cast %add3A_1559 : i32 to index
        %get3A_1563 = arith.constant 96 : index
        %get3A_1564 = tpu.vector_load %arg8[%get3A_1561, %get3A_1562, %get3A_1563] {strides = array<i32>} : memref<2x128x128xf32, #tpu.memory_space<vmem>>, vector<1x1x16xf32>,
        %get3A_1565 = vector.shape_cast %get3A_1564 : vector<1x1x16xf32> to vector<16xf32>
        %mul3A_1566 = arith.mulf %gather3A_948, %get3A_1565 : vector<16xf32>
        %add3A_1567 = arith.addf %add3A_1557, %mul3A_1566 : vector<16xf32>
        %mul3A_1568 = arith.constant 2 : i32
        %mul3A_1569 = arith.muli %scan3A_150, %mul3A_1568 : i32
        %add3A_1570 = arith.constant 1 : i32
        %add3A_1571 = arith.addi %mul3A_1569, %add3A_1570 : i32
        %swap3A_1572 = arith.constant 1 : i32
        %swap3A_1573 = arith.index_cast %swap3A_1572 : i32 to index
        %swap3A_1574 = arith.index_cast %add3A_1571 : i32 to index
        %swap3A_1575 = arith.constant 96 : index
        %swap3A_1576 = tpu.vector_load %arg9[%swap3A_1573, %swap3A_1574, %swap3A_1575] {strides = array<i32>} : memref<2x16x128xf32, #tpu.memory_space<vmem>>, vector<1x1x16xf32>,
        %swap3A_1577 = vector.shape_cast %swap3A_1576 : vector<1x1x16xf32> to vector<16xf32>
        %swap3A_1578 = vector.shape_cast %add3A_1567 : vector<16xf32> to vector<1x1x16xf32>
        tpu.vector_store %arg9[%swap3A_1573, %swap3A_1574, %swap3A_1575], %swap3A_1578 {strides = array<i32>} : memref<2x16x128xf32, #tpu.memory_space<vmem>>, vector<1x1x16xf32>,
        %add3A_1579 = arith.constant 0 : i32
        %add3A_1580 = arith.addi %mul3A_916, %add3A_1579 : i32
        %get3A_1581 = arith.constant 1 : i32
        %get3A_1582 = arith.index_cast %get3A_1581 : i32 to index
        %get3A_1583 = arith.index_cast %add3A_1580 : i32 to index
        %get3A_1584 = arith.constant 112 : index
        %get3A_1585 = tpu.vector_load %arg8[%get3A_1582, %get3A_1583, %get3A_1584] {strides = array<i32>} : memref<2x128x128xf32, #tpu.memory_space<vmem>>, vector<1x1x16xf32>,
        %get3A_1586 = vector.shape_cast %get3A_1585 : vector<1x1x16xf32> to vector<16xf32>
        %mul3A_1587 = arith.mulf %gather3A_920, %get3A_1586 : vector<16xf32>
        %add3A_1588 = arith.constant 1 : i32
        %add3A_1589 = arith.addi %mul3A_916, %add3A_1588 : i32
        %get3A_1590 = arith.constant 1 : i32
        %get3A_1591 = arith.index_cast %get3A_1590 : i32 to index
        %get3A_1592 = arith.index_cast %add3A_1589 : i32 to index
        %get3A_1593 = arith.constant 112 : index
        %get3A_1594 = tpu.vector_load %arg8[%get3A_1591, %get3A_1592, %get3A_1593] {strides = array<i32>} : memref<2x128x128xf32, #tpu.memory_space<vmem>>, vector<1x1x16xf32>,
        %get3A_1595 = vector.shape_cast %get3A_1594 : vector<1x1x16xf32> to vector<16xf32>
        %mul3A_1596 = arith.mulf %gather3A_924, %get3A_1595 : vector<16xf32>
        %add3A_1597 = arith.addf %mul3A_1587, %mul3A_1596 : vector<16xf32>
        %add3A_1598 = arith.constant 2 : i32
        %add3A_1599 = arith.addi %mul3A_916, %add3A_1598 : i32
        %get3A_1600 = arith.constant 1 : i32
        %get3A_1601 = arith.index_cast %get3A_1600 : i32 to index
        %get3A_1602 = arith.index_cast %add3A_1599 : i32 to index
        %get3A_1603 = arith.constant 112 : index
        %get3A_1604 = tpu.vector_load %arg8[%get3A_1601, %get3A_1602, %get3A_1603] {strides = array<i32>} : memref<2x128x128xf32, #tpu.memory_space<vmem>>, vector<1x1x16xf32>,
        %get3A_1605 = vector.shape_cast %get3A_1604 : vector<1x1x16xf32> to vector<16xf32>
        %mul3A_1606 = arith.mulf %gather3A_928, %get3A_1605 : vector<16xf32>
        %add3A_1607 = arith.addf %add3A_1597, %mul3A_1606 : vector<16xf32>
        %add3A_1608 = arith.constant 3 : i32
        %add3A_1609 = arith.addi %mul3A_916, %add3A_1608 : i32
        %get3A_1610 = arith.constant 1 : i32
        %get3A_1611 = arith.index_cast %get3A_1610 : i32 to index
        %get3A_1612 = arith.index_cast %add3A_1609 : i32 to index
        %get3A_1613 = arith.constant 112 : index
        %get3A_1614 = tpu.vector_load %arg8[%get3A_1611, %get3A_1612, %get3A_1613] {strides = array<i32>} : memref<2x128x128xf32, #tpu.memory_space<vmem>>, vector<1x1x16xf32>,
        %get3A_1615 = vector.shape_cast %get3A_1614 : vector<1x1x16xf32> to vector<16xf32>
        %mul3A_1616 = arith.mulf %gather3A_932, %get3A_1615 : vector<16xf32>
        %add3A_1617 = arith.addf %add3A_1607, %mul3A_1616 : vector<16xf32>
        %add3A_1618 = arith.constant 4 : i32
        %add3A_1619 = arith.addi %mul3A_916, %add3A_1618 : i32
        %get3A_1620 = arith.constant 1 : i32
        %get3A_1621 = arith.index_cast %get3A_1620 : i32 to index
        %get3A_1622 = arith.index_cast %add3A_1619 : i32 to index
        %get3A_1623 = arith.constant 112 : index
        %get3A_1624 = tpu.vector_load %arg8[%get3A_1621, %get3A_1622, %get3A_1623] {strides = array<i32>} : memref<2x128x128xf32, #tpu.memory_space<vmem>>, vector<1x1x16xf32>,
        %get3A_1625 = vector.shape_cast %get3A_1624 : vector<1x1x16xf32> to vector<16xf32>
        %mul3A_1626 = arith.mulf %gather3A_936, %get3A_1625 : vector<16xf32>
        %add3A_1627 = arith.addf %add3A_1617, %mul3A_1626 : vector<16xf32>
        %add3A_1628 = arith.constant 5 : i32
        %add3A_1629 = arith.addi %mul3A_916, %add3A_1628 : i32
        %get3A_1630 = arith.constant 1 : i32
        %get3A_1631 = arith.index_cast %get3A_1630 : i32 to index
        %get3A_1632 = arith.index_cast %add3A_1629 : i32 to index
        %get3A_1633 = arith.constant 112 : index
        %get3A_1634 = tpu.vector_load %arg8[%get3A_1631, %get3A_1632, %get3A_1633] {strides = array<i32>} : memref<2x128x128xf32, #tpu.memory_space<vmem>>, vector<1x1x16xf32>,
        %get3A_1635 = vector.shape_cast %get3A_1634 : vector<1x1x16xf32> to vector<16xf32>
        %mul3A_1636 = arith.mulf %gather3A_940, %get3A_1635 : vector<16xf32>
        %add3A_1637 = arith.addf %add3A_1627, %mul3A_1636 : vector<16xf32>
        %add3A_1638 = arith.constant 6 : i32
        %add3A_1639 = arith.addi %mul3A_916, %add3A_1638 : i32
        %get3A_1640 = arith.constant 1 : i32
        %get3A_1641 = arith.index_cast %get3A_1640 : i32 to index
        %get3A_1642 = arith.index_cast %add3A_1639 : i32 to index
        %get3A_1643 = arith.constant 112 : index
        %get3A_1644 = tpu.vector_load %arg8[%get3A_1641, %get3A_1642, %get3A_1643] {strides = array<i32>} : memref<2x128x128xf32, #tpu.memory_space<vmem>>, vector<1x1x16xf32>,
        %get3A_1645 = vector.shape_cast %get3A_1644 : vector<1x1x16xf32> to vector<16xf32>
        %mul3A_1646 = arith.mulf %gather3A_944, %get3A_1645 : vector<16xf32>
        %add3A_1647 = arith.addf %add3A_1637, %mul3A_1646 : vector<16xf32>
        %add3A_1648 = arith.constant 7 : i32
        %add3A_1649 = arith.addi %mul3A_916, %add3A_1648 : i32
        %get3A_1650 = arith.constant 1 : i32
        %get3A_1651 = arith.index_cast %get3A_1650 : i32 to index
        %get3A_1652 = arith.index_cast %add3A_1649 : i32 to index
        %get3A_1653 = arith.constant 112 : index
        %get3A_1654 = tpu.vector_load %arg8[%get3A_1651, %get3A_1652, %get3A_1653] {strides = array<i32>} : memref<2x128x128xf32, #tpu.memory_space<vmem>>, vector<1x1x16xf32>,
        %get3A_1655 = vector.shape_cast %get3A_1654 : vector<1x1x16xf32> to vector<16xf32>
        %mul3A_1656 = arith.mulf %gather3A_948, %get3A_1655 : vector<16xf32>
        %add3A_1657 = arith.addf %add3A_1647, %mul3A_1656 : vector<16xf32>
        %mul3A_1658 = arith.constant 2 : i32
        %mul3A_1659 = arith.muli %scan3A_150, %mul3A_1658 : i32
        %add3A_1660 = arith.constant 1 : i32
        %add3A_1661 = arith.addi %mul3A_1659, %add3A_1660 : i32
        %swap3A_1662 = arith.constant 1 : i32
        %swap3A_1663 = arith.index_cast %swap3A_1662 : i32 to index
        %swap3A_1664 = arith.index_cast %add3A_1661 : i32 to index
        %swap3A_1665 = arith.constant 112 : index
        %swap3A_1666 = tpu.vector_load %arg9[%swap3A_1663, %swap3A_1664, %swap3A_1665] {strides = array<i32>} : memref<2x16x128xf32, #tpu.memory_space<vmem>>, vector<1x1x16xf32>,
        %swap3A_1667 = vector.shape_cast %swap3A_1666 : vector<1x1x16xf32> to vector<16xf32>
        %swap3A_1668 = vector.shape_cast %add3A_1657 : vector<16xf32> to vector<1x1x16xf32>
        tpu.vector_store %arg9[%swap3A_1663, %swap3A_1664, %swap3A_1665], %swap3A_1668 {strides = array<i32>} : memref<2x16x128xf32, #tpu.memory_space<vmem>>, vector<1x1x16xf32>,
      }
      %scan3A_130 = arith.constant 8 : i32
      %mul3A_131 = arith.constant 1152 : i32
      %mul3A_132 = arith.muli %add3A, %mul3A_131 : i32
      %mul3A_133 = arith.constant 16 : i32
      %mul3A_134 = arith.muli %add3A_52, %mul3A_133 : i32
      %add3A_135 = arith.addi %mul3A_132, %mul3A_134 : i32
      %multiple_of3A_136 = tpu.assume_multiple %add3A_135, 8 : i32
      %dma_start3A_137 = arith.constant 1 : i32
      %dma_start3A_138 = arith.constant 0 : i32
      %dma_start3A_139 = arith.constant 0 : i32
      %dma_start3A_140 = tpu.memref_slice %arg9[%dma_start3A_137, %dma_start3A_138, %dma_start3A_139] : memref<2x16x128xf32, #tpu.memory_space<vmem>> -> memref<1x16x128xf32, #tpu.memory_space<vmem>>
      %dma_start3A_141 = tpu.memref_squeeze %dma_start3A_140 : memref<1x16x128xf32, #tpu.memory_space<vmem>> -> memref<16x128xf32, #tpu.memory_space<vmem>>
      %dma_start3A_142 = arith.constant 0 : i32
      %dma_start3A_143 = tpu.memref_slice %arg5[%multiple_of3A_136, %dma_start3A_142] : memref<36864x128xf32, #tpu.memory_space<hbm>> -> memref<16x128xf32, #tpu.memory_space<hbm>>
      %dma_start3A_144 = arith.constant 0 : i32
      %dma_start3A_145 = tpu.memref_slice %arg5[%multiple_of3A_136, %dma_start3A_144] : memref<36864x128xf32, #tpu.memory_space<hbm>> -> memref<16x128xf32, #tpu.memory_space<hbm>>
      %dma_start3A_146 = arith.constant 0 : i32
      %dma_start3A_147 = arith.constant 0 : i32
      %dma_start3A_148 = tpu.memref_slice %arg9[%dma_start3A_137, %dma_start3A_146, %dma_start3A_147] : memref<2x16x128xf32, #tpu.memory_space<vmem>> -> memref<1x16x128xf32, #tpu.memory_space<vmem>>
      %dma_start3A_149 = tpu.memref_squeeze %dma_start3A_148 : memref<1x16x128xf32, #tpu.memory_space<vmem>> -> memref<16x128xf32, #tpu.memory_space<vmem>>
      tpu.enqueue_dma source(%dma_start3A_149 : memref<16x128xf32, #tpu.memory_space<vmem>>) target(%dma_start3A_145 : memref<16x128xf32, #tpu.memory_space<hbm>>) target_semaphore(%arg13 : memref<!tpu.dma_semaphore, #tpu.memory_space<semaphore_mem>>)
    }
    %scan3A_16 = arith.constant 36 : i32
    %dma_wait3A = arith.constant 0 : i32
    %dma_wait3A_17 = arith.constant 0 : i32
    %dma_wait3A_18 = arith.constant 0 : i32
    %dma_wait3A_19 = tpu.memref_slice %arg9[%dma_wait3A, %dma_wait3A_17, %dma_wait3A_18] : memref<2x16x128xf32, #tpu.memory_space<vmem>> -> memref<1x16x128xf32, #tpu.memory_space<vmem>>
    %dma_wait3A_20 = tpu.memref_squeeze %dma_wait3A_19 : memref<1x16x128xf32, #tpu.memory_space<vmem>> -> memref<16x128xf32, #tpu.memory_space<vmem>>
    %dma_wait3A_21 = arith.constant 0 : i32
    %dma_wait3A_22 = arith.constant 0 : i32
    %dma_wait3A_23 = tpu.memref_slice %arg5[%dma_wait3A_21, %dma_wait3A_22] : memref<36864x128xf32, #tpu.memory_space<hbm>> -> memref<16x128xf32, #tpu.memory_space<hbm>>
    %dma_wait3A_24 = arith.constant 0 : i32
    %dma_wait3A_25 = arith.constant 0 : i32
    %dma_wait3A_26 = tpu.memref_slice %arg5[%dma_wait3A_24, %dma_wait3A_25] : memref<36864x128xf32, #tpu.memory_space<hbm>> -> memref<16x128xf32, #tpu.memory_space<hbm>>
    %dma_wait3A_27 = arith.constant 0 : i32
    %dma_wait3A_28 = arith.constant 0 : i32
    %dma_wait3A_29 = tpu.memref_slice %arg9[%dma_wait3A, %dma_wait3A_27, %dma_wait3A_28] : memref<2x16x128xf32, #tpu.memory_space<vmem>> -> memref<1x16x128xf32, #tpu.memory_space<vmem>>
    %dma_wait3A_30 = tpu.memref_squeeze %dma_wait3A_29 : memref<1x16x128xf32, #tpu.memory_space<vmem>> -> memref<16x128xf32, #tpu.memory_space<vmem>>
    tpu.wait_dma2 semaphore(%arg12 : memref<!tpu.dma_semaphore, #tpu.memory_space<semaphore_mem>>) src(%dma_wait3A_30 : memref<16x128xf32, #tpu.memory_space<vmem>>) dst(%dma_wait3A_26 : memref<16x128xf32, #tpu.memory_space<hbm>>)
    %dma_wait3A_31 = arith.constant 1 : i32
    %dma_wait3A_32 = arith.constant 0 : i32
    %dma_wait3A_33 = arith.constant 0 : i32
    %dma_wait3A_34 = tpu.memref_slice %arg9[%dma_wait3A_31, %dma_wait3A_32, %dma_wait3A_33] : memref<2x16x128xf32, #tpu.memory_space<vmem>> -> memref<1x16x128xf32, #tpu.memory_space<vmem>>
    %dma_wait3A_35 = tpu.memref_squeeze %dma_wait3A_34 : memref<1x16x128xf32, #tpu.memory_space<vmem>> -> memref<16x128xf32, #tpu.memory_space<vmem>>
    %dma_wait3A_36 = arith.constant 0 : i32
    %dma_wait3A_37 = arith.constant 0 : i32
    %dma_wait3A_38 = tpu.memref_slice %arg5[%dma_wait3A_36, %dma_wait3A_37] : memref<36864x128xf32, #tpu.memory_space<hbm>> -> memref<16x128xf32, #tpu.memory_space<hbm>>
    %dma_wait3A_39 = arith.constant 0 : i32
    %dma_wait3A_40 = arith.constant 0 : i32
    %dma_wait3A_41 = tpu.memref_slice %arg5[%dma_wait3A_39, %dma_wait3A_40] : memref<36864x128xf32, #tpu.memory_space<hbm>> -> memref<16x128xf32, #tpu.memory_space<hbm>>
    %dma_wait3A_42 = arith.constant 0 : i32
    %dma_wait3A_43 = arith.constant 0 : i32
    %dma_wait3A_44 = tpu.memref_slice %arg9[%dma_wait3A_31, %dma_wait3A_42, %dma_wait3A_43] : memref<2x16x128xf32, #tpu.memory_space<vmem>> -> memref<1x16x128xf32, #tpu.memory_space<vmem>>
    %dma_wait3A_45 = tpu.memref_squeeze %dma_wait3A_44 : memref<1x16x128xf32, #tpu.memory_space<vmem>> -> memref<16x128xf32, #tpu.memory_space<vmem>>
    tpu.wait_dma2 semaphore(%arg13 : memref<!tpu.dma_semaphore, #tpu.memory_space<semaphore_mem>>) src(%dma_wait3A_45 : memref<16x128xf32, #tpu.memory_space<vmem>>) dst(%dma_wait3A_41 : memref<16x128xf32, #tpu.memory_space<hbm>>)
    return
  }
}

module attributes {stable_mosaic.version = 14 : i64} {
  func.func @_matmul_kernel(%arg0: i32, %arg1: memref<512x1152xf32, #tpu.memory_space<vmem>>, %arg2: memref<1024x1152xf32, #tpu.memory_space<vmem>>, %arg3: memref<512x1xf32, #tpu.memory_space<vmem>>, %arg4: memref<1x512x1024xf32, #tpu.memory_space<vmem>>) attributes {dimension_semantics = [#tpu.dimension_semantics<arbitrary>], iteration_bounds = array<i64: 4>, scalar_prefetch = 0 : i64, scratch_operands = 0 : i64, tpu.core_type = #tpu.core_type<tc>, window_params = [{pipeline_mode = #tpu.pipeline_mode<synchronous>, transform_indices = @transform_0, window_bounds = array<i64: 512, 1152>}, {transform_indices = @transform_1, window_bounds = array<i64: 1024, 1152>}, {pipeline_mode = #tpu.pipeline_mode<synchronous>, transform_indices = @transform_2, window_bounds = array<i64: 512, 1>}, {transform_indices = @transform_3, window_bounds = array<i64: 1, 512, 1024>}]} {
    %get3A = arith.constant 0 : index
    %get3A_0 = arith.constant 0 : index
    %get3A_1 = vector.load %arg1[%get3A, %get3A_0] : memref<512x1152xf32, #tpu.memory_space<vmem>>, vector<512x1152xf32>
    %get3A_2 = arith.constant 0 : index
    %get3A_3 = arith.constant 0 : index
    %get3A_4 = vector.load %arg2[%get3A_2, %get3A_3] : memref<1024x1152xf32, #tpu.memory_space<vmem>>, vector<1024x1152xf32>
    %dot_general3A = arith.constant dense<0.000000e+00> : vector<512x1024xf32>
    %dot_general3A_5 = tpu.matmul %get3A_1, %get3A_4, %dot_general3A {dimension_numbers = #tpu.dot_dimension_numbers<[1], [1], [0], [0], [0, 0, 1, 0], [], []>, transpose_lhs_hint = false} : vector<512x1152xf32>, vector<1024x1152xf32>, vector<512x1024xf32> -> vector<512x1024xf32>
    %get3A_6 = arith.constant 0 : index
    %get3A_7 = arith.constant 0 : index
    %get3A_8 = vector.load %arg3[%get3A_6, %get3A_7] : memref<512x1xf32, #tpu.memory_space<vmem>>, vector<512x1xf32>
    %add3A = vector.broadcast %get3A_8 : vector<512x1xf32> to vector<512x1024xf32>
    %add3A_9 = arith.addf %dot_general3A_5, %add3A : vector<512x1024xf32>
    %broadcast_in_dim3A = vector.shape_cast %add3A_9 : vector<512x1024xf32> to vector<1x512x1024xf32>
    %swap3A = arith.constant 0 : index
    %swap3A_10 = arith.constant 0 : index
    %swap3A_11 = arith.constant 0 : index
    %swap3A_12 = vector.load %arg4[%swap3A, %swap3A_10, %swap3A_11] : memref<1x512x1024xf32, #tpu.memory_space<vmem>>, vector<1x512x1024xf32>
    tpu.vector_store %arg4[%swap3A, %swap3A_10, %swap3A_11], %broadcast_in_dim3A {strides = array<i32>} : memref<1x512x1024xf32, #tpu.memory_space<vmem>>, vector<1x512x1024xf32>,
    return
  }
  func.func @transform_0(%arg0: i32) -> (i32, i32) {
    %c0_i32 = arith.constant 0 : i32
    %c0_i32_0 = arith.constant 0 : i32
    %c0_i32_1 = arith.constant 0 : i32
    return %c0_i32, %c0_i32_0 : i32, i32
  }
  func.func @transform_1(%arg0: i32) -> (i32, i32) {
    %c0_i32 = arith.constant 0 : i32
    %c0_i32_0 = arith.constant 0 : i32
    return %arg0, %c0_i32 : i32, i32
  }
  func.func @transform_2(%arg0: i32) -> (i32, i32) {
    %c0_i32 = arith.constant 0 : i32
    %c0_i32_0 = arith.constant 0 : i32
    %c0_i32_1 = arith.constant 0 : i32
    return %c0_i32, %c0_i32_0 : i32, i32
  }
  func.func @transform_3(%arg0: i32) -> (i32, i32, i32) {
    %c0_i32 = arith.constant 0 : i32
    %c0_i32_0 = arith.constant 0 : i32
    %c0_i32_1 = arith.constant 0 : i32
    return %arg0, %c0_i32, %c0_i32_0 : i32, i32, i32
  }
}

</mosaic_0001>

<sc_bundles>
// kernel: kernel.4.cloned.1.call-start
scs
__scs_entry_jumppad:
0x0: {  	(pc) =	sbr.rel $0x88, $3  }
0x1: {  	(tag) =	ssettag $0x0;
	lr =	simm.s32 $0x1  }
0x2: {  	[smem:$0x3F9A] =	sst lr;
	_ =	strace $0xD0000000  }
0x3: {  	_ = 	snop  }
0x4: {  	_ = 	snop  }
0x5: {  	_ = 	snop  }
0x6: {  	_ = 	snop  }
0x7: {  	_ = 	snop  }
__scs_overlays_trampoline_lowered:
0x8: {  	[smem:$0x3FA9] =	sst s0  }
0x9: {  	[smem:$0x3FAA] =	sst s1  }
0xa: {  	[smem:$0x3FAB] =	sst s2  }
0xb: {  	[smem:$0x3FAC] =	sst s3  }
0xc: {  	[smem:$0x3FAD] =	sst s4  }
0xd: {  	[smem:$0x3FAE] =	sst s5  }
0xe: {  	[smem:$0x3FAF] =	sst s6  }
0xf: {  	[smem:$0x3FB0] =	sst s7  }
0x10: {  	[smem:$0x3FB1] =	sst s8  }
0x11: {  	[smem:$0x3FB2] =	sst s9;
	s0 =	simm.s32 @!p0 $0x0  }
0x12: {  	s1 =	sld [smem:$0x3F98];
	s0 =	simm.s32 @p0 $0x1  }
0x13: {  	[smem:$0x3FB3] =	sst s0;
	s0 =	simm.s32 @!p1 $0x0  }
0x14: {  	s2 =	sld [smem:$0x3F97];
	s0 =	simm.s32 @p1 $0x1  }
0x15: {  	[smem:$0x3FB4] =	sst s0;
	s0 =	simm.s32 @!p2 $0x0  }
0x16: {  	s3 =	sld [smem:$0x3FDB];
	s0 =	simm.s32 @p2 $0x1  }
0x17: {  	s4 =	simm.s32 $0x1BF5;
	[smem:$0x3FB6] =	sst s0  }
0x18: {  	s0 =	sld [smem:$0x3F99];
	_ =	swait.ge [sflag:s4], $0x0  }
0x19: {  	s7 =	sld [smem:$0x3F9A]  }
0x1a: {  	s8 =	sadd.s32 $0xFFFFE003, lr  }
0x1b: {  	s9 =	sadd.s32 $0xFFFFFEF7, lr;
	s5 =	simm.s32 $0xFFFFFFFF;
	p2 =	slt.u32 s8, $0xFFFFF086  }
0x1c: {  	p1 =	slt.u32 s9, $0xF7A;
	s5 =	simm.s32 @!p2 $0x0  }
0x1d: {  	s5 =	simm.s32 @p1 $0x1;
	p0 =	seq.s32 s7, s2  }
0x1e: {  	s7 =	smul.u32 @!p0 $0xF7A, s2;
	p2 =	seq.s32 @!p0 s5, $0x0  }
0x1f: {  	s9 =	smul.u32 $0xF7A, s1;
	s8 =	simm.s32 @!p0 $0x1BF5;
	p2 =	por !p2, p0  }
0x20: {  	[sflag:s8] =	ssyncset.s32 @!p0 $0xFFFFF086;
	s6 =	sadd.s32 @!p0 s3, s7;
	s7 =	simm.s32 @!p0 $0x108  }
0x21: {  	s3 =	sadd.s32 s3, s9;
	s6 =	sadd.s32 @!p0 $0x88, s6;
	s7 =	simm.s32 @p2 $0x1082  }
0x22: {  	[simem:s7], [sflag:s8] =	dma.local @!p0 [hbm:s6], $0xF7A  }
0x23: {  	s9 =	sor.u32 $0xD0000000, s2;
	s6 =	simm.s32 $0x108;
	_ =	swait.ge @!p0 [sflag:s8], $0x0  }
0x24: {  	s3 =	sadd.s32 $0x88, s3;
	s6 =	simm.s32 @!p1 $0x1082;
	[sflag:s4] =	ssyncset.s32 $0xFFFFF086  }
0x25: {  	[simem:s6], [sflag:s4] =	dma.local [hbm:s3], $0xF7A  }
0x26: {  	[smem:$0x3F9A] =	sst s1;
	(tag) =	ssettag s2;
	_ =	strace s9  }
0x27: {  	s1 =	sld [smem:$0x3FAA]  }
0x28: {  	s2 =	sld [smem:$0x3FAB]  }
0x29: {  	s4 =	sld [smem:$0x3FAD]  }
0x2a: {  	p0 =	seq.s32 s5, $0x0;
	s5 =	sld [smem:$0x3FAE]  }
0x2b: {  	s6 =	sld [smem:$0x3FAF]  }
0x2c: {  	s7 =	sld [smem:$0x3FB0]  }
0x2d: {  	s3 =	simm.s32 $0x108;
	s8 =	sld [smem:$0x3FB1]  }
0x2e: {  	s3 =	simm.s32 @!p0 $0x1082;
	s9 =	sld [smem:$0x3FB2]  }
0x2f: {  	lr =	sadd.s32 s0, s3;
	s0 =	sld [smem:$0x3FA9]  }
0x30: {  	s3 =	sld [smem:$0x3FAC]  }
0x31: {  	[smem:$0x3FB5] =	sst s10  }
0x32: {  	s10 =	sld [smem:$0x3FB3];
	_ =	sdelay $0x3  }
0x33: {  	p0 =	seq.s32 s10, $0x1;
	s10 =	sld [smem:$0x3FB5];
	_ =	sdelay $0x3  }
0x34: {  	[smem:$0x3FB5] =	sst s10  }
0x35: {  	s10 =	sld [smem:$0x3FB4];
	_ =	sdelay $0x3  }
0x36: {  	p1 =	seq.s32 s10, $0x1;
	s10 =	sld [smem:$0x3FB5];
	_ =	sdelay $0x3  }
0x37: {  	[smem:$0x3FB5] =	sst s10  }
0x38: {  	s10 =	sld [smem:$0x3FB6]  }
0x39: {  	_ = 	snop;
	(pc) =	sbr.ind lr, $3  }
0x3a: {  	_ = 	snop  }
0x3b: {  	_ = 	snop  }
0x3c: {  	p2 =	seq.s32 s10, $0x1;
	s10 =	sld [smem:$0x3FB5]  }
0x3d: {  	_ =	shalt  }
0x3e: {  	_ =	shalt  }
0x3f: {  	_ =	shalt  }
0x40: {  	_ =	shalt  }
0x41: {  	_ =	shalt  }
0x42: {  	_ =	shalt  }
0x43: {  	_ =	shalt  }
0x44: {  	_ =	shalt  }
0x45: {  	_ =	shalt  }
0x46: {  	_ =	shalt  }
0x47: {  	_ =	shalt  }
0x48: {  	_ =	shalt  }
0x49: {  	_ =	shalt  }
0x4a: {  	_ =	shalt  }
0x4b: {  	_ =	shalt  }
0x4c: {  	_ =	shalt  }
0x4d: {  	_ =	shalt  }
0x4e: {  	_ =	shalt  }
0x4f: {  	_ =	shalt  }
0x50: {  	_ =	shalt  }
0x51: {  	_ =	shalt  }
0x52: {  	_ =	shalt  }
0x53: {  	_ =	shalt  }
0x54: {  	_ =	shalt  }
0x55: {  	_ =	shalt  }
0x56: {  	_ =	shalt  }
0x57: {  	_ =	shalt  }
0x58: {  	_ =	shalt  }
0x59: {  	_ =	shalt  }
0x5a: {  	_ =	shalt  }
0x5b: {  	_ =	shalt  }
0x5c: {  	_ =	shalt  }
0x5d: {  	_ =	shalt  }
0x5e: {  	_ =	shalt  }
0x5f: {  	_ =	shalt  }
0x60: {  	_ =	shalt  }
0x61: {  	_ =	shalt  }
0x62: {  	_ =	shalt  }
0x63: {  	_ =	shalt  }
0x64: {  	_ =	shalt  }
0x65: {  	_ =	shalt  }
0x66: {  	_ =	shalt  }
0x67: {  	_ =	shalt  }
0x68: {  	_ =	shalt  }
0x69: {  	_ =	shalt  }
0x6a: {  	_ =	shalt  }
0x6b: {  	_ =	shalt  }
0x6c: {  	_ =	shalt  }
0x6d: {  	_ =	shalt  }
0x6e: {  	_ =	shalt  }
0x6f: {  	_ =	shalt  }
0x70: {  	_ =	shalt  }
0x71: {  	_ =	shalt  }
0x72: {  	_ =	shalt  }
0x73: {  	_ =	shalt  }
0x74: {  	_ =	shalt  }
0x75: {  	_ =	shalt  }
0x76: {  	_ =	shalt  }
0x77: {  	_ =	shalt  }
0x78: {  	_ =	shalt  }
0x79: {  	_ =	shalt  }
0x7a: {  	_ =	shalt  }
0x7b: {  	_ =	shalt  }
0x7c: {  	_ =	shalt  }
0x7d: {  	_ =	shalt  }
0x7e: {  	_ =	shalt  }
0x7f: {  	_ =	shalt  }
0x80: {  	_ =	shalt  }
0x81: {  	_ =	shalt  }
0x82: {  	_ =	shalt  }
0x83: {  	_ =	shalt  }
0x84: {  	_ =	shalt  }
0x85: {  	_ =	shalt  }
0x86: {  	_ =	shalt  }
0x87: {  	_ =	shalt  }
.Lfunc_end0:
.L_simem_size_0:
called_computation_lowered:
.L_overlay_start_0:
0x88: {  	s2 =	sld [smem:$0x3FD9]  }
0x89: {  	s3 =	sld [smem:$0x3FFE];
	_ =	sdelay $0x1  }
0x8a: {  	s1 =	srdreg.scid  }
0x8b: {  	s0 =	sand.u32 $0x1, s1  }
0x8c: {  	s17 =	sshll.u32 s0, $0xA;
	s2 =	sadd.s32 s3, s2  }
0x8d: {  	s2 =	sadd.s32 s2, s17  }
0x8e: {  	[smem:$0x3FC1] =	sst s2  }
0x8f: {  	_ = 	snop  }
0x90: {  	s2 =	sld [smem:$0x3FC9]  }
0x91: {  	s18 =	sld [smem:$0x3FD0];
	(tm) =	ssettm $0x1  }
0x92: {  	s4 =	sld [smem:$0x3FFB];
	_ =	sdelay $0x3  }
0x93: {  	_ =	strace s4  }
0x94: {  	s4 =	sld [smem:$0x3FFC];
	_ =	sdelay $0x3  }
0x95: {  	_ =	strace s4  }
0x96: {  	s4 =	sld [smem:$0x3FFD];
	_ =	sdelay $0x3  }
0x97: {  	_ =	strace s4  }
0x98: {  	_ =	strace $0x8FFFFFFF  }
0x99: {  	s19 =	sld [smem:$0x3FDB];
	_ =	sdelay $0x1  }
0x9a: {  	s5 =	simm.s32 $_scs_section_size  }
0x9b: {  	s6 =	simm.s32 $_size__tile_overlayer_lowered;
	s7 =	simm.s32 $_tile_overlayer_lowered  }
0x9c: {  	s22 =	simm.s32 $0x1BFF;
	s21 =	sshll.u32 s7, $0x1;
	s4 =	sadd.s32 s5, s19  }
0x9d: {  	s8 =	simm.s32 $0x0;
	s20 =	sshll.u32 s6, $0x1;
	s6 =	sadd.s32 s21, s4  }
0x9e: {  	[timem:s8], [sflag:s22] =	dma.local [hbm:s6], s20  }
0x9f: {  	_ =	swait.ge [sflag:s22], s20  }
0xa0: {  	s5 =	ssub.s32 $0x0, s20;
	[sflag:s22] =	ssyncset.done $0x0  }
0xa1: {  	[sflag:s22] =	ssyncadd.s32 s5;
	_ =	sdelay $0x1  }
0xa2: {  	s23 =	simm.s32 $0x1B8B  }
0xa3: {  	_ =	swait.ge [sflag:s23], $0x1  }
0xa4: {  	[sflag:s23] =	ssyncset.done $0x0  }
0xa5: {  	s25 =	simm.s32 $0x1B8E;
	s24 =	sld [smem:$0x3FFE];
	[sflag:s23] =	ssyncadd.s32 $0xFFFFFFFF  }
0xa6: {  	s26 =	simm.s32 $execute0_lowered;
	[smem:$0x3FD2] =	sst s25  }
0xa7: {  	s6 =	sshll.u32 s26, $0x1;
	_ =	strace $0x80000046;
	[dreg:$0x1] =	wrdreg $0xFFFFFFFF  }
0xa8: {  	s28 =	simm.s32 $_size_execute0_lowered;
	s4 =	sadd.s32 s4, s6;
	[dreg:$0x0] =	wrdreg $0x0  }
0xa9: {  	s6 =	sshll.u32 s28, $0x1;
	[dreg:$0x2] =	wrdreg s4  }
0xaa: {  	[dreg:$0x3] =	wrdreg s6  }
0xab: {  	[dreg:$0x4] =	wrdreg $0xC0  }
0xac: {  	_ =	task [dreg:s8], $0x5FFFF  }
0xad: {  	[dreg:$0x1] =	wrdreg $0xFFFFFFFF  }
0xae: {  	[dreg:$0x0] =	wrdreg $0x60  }
0xaf: {  	[dreg:$0x2] =	wrdreg s2  }
0xb0: {  	[dreg:$0x3] =	wrdreg s18  }
0xb1: {  	[dreg:$0x4] =	wrdreg s24  }
0xb2: {  	[dreg:$0x5] =	wrdreg $0x9  }
0xb3: {  	_ =	task.clear_ibuf [dreg:s8], $0x6FFFF;
	_ =	strace $0x90000046  }
0xb4: {  	s29 =	simm.s32 $0x9;
	_ =	strace $0x80000048  }
0xb5: {  	_ =	swait.ge [sflag:s29], $0x1  }
0xb6: {  	[sflag:s29] =	ssyncadd.s32 $0xFFFFFFFF  }
0xb7: {  	_ =	strace $0x90000048  }
0xb8: {  	_ =	sfence  }
0xb9: {  	s30 =	sld [smem:$0x0];
	_ =	sdelay $0x2  }
0xba: {  	s31 =	sshll.u32 s1, $0xD;
	s1 =	sshrl.u32 s1, $0x2  }
0xbb: {  	s3 =	sand.u32 $0x4000, s31;
	s1 =	sadd.s32 s1, s30  }
0xbc: {  	s0 =	sor.u32 s3, s0;
	s1 =	sshll.u32 s1, $0x11  }
0xbd: {  	s0 =	sor.u32 s1, s0  }
0xbe: {  	s0 =	sadd.s32 $0x8F2B, s0  }
0xbf: {  	[sflag:s0] =	ssyncadd.remote.s32 $0x1  }
0xc0: {  	_ =	sfence.sel $0xFFFF  }
0xc1: {  	[dreg:$0x0] =	wrdreg $0xFFFFFFFF;
	(pc) =	sbr.abs _section_cstart, $3  }
0xc2: {  	[dreg:$0x1] =	wrdreg $0xFFFFFFFF  }
0xc3: {  	_ =	task.clear_ibuf [dreg:s8], $0x2FFFF;
	_ =	strace $0x9FFFFFFF  }
0xc4: {  	(tm) =	ssettm $0x7FFFFFFF  }
0xc5: {  	_ =	shalt  }
tec
execute0_lowered:
.L_overlay_start_1:
0x0: {  	(tag) =	ssettag $0x1  }
0x1: {  	s1 =	rddreg [dreg:$0x0]  }
0x2: {  	s5 =	rddreg [dreg:$0x1];
	s2 =	srdreg.scid  }
0x3: {  	s0 =	stileid.u32;
	s4 =	rddreg [dreg:$0x2];
	s3 =	simm.s32 $0x0  }
0x4: {  	s11 =	simm.s32 $0x4800;
	s12 =	simm.s32 $0x8800;
	s13 =	simm.s32 $0x1  }
0x5: {  	s14 =	simm.s32 $0xC800;
	s15 =	simm.s32 $0x2;
	s16 =	simm.s32 $0x4  }
0x6: {  	s17 =	simm.s32 $0xD000;
	s6 =	sand.u32 $0x1, s2;
	s7 =	sshll.u32 s0, $0x1  }
0x7: {  	v0 =	vimm.s32 $0x0;
	s18 =	simm.s32 $0x3;
	s19 =	simm.s32 $0x0;
	s7 =	sor.u32 s6, s7  }
0x8: {  	v1 =	vimm.s32 $0x1;
	v2 =	vimm.s32 $0x2;
	v3 =	vimm.s32 $0x3;
	[smem:$0x7FF] =	sst s3;
	s6 =	ssub.s32 $0x2, s6;
	s8 =	smul.u32 $0x480, s7  }
0x9: {  	v4 =	vimm.s32 $0x4;
	v5 =	vimm.s32 $0x5;
	v6 =	vimm.s32 $0x6;
	s2 =	rddreg [dreg:$0x3];
	_ =	strace $0x80000047;
	s9 =	sshrl.u32 s6, $0x1  }
0xa: {  	v7 =	vimm.s32 $0x7;
	v8 =	vimm.s32 $0x8;
	v9 =	vimm.s32 $0x9;
	s7 =	smul.u32 $0x24000, s7;
	s9 =	ssub.s32 s6, s9;
	s10 =	sadd.s32 s8, s4  }
0xb: {  	v10 =	vimm.s32 $0xA;
	v11 =	vimm.s32 $0xB;
	v12 =	vimm.s32 $0xC;
	s4 =	sadd.s32 $0x1C00, s4;
	s5 =	sadd.s32 s5, s8;
	s8 =	smax.u32 s9, $0x1  }
0xc: {  	v13 =	vimm.s32 $0xD;
	v14 =	vimm.s32 $0xE;
	v15 =	vimm.s32 $0xF;
	s9 =	simm.s32 $0x5;
	s6 =	sadd.s32 $0x101C00, s10;
	s10 =	simm.s32 $0x80  }
.LBB2_1:
0xd: {  	[tilespmem:s3], [sflag:$0x5] =	stream.linear.gather [hbm4b:s5+s3], $0x2400, $0x38;
	[tilespmem:$0xD800] =	vst v63  }
0xe: {  	_ =	swait.ge [sflag:s9], $0x2400  }
0xf: {  	[sflag:s9] =	ssyncset.done $0x0  }
0x10: {  	s20 =	simm.s32 $0x2400;
	[sflag:s9] =	ssyncadd.s32 $0xFFFFDC00  }
0x11: {  	[tilespmem:s20], [sflag:$0x5] =	stream.linear.gather [hbm4b:s6+s3], $0x2400, $0x38;
	[tilespmem:$0xD800] =	vst v63  }
0x12: {  	_ =	swait.ge [sflag:s9], $0x2400  }
0x13: {  	[sflag:s9] =	ssyncset.done $0x0  }
0x14: {  	s21 =	simm.s32 $0x2480;
	s22 =	simm.s32 $0x0;
	[sflag:s9] =	ssyncadd.s32 $0xFFFFDC00  }
0x15: {  	[tilespmem:s11], [sflag:$0x1] =	stream.indirect.gather [hbm4b:s1+s10], $0x80, s3, s10, $0xb8;
	[tilespmem:$0xD800] =	vst v63  }
.LBB2_2:
0x16: {  	s23 =	sshllo.u32 s22, $0x1  }
0x17: {  	s24 =	sshll.u32 s23, $0x7  }
0x18: {  	[tilespmem:s12], [sflag:$0x2] =	stream.indirect.gather [hbm4b:s1+s10], $0x80, s24, s10, $0xb8;
	[tilespmem:$0xD800] =	vst v63  }
0x19: {  	_ =	swait.ge [sflag:s13], $0x4000  }
0x1a: {  	p0 =	seq.s32 s22, $0x0;
	v16 =	vmov s20;
	[sflag:s13] =	ssyncset.done $0x0  }
0x1b: {  	s24 =	simm.s32 @!p0 $0x3;
	[sflag:s13] =	ssyncadd.s32 $0xFFFFC000  }
0x1c: {  	_ =	swait.ge @!p0 [sflag:s24], $0x800  }
0x1d: {  	[sflag:s24] =	ssyncset.done @!p0 $0x0  }
0x1e: {  	s25 =	simm.s32 $0x0;
	[sflag:s24] =	ssyncadd.s32 @!p0 $0xFFFFF800  }
0x1f: {  	s24 =	simm.s32 $0x4C00;
	v24 =	vld.idx.msk [tilespmem:v16+s25+$0x0 ss:$0x1], $0xffff  }
0x20: {  	v20 =	vld [tilespmem:s24+$0xFFFFFC00]  }
0x21: {  	v21 =	vld [tilespmem:s24+$0xFFFFFC80];
	_ =	sdelay $0x1  }
0x22: {  	v22 =	vld [tilespmem:s24+$0xFFFFFD00]  }
0x23: {  	v17 =	vperm.xlane v24, v0;
	v18 =	vperm.xlane v24, v1  }
0x24: {  	v23 =	vld [tilespmem:s24+$0xFFFFFD80];
	v19 =	vperm.xlane v24, v2  }
0x25: {  	v20 =	vmul.f32 v20, v17;
	v25 =	vmul.f32 v21, v18  }
0x26: {  	v26 =	vld [tilespmem:s24+$0xFFFFFE00]  }
0x27: {  	v21 =	vperm.xlane v24, v3;
	v22 =	vmul.f32 v22, v19;
	v25 =	vadd.f32 v25, v20  }
0x28: {  	v27 =	vld [tilespmem:s24+$0xFFFFFE80]  }
0x29: {  	v20 =	vperm.xlane v24, v4;
	v23 =	vmul.f32 v23, v21;
	v25 =	vadd.f32 v22, v25  }
0x2a: {  	v28 =	vld [tilespmem:s24+$0xFFFFFF00]  }
0x2b: {  	v22 =	vperm.xlane v24, v5;
	v26 =	vmul.f32 v26, v20;
	v25 =	vadd.f32 v23, v25  }
0x2c: {  	v29 =	vld [tilespmem:s24+$0xFFFFFF80]  }
0x2d: {  	v23 =	vperm.xlane v24, v6;
	v27 =	vmul.f32 v27, v22;
	v26 =	vadd.f32 v26, v25;
	_ =	sdelay $0x1  }
0x2e: {  	v25 =	vperm.xlane v24, v7;
	v28 =	vmul.f32 v28, v23;
	v26 =	vadd.f32 v27, v26;
	_ =	sdelay $0x1  }
0x2f: {  	v27 =	vmul.f32 v29, v25;
	v26 =	vadd.f32 v28, v26;
	_ =	sdelay $0x1  }
0x30: {  	v26 =	vadd.f32 v27, v26  }
0x31: {  	s25 =	simm.s32 $0xC880  }
0x32: {  	[tilespmem:s25+$0xFFFFFF80] =	vst v26  }
0x33: {  	v26 =	vld [tilespmem:s24+$0xFFFFFC10]  }
0x34: {  	v27 =	vld [tilespmem:s24+$0xFFFFFC90];
	_ =	sdelay $0x1  }
0x35: {  	v36 =	vld [tilespmem:s24+$0xFFFFFD10];
	_ =	sdelay $0x1  }
0x36: {  	v37 =	vld [tilespmem:s24+$0xFFFFFD90]  }
0x37: {  	v26 =	vmul.f32 v26, v17;
	v27 =	vmul.f32 v27, v18  }
0x38: {  	v30 =	vld [tilespmem:s24+$0xFFFFFE10]  }
0x39: {  	v26 =	vadd.f32 v27, v26;
	v27 =	vmul.f32 v36, v19  }
0x3a: {  	v38 =	vld [tilespmem:s24+$0xFFFFFE90]  }
0x3b: {  	v26 =	vadd.f32 v27, v26;
	v27 =	vmul.f32 v37, v21  }
0x3c: {  	v39 =	vld [tilespmem:s24+$0xFFFFFF10]  }
0x3d: {  	v26 =	vadd.f32 v27, v26;
	v27 =	vmul.f32 v30, v20  }
0x3e: {  	v40 =	vld [tilespmem:s24+$0xFFFFFF90]  }
0x3f: {  	v26 =	vadd.f32 v27, v26;
	v27 =	vmul.f32 v38, v22;
	_ =	sdelay $0x1  }
0x40: {  	v26 =	vadd.f32 v27, v26;
	v27 =	vmul.f32 v39, v23;
	_ =	sdelay $0x1  }
0x41: {  	v26 =	vadd.f32 v27, v26;
	v27 =	vmul.f32 v40, v25;
	_ =	sdelay $0x1  }
0x42: {  	v26 =	vadd.f32 v27, v26;
	_ =	sdelay $0x1  }
0x43: {  	[tilespmem:s25+$0xFFFFFF90] =	vst v26  }
0x44: {  	v26 =	vld [tilespmem:s24+$0xFFFFFC20]  }
0x45: {  	v27 =	vld [tilespmem:s24+$0xFFFFFCA0];
	_ =	sdelay $0x1  }
0x46: {  	v41 =	vld [tilespmem:s24+$0xFFFFFD20];
	_ =	sdelay $0x1  }
0x47: {  	v42 =	vld [tilespmem:s24+$0xFFFFFDA0]  }
0x48: {  	v26 =	vmul.f32 v26, v17;
	v27 =	vmul.f32 v27, v18  }
0x49: {  	v43 =	vld [tilespmem:s24+$0xFFFFFE20]  }
0x4a: {  	v26 =	vadd.f32 v27, v26;
	v27 =	vmul.f32 v41, v19  }
0x4b: {  	v44 =	vld [tilespmem:s24+$0xFFFFFEA0]  }
0x4c: {  	v26 =	vadd.f32 v27, v26;
	v27 =	vmul.f32 v42, v21  }
0x4d: {  	v45 =	vld [tilespmem:s24+$0xFFFFFF20]  }
0x4e: {  	v26 =	vadd.f32 v27, v26;
	v27 =	vmul.f32 v43, v20  }
0x4f: {  	v46 =	vld [tilespmem:s24+$0xFFFFFFA0]  }
0x50: {  	v26 =	vadd.f32 v27, v26;
	v27 =	vmul.f32 v44, v22;
	_ =	sdelay $0x1  }
0x51: {  	v26 =	vadd.f32 v27, v26;
	v27 =	vmul.f32 v45, v23;
	_ =	sdelay $0x1  }
0x52: {  	v26 =	vadd.f32 v27, v26;
	v27 =	vmul.f32 v46, v25;
	_ =	sdelay $0x1  }
0x53: {  	v26 =	vadd.f32 v27, v26;
	_ =	sdelay $0x1  }
0x54: {  	[tilespmem:s25+$0xFFFFFFA0] =	vst v26  }
0x55: {  	v26 =	vld [tilespmem:s24+$0xFFFFFC30]  }
0x56: {  	v27 =	vld [tilespmem:s24+$0xFFFFFCB0];
	_ =	sdelay $0x1  }
0x57: {  	v47 =	vld [tilespmem:s24+$0xFFFFFD30];
	_ =	sdelay $0x1  }
0x58: {  	v48 =	vld [tilespmem:s24+$0xFFFFFDB0]  }
0x59: {  	v26 =	vmul.f32 v26, v17;
	v27 =	vmul.f32 v27, v18  }
0x5a: {  	v49 =	vld [tilespmem:s24+$0xFFFFFE30]  }
0x5b: {  	v26 =	vadd.f32 v27, v26;
	v27 =	vmul.f32 v47, v19  }
0x5c: {  	v50 =	vld [tilespmem:s24+$0xFFFFFEB0]  }
0x5d: {  	v26 =	vadd.f32 v27, v26;
	v27 =	vmul.f32 v48, v21  }
0x5e: {  	v51 =	vld [tilespmem:s24+$0xFFFFFF30]  }
0x5f: {  	v26 =	vadd.f32 v27, v26;
	v27 =	vmul.f32 v49, v20  }
0x60: {  	v52 =	vld [tilespmem:s24+$0xFFFFFFB0]  }
0x61: {  	v26 =	vadd.f32 v27, v26;
	v27 =	vmul.f32 v50, v22;
	_ =	sdelay $0x1  }
0x62: {  	v26 =	vadd.f32 v27, v26;
	v27 =	vmul.f32 v51, v23;
	_ =	sdelay $0x1  }
0x63: {  	v26 =	vadd.f32 v27, v26;
	v27 =	vmul.f32 v52, v25;
	_ =	sdelay $0x1  }
0x64: {  	v26 =	vadd.f32 v27, v26;
	_ =	sdelay $0x1  }
0x65: {  	[tilespmem:s25+$0xFFFFFFB0] =	vst v26  }
0x66: {  	v26 =	vld [tilespmem:s24+$0xFFFFFC40]  }
0x67: {  	v27 =	vld [tilespmem:s24+$0xFFFFFCC0];
	_ =	sdelay $0x1  }
0x68: {  	v53 =	vld [tilespmem:s24+$0xFFFFFD40];
	_ =	sdelay $0x1  }
0x69: {  	v54 =	vld [tilespmem:s24+$0xFFFFFDC0]  }
0x6a: {  	v26 =	vmul.f32 v26, v17;
	v27 =	vmul.f32 v27, v18  }
0x6b: {  	v55 =	vld [tilespmem:s24+$0xFFFFFE40]  }
0x6c: {  	v28 =	vmul.f32 v53, v19;
	v26 =	vadd.f32 v27, v26  }
0x6d: {  	v27 =	vld [tilespmem:s24+$0xFFFFFEC0]  }
0x6e: {  	v29 =	vmul.f32 v54, v21;
	v26 =	vadd.f32 v28, v26  }
0x6f: {  	v56 =	vld [tilespmem:s24+$0xFFFFFF40]  }
0x70: {  	v30 =	vmul.f32 v55, v20;
	v26 =	vadd.f32 v29, v26  }
0x71: {  	v57 =	vld [tilespmem:s24+$0xFFFFFFC0]  }
0x72: {  	v27 =	vmul.f32 v27, v22;
	v26 =	vadd.f32 v30, v26;
	_ =	sdelay $0x1  }
0x73: {  	v26 =	vadd.f32 v27, v26;
	v27 =	vmul.f32 v56, v23;
	_ =	sdelay $0x1  }
0x74: {  	v26 =	vadd.f32 v27, v26;
	v27 =	vmul.f32 v57, v25;
	_ =	sdelay $0x1  }
0x75: {  	v26 =	vadd.f32 v27, v26;
	_ =	sdelay $0x1  }
0x76: {  	[tilespmem:s25+$0xFFFFFFC0] =	vst v26  }
0x77: {  	v26 =	vld [tilespmem:s24+$0xFFFFFC50]  }
0x78: {  	v27 =	vld [tilespmem:s24+$0xFFFFFCD0];
	_ =	sdelay $0x1  }
0x79: {  	v58 =	vld [tilespmem:s24+$0xFFFFFD50];
	_ =	sdelay $0x1  }
0x7a: {  	v59 =	vld [tilespmem:s24+$0xFFFFFDD0]  }
0x7b: {  	v26 =	vmul.f32 v26, v17;
	v27 =	vmul.f32 v27, v18  }
0x7c: {  	v60 =	vld [tilespmem:s24+$0xFFFFFE50]  }
0x7d: {  	v28 =	vmul.f32 v58, v19;
	v26 =	vadd.f32 v27, v26  }
0x7e: {  	v27 =	vld [tilespmem:s24+$0xFFFFFED0]  }
0x7f: {  	v29 =	vmul.f32 v59, v21;
	v26 =	vadd.f32 v28, v26  }
0x80: {  	v61 =	vld [tilespmem:s24+$0xFFFFFF50]  }
0x81: {  	v30 =	vmul.f32 v60, v20;
	v26 =	vadd.f32 v29, v26  }
0x82: {  	v62 =	vld [tilespmem:s24+$0xFFFFFFD0]  }
0x83: {  	v27 =	vmul.f32 v27, v22;
	v26 =	vadd.f32 v30, v26;
	_ =	sdelay $0x1  }
0x84: {  	v26 =	vadd.f32 v27, v26;
	v27 =	vmul.f32 v61, v23;
	_ =	sdelay $0x1  }
0x85: {  	v26 =	vadd.f32 v27, v26;
	v27 =	vmul.f32 v62, v25;
	_ =	sdelay $0x1  }
0x86: {  	v26 =	vadd.f32 v27, v26;
	_ =	sdelay $0x1  }
0x87: {  	[tilespmem:s25+$0xFFFFFFD0] =	vst v26  }
0x88: {  	v26 =	vld [tilespmem:s24+$0xFFFFFC60]  }
0x89: {  	v27 =	vld [tilespmem:s24+$0xFFFFFCE0];
	_ =	sdelay $0x1  }
0x8a: {  	v63 =	vld [tilespmem:s24+$0xFFFFFD60];
	_ =	sdelay $0x1  }
0x8b: {  	v33 =	vld [tilespmem:s24+$0xFFFFFDE0]  }
0x8c: {  	v26 =	vmul.f32 v26, v17;
	v27 =	vmul.f32 v27, v18  }
0x8d: {  	v34 =	vld [tilespmem:s24+$0xFFFFFE60]  }
0x8e: {  	v28 =	vmul.f32 v63, v19;
	v26 =	vadd.f32 v27, v26  }
0x8f: {  	v27 =	vld [tilespmem:s24+$0xFFFFFEE0]  }
0x90: {  	v29 =	vmul.f32 v33, v21;
	v26 =	vadd.f32 v28, v26  }
0x91: {  	v35 =	vld [tilespmem:s24+$0xFFFFFF60]  }
0x92: {  	v30 =	vmul.f32 v34, v20;
	v26 =	vadd.f32 v29, v26  }
0x93: {  	v36 =	vld [tilespmem:s24+$0xFFFFFFE0]  }
0x94: {  	v27 =	vmul.f32 v27, v22;
	v26 =	vadd.f32 v30, v26;
	_ =	sdelay $0x1  }
0x95: {  	v26 =	vadd.f32 v27, v26;
	v27 =	vmul.f32 v35, v23;
	_ =	sdelay $0x1  }
0x96: {  	v26 =	vadd.f32 v27, v26;
	v27 =	vmul.f32 v36, v25;
	_ =	sdelay $0x1  }
0x97: {  	v26 =	vadd.f32 v27, v26;
	_ =	sdelay $0x1  }
0x98: {  	[tilespmem:s25+$0xFFFFFFE0] =	vst v26  }
0x99: {  	v26 =	vld [tilespmem:s24+$0xFFFFFC70]  }
0x9a: {  	v27 =	vld [tilespmem:s24+$0xFFFFFCF0];
	_ =	sdelay $0x1  }
0x9b: {  	v37 =	vld [tilespmem:s24+$0xFFFFFD70];
	_ =	sdelay $0x1  }
0x9c: {  	v38 =	vld [tilespmem:s24+$0xFFFFFDF0]  }
0x9d: {  	v17 =	vmul.f32 v26, v17;
	v18 =	vmul.f32 v27, v18  }
0x9e: {  	v26 =	vld [tilespmem:s24+$0xFFFFFE70]  }
0x9f: {  	v19 =	vmul.f32 v37, v19;
	v17 =	vadd.f32 v18, v17  }
0xa0: {  	v18 =	vld [tilespmem:s24+$0xFFFFFEF0]  }
0xa1: {  	v21 =	vmul.f32 v38, v21;
	v17 =	vadd.f32 v19, v17  }
0xa2: {  	v19 =	vld [tilespmem:s24+$0xFFFFFF70]  }
0xa3: {  	v20 =	vmul.f32 v26, v20;
	v17 =	vadd.f32 v21, v17  }
0xa4: {  	v21 =	vld [tilespmem:s24+$0xFFFFFFF0]  }
0xa5: {  	v18 =	vmul.f32 v18, v22;
	v17 =	vadd.f32 v20, v17;
	_ =	sdelay $0x1  }
0xa6: {  	v17 =	vadd.f32 v18, v17;
	v18 =	vmul.f32 v19, v23;
	_ =	sdelay $0x1  }
0xa7: {  	v17 =	vadd.f32 v18, v17;
	v18 =	vmul.f32 v21, v25;
	_ =	sdelay $0x1  }
0xa8: {  	v17 =	vadd.f32 v18, v17;
	_ =	sdelay $0x1  }
0xa9: {  	[tilespmem:s25+$0xFFFFFFF0] =	vst v17  }
0xaa: {  	v19 =	vld [tilespmem:s24+$0x0]  }
0xab: {  	v21 =	vld [tilespmem:s24+$0x80];
	_ =	sdelay $0x1  }
0xac: {  	v22 =	vld [tilespmem:s24+$0x100]  }
0xad: {  	v18 =	vperm.xlane v24, v8;
	v17 =	vperm.xlane v24, v9  }
0xae: {  	v20 =	vperm.xlane v24, v10;
	v25 =	vld [tilespmem:s24+$0x180]  }
0xaf: {  	v23 =	vmul.f32 v19, v18;
	v21 =	vmul.f32 v21, v17  }
0xb0: {  	v26 =	vld [tilespmem:s24+$0x200]  }
0xb1: {  	v19 =	vperm.xlane v24, v11;
	v22 =	vmul.f32 v22, v20;
	v23 =	vadd.f32 v21, v23  }
0xb2: {  	v27 =	vld [tilespmem:s24+$0x280]  }
0xb3: {  	v21 =	vperm.xlane v24, v12;
	v25 =	vmul.f32 v25, v19;
	v23 =	vadd.f32 v22, v23  }
0xb4: {  	v39 =	vld [tilespmem:s24+$0x300]  }
0xb5: {  	v22 =	vperm.xlane v24, v13;
	v26 =	vmul.f32 v26, v21;
	v25 =	vadd.f32 v25, v23  }
0xb6: {  	v40 =	vld [tilespmem:s24+$0x380]  }
0xb7: {  	v23 =	vperm.xlane v24, v14;
	v25 =	vadd.f32 v26, v25;
	v26 =	vmul.f32 v27, v22;
	_ =	sdelay $0x1  }
0xb8: {  	v24 =	vperm.xlane v24, v15;
	v25 =	vadd.f32 v26, v25;
	v26 =	vmul.f32 v39, v23;
	_ =	sdelay $0x1  }
0xb9: {  	v25 =	vadd.f32 v26, v25;
	v26 =	vmul.f32 v40, v24;
	_ =	sdelay $0x1  }
0xba: {  	v25 =	vadd.f32 v26, v25;
	_ =	sdelay $0x1  }
0xbb: {  	[tilespmem:s25+$0x0] =	vst v25  }
0xbc: {  	v25 =	vld [tilespmem:s24+$0x90]  }
0xbd: {  	v26 =	vld [tilespmem:s24+$0x10];
	_ =	sdelay $0x1  }
0xbe: {  	v27 =	vld [tilespmem:s24+$0x110];
	_ =	sdelay $0x1  }
0xbf: {  	v41 =	vld [tilespmem:s24+$0x190]  }
0xc0: {  	v25 =	vmul.f32 v25, v17;
	v26 =	vmul.f32 v26, v18  }
0xc1: {  	v42 =	vld [tilespmem:s24+$0x210]  }
0xc2: {  	v25 =	vadd.f32 v25, v26;
	v26 =	vmul.f32 v27, v20  }
0xc3: {  	v27 =	vld [tilespmem:s24+$0x290]  }
0xc4: {  	v25 =	vadd.f32 v26, v25;
	v26 =	vmul.f32 v41, v19  }
0xc5: {  	v43 =	vld [tilespmem:s24+$0x310]  }
0xc6: {  	v25 =	vadd.f32 v26, v25;
	v26 =	vmul.f32 v42, v21  }
0xc7: {  	v44 =	vld [tilespmem:s24+$0x390]  }
0xc8: {  	v25 =	vadd.f32 v26, v25;
	v26 =	vmul.f32 v27, v22;
	_ =	sdelay $0x1  }
0xc9: {  	v25 =	vadd.f32 v26, v25;
	v26 =	vmul.f32 v43, v23;
	_ =	sdelay $0x1  }
0xca: {  	v25 =	vadd.f32 v26, v25;
	v26 =	vmul.f32 v44, v24;
	_ =	sdelay $0x1  }
0xcb: {  	v25 =	vadd.f32 v26, v25;
	_ =	sdelay $0x1  }
0xcc: {  	[tilespmem:s25+$0x10] =	vst v25  }
0xcd: {  	v25 =	vld [tilespmem:s24+$0x20]  }
0xce: {  	v26 =	vld [tilespmem:s24+$0xA0];
	_ =	sdelay $0x1  }
0xcf: {  	v27 =	vld [tilespmem:s24+$0x120];
	_ =	sdelay $0x1  }
0xd0: {  	v45 =	vld [tilespmem:s24+$0x1A0]  }
0xd1: {  	v25 =	vmul.f32 v25, v18;
	v26 =	vmul.f32 v26, v17  }
0xd2: {  	v46 =	vld [tilespmem:s24+$0x220]  }
0xd3: {  	v25 =	vadd.f32 v26, v25;
	v26 =	vmul.f32 v27, v20  }
0xd4: {  	v27 =	vld [tilespmem:s24+$0x2A0]  }
0xd5: {  	v25 =	vadd.f32 v26, v25;
	v26 =	vmul.f32 v45, v19  }
0xd6: {  	v47 =	vld [tilespmem:s24+$0x320]  }
0xd7: {  	v25 =	vadd.f32 v26, v25;
	v26 =	vmul.f32 v46, v21  }
0xd8: {  	v48 =	vld [tilespmem:s24+$0x3A0]  }
0xd9: {  	v25 =	vadd.f32 v26, v25;
	v26 =	vmul.f32 v27, v22;
	_ =	sdelay $0x1  }
0xda: {  	v25 =	vadd.f32 v26, v25;
	v26 =	vmul.f32 v47, v23;
	_ =	sdelay $0x1  }
0xdb: {  	v25 =	vadd.f32 v26, v25;
	v26 =	vmul.f32 v48, v24;
	_ =	sdelay $0x1  }
0xdc: {  	v25 =	vadd.f32 v26, v25;
	_ =	sdelay $0x1  }
0xdd: {  	[tilespmem:s25+$0x20] =	vst v25  }
0xde: {  	v25 =	vld [tilespmem:s24+$0x30]  }
0xdf: {  	v26 =	vld [tilespmem:s24+$0xB0];
	_ =	sdelay $0x1  }
0xe0: {  	v27 =	vld [tilespmem:s24+$0x130];
	_ =	sdelay $0x1  }
0xe1: {  	v49 =	vld [tilespmem:s24+$0x1B0]  }
0xe2: {  	v25 =	vmul.f32 v25, v18;
	v26 =	vmul.f32 v26, v17  }
0xe3: {  	v50 =	vld [tilespmem:s24+$0x230]  }
0xe4: {  	v27 =	vmul.f32 v27, v20;
	v25 =	vadd.f32 v26, v25  }
0xe5: {  	v26 =	vld [tilespmem:s24+$0x2B0]  }
0xe6: {  	v28 =	vmul.f32 v49, v19;
	v25 =	vadd.f32 v27, v25  }
0xe7: {  	v27 =	vld [tilespmem:s24+$0x330]  }
0xe8: {  	v29 =	vmul.f32 v50, v21;
	v25 =	vadd.f32 v28, v25  }
0xe9: {  	v51 =	vld [tilespmem:s24+$0x3B0]  }
0xea: {  	v26 =	vmul.f32 v26, v22;
	v25 =	vadd.f32 v29, v25;
	_ =	sdelay $0x1  }
0xeb: {  	v25 =	vadd.f32 v26, v25;
	v26 =	vmul.f32 v27, v23;
	_ =	sdelay $0x1  }
0xec: {  	v25 =	vadd.f32 v26, v25;
	v26 =	vmul.f32 v51, v24;
	_ =	sdelay $0x1  }
0xed: {  	v25 =	vadd.f32 v26, v25;
	_ =	sdelay $0x1  }
0xee: {  	[tilespmem:s25+$0x30] =	vst v25  }
0xef: {  	v25 =	vld [tilespmem:s24+$0x40]  }
0xf0: {  	v26 =	vld [tilespmem:s24+$0xC0];
	_ =	sdelay $0x1  }
0xf1: {  	v27 =	vld [tilespmem:s24+$0x140];
	_ =	sdelay $0x1  }
0xf2: {  	v52 =	vld [tilespmem:s24+$0x1C0]  }
0xf3: {  	v25 =	vmul.f32 v25, v18;
	v26 =	vmul.f32 v26, v17  }
0xf4: {  	v53 =	vld [tilespmem:s24+$0x240]  }
0xf5: {  	v25 =	vadd.f32 v26, v25;
	v26 =	vmul.f32 v27, v20  }
0xf6: {  	v27 =	vld [tilespmem:s24+$0x2C0]  }
0xf7: {  	v25 =	vadd.f32 v26, v25;
	v26 =	vmul.f32 v52, v19  }
0xf8: {  	v54 =	vld [tilespmem:s24+$0x340]  }
0xf9: {  	v25 =	vadd.f32 v26, v25;
	v26 =	vmul.f32 v53, v21  }
0xfa: {  	v55 =	vld [tilespmem:s24+$0x3C0]  }
0xfb: {  	v25 =	vadd.f32 v26, v25;
	v26 =	vmul.f32 v27, v22;
	_ =	sdelay $0x1  }
0xfc: {  	v25 =	vadd.f32 v26, v25;
	v26 =	vmul.f32 v54, v23;
	_ =	sdelay $0x1  }
0xfd: {  	v25 =	vadd.f32 v26, v25;
	v26 =	vmul.f32 v55, v24;
	_ =	sdelay $0x1  }
0xfe: {  	v25 =	vadd.f32 v26, v25;
	_ =	sdelay $0x1  }
0xff: {  	[tilespmem:s25+$0x40] =	vst v25  }
0x100: {  	v25 =	vld [tilespmem:s24+$0x50]  }
0x101: {  	v26 =	vld [tilespmem:s24+$0xD0];
	_ =	sdelay $0x1  }
0x102: {  	v27 =	vld [tilespmem:s24+$0x150];
	_ =	sdelay $0x1  }
0x103: {  	v56 =	vld [tilespmem:s24+$0x1D0]  }
0x104: {  	v25 =	vmul.f32 v25, v18;
	v26 =	vmul.f32 v26, v17  }
0x105: {  	v57 =	vld [tilespmem:s24+$0x250]  }
0x106: {  	v25 =	vadd.f32 v26, v25;
	v26 =	vmul.f32 v27, v20  }
0x107: {  	v27 =	vld [tilespmem:s24+$0x2D0]  }
0x108: {  	v25 =	vadd.f32 v26, v25;
	v26 =	vmul.f32 v56, v19  }
0x109: {  	v58 =	vld [tilespmem:s24+$0x350]  }
0x10a: {  	v25 =	vadd.f32 v26, v25;
	v26 =	vmul.f32 v57, v21  }
0x10b: {  	v59 =	vld [tilespmem:s24+$0x3D0]  }
0x10c: {  	v25 =	vadd.f32 v26, v25;
	v26 =	vmul.f32 v27, v22;
	_ =	sdelay $0x1  }
0x10d: {  	v25 =	vadd.f32 v26, v25;
	v26 =	vmul.f32 v58, v23;
	_ =	sdelay $0x1  }
0x10e: {  	v25 =	vadd.f32 v26, v25;
	v26 =	vmul.f32 v59, v24;
	_ =	sdelay $0x1  }
0x10f: {  	v25 =	vadd.f32 v26, v25;
	_ =	sdelay $0x1  }
0x110: {  	[tilespmem:s25+$0x50] =	vst v25  }
0x111: {  	v25 =	vld [tilespmem:s24+$0x60]  }
0x112: {  	v26 =	vld [tilespmem:s24+$0xE0];
	_ =	sdelay $0x1  }
0x113: {  	v27 =	vld [tilespmem:s24+$0x160];
	_ =	sdelay $0x1  }
0x114: {  	v60 =	vld [tilespmem:s24+$0x1E0]  }
0x115: {  	v25 =	vmul.f32 v25, v18;
	v26 =	vmul.f32 v26, v17  }
0x116: {  	v61 =	vld [tilespmem:s24+$0x260]  }
0x117: {  	v25 =	vadd.f32 v26, v25;
	v26 =	vmul.f32 v27, v20  }
0x118: {  	v27 =	vld [tilespmem:s24+$0x2E0]  }
0x119: {  	v25 =	vadd.f32 v26, v25;
	v26 =	vmul.f32 v60, v19  }
0x11a: {  	v62 =	vld [tilespmem:s24+$0x360]  }
0x11b: {  	v25 =	vadd.f32 v26, v25;
	v26 =	vmul.f32 v61, v21  }
0x11c: {  	v63 =	vld [tilespmem:s24+$0x3E0]  }
0x11d: {  	v25 =	vadd.f32 v26, v25;
	v26 =	vmul.f32 v27, v22;
	_ =	sdelay $0x1  }
0x11e: {  	v25 =	vadd.f32 v26, v25;
	v26 =	vmul.f32 v62, v23;
	_ =	sdelay $0x1  }
0x11f: {  	v25 =	vadd.f32 v26, v25;
	v26 =	vmul.f32 v63, v24  }
0x120: {  	s26 =	sshll.u32 s22, $0xA  }
0x121: {  	s29 =	simm.s32 $0x40;
	s30 =	simm.s32 $0xC880;
	s28 =	simm.s32 $0x4C00;
	v25 =	vadd.f32 v26, v25  }
.LBB2_3:
0x122: {  	_ = 	snop  }
0x123: {  	p1 =	sne.s32 s29, $0x1C0;
	s24 =	sadd.s32 $0x800, s24;
	s30 =	sadd.s32 $0x100, s30;
	[tilespmem:s25+$0x60] =	vst v25  }
0x124: {  	s31 =	smov.u32 s29;
	s29 =	sadd.s32 $0x40, s29;
	v25 =	vld [tilespmem:s28+$0x70]  }
0x125: {  	v26 =	vld [tilespmem:s28+$0xF0]  }
0x126: {  	v27 =	vld [tilespmem:s28+$0x170]  }
0x127: {  	v28 =	vld [tilespmem:s28+$0x1F0]  }
0x128: {  	v29 =	vld [tilespmem:s28+$0x270]  }
0x129: {  	v18 =	vmul.f32 v25, v18;
	v25 =	vld [tilespmem:s28+$0x2F0]  }
0x12a: {  	v17 =	vmul.f32 v26, v17;
	v26 =	vld [tilespmem:s28+$0x370]  }
0x12b: {  	v20 =	vmul.f32 v27, v20;
	v27 =	vld [tilespmem:s28+$0x3F0];
	s28 =	smov.u32 s24  }
0x12c: {  	v17 =	vadd.f32 v17, v18  }
0x12d: {  	v18 =	vmul.f32 v28, v19  }
0x12e: {  	v17 =	vadd.f32 v20, v17  }
0x12f: {  	v19 =	vmul.f32 v29, v21  }
0x130: {  	v17 =	vadd.f32 v18, v17  }
0x131: {  	v18 =	vmul.f32 v25, v22  }
0x132: {  	v17 =	vadd.f32 v19, v17  }
0x133: {  	v19 =	vmul.f32 v26, v23  }
0x134: {  	v17 =	vadd.f32 v18, v17  }
0x135: {  	v18 =	vmul.f32 v27, v24  }
0x136: {  	v17 =	vadd.f32 v19, v17  }
0x137: {  	s31 =	sshra.s32 s31, $0x2  }
0x138: {  	v17 =	vadd.f32 v18, v17;
	_ =	sdelay $0x1  }
0x139: {  	[tilespmem:s25+$0x70] =	vst v17;
	s25 =	smov.u32 s30  }
0x13a: {  	v24 =	vld.idx.msk [tilespmem:v16+s31+$0x0 ss:$0x1], $0xffff  }
0x13b: {  	v26 =	vld [tilespmem:s24+$0xFFFFFC00]  }
0x13c: {  	v27 =	vld [tilespmem:s24+$0xFFFFFD00];
	_ =	sdelay $0x2  }
0x13d: {  	v28 =	vld [tilespmem:s24+$0xFFFFFC80]  }
0x13e: {  	v21 =	vperm.xlane v24, v0;
	v19 =	vperm.xlane v24, v4;
	v29 =	vld [tilespmem:s24+$0xFFFFFD80]  }
0x13f: {  	v22 =	vperm.xlane v24, v1;
	v23 =	vperm.xlane v24, v2  }
0x140: {  	v20 =	vperm.xlane v24, v5;
	v17 =	vperm.xlane v24, v6;
	v30 =	vld [tilespmem:s24+$0xFFFFFE00]  }
0x141: {  	v25 =	vperm.xlane v24, v3;
	v18 =	vperm.xlane v24, v7  }
0x142: {  	v26 =	vmul.f32 v26, v21;
	v28 =	vmul.f32 v28, v22;
	v31 =	vld [tilespmem:s24+$0xFFFFFE80]  }
0x143: {  	v27 =	vmul.f32 v27, v23;
	v29 =	vmul.f32 v29, v25  }
0x144: {  	v26 =	vadd.f32 v28, v26;
	v28 =	vld [tilespmem:s24+$0xFFFFFF00]  }
0x145: {  	v30 =	vmul.f32 v30, v19  }
0x146: {  	v26 =	vadd.f32 v27, v26;
	v27 =	vld [tilespmem:s24+$0xFFFFFF80]  }
0x147: {  	v31 =	vmul.f32 v31, v20  }
0x148: {  	v26 =	vadd.f32 v29, v26  }
0x149: {  	v28 =	vmul.f32 v28, v17  }
0x14a: {  	v26 =	vadd.f32 v30, v26  }
0x14b: {  	v27 =	vmul.f32 v27, v18  }
0x14c: {  	v26 =	vadd.f32 v31, v26;
	_ =	sdelay $0x1  }
0x14d: {  	v26 =	vadd.f32 v28, v26;
	_ =	sdelay $0x1  }
0x14e: {  	v26 =	vadd.f32 v27, v26;
	_ =	sdelay $0x1  }
0x14f: {  	[tilespmem:s30+$0xFFFFFF80] =	vst v26  }
0x150: {  	v26 =	vld [tilespmem:s24+$0xFFFFFC10]  }
0x151: {  	v27 =	vld [tilespmem:s24+$0xFFFFFC90];
	_ =	sdelay $0x1  }
0x152: {  	v28 =	vld [tilespmem:s24+$0xFFFFFD10];
	_ =	sdelay $0x1  }
0x153: {  	v26 =	vmul.f32 v26, v21;
	v29 =	vld [tilespmem:s24+$0xFFFFFD90]  }
0x154: {  	v27 =	vmul.f32 v27, v22  }
0x155: {  	v30 =	vld [tilespmem:s24+$0xFFFFFE10]  }
0x156: {  	v26 =	vadd.f32 v27, v26;
	v27 =	vmul.f32 v28, v23  }
0x157: {  	v28 =	vld [tilespmem:s24+$0xFFFFFE90]  }
0x158: {  	v26 =	vadd.f32 v27, v26;
	v27 =	vmul.f32 v29, v25  }
0x159: {  	v29 =	vld [tilespmem:s24+$0xFFFFFF10]  }
0x15a: {  	v26 =	vadd.f32 v27, v26;
	v27 =	vmul.f32 v30, v19  }
0x15b: {  	v30 =	vld [tilespmem:s24+$0xFFFFFF90]  }
0x15c: {  	v26 =	vadd.f32 v27, v26;
	v27 =	vmul.f32 v28, v20;
	_ =	sdelay $0x1  }
0x15d: {  	v26 =	vadd.f32 v27, v26;
	v27 =	vmul.f32 v29, v17;
	_ =	sdelay $0x1  }
0x15e: {  	v26 =	vadd.f32 v27, v26;
	v27 =	vmul.f32 v30, v18;
	_ =	sdelay $0x1  }
0x15f: {  	v26 =	vadd.f32 v27, v26;
	_ =	sdelay $0x1  }
0x160: {  	[tilespmem:s30+$0xFFFFFF90] =	vst v26  }
0x161: {  	v26 =	vld [tilespmem:s24+$0xFFFFFC20]  }
0x162: {  	v27 =	vld [tilespmem:s24+$0xFFFFFCA0];
	_ =	sdelay $0x1  }
0x163: {  	v28 =	vld [tilespmem:s24+$0xFFFFFD20];
	_ =	sdelay $0x1  }
0x164: {  	v26 =	vmul.f32 v26, v21;
	v29 =	vld [tilespmem:s24+$0xFFFFFDA0]  }
0x165: {  	v27 =	vmul.f32 v27, v22  }
0x166: {  	v30 =	vld [tilespmem:s24+$0xFFFFFE20]  }
0x167: {  	v26 =	vadd.f32 v27, v26;
	v27 =	vmul.f32 v28, v23  }
0x168: {  	v28 =	vld [tilespmem:s24+$0xFFFFFEA0]  }
0x169: {  	v26 =	vadd.f32 v27, v26;
	v27 =	vmul.f32 v29, v25  }
0x16a: {  	v29 =	vld [tilespmem:s24+$0xFFFFFF20]  }
0x16b: {  	v26 =	vadd.f32 v27, v26;
	v27 =	vmul.f32 v30, v19  }
0x16c: {  	v30 =	vld [tilespmem:s24+$0xFFFFFFA0]  }
0x16d: {  	v26 =	vadd.f32 v27, v26;
	v27 =	vmul.f32 v28, v20;
	_ =	sdelay $0x1  }
0x16e: {  	v26 =	vadd.f32 v27, v26;
	v27 =	vmul.f32 v29, v17;
	_ =	sdelay $0x1  }
0x16f: {  	v26 =	vadd.f32 v27, v26;
	v27 =	vmul.f32 v30, v18;
	_ =	sdelay $0x1  }
0x170: {  	v26 =	vadd.f32 v27, v26;
	_ =	sdelay $0x1  }
0x171: {  	[tilespmem:s30+$0xFFFFFFA0] =	vst v26  }
0x172: {  	v26 =	vld [tilespmem:s24+$0xFFFFFC30]  }
0x173: {  	v27 =	vld [tilespmem:s24+$0xFFFFFCB0];
	_ =	sdelay $0x1  }
0x174: {  	v28 =	vld [tilespmem:s24+$0xFFFFFD30];
	_ =	sdelay $0x1  }
0x175: {  	v26 =	vmul.f32 v26, v21;
	v29 =	vld [tilespmem:s24+$0xFFFFFDB0]  }
0x176: {  	v27 =	vmul.f32 v27, v22  }
0x177: {  	v30 =	vld [tilespmem:s24+$0xFFFFFE30]  }
0x178: {  	v26 =	vadd.f32 v27, v26;
	v27 =	vmul.f32 v28, v23  }
0x179: {  	v28 =	vld [tilespmem:s24+$0xFFFFFEB0]  }
0x17a: {  	v26 =	vadd.f32 v27, v26;
	v27 =	vmul.f32 v29, v25  }
0x17b: {  	v29 =	vld [tilespmem:s24+$0xFFFFFF30]  }
0x17c: {  	v26 =	vadd.f32 v27, v26;
	v27 =	vmul.f32 v30, v19  }
0x17d: {  	v30 =	vld [tilespmem:s24+$0xFFFFFFB0]  }
0x17e: {  	v26 =	vadd.f32 v27, v26;
	v27 =	vmul.f32 v28, v20;
	_ =	sdelay $0x1  }
0x17f: {  	v26 =	vadd.f32 v27, v26;
	v27 =	vmul.f32 v29, v17;
	_ =	sdelay $0x1  }
0x180: {  	v26 =	vadd.f32 v27, v26;
	v27 =	vmul.f32 v30, v18;
	_ =	sdelay $0x1  }
0x181: {  	v26 =	vadd.f32 v27, v26;
	_ =	sdelay $0x1  }
0x182: {  	[tilespmem:s30+$0xFFFFFFB0] =	vst v26  }
0x183: {  	v26 =	vld [tilespmem:s24+$0xFFFFFC40]  }
0x184: {  	v27 =	vld [tilespmem:s24+$0xFFFFFCC0]  }
0x185: {  	v28 =	vld [tilespmem:s24+$0xFFFFFD40]  }
0x186: {  	v29 =	vld [tilespmem:s24+$0xFFFFFDC0]  }
0x187: {  	v30 =	vld [tilespmem:s24+$0xFFFFFE40]  }
0x188: {  	v26 =	vmul.f32 v26, v21;
	v31 =	vld [tilespmem:s24+$0xFFFFFEC0]  }
0x189: {  	v27 =	vmul.f32 v27, v22  }
0x18a: {  	v28 =	vmul.f32 v28, v23  }
0x18b: {  	v26 =	vadd.f32 v27, v26;
	v27 =	vmul.f32 v29, v25  }
0x18c: {  	v29 =	vmul.f32 v30, v19  }
0x18d: {  	v26 =	vadd.f32 v28, v26;
	v28 =	vmul.f32 v31, v20  }
0x18e: {  	v30 =	vld [tilespmem:s24+$0xFFFFFF40]  }
0x18f: {  	v26 =	vadd.f32 v27, v26  }
0x190: {  	v27 =	vld [tilespmem:s24+$0xFFFFFFC0]  }
0x191: {  	v26 =	vadd.f32 v29, v26;
	_ =	sdelay $0x1  }
0x192: {  	v26 =	vadd.f32 v28, v26;
	v28 =	vmul.f32 v30, v17;
	_ =	sdelay $0x1  }
0x193: {  	v26 =	vadd.f32 v28, v26;
	v27 =	vmul.f32 v27, v18;
	_ =	sdelay $0x1  }
0x194: {  	v26 =	vadd.f32 v27, v26;
	_ =	sdelay $0x1  }
0x195: {  	[tilespmem:s30+$0xFFFFFFC0] =	vst v26  }
0x196: {  	v26 =	vld [tilespmem:s24+$0xFFFFFC50]  }
0x197: {  	v27 =	vld [tilespmem:s24+$0xFFFFFCD0]  }
0x198: {  	v28 =	vld [tilespmem:s24+$0xFFFFFD50]  }
0x199: {  	v29 =	vld [tilespmem:s24+$0xFFFFFDD0]  }
0x19a: {  	v30 =	vld [tilespmem:s24+$0xFFFFFE50]  }
0x19b: {  	v26 =	vmul.f32 v26, v21;
	v31 =	vld [tilespmem:s24+$0xFFFFFED0]  }
0x19c: {  	v27 =	vmul.f32 v27, v22  }
0x19d: {  	v28 =	vmul.f32 v28, v23  }
0x19e: {  	v26 =	vadd.f32 v27, v26;
	v27 =	vmul.f32 v29, v25  }
0x19f: {  	v29 =	vmul.f32 v30, v19  }
0x1a0: {  	v26 =	vadd.f32 v28, v26;
	v28 =	vmul.f32 v31, v20  }
0x1a1: {  	v30 =	vld [tilespmem:s24+$0xFFFFFF50]  }
0x1a2: {  	v26 =	vadd.f32 v27, v26  }
0x1a3: {  	v27 =	vld [tilespmem:s24+$0xFFFFFFD0]  }
0x1a4: {  	v26 =	vadd.f32 v29, v26;
	_ =	sdelay $0x1  }
0x1a5: {  	v26 =	vadd.f32 v28, v26;
	v28 =	vmul.f32 v30, v17;
	_ =	sdelay $0x1  }
0x1a6: {  	v26 =	vadd.f32 v28, v26;
	v27 =	vmul.f32 v27, v18;
	_ =	sdelay $0x1  }
0x1a7: {  	v26 =	vadd.f32 v27, v26;
	_ =	sdelay $0x1  }
0x1a8: {  	[tilespmem:s30+$0xFFFFFFD0] =	vst v26  }
0x1a9: {  	v26 =	vld [tilespmem:s24+$0xFFFFFC60]  }
0x1aa: {  	v27 =	vld [tilespmem:s24+$0xFFFFFCE0]  }
0x1ab: {  	v28 =	vld [tilespmem:s24+$0xFFFFFD60]  }
0x1ac: {  	v29 =	vld [tilespmem:s24+$0xFFFFFDE0]  }
0x1ad: {  	v30 =	vld [tilespmem:s24+$0xFFFFFE60]  }
0x1ae: {  	v26 =	vmul.f32 v26, v21;
	v31 =	vld [tilespmem:s24+$0xFFFFFEE0]  }
0x1af: {  	v27 =	vmul.f32 v27, v22  }
0x1b0: {  	v28 =	vmul.f32 v28, v23  }
0x1b1: {  	v26 =	vadd.f32 v27, v26;
	v27 =	vmul.f32 v29, v25  }
0x1b2: {  	v29 =	vmul.f32 v30, v19  }
0x1b3: {  	v26 =	vadd.f32 v28, v26;
	v28 =	vmul.f32 v31, v20  }
0x1b4: {  	v30 =	vld [tilespmem:s24+$0xFFFFFF60]  }
0x1b5: {  	v26 =	vadd.f32 v27, v26  }
0x1b6: {  	v27 =	vld [tilespmem:s24+$0xFFFFFFE0]  }
0x1b7: {  	v26 =	vadd.f32 v29, v26;
	_ =	sdelay $0x1  }
0x1b8: {  	v26 =	vadd.f32 v28, v26;
	v28 =	vmul.f32 v30, v17;
	_ =	sdelay $0x1  }
0x1b9: {  	v26 =	vadd.f32 v28, v26;
	v27 =	vmul.f32 v27, v18;
	_ =	sdelay $0x1  }
0x1ba: {  	v26 =	vadd.f32 v27, v26;
	_ =	sdelay $0x1  }
0x1bb: {  	[tilespmem:s30+$0xFFFFFFE0] =	vst v26  }
0x1bc: {  	v26 =	vld [tilespmem:s24+$0xFFFFFC70]  }
0x1bd: {  	v27 =	vld [tilespmem:s24+$0xFFFFFD70]  }
0x1be: {  	v28 =	vld [tilespmem:s24+$0xFFFFFCF0]  }
0x1bf: {  	v29 =	vld [tilespmem:s24+$0xFFFFFDF0];
	_ =	sdelay $0x1  }
0x1c0: {  	v21 =	vmul.f32 v26, v21  }
0x1c1: {  	v23 =	vmul.f32 v27, v23  }
0x1c2: {  	v22 =	vmul.f32 v28, v22  }
0x1c3: {  	v25 =	vmul.f32 v29, v25;
	v26 =	vld [tilespmem:s24+$0xFFFFFE70]  }
0x1c4: {  	v21 =	vadd.f32 v22, v21  }
0x1c5: {  	v22 =	vld [tilespmem:s24+$0xFFFFFEF0]  }
0x1c6: {  	v21 =	vadd.f32 v23, v21  }
0x1c7: {  	v23 =	vld [tilespmem:s24+$0xFFFFFF70]  }
0x1c8: {  	v21 =	vadd.f32 v25, v21;
	v19 =	vmul.f32 v26, v19  }
0x1c9: {  	v25 =	vld [tilespmem:s24+$0xFFFFFFF0]  }
0x1ca: {  	v19 =	vadd.f32 v19, v21;
	v20 =	vmul.f32 v22, v20;
	_ =	sdelay $0x1  }
0x1cb: {  	v19 =	vadd.f32 v20, v19;
	v17 =	vmul.f32 v23, v17;
	_ =	sdelay $0x1  }
0x1cc: {  	v17 =	vadd.f32 v17, v19;
	v18 =	vmul.f32 v25, v18;
	_ =	sdelay $0x1  }
0x1cd: {  	v17 =	vadd.f32 v18, v17;
	_ =	sdelay $0x1  }
0x1ce: {  	[tilespmem:s30+$0xFFFFFFF0] =	vst v17  }
0x1cf: {  	v19 =	vld [tilespmem:s24+$0x0]  }
0x1d0: {  	v21 =	vld [tilespmem:s24+$0x80]  }
0x1d1: {  	v22 =	vld [tilespmem:s24+$0x100]  }
0x1d2: {  	v18 =	vperm.xlane v24, v8  }
0x1d3: {  	v17 =	vperm.xlane v24, v9  }
0x1d4: {  	v23 =	vmul.f32 v19, v18;
	v25 =	vld [tilespmem:s24+$0x180]  }
0x1d5: {  	v20 =	vperm.xlane v24, v10;
	v21 =	vmul.f32 v21, v17  }
0x1d6: {  	v26 =	vld [tilespmem:s24+$0x200]  }
0x1d7: {  	v19 =	vperm.xlane v24, v11;
	v22 =	vmul.f32 v22, v20;
	v23 =	vadd.f32 v21, v23  }
0x1d8: {  	v27 =	vld [tilespmem:s24+$0x280]  }
0x1d9: {  	v21 =	vperm.xlane v24, v12;
	v23 =	vadd.f32 v22, v23;
	v25 =	vmul.f32 v25, v19  }
0x1da: {  	v28 =	vld [tilespmem:s24+$0x300]  }
0x1db: {  	v22 =	vperm.xlane v24, v13;
	v25 =	vadd.f32 v25, v23;
	v26 =	vmul.f32 v26, v21  }
0x1dc: {  	v29 =	vld [tilespmem:s24+$0x380]  }
0x1dd: {  	v23 =	vperm.xlane v24, v14;
	v25 =	vadd.f32 v26, v25;
	v26 =	vmul.f32 v27, v22;
	_ =	sdelay $0x1  }
0x1de: {  	v24 =	vperm.xlane v24, v15;
	v25 =	vadd.f32 v26, v25;
	v26 =	vmul.f32 v28, v23;
	_ =	sdelay $0x1  }
0x1df: {  	v25 =	vadd.f32 v26, v25;
	v26 =	vmul.f32 v29, v24;
	_ =	sdelay $0x1  }
0x1e0: {  	v25 =	vadd.f32 v26, v25;
	_ =	sdelay $0x1  }
0x1e1: {  	[tilespmem:s30+$0x0] =	vst v25  }
0x1e2: {  	v25 =	vld [tilespmem:s24+$0x90]  }
0x1e3: {  	v26 =	vld [tilespmem:s24+$0x10]  }
0x1e4: {  	v27 =	vld [tilespmem:s24+$0x190]  }
0x1e5: {  	v28 =	vld [tilespmem:s24+$0x110]  }
0x1e6: {  	v29 =	vld [tilespmem:s24+$0x210]  }
0x1e7: {  	v25 =	vmul.f32 v25, v17;
	v30 =	vld [tilespmem:s24+$0x290]  }
0x1e8: {  	v26 =	vmul.f32 v26, v18;
	v31 =	vld [tilespmem:s24+$0x310]  }
0x1e9: {  	v32 =	vld [tilespmem:s24+$0x390]  }
0x1ea: {  	v25 =	vadd.f32 v25, v26;
	v26 =	vmul.f32 v28, v20;
	_ =	sdelay $0x1  }
0x1eb: {  	v25 =	vadd.f32 v26, v25;
	v26 =	vmul.f32 v27, v19;
	_ =	sdelay $0x1  }
0x1ec: {  	v25 =	vadd.f32 v26, v25;
	v26 =	vmul.f32 v29, v21;
	_ =	sdelay $0x1  }
0x1ed: {  	v25 =	vadd.f32 v26, v25;
	v26 =	vmul.f32 v30, v22;
	_ =	sdelay $0x1  }
0x1ee: {  	v25 =	vadd.f32 v26, v25;
	v26 =	vmul.f32 v31, v23;
	_ =	sdelay $0x1  }
0x1ef: {  	v25 =	vadd.f32 v26, v25;
	v26 =	vmul.f32 v32, v24;
	_ =	sdelay $0x1  }
0x1f0: {  	v25 =	vadd.f32 v26, v25;
	_ =	sdelay $0x1  }
0x1f1: {  	[tilespmem:s30+$0x10] =	vst v25  }
0x1f2: {  	v25 =	vld [tilespmem:s24+$0x20]  }
0x1f3: {  	v26 =	vld [tilespmem:s24+$0xA0]  }
0x1f4: {  	v27 =	vld [tilespmem:s24+$0x120]  }
0x1f5: {  	v28 =	vld [tilespmem:s24+$0x1A0]  }
0x1f6: {  	v29 =	vld [tilespmem:s24+$0x2A0]  }
0x1f7: {  	v25 =	vmul.f32 v25, v18;
	v30 =	vld [tilespmem:s24+$0x220]  }
0x1f8: {  	v26 =	vmul.f32 v26, v17;
	v31 =	vld [tilespmem:s24+$0x320]  }
0x1f9: {  	v32 =	vld [tilespmem:s24+$0x3A0]  }
0x1fa: {  	v25 =	vadd.f32 v26, v25;
	v26 =	vmul.f32 v27, v20;
	_ =	sdelay $0x1  }
0x1fb: {  	v25 =	vadd.f32 v26, v25;
	v26 =	vmul.f32 v28, v19;
	_ =	sdelay $0x1  }
0x1fc: {  	v25 =	vadd.f32 v26, v25;
	v26 =	vmul.f32 v30, v21;
	_ =	sdelay $0x1  }
0x1fd: {  	v25 =	vadd.f32 v26, v25;
	v26 =	vmul.f32 v29, v22;
	_ =	sdelay $0x1  }
0x1fe: {  	v25 =	vadd.f32 v26, v25;
	v26 =	vmul.f32 v31, v23;
	_ =	sdelay $0x1  }
0x1ff: {  	v25 =	vadd.f32 v26, v25;
	v26 =	vmul.f32 v32, v24;
	_ =	sdelay $0x1  }
0x200: {  	v25 =	vadd.f32 v26, v25;
	_ =	sdelay $0x1  }
0x201: {  	[tilespmem:s30+$0x20] =	vst v25  }
0x202: {  	v25 =	vld [tilespmem:s24+$0x130]  }
0x203: {  	v26 =	vld [tilespmem:s24+$0x30]  }
0x204: {  	v27 =	vld [tilespmem:s24+$0x1B0]  }
0x205: {  	v28 =	vld [tilespmem:s24+$0xB0]  }
0x206: {  	v29 =	vld [tilespmem:s24+$0x230]  }
0x207: {  	v30 =	vld [tilespmem:s24+$0x2B0]  }
0x208: {  	v31 =	vld [tilespmem:s24+$0x330]  }
0x209: {  	v26 =	vmul.f32 v26, v18;
	v32 =	vld [tilespmem:s24+$0x3B0]  }
0x20a: {  	v25 =	vmul.f32 v25, v20;
	v28 =	vmul.f32 v28, v17;
	_ =	sdelay $0x1  }
0x20b: {  	v27 =	vmul.f32 v27, v19;
	v26 =	vadd.f32 v28, v26;
	_ =	sdelay $0x1  }
0x20c: {  	v25 =	vadd.f32 v25, v26;
	v26 =	vmul.f32 v29, v21;
	_ =	sdelay $0x1  }
0x20d: {  	v25 =	vadd.f32 v27, v25;
	v27 =	vmul.f32 v30, v22;
	_ =	sdelay $0x1  }
0x20e: {  	v25 =	vadd.f32 v26, v25;
	_ =	sdelay $0x1  }
0x20f: {  	v26 =	vmul.f32 v31, v23;
	v25 =	vadd.f32 v27, v25;
	_ =	sdelay $0x1  }
0x210: {  	v25 =	vadd.f32 v26, v25;
	v26 =	vmul.f32 v32, v24;
	_ =	sdelay $0x1  }
0x211: {  	v25 =	vadd.f32 v26, v25;
	_ =	sdelay $0x1  }
0x212: {  	[tilespmem:s30+$0x30] =	vst v25  }
0x213: {  	v25 =	vld [tilespmem:s24+$0x40]  }
0x214: {  	v26 =	vld [tilespmem:s24+$0xC0]  }
0x215: {  	v27 =	vld [tilespmem:s24+$0x140]  }
0x216: {  	v28 =	vld [tilespmem:s24+$0x1C0]  }
0x217: {  	v29 =	vld [tilespmem:s24+$0x240]  }
0x218: {  	v25 =	vmul.f32 v25, v18;
	v30 =	vld [tilespmem:s24+$0x2C0]  }
0x219: {  	v26 =	vmul.f32 v26, v17;
	v31 =	vld [tilespmem:s24+$0x340]  }
0x21a: {  	v32 =	vld [tilespmem:s24+$0x3C0]  }
0x21b: {  	v25 =	vadd.f32 v26, v25;
	v26 =	vmul.f32 v27, v20;
	_ =	sdelay $0x1  }
0x21c: {  	v25 =	vadd.f32 v26, v25;
	v26 =	vmul.f32 v28, v19;
	_ =	sdelay $0x1  }
0x21d: {  	v25 =	vadd.f32 v26, v25;
	v26 =	vmul.f32 v29, v21;
	_ =	sdelay $0x1  }
0x21e: {  	v25 =	vadd.f32 v26, v25;
	v26 =	vmul.f32 v30, v22;
	_ =	sdelay $0x1  }
0x21f: {  	v25 =	vadd.f32 v26, v25;
	v26 =	vmul.f32 v31, v23;
	_ =	sdelay $0x1  }
0x220: {  	v25 =	vadd.f32 v26, v25;
	v26 =	vmul.f32 v32, v24;
	_ =	sdelay $0x1  }
0x221: {  	v25 =	vadd.f32 v26, v25;
	_ =	sdelay $0x1  }
0x222: {  	[tilespmem:s30+$0x40] =	vst v25  }
0x223: {  	v25 =	vld [tilespmem:s24+$0x50]  }
0x224: {  	v26 =	vld [tilespmem:s24+$0xD0]  }
0x225: {  	v27 =	vld [tilespmem:s24+$0x150]  }
0x226: {  	v28 =	vld [tilespmem:s24+$0x1D0]  }
0x227: {  	v29 =	vld [tilespmem:s24+$0x250]  }
0x228: {  	v25 =	vmul.f32 v25, v18;
	v30 =	vld [tilespmem:s24+$0x2D0]  }
0x229: {  	v26 =	vmul.f32 v26, v17;
	v31 =	vld [tilespmem:s24+$0x350]  }
0x22a: {  	v32 =	vld [tilespmem:s24+$0x3D0]  }
0x22b: {  	v25 =	vadd.f32 v26, v25;
	v26 =	vmul.f32 v27, v20;
	_ =	sdelay $0x1  }
0x22c: {  	v25 =	vadd.f32 v26, v25;
	v26 =	vmul.f32 v28, v19;
	_ =	sdelay $0x1  }
0x22d: {  	v25 =	vadd.f32 v26, v25;
	v26 =	vmul.f32 v29, v21;
	_ =	sdelay $0x1  }
0x22e: {  	v25 =	vadd.f32 v26, v25;
	v26 =	vmul.f32 v30, v22;
	_ =	sdelay $0x1  }
0x22f: {  	v25 =	vadd.f32 v26, v25;
	v26 =	vmul.f32 v31, v23;
	_ =	sdelay $0x1  }
0x230: {  	v25 =	vadd.f32 v26, v25;
	v26 =	vmul.f32 v32, v24;
	_ =	sdelay $0x1  }
0x231: {  	v25 =	vadd.f32 v26, v25;
	_ =	sdelay $0x1  }
0x232: {  	[tilespmem:s30+$0x50] =	vst v25  }
0x233: {  	v25 =	vld [tilespmem:s24+$0x60]  }
0x234: {  	v26 =	vld [tilespmem:s24+$0xE0]  }
0x235: {  	v27 =	vld [tilespmem:s24+$0x160]  }
0x236: {  	v28 =	vld [tilespmem:s24+$0x1E0]  }
0x237: {  	v29 =	vld [tilespmem:s24+$0x260]  }
0x238: {  	v30 =	vld [tilespmem:s24+$0x2E0]  }
0x239: {  	v25 =	vmul.f32 v25, v18;
	v26 =	vmul.f32 v26, v17;
	v31 =	vld [tilespmem:s24+$0x360]  }
0x23a: {  	v32 =	vld [tilespmem:s24+$0x3E0]  }
0x23b: {  	v25 =	vadd.f32 v26, v25;
	v26 =	vmul.f32 v27, v20;
	_ =	sdelay $0x1  }
0x23c: {  	v25 =	vadd.f32 v26, v25;
	v26 =	vmul.f32 v28, v19;
	_ =	sdelay $0x1  }
0x23d: {  	v25 =	vadd.f32 v26, v25;
	v26 =	vmul.f32 v29, v21;
	_ =	sdelay $0x1  }
0x23e: {  	v25 =	vadd.f32 v26, v25;
	v26 =	vmul.f32 v30, v22;
	_ =	sdelay $0x1  }
.Ltmp0:
0x23f: {  	v25 =	vadd.f32 v26, v25;
	v26 =	vmul.f32 v31, v23;
	(pc) =	sbr.rel @p1 .LBB2_3-.Ltmp0, $3  }
0x240: {  	_ = 	snop  }
0x241: {  	v25 =	vadd.f32 v26, v25;
	v26 =	vmul.f32 v32, v24;
	_ =	sdelay $0x1  }
0x242: {  	v25 =	vadd.f32 v26, v25  }
0x243: {  	_ = 	snop  }
0x244: {  	[tilespmem:s25+$0x60] =	vst v25  }
0x245: {  	v16 =	vld [tilespmem:s28+$0x70]  }
0x246: {  	v25 =	vld [tilespmem:s28+$0xF0];
	_ =	sdelay $0x1  }
0x247: {  	v26 =	vld [tilespmem:s28+$0x170];
	_ =	sdelay $0x1  }
0x248: {  	v27 =	vld [tilespmem:s28+$0x1F0]  }
0x249: {  	v16 =	vmul.f32 v16, v18;
	v17 =	vmul.f32 v25, v17  }
0x24a: {  	v60 =	vld [tilespmem:s28+$0x270]  }
0x24b: {  	v20 =	vmul.f32 v26, v20;
	v16 =	vadd.f32 v17, v16  }
0x24c: {  	v17 =	vld [tilespmem:s28+$0x2F0]  }
0x24d: {  	v19 =	vmul.f32 v27, v19;
	v16 =	vadd.f32 v20, v16  }
0x24e: {  	v61 =	vld [tilespmem:s28+$0x370]  }
0x24f: {  	v18 =	vmul.f32 v60, v21;
	v16 =	vadd.f32 v19, v16  }
0x250: {  	v62 =	vld [tilespmem:s28+$0x3F0]  }
0x251: {  	v17 =	vmul.f32 v17, v22;
	v16 =	vadd.f32 v18, v16;
	_ =	sdelay $0x1  }
0x252: {  	v63 =	vmul.f32 v61, v23;
	v16 =	vadd.f32 v17, v16;
	_ =	sdelay $0x1  }
0x253: {  	p1 =	sne.s32 s22, $0x23;
	v17 =	vmul.f32 v62, v24;
	v16 =	vadd.f32 v63, v16  }
.Ltmp1:
0x254: {  	s24 =	sshll.u32 s22, $0xC;
	(pc) =	sbr.rel @p1 .LBB2_6-.Ltmp1, $4  }
0x255: {  	s24 =	sadd.s32 s7, s24;
	v16 =	vadd.f32 v17, v16  }
0x256: {  	s24 =	sshrl.u32 s24, $0x3  }
0x257: {  	s24 =	sadd.s32 s4, s24;
	[tilespmem:s25+$0x70] =	vst v16  }
0x258: {  	[hbm4b:s24+s3] =	stream.linear.scatter [tilespmem:s14], [sflag:$0x3], $0x800, $0x38;
	[tilespmem:$0xD800] =	vst v63  }
.Ltmp2:
0x259: {  	(pc) =	sbr.rel .LBB2_7-.Ltmp2, $4  }
0x25a: {  	_ = 	snop  }
0x25b: {  	_ =	swait.ge [sflag:s15], $0x4000  }
0x25c: {  	[sflag:s15] =	ssyncset.done $0x0  }
0x25d: {  	[sflag:s15] =	ssyncadd.s32 $0xFFFFC000  }
.LBB2_6:
0x25e: {  	s24 =	sshrl.u32 s26, $0x2  }
.Ltmp3:
0x25f: {  	s24 =	sadd.s32 $0x100, s24;
	(pc) =	sbr.rel @p0 .LBB2_8-.Ltmp3, $4  }
0x260: {  	[tilespmem:s11], [sflag:$0x1] =	stream.indirect.gather [hbm4b:s1+s10], $0x80, s24, s10, $0xb8;
	[tilespmem:$0xD800] =	vst v63  }
0x261: {  	_ =	swait.ge [sflag:s15], $0x4000  }
0x262: {  	[sflag:s15] =	ssyncset.done $0x0  }
0x263: {  	[sflag:s15] =	ssyncadd.s32 $0xFFFFC000  }
.LBB2_7:
0x264: {  	_ =	swait.ge [sflag:s16], $0x800  }
0x265: {  	[sflag:s16] =	ssyncset.done $0x0  }
0x266: {  	[sflag:s16] =	ssyncadd.s32 $0xFFFFF800  }
.LBB2_8:
0x267: {  	s24 =	simm.s32 $0x0;
	v23 =	vld [tilespmem:s21+$0x0]  }
0x268: {  	v19 =	vld [tilespmem:s24+$0x8880]  }
0x269: {  	v20 =	vld [tilespmem:s24+$0x8800];
	_ =	sdelay $0x1  }
0x26a: {  	v21 =	vld [tilespmem:s24+$0x8900]  }
0x26b: {  	v17 =	vperm.xlane v23, v0;
	v18 =	vperm.xlane v23, v1  }
0x26c: {  	v22 =	vld [tilespmem:s24+$0x8980];
	v16 =	vperm.xlane v23, v2  }
0x26d: {  	v20 =	vmul.f32 v20, v17;
	v24 =	vmul.f32 v19, v18  }
0x26e: {  	v25 =	vld [tilespmem:s24+$0x8A00]  }
0x26f: {  	v19 =	vperm.xlane v23, v3;
	v21 =	vmul.f32 v21, v16;
	v24 =	vadd.f32 v24, v20  }
0x270: {  	v26 =	vld [tilespmem:s24+$0x8A80]  }
0x271: {  	v20 =	vperm.xlane v23, v4;
	v22 =	vmul.f32 v22, v19;
	v24 =	vadd.f32 v21, v24  }
0x272: {  	v27 =	vld [tilespmem:s24+$0x8B00]  }
0x273: {  	v21 =	vperm.xlane v23, v5;
	v25 =	vmul.f32 v25, v20;
	v24 =	vadd.f32 v22, v24  }
0x274: {  	v28 =	vld [tilespmem:s24+$0x8B80]  }
0x275: {  	v22 =	vperm.xlane v23, v6;
	v26 =	vmul.f32 v26, v21;
	v25 =	vadd.f32 v25, v24;
	_ =	sdelay $0x1  }
0x276: {  	v24 =	vperm.xlane v23, v7;
	v25 =	vadd.f32 v26, v25;
	v26 =	vmul.f32 v27, v22;
	_ =	sdelay $0x1  }
0x277: {  	v25 =	vadd.f32 v26, v25;
	v26 =	vmul.f32 v28, v24;
	_ =	sdelay $0x1  }
0x278: {  	v25 =	vadd.f32 v26, v25  }
0x279: {  	s25 =	simm.s32 $0xD0F0  }
0x27a: {  	[tilespmem:s25+$0xFFFFFF10] =	vst v25  }
0x27b: {  	v25 =	vld [tilespmem:s24+$0x8810]  }
0x27c: {  	v26 =	vld [tilespmem:s24+$0x8890];
	_ =	sdelay $0x1  }
0x27d: {  	v27 =	vld [tilespmem:s24+$0x8910];
	_ =	sdelay $0x1  }
0x27e: {  	v63 =	vld [tilespmem:s24+$0x8990]  }
0x27f: {  	v25 =	vmul.f32 v25, v17;
	v26 =	vmul.f32 v26, v18  }
0x280: {  	v29 =	vld [tilespmem:s24+$0x8A10]  }
0x281: {  	v25 =	vadd.f32 v26, v25;
	v26 =	vmul.f32 v27, v16  }
0x282: {  	v27 =	vld [tilespmem:s24+$0x8A90]  }
0x283: {  	v25 =	vadd.f32 v26, v25;
	v26 =	vmul.f32 v63, v19  }
0x284: {  	v32 =	vld [tilespmem:s24+$0x8B10]  }
0x285: {  	v25 =	vadd.f32 v26, v25;
	v26 =	vmul.f32 v29, v20  }
0x286: {  	v33 =	vld [tilespmem:s24+$0x8B90]  }
0x287: {  	v25 =	vadd.f32 v26, v25;
	v26 =	vmul.f32 v27, v21;
	_ =	sdelay $0x1  }
0x288: {  	v25 =	vadd.f32 v26, v25;
	v26 =	vmul.f32 v32, v22;
	_ =	sdelay $0x1  }
0x289: {  	v25 =	vadd.f32 v26, v25;
	v26 =	vmul.f32 v33, v24;
	_ =	sdelay $0x1  }
0x28a: {  	v25 =	vadd.f32 v26, v25;
	_ =	sdelay $0x1  }
0x28b: {  	[tilespmem:s25+$0xFFFFFF20] =	vst v25  }
0x28c: {  	v25 =	vld [tilespmem:s24+$0x8820]  }
0x28d: {  	v26 =	vld [tilespmem:s24+$0x88A0];
	_ =	sdelay $0x1  }
0x28e: {  	v27 =	vld [tilespmem:s24+$0x8920];
	_ =	sdelay $0x1  }
0x28f: {  	v34 =	vld [tilespmem:s24+$0x89A0]  }
0x290: {  	v25 =	vmul.f32 v25, v17;
	v26 =	vmul.f32 v26, v18  }
0x291: {  	v35 =	vld [tilespmem:s24+$0x8A20]  }
0x292: {  	v25 =	vadd.f32 v26, v25;
	v26 =	vmul.f32 v27, v16  }
0x293: {  	v27 =	vld [tilespmem:s24+$0x8AA0]  }
0x294: {  	v25 =	vadd.f32 v26, v25;
	v26 =	vmul.f32 v34, v19  }
0x295: {  	v36 =	vld [tilespmem:s24+$0x8B20]  }
0x296: {  	v29 =	vmul.f32 v35, v20;
	v25 =	vadd.f32 v26, v25  }
0x297: {  	v26 =	vld [tilespmem:s24+$0x8BA0]  }
0x298: {  	v27 =	vmul.f32 v27, v21;
	v25 =	vadd.f32 v29, v25;
	_ =	sdelay $0x1  }
0x299: {  	v28 =	vmul.f32 v36, v22;
	v25 =	vadd.f32 v27, v25;
	_ =	sdelay $0x1  }
0x29a: {  	v26 =	vmul.f32 v26, v24;
	v25 =	vadd.f32 v28, v25;
	_ =	sdelay $0x1  }
0x29b: {  	v25 =	vadd.f32 v26, v25;
	_ =	sdelay $0x1  }
0x29c: {  	[tilespmem:s25+$0xFFFFFF30] =	vst v25  }
0x29d: {  	v25 =	vld [tilespmem:s24+$0x88B0]  }
0x29e: {  	v26 =	vld [tilespmem:s24+$0x8830];
	_ =	sdelay $0x1  }
0x29f: {  	v27 =	vld [tilespmem:s24+$0x8930];
	_ =	sdelay $0x1  }
0x2a0: {  	v37 =	vld [tilespmem:s24+$0x89B0]  }
0x2a1: {  	v26 =	vmul.f32 v26, v17;
	v25 =	vmul.f32 v25, v18  }
0x2a2: {  	v38 =	vld [tilespmem:s24+$0x8A30]  }
0x2a3: {  	v27 =	vmul.f32 v27, v16;
	v25 =	vadd.f32 v25, v26  }
0x2a4: {  	v26 =	vld [tilespmem:s24+$0x8AB0]  }
0x2a5: {  	v25 =	vadd.f32 v27, v25;
	v27 =	vmul.f32 v37, v19  }
0x2a6: {  	v39 =	vld [tilespmem:s24+$0x8B30]  }
0x2a7: {  	v25 =	vadd.f32 v27, v25;
	v27 =	vmul.f32 v38, v20  }
0x2a8: {  	v40 =	vld [tilespmem:s24+$0x8BB0]  }
0x2a9: {  	v26 =	vmul.f32 v26, v21;
	v25 =	vadd.f32 v27, v25;
	_ =	sdelay $0x1  }
0x2aa: {  	v25 =	vadd.f32 v26, v25;
	v26 =	vmul.f32 v39, v22;
	_ =	sdelay $0x1  }
0x2ab: {  	v25 =	vadd.f32 v26, v25;
	v26 =	vmul.f32 v40, v24;
	_ =	sdelay $0x1  }
0x2ac: {  	v25 =	vadd.f32 v26, v25;
	_ =	sdelay $0x1  }
0x2ad: {  	[tilespmem:s25+$0xFFFFFF40] =	vst v25  }
0x2ae: {  	v25 =	vld [tilespmem:s24+$0x8840]  }
0x2af: {  	v26 =	vld [tilespmem:s24+$0x88C0];
	_ =	sdelay $0x1  }
0x2b0: {  	v27 =	vld [tilespmem:s24+$0x8940];
	_ =	sdelay $0x1  }
0x2b1: {  	v41 =	vld [tilespmem:s24+$0x89C0]  }
0x2b2: {  	v25 =	vmul.f32 v25, v17;
	v26 =	vmul.f32 v26, v18  }
0x2b3: {  	v42 =	vld [tilespmem:s24+$0x8A40]  }
0x2b4: {  	v27 =	vmul.f32 v27, v16;
	v25 =	vadd.f32 v26, v25  }
0x2b5: {  	v26 =	vld [tilespmem:s24+$0x8AC0]  }
0x2b6: {  	v28 =	vmul.f32 v41, v19;
	v25 =	vadd.f32 v27, v25  }
0x2b7: {  	v27 =	vld [tilespmem:s24+$0x8B40]  }
0x2b8: {  	v29 =	vmul.f32 v42, v20;
	v25 =	vadd.f32 v28, v25  }
0x2b9: {  	v43 =	vld [tilespmem:s24+$0x8BC0]  }
0x2ba: {  	v26 =	vmul.f32 v26, v21;
	v25 =	vadd.f32 v29, v25;
	_ =	sdelay $0x1  }
0x2bb: {  	v25 =	vadd.f32 v26, v25;
	v26 =	vmul.f32 v27, v22;
	_ =	sdelay $0x1  }
0x2bc: {  	v25 =	vadd.f32 v26, v25;
	v26 =	vmul.f32 v43, v24;
	_ =	sdelay $0x1  }
0x2bd: {  	v25 =	vadd.f32 v26, v25;
	_ =	sdelay $0x1  }
0x2be: {  	[tilespmem:s25+$0xFFFFFF50] =	vst v25  }
0x2bf: {  	v25 =	vld [tilespmem:s24+$0x8850]  }
0x2c0: {  	v26 =	vld [tilespmem:s24+$0x88D0];
	_ =	sdelay $0x1  }
0x2c1: {  	v27 =	vld [tilespmem:s24+$0x8950];
	_ =	sdelay $0x1  }
0x2c2: {  	v44 =	vld [tilespmem:s24+$0x89D0]  }
0x2c3: {  	v25 =	vmul.f32 v25, v17;
	v26 =	vmul.f32 v26, v18  }
0x2c4: {  	v45 =	vld [tilespmem:s24+$0x8A50]  }
0x2c5: {  	v27 =	vmul.f32 v27, v16;
	v25 =	vadd.f32 v26, v25  }
0x2c6: {  	v26 =	vld [tilespmem:s24+$0x8AD0]  }
0x2c7: {  	v28 =	vmul.f32 v44, v19;
	v25 =	vadd.f32 v27, v25  }
0x2c8: {  	v27 =	vld [tilespmem:s24+$0x8B50]  }
0x2c9: {  	v29 =	vmul.f32 v45, v20;
	v25 =	vadd.f32 v28, v25  }
0x2ca: {  	v46 =	vld [tilespmem:s24+$0x8BD0]  }
0x2cb: {  	v26 =	vmul.f32 v26, v21;
	v25 =	vadd.f32 v29, v25;
	_ =	sdelay $0x1  }
0x2cc: {  	v25 =	vadd.f32 v26, v25;
	v26 =	vmul.f32 v27, v22;
	_ =	sdelay $0x1  }
0x2cd: {  	v25 =	vadd.f32 v26, v25;
	v26 =	vmul.f32 v46, v24;
	_ =	sdelay $0x1  }
0x2ce: {  	v25 =	vadd.f32 v26, v25;
	_ =	sdelay $0x1  }
0x2cf: {  	[tilespmem:s25+$0xFFFFFF60] =	vst v25  }
0x2d0: {  	v25 =	vld [tilespmem:s24+$0x88E0]  }
0x2d1: {  	v26 =	vld [tilespmem:s24+$0x8860];
	_ =	sdelay $0x1  }
0x2d2: {  	v27 =	vld [tilespmem:s24+$0x8960];
	_ =	sdelay $0x1  }
0x2d3: {  	v47 =	vld [tilespmem:s24+$0x89E0]  }
0x2d4: {  	v25 =	vmul.f32 v25, v18;
	v26 =	vmul.f32 v26, v17  }
0x2d5: {  	v48 =	vld [tilespmem:s24+$0x8A60]  }
0x2d6: {  	v27 =	vmul.f32 v27, v16;
	v25 =	vadd.f32 v25, v26  }
0x2d7: {  	v26 =	vld [tilespmem:s24+$0x8AE0]  }
0x2d8: {  	v28 =	vmul.f32 v47, v19;
	v25 =	vadd.f32 v27, v25  }
0x2d9: {  	v27 =	vld [tilespmem:s24+$0x8B60]  }
0x2da: {  	v29 =	vmul.f32 v48, v20;
	v25 =	vadd.f32 v28, v25  }
0x2db: {  	v49 =	vld [tilespmem:s24+$0x8BE0]  }
0x2dc: {  	v26 =	vmul.f32 v26, v21;
	v25 =	vadd.f32 v29, v25;
	_ =	sdelay $0x1  }
0x2dd: {  	v25 =	vadd.f32 v26, v25;
	v26 =	vmul.f32 v27, v22;
	_ =	sdelay $0x1  }
0x2de: {  	v25 =	vadd.f32 v26, v25;
	v26 =	vmul.f32 v49, v24;
	_ =	sdelay $0x1  }
0x2df: {  	v25 =	vadd.f32 v26, v25;
	_ =	sdelay $0x1  }
0x2e0: {  	[tilespmem:s25+$0xFFFFFF70] =	vst v25  }
0x2e1: {  	v25 =	vld [tilespmem:s24+$0x8870]  }
0x2e2: {  	v26 =	vld [tilespmem:s24+$0x88F0];
	_ =	sdelay $0x1  }
0x2e3: {  	v27 =	vld [tilespmem:s24+$0x8970];
	_ =	sdelay $0x1  }
0x2e4: {  	v50 =	vld [tilespmem:s24+$0x89F0]  }
0x2e5: {  	v17 =	vmul.f32 v25, v17;
	v18 =	vmul.f32 v26, v18  }
0x2e6: {  	v25 =	vld [tilespmem:s24+$0x8A70]  }
0x2e7: {  	v16 =	vmul.f32 v27, v16;
	v17 =	vadd.f32 v18, v17  }
0x2e8: {  	v18 =	vld [tilespmem:s24+$0x8AF0]  }
0x2e9: {  	v19 =	vmul.f32 v50, v19;
	v16 =	vadd.f32 v16, v17  }
0x2ea: {  	v17 =	vld [tilespmem:s24+$0x8B70]  }
0x2eb: {  	v16 =	vadd.f32 v19, v16;
	v19 =	vmul.f32 v25, v20  }
0x2ec: {  	v20 =	vld [tilespmem:s24+$0x8BF0]  }
0x2ed: {  	v18 =	vmul.f32 v18, v21;
	v16 =	vadd.f32 v19, v16;
	_ =	sdelay $0x1  }
0x2ee: {  	v17 =	vmul.f32 v17, v22;
	v16 =	vadd.f32 v18, v16;
	_ =	sdelay $0x1  }
0x2ef: {  	v16 =	vadd.f32 v17, v16;
	v17 =	vmul.f32 v20, v24;
	_ =	sdelay $0x1  }
0x2f0: {  	v16 =	vadd.f32 v17, v16;
	_ =	sdelay $0x1  }
0x2f1: {  	[tilespmem:s25+$0xFFFFFF80] =	vst v16  }
0x2f2: {  	v16 =	vld [tilespmem:s24+$0x8C00]  }
0x2f3: {  	v17 =	vld [tilespmem:s24+$0x8C80];
	_ =	sdelay $0x1  }
0x2f4: {  	v18 =	vperm.xlane v23, v8;
	v20 =	vld [tilespmem:s24+$0x8D00]  }
0x2f5: {  	v19 =	vperm.xlane v23, v9  }
0x2f6: {  	v21 =	vld [tilespmem:s24+$0x8D80];
	v22 =	vmul.f32 v16, v18  }
0x2f7: {  	v16 =	vperm.xlane v23, v10;
	v24 =	vmul.f32 v17, v19  }
0x2f8: {  	v25 =	vld [tilespmem:s24+$0x8E00]  }
0x2f9: {  	v17 =	vperm.xlane v23, v11;
	v22 =	vadd.f32 v24, v22;
	v24 =	vmul.f32 v20, v16  }
0x2fa: {  	v26 =	vld [tilespmem:s24+$0x8E80]  }
0x2fb: {  	v20 =	vperm.xlane v23, v12;
	v22 =	vadd.f32 v24, v22;
	v24 =	vmul.f32 v21, v17  }
0x2fc: {  	v27 =	vld [tilespmem:s24+$0x8F00]  }
0x2fd: {  	v21 =	vperm.xlane v23, v13;
	v25 =	vmul.f32 v25, v20;
	v24 =	vadd.f32 v24, v22  }
0x2fe: {  	v51 =	vld [tilespmem:s24+$0x8F80]  }
0x2ff: {  	v22 =	vperm.xlane v23, v14;
	v24 =	vadd.f32 v25, v24;
	v25 =	vmul.f32 v26, v21;
	_ =	sdelay $0x1  }
0x300: {  	v23 =	vperm.xlane v23, v15;
	v24 =	vadd.f32 v25, v24;
	v25 =	vmul.f32 v27, v22;
	_ =	sdelay $0x1  }
0x301: {  	v24 =	vadd.f32 v25, v24;
	v25 =	vmul.f32 v51, v23;
	_ =	sdelay $0x1  }
0x302: {  	v24 =	vadd.f32 v25, v24;
	_ =	sdelay $0x1  }
0x303: {  	[tilespmem:s25+$0xFFFFFF90] =	vst v24  }
0x304: {  	v24 =	vld [tilespmem:s24+$0x8C10]  }
0x305: {  	v25 =	vld [tilespmem:s24+$0x8C90];
	_ =	sdelay $0x1  }
0x306: {  	v26 =	vld [tilespmem:s24+$0x8D10];
	_ =	sdelay $0x1  }
0x307: {  	v27 =	vld [tilespmem:s24+$0x8D90]  }
0x308: {  	v24 =	vmul.f32 v24, v18;
	v25 =	vmul.f32 v25, v19  }
0x309: {  	v52 =	vld [tilespmem:s24+$0x8E10]  }
0x30a: {  	v24 =	vadd.f32 v25, v24;
	v25 =	vmul.f32 v26, v16  }
0x30b: {  	v26 =	vld [tilespmem:s24+$0x8E90]  }
0x30c: {  	v24 =	vadd.f32 v25, v24;
	v25 =	vmul.f32 v27, v17  }
0x30d: {  	v27 =	vld [tilespmem:s24+$0x8F10]  }
0x30e: {  	v24 =	vadd.f32 v25, v24;
	v25 =	vmul.f32 v52, v20  }
0x30f: {  	v53 =	vld [tilespmem:s24+$0x8F90]  }
0x310: {  	v24 =	vadd.f32 v25, v24;
	v25 =	vmul.f32 v26, v21;
	_ =	sdelay $0x1  }
0x311: {  	v24 =	vadd.f32 v25, v24;
	v25 =	vmul.f32 v27, v22;
	_ =	sdelay $0x1  }
0x312: {  	v24 =	vadd.f32 v25, v24;
	v25 =	vmul.f32 v53, v23;
	_ =	sdelay $0x1  }
0x313: {  	v24 =	vadd.f32 v25, v24;
	_ =	sdelay $0x1  }
0x314: {  	[tilespmem:s25+$0xFFFFFFA0] =	vst v24  }
0x315: {  	v24 =	vld [tilespmem:s24+$0x8CA0]  }
0x316: {  	v25 =	vld [tilespmem:s24+$0x8C20];
	_ =	sdelay $0x1  }
0x317: {  	v26 =	vld [tilespmem:s24+$0x8D20];
	_ =	sdelay $0x1  }
0x318: {  	v27 =	vld [tilespmem:s24+$0x8DA0]  }
0x319: {  	v24 =	vmul.f32 v24, v19;
	v25 =	vmul.f32 v25, v18  }
0x31a: {  	v54 =	vld [tilespmem:s24+$0x8E20]  }
0x31b: {  	v24 =	vadd.f32 v24, v25;
	v25 =	vmul.f32 v26, v16  }
0x31c: {  	v26 =	vld [tilespmem:s24+$0x8EA0]  }
0x31d: {  	v24 =	vadd.f32 v25, v24;
	v25 =	vmul.f32 v27, v17  }
0x31e: {  	v27 =	vld [tilespmem:s24+$0x8F20]  }
0x31f: {  	v24 =	vadd.f32 v25, v24;
	v25 =	vmul.f32 v54, v20  }
0x320: {  	v55 =	vld [tilespmem:s24+$0x8FA0]  }
0x321: {  	v24 =	vadd.f32 v25, v24;
	v25 =	vmul.f32 v26, v21;
	_ =	sdelay $0x1  }
0x322: {  	v24 =	vadd.f32 v25, v24;
	v25 =	vmul.f32 v27, v22;
	_ =	sdelay $0x1  }
0x323: {  	v24 =	vadd.f32 v25, v24;
	v25 =	vmul.f32 v55, v23;
	_ =	sdelay $0x1  }
0x324: {  	v24 =	vadd.f32 v25, v24;
	_ =	sdelay $0x1  }
0x325: {  	[tilespmem:s25+$0xFFFFFFB0] =	vst v24  }
0x326: {  	v24 =	vld [tilespmem:s24+$0x8C30]  }
0x327: {  	v25 =	vld [tilespmem:s24+$0x8CB0];
	_ =	sdelay $0x1  }
0x328: {  	v26 =	vld [tilespmem:s24+$0x8D30];
	_ =	sdelay $0x1  }
0x329: {  	v27 =	vld [tilespmem:s24+$0x8DB0]  }
0x32a: {  	v24 =	vmul.f32 v24, v18;
	v25 =	vmul.f32 v25, v19  }
0x32b: {  	v56 =	vld [tilespmem:s24+$0x8E30]  }
0x32c: {  	v24 =	vadd.f32 v25, v24;
	v25 =	vmul.f32 v26, v16  }
0x32d: {  	v26 =	vld [tilespmem:s24+$0x8EB0]  }
0x32e: {  	v24 =	vadd.f32 v25, v24;
	v25 =	vmul.f32 v27, v17  }
0x32f: {  	v27 =	vld [tilespmem:s24+$0x8F30]  }
0x330: {  	v24 =	vadd.f32 v25, v24;
	v25 =	vmul.f32 v56, v20  }
0x331: {  	v57 =	vld [tilespmem:s24+$0x8FB0]  }
0x332: {  	v24 =	vadd.f32 v25, v24;
	v25 =	vmul.f32 v26, v21;
	_ =	sdelay $0x1  }
0x333: {  	v24 =	vadd.f32 v25, v24;
	v25 =	vmul.f32 v27, v22;
	_ =	sdelay $0x1  }
0x334: {  	v24 =	vadd.f32 v25, v24;
	v25 =	vmul.f32 v57, v23;
	_ =	sdelay $0x1  }
0x335: {  	v24 =	vadd.f32 v25, v24;
	_ =	sdelay $0x1  }
0x336: {  	[tilespmem:s25+$0xFFFFFFC0] =	vst v24  }
0x337: {  	v24 =	vld [tilespmem:s24+$0x8CC0]  }
0x338: {  	v25 =	vld [tilespmem:s24+$0x8C40];
	_ =	sdelay $0x1  }
0x339: {  	v26 =	vld [tilespmem:s24+$0x8D40];
	_ =	sdelay $0x1  }
0x33a: {  	v27 =	vld [tilespmem:s24+$0x8DC0]  }
0x33b: {  	v24 =	vmul.f32 v24, v19;
	v25 =	vmul.f32 v25, v18  }
0x33c: {  	v58 =	vld [tilespmem:s24+$0x8E40]  }
0x33d: {  	v26 =	vmul.f32 v26, v16;
	v24 =	vadd.f32 v24, v25  }
0x33e: {  	v25 =	vld [tilespmem:s24+$0x8EC0]  }
0x33f: {  	v27 =	vmul.f32 v27, v17;
	v24 =	vadd.f32 v26, v24  }
0x340: {  	v26 =	vld [tilespmem:s24+$0x8F40]  }
0x341: {  	v24 =	vadd.f32 v27, v24;
	v27 =	vmul.f32 v58, v20  }
0x342: {  	v59 =	vld [tilespmem:s24+$0x8FC0]  }
0x343: {  	v25 =	vmul.f32 v25, v21;
	v24 =	vadd.f32 v27, v24;
	_ =	sdelay $0x1  }
0x344: {  	v24 =	vadd.f32 v25, v24;
	v25 =	vmul.f32 v26, v22;
	_ =	sdelay $0x1  }
0x345: {  	v24 =	vadd.f32 v25, v24;
	v25 =	vmul.f32 v59, v23;
	_ =	sdelay $0x1  }
0x346: {  	v24 =	vadd.f32 v25, v24;
	_ =	sdelay $0x1  }
0x347: {  	[tilespmem:s25+$0xFFFFFFD0] =	vst v24  }
0x348: {  	v24 =	vld [tilespmem:s24+$0x8C50]  }
0x349: {  	v25 =	vld [tilespmem:s24+$0x8CD0];
	_ =	sdelay $0x1  }
0x34a: {  	v26 =	vld [tilespmem:s24+$0x8D50];
	_ =	sdelay $0x1  }
0x34b: {  	v27 =	vld [tilespmem:s24+$0x8DD0]  }
0x34c: {  	v24 =	vmul.f32 v24, v18;
	v25 =	vmul.f32 v25, v19  }
0x34d: {  	v60 =	vld [tilespmem:s24+$0x8E50]  }
0x34e: {  	v24 =	vadd.f32 v25, v24;
	v25 =	vmul.f32 v26, v16  }
0x34f: {  	v26 =	vld [tilespmem:s24+$0x8ED0]  }
0x350: {  	v24 =	vadd.f32 v25, v24;
	v25 =	vmul.f32 v27, v17  }
0x351: {  	v27 =	vld [tilespmem:s24+$0x8F50]  }
0x352: {  	v24 =	vadd.f32 v25, v24;
	v25 =	vmul.f32 v60, v20  }
0x353: {  	v61 =	vld [tilespmem:s24+$0x8FD0]  }
0x354: {  	v24 =	vadd.f32 v25, v24;
	v25 =	vmul.f32 v26, v21;
	_ =	sdelay $0x1  }
0x355: {  	v24 =	vadd.f32 v25, v24;
	v25 =	vmul.f32 v27, v22;
	_ =	sdelay $0x1  }
0x356: {  	v24 =	vadd.f32 v25, v24;
	v25 =	vmul.f32 v61, v23;
	_ =	sdelay $0x1  }
0x357: {  	v24 =	vadd.f32 v25, v24;
	_ =	sdelay $0x1  }
0x358: {  	[tilespmem:s25+$0xFFFFFFE0] =	vst v24  }
0x359: {  	v24 =	vld [tilespmem:s24+$0x8C60]  }
0x35a: {  	v25 =	vld [tilespmem:s24+$0x8CE0];
	_ =	sdelay $0x1  }
0x35b: {  	v26 =	vld [tilespmem:s24+$0x8D60];
	_ =	sdelay $0x1  }
0x35c: {  	v27 =	vld [tilespmem:s24+$0x8DE0]  }
0x35d: {  	v24 =	vmul.f32 v24, v18;
	v25 =	vmul.f32 v25, v19  }
0x35e: {  	v62 =	vld [tilespmem:s24+$0x8E60]  }
0x35f: {  	v24 =	vadd.f32 v25, v24;
	v25 =	vmul.f32 v26, v16  }
0x360: {  	v26 =	vld [tilespmem:s24+$0x8EE0]  }
0x361: {  	v24 =	vadd.f32 v25, v24;
	v25 =	vmul.f32 v27, v17  }
0x362: {  	v27 =	vld [tilespmem:s24+$0x8F60]  }
0x363: {  	v24 =	vadd.f32 v25, v24;
	v25 =	vmul.f32 v62, v20  }
0x364: {  	v63 =	vld [tilespmem:s24+$0x8FE0]  }
0x365: {  	v24 =	vadd.f32 v25, v24;
	v25 =	vmul.f32 v26, v21;
	_ =	sdelay $0x1  }
0x366: {  	v24 =	vadd.f32 v25, v24;
	v25 =	vmul.f32 v27, v22;
	_ =	sdelay $0x1  }
0x367: {  	v24 =	vadd.f32 v25, v24;
	v25 =	vmul.f32 v63, v23  }
0x368: {  	s22 =	sadd.s32 $0x1, s22  }
0x369: {  	s28 =	simm.s32 $0x2000;
	s29 =	smov.u32 s21;
	s26 =	simm.s32 $0xD0F0;
	v24 =	vadd.f32 v25, v24  }
.LBB2_9:
0x36a: {  	p0 =	sne.s32 s28, $0xE000;
	s25 =	sadd.s32 $0x100, s25;
	s29 =	sadd.s32 $0x10, s29  }
0x36b: {  	s30 =	smov.u32 s28;
	s28 =	sadd.s32 $0x2000, s28;
	[tilespmem:s26+$0xFFFFFFF0] =	vst v24  }
0x36c: {  	v24 =	vld [tilespmem:s24+$0x8C70]  }
0x36d: {  	v25 =	vld [tilespmem:s24+$0x8CF0]  }
0x36e: {  	v26 =	vld [tilespmem:s24+$0x8D70]  }
0x36f: {  	v27 =	vld [tilespmem:s24+$0x8DF0]  }
0x370: {  	v28 =	vld [tilespmem:s24+$0x8E70]  }
0x371: {  	v18 =	vmul.f32 v24, v18;
	v24 =	vld [tilespmem:s24+$0x8EF0]  }
0x372: {  	v19 =	vmul.f32 v25, v19;
	v25 =	vld [tilespmem:s24+$0x8F70]  }
0x373: {  	v29 =	vld [tilespmem:s24+$0x8FF0]  }
0x374: {  	v16 =	vmul.f32 v26, v16;
	v18 =	vadd.f32 v19, v18;
	_ =	sdelay $0x1  }
0x375: {  	v17 =	vmul.f32 v27, v17;
	v16 =	vadd.f32 v16, v18;
	_ =	sdelay $0x1  }
0x376: {  	v16 =	vadd.f32 v17, v16;
	v17 =	vmul.f32 v28, v20;
	_ =	sdelay $0x1  }
0x377: {  	v16 =	vadd.f32 v17, v16;
	v17 =	vmul.f32 v24, v21;
	_ =	sdelay $0x1  }
0x378: {  	v16 =	vadd.f32 v17, v16;
	v17 =	vmul.f32 v25, v22;
	_ =	sdelay $0x1  }
0x379: {  	v16 =	vadd.f32 v17, v16;
	v17 =	vmul.f32 v29, v23;
	_ =	sdelay $0x1  }
0x37a: {  	v16 =	vadd.f32 v17, v16;
	_ =	sdelay $0x1  }
0x37b: {  	s24 =	sshra.s32 s30, $0x2;
	[tilespmem:s26+$0x0] =	vst v16;
	s26 =	smov.u32 s25  }
0x37c: {  	v19 =	vld [tilespmem:s24+$0x8880]  }
0x37d: {  	v23 =	vld [tilespmem:s29+$0x0]  }
0x37e: {  	v20 =	vld [tilespmem:s24+$0x8800]  }
0x37f: {  	v21 =	vld [tilespmem:s24+$0x8A00]  }
0x380: {  	v22 =	vld [tilespmem:s24+$0x8900]  }
0x381: {  	v25 =	vld [tilespmem:s24+$0x8A80]  }
0x382: {  	v18 =	vperm.xlane v23, v0;
	v17 =	vperm.xlane v23, v1;
	v26 =	vld [tilespmem:s24+$0x8980]  }
0x383: {  	v16 =	vperm.xlane v23, v2;
	v27 =	vld [tilespmem:s24+$0x8B00]  }
0x384: {  	v20 =	vmul.f32 v20, v18;
	v19 =	vmul.f32 v19, v17  }
0x385: {  	v28 =	vld [tilespmem:s24+$0x8B80]  }
0x386: {  	v24 =	vperm.xlane v23, v3;
	v22 =	vmul.f32 v22, v16;
	v20 =	vadd.f32 v19, v20;
	_ =	sdelay $0x1  }
0x387: {  	v19 =	vperm.xlane v23, v4;
	v26 =	vmul.f32 v26, v24;
	v22 =	vadd.f32 v22, v20;
	_ =	sdelay $0x1  }
0x388: {  	v20 =	vperm.xlane v23, v5;
	v22 =	vadd.f32 v26, v22;
	v26 =	vmul.f32 v21, v19;
	_ =	sdelay $0x1  }
0x389: {  	v21 =	vperm.xlane v23, v6;
	v25 =	vmul.f32 v25, v20;
	v26 =	vadd.f32 v26, v22;
	_ =	sdelay $0x1  }
0x38a: {  	v22 =	vperm.xlane v23, v7;
	v25 =	vadd.f32 v25, v26;
	v26 =	vmul.f32 v27, v21;
	_ =	sdelay $0x1  }
0x38b: {  	v25 =	vadd.f32 v26, v25;
	v26 =	vmul.f32 v28, v22;
	_ =	sdelay $0x1  }
0x38c: {  	v25 =	vadd.f32 v26, v25;
	_ =	sdelay $0x1  }
0x38d: {  	[tilespmem:s25+$0xFFFFFF10] =	vst v25  }
0x38e: {  	v25 =	vld [tilespmem:s24+$0x8810]  }
0x38f: {  	v26 =	vld [tilespmem:s24+$0x8890]  }
0x390: {  	v27 =	vld [tilespmem:s24+$0x8B90]  }
0x391: {  	v28 =	vld [tilespmem:s24+$0x8910];
	_ =	sdelay $0x1  }
0x392: {  	v25 =	vmul.f32 v25, v18;
	v29 =	vld [tilespmem:s24+$0x8990]  }
0x393: {  	v26 =	vmul.f32 v26, v17  }
0x394: {  	v30 =	vld [tilespmem:s24+$0x8A10]  }
0x395: {  	v25 =	vadd.f32 v26, v25;
	v26 =	vmul.f32 v28, v16  }
0x396: {  	v28 =	vld [tilespmem:s24+$0x8A90]  }
0x397: {  	v25 =	vadd.f32 v26, v25;
	v26 =	vmul.f32 v29, v24  }
0x398: {  	v29 =	vld [tilespmem:s24+$0x8B10]  }
0x399: {  	v25 =	vadd.f32 v26, v25;
	v26 =	vmul.f32 v30, v19;
	_ =	sdelay $0x1  }
0x39a: {  	v25 =	vadd.f32 v26, v25;
	v26 =	vmul.f32 v28, v20;
	_ =	sdelay $0x1  }
0x39b: {  	v25 =	vadd.f32 v26, v25;
	v26 =	vmul.f32 v29, v21;
	_ =	sdelay $0x1  }
0x39c: {  	v25 =	vadd.f32 v26, v25;
	v26 =	vmul.f32 v27, v22;
	_ =	sdelay $0x1  }
0x39d: {  	v25 =	vadd.f32 v26, v25;
	_ =	sdelay $0x1  }
0x39e: {  	[tilespmem:s25+$0xFFFFFF20] =	vst v25  }
0x39f: {  	v25 =	vld [tilespmem:s24+$0x8820]  }
0x3a0: {  	v26 =	vld [tilespmem:s24+$0x88A0]  }
0x3a1: {  	v27 =	vld [tilespmem:s24+$0x8A20]  }
0x3a2: {  	v28 =	vld [tilespmem:s24+$0x8920]  }
0x3a3: {  	v29 =	vld [tilespmem:s24+$0x8AA0]  }
0x3a4: {  	v25 =	vmul.f32 v25, v18;
	v30 =	vld [tilespmem:s24+$0x89A0]  }
0x3a5: {  	v26 =	vmul.f32 v26, v17;
	v31 =	vld [tilespmem:s24+$0x8B20]  }
0x3a6: {  	v27 =	vmul.f32 v27, v19;
	v32 =	vld [tilespmem:s24+$0x8BA0]  }
0x3a7: {  	v25 =	vadd.f32 v26, v25;
	v26 =	vmul.f32 v28, v16  }
0x3a8: {  	v28 =	vmul.f32 v29, v20  }
0x3a9: {  	v25 =	vadd.f32 v26, v25;
	v26 =	vmul.f32 v30, v24  }
0x3aa: {  	v29 =	vmul.f32 v31, v21  }
0x3ab: {  	v25 =	vadd.f32 v26, v25;
	v26 =	vmul.f32 v32, v22;
	_ =	sdelay $0x1  }
0x3ac: {  	v25 =	vadd.f32 v27, v25;
	_ =	sdelay $0x1  }
0x3ad: {  	v25 =	vadd.f32 v28, v25;
	_ =	sdelay $0x1  }
0x3ae: {  	v25 =	vadd.f32 v29, v25;
	_ =	sdelay $0x1  }
0x3af: {  	v25 =	vadd.f32 v26, v25;
	_ =	sdelay $0x1  }
0x3b0: {  	[tilespmem:s25+$0xFFFFFF30] =	vst v25  }
0x3b1: {  	v25 =	vld [tilespmem:s24+$0x88B0]  }
0x3b2: {  	v26 =	vld [tilespmem:s24+$0x8830]  }
0x3b3: {  	v27 =	vld [tilespmem:s24+$0x8930]  }
0x3b4: {  	v28 =	vld [tilespmem:s24+$0x8A30]  }
0x3b5: {  	v29 =	vld [tilespmem:s24+$0x8B30]  }
0x3b6: {  	v30 =	vld [tilespmem:s24+$0x89B0]  }
0x3b7: {  	v25 =	vmul.f32 v25, v17;
	v26 =	vmul.f32 v26, v18  }
0x3b8: {  	v27 =	vmul.f32 v27, v16  }
0x3b9: {  	v25 =	vadd.f32 v25, v26  }
0x3ba: {  	v26 =	vld [tilespmem:s24+$0x8AB0]  }
0x3bb: {  	v25 =	vadd.f32 v27, v25;
	v27 =	vmul.f32 v30, v24;
	_ =	sdelay $0x1  }
0x3bc: {  	v25 =	vadd.f32 v27, v25;
	v27 =	vmul.f32 v28, v19  }
0x3bd: {  	v28 =	vld [tilespmem:s24+$0x8BB0]  }
0x3be: {  	v25 =	vadd.f32 v27, v25;
	v26 =	vmul.f32 v26, v20;
	_ =	sdelay $0x1  }
0x3bf: {  	v25 =	vadd.f32 v26, v25;
	v26 =	vmul.f32 v29, v21;
	_ =	sdelay $0x1  }
0x3c0: {  	v25 =	vadd.f32 v26, v25;
	v26 =	vmul.f32 v28, v22;
	_ =	sdelay $0x1  }
0x3c1: {  	v25 =	vadd.f32 v26, v25;
	_ =	sdelay $0x1  }
0x3c2: {  	[tilespmem:s25+$0xFFFFFF40] =	vst v25  }
0x3c3: {  	v25 =	vld [tilespmem:s24+$0x8840]  }
0x3c4: {  	v26 =	vld [tilespmem:s24+$0x88C0]  }
0x3c5: {  	v27 =	vld [tilespmem:s24+$0x8940]  }
0x3c6: {  	v28 =	vld [tilespmem:s24+$0x89C0]  }
0x3c7: {  	v29 =	vld [tilespmem:s24+$0x8A40]  }
0x3c8: {  	v25 =	vmul.f32 v25, v18;
	v30 =	vld [tilespmem:s24+$0x8AC0]  }
0x3c9: {  	v26 =	vmul.f32 v26, v17  }
0x3ca: {  	v27 =	vmul.f32 v27, v16  }
0x3cb: {  	v25 =	vadd.f32 v26, v25;
	v26 =	vmul.f32 v28, v24  }
0x3cc: {  	v28 =	vmul.f32 v29, v19  }
0x3cd: {  	v25 =	vadd.f32 v27, v25;
	v27 =	vmul.f32 v30, v20  }
0x3ce: {  	v29 =	vld [tilespmem:s24+$0x8B40]  }
0x3cf: {  	v25 =	vadd.f32 v26, v25  }
0x3d0: {  	v26 =	vld [tilespmem:s24+$0x8BC0]  }
0x3d1: {  	v25 =	vadd.f32 v28, v25;
	_ =	sdelay $0x1  }
0x3d2: {  	v25 =	vadd.f32 v27, v25;
	v27 =	vmul.f32 v29, v21;
	_ =	sdelay $0x1  }
0x3d3: {  	v25 =	vadd.f32 v27, v25;
	v26 =	vmul.f32 v26, v22;
	_ =	sdelay $0x1  }
0x3d4: {  	v25 =	vadd.f32 v26, v25;
	_ =	sdelay $0x1  }
0x3d5: {  	[tilespmem:s25+$0xFFFFFF50] =	vst v25  }
0x3d6: {  	v25 =	vld [tilespmem:s24+$0x8850]  }
0x3d7: {  	v26 =	vld [tilespmem:s24+$0x88D0]  }
0x3d8: {  	v27 =	vld [tilespmem:s24+$0x8950]  }
0x3d9: {  	v28 =	vld [tilespmem:s24+$0x89D0]  }
0x3da: {  	v29 =	vld [tilespmem:s24+$0x8A50]  }
0x3db: {  	v25 =	vmul.f32 v25, v18;
	v30 =	vld [tilespmem:s24+$0x8AD0]  }
0x3dc: {  	v26 =	vmul.f32 v26, v17  }
0x3dd: {  	v27 =	vmul.f32 v27, v16  }
0x3de: {  	v25 =	vadd.f32 v26, v25;
	v26 =	vmul.f32 v28, v24  }
0x3df: {  	v28 =	vmul.f32 v29, v19  }
0x3e0: {  	v25 =	vadd.f32 v27, v25;
	v27 =	vmul.f32 v30, v20  }
0x3e1: {  	v29 =	vld [tilespmem:s24+$0x8B50]  }
0x3e2: {  	v25 =	vadd.f32 v26, v25  }
0x3e3: {  	v26 =	vld [tilespmem:s24+$0x8BD0]  }
0x3e4: {  	v25 =	vadd.f32 v28, v25;
	_ =	sdelay $0x1  }
0x3e5: {  	v25 =	vadd.f32 v27, v25;
	v27 =	vmul.f32 v29, v21;
	_ =	sdelay $0x1  }
0x3e6: {  	v25 =	vadd.f32 v27, v25;
	v26 =	vmul.f32 v26, v22;
	_ =	sdelay $0x1  }
0x3e7: {  	v25 =	vadd.f32 v26, v25;
	_ =	sdelay $0x1  }
0x3e8: {  	[tilespmem:s25+$0xFFFFFF60] =	vst v25  }
0x3e9: {  	v25 =	vld [tilespmem:s24+$0x88E0]  }
0x3ea: {  	v26 =	vld [tilespmem:s24+$0x8860]  }
0x3eb: {  	v27 =	vld [tilespmem:s24+$0x8960]  }
0x3ec: {  	v28 =	vld [tilespmem:s24+$0x89E0]  }
0x3ed: {  	v29 =	vld [tilespmem:s24+$0x8A60]  }
0x3ee: {  	v25 =	vmul.f32 v25, v17;
	v30 =	vld [tilespmem:s24+$0x8AE0]  }
0x3ef: {  	v26 =	vmul.f32 v26, v18  }
0x3f0: {  	v27 =	vmul.f32 v27, v16  }
0x3f1: {  	v25 =	vadd.f32 v25, v26;
	v26 =	vmul.f32 v28, v24  }
0x3f2: {  	v28 =	vmul.f32 v29, v19  }
0x3f3: {  	v25 =	vadd.f32 v27, v25;
	v27 =	vmul.f32 v30, v20  }
0x3f4: {  	v29 =	vld [tilespmem:s24+$0x8B60]  }
0x3f5: {  	v25 =	vadd.f32 v26, v25  }
0x3f6: {  	v26 =	vld [tilespmem:s24+$0x8BE0]  }
0x3f7: {  	v25 =	vadd.f32 v28, v25;
	_ =	sdelay $0x1  }
0x3f8: {  	v25 =	vadd.f32 v27, v25;
	v27 =	vmul.f32 v29, v21;
	_ =	sdelay $0x1  }
0x3f9: {  	v25 =	vadd.f32 v27, v25;
	v26 =	vmul.f32 v26, v22;
	_ =	sdelay $0x1  }
0x3fa: {  	v25 =	vadd.f32 v26, v25;
	_ =	sdelay $0x1  }
0x3fb: {  	[tilespmem:s25+$0xFFFFFF70] =	vst v25  }
0x3fc: {  	v25 =	vld [tilespmem:s24+$0x8870]  }
0x3fd: {  	v26 =	vld [tilespmem:s24+$0x88F0]  }
0x3fe: {  	v27 =	vld [tilespmem:s24+$0x89F0]  }
0x3ff: {  	v28 =	vld [tilespmem:s24+$0x8970];
	_ =	sdelay $0x1  }
0x400: {  	v18 =	vmul.f32 v25, v18  }
0x401: {  	v17 =	vmul.f32 v26, v17  }
0x402: {  	v24 =	vmul.f32 v27, v24;
	v25 =	vld [tilespmem:s24+$0x8A70]  }
0x403: {  	v17 =	vadd.f32 v17, v18;
	v16 =	vmul.f32 v28, v16  }
0x404: {  	v18 =	vld [tilespmem:s24+$0x8AF0]  }
0x405: {  	v16 =	vadd.f32 v16, v17  }
0x406: {  	v17 =	vld [tilespmem:s24+$0x8B70]  }
0x407: {  	v16 =	vadd.f32 v24, v16;
	v19 =	vmul.f32 v25, v19  }
0x408: {  	v24 =	vld [tilespmem:s24+$0x8BF0]  }
0x409: {  	v16 =	vadd.f32 v19, v16;
	v18 =	vmul.f32 v18, v20;
	_ =	sdelay $0x1  }
0x40a: {  	v16 =	vadd.f32 v18, v16;
	v17 =	vmul.f32 v17, v21;
	_ =	sdelay $0x1  }
0x40b: {  	v16 =	vadd.f32 v17, v16;
	v17 =	vmul.f32 v24, v22;
	_ =	sdelay $0x1  }
0x40c: {  	v16 =	vadd.f32 v17, v16;
	_ =	sdelay $0x1  }
0x40d: {  	[tilespmem:s25+$0xFFFFFF80] =	vst v16  }
0x40e: {  	v16 =	vld [tilespmem:s24+$0x8C00]  }
0x40f: {  	v17 =	vld [tilespmem:s24+$0x8C80]  }
0x410: {  	v20 =	vld [tilespmem:s24+$0x8D00]  }
0x411: {  	v18 =	vperm.xlane v23, v8;
	v21 =	vld [tilespmem:s24+$0x8D80]  }
0x412: {  	v19 =	vperm.xlane v23, v9  }
0x413: {  	v22 =	vmul.f32 v16, v18  }
0x414: {  	v16 =	vperm.xlane v23, v10;
	v24 =	vmul.f32 v17, v19  }
0x415: {  	v25 =	vld [tilespmem:s24+$0x8E00]  }
0x416: {  	v17 =	vperm.xlane v23, v11;
	v22 =	vadd.f32 v24, v22;
	v24 =	vmul.f32 v20, v16  }
0x417: {  	v26 =	vld [tilespmem:s24+$0x8E80]  }
0x418: {  	v20 =	vperm.xlane v23, v12;
	v22 =	vadd.f32 v24, v22;
	v24 =	vmul.f32 v21, v17  }
0x419: {  	v27 =	vld [tilespmem:s24+$0x8F00]  }
0x41a: {  	v21 =	vperm.xlane v23, v13;
	v24 =	vadd.f32 v24, v22;
	v25 =	vmul.f32 v25, v20  }
0x41b: {  	v28 =	vld [tilespmem:s24+$0x8F80]  }
0x41c: {  	v22 =	vperm.xlane v23, v14;
	v24 =	vadd.f32 v25, v24;
	v25 =	vmul.f32 v26, v21;
	_ =	sdelay $0x1  }
0x41d: {  	v23 =	vperm.xlane v23, v15;
	v24 =	vadd.f32 v25, v24;
	v25 =	vmul.f32 v27, v22;
	_ =	sdelay $0x1  }
0x41e: {  	v24 =	vadd.f32 v25, v24;
	v25 =	vmul.f32 v28, v23;
	_ =	sdelay $0x1  }
0x41f: {  	v24 =	vadd.f32 v25, v24;
	_ =	sdelay $0x1  }
0x420: {  	[tilespmem:s25+$0xFFFFFF90] =	vst v24  }
0x421: {  	v24 =	vld [tilespmem:s24+$0x8C10]  }
0x422: {  	v25 =	vld [tilespmem:s24+$0x8C90]  }
0x423: {  	v26 =	vld [tilespmem:s24+$0x8D10]  }
0x424: {  	v27 =	vld [tilespmem:s24+$0x8D90]  }
0x425: {  	v28 =	vld [tilespmem:s24+$0x8E10]  }
0x426: {  	v24 =	vmul.f32 v24, v18;
	v29 =	vld [tilespmem:s24+$0x8E90]  }
0x427: {  	v25 =	vmul.f32 v25, v19;
	v30 =	vld [tilespmem:s24+$0x8F10]  }
0x428: {  	v31 =	vld [tilespmem:s24+$0x8F90]  }
0x429: {  	v24 =	vadd.f32 v25, v24;
	v25 =	vmul.f32 v26, v16;
	_ =	sdelay $0x1  }
0x42a: {  	v24 =	vadd.f32 v25, v24;
	v25 =	vmul.f32 v27, v17;
	_ =	sdelay $0x1  }
0x42b: {  	v24 =	vadd.f32 v25, v24;
	v25 =	vmul.f32 v28, v20;
	_ =	sdelay $0x1  }
0x42c: {  	v24 =	vadd.f32 v25, v24;
	v25 =	vmul.f32 v29, v21;
	_ =	sdelay $0x1  }
0x42d: {  	v24 =	vadd.f32 v25, v24;
	v25 =	vmul.f32 v30, v22;
	_ =	sdelay $0x1  }
0x42e: {  	v24 =	vadd.f32 v25, v24;
	v25 =	vmul.f32 v31, v23;
	_ =	sdelay $0x1  }
0x42f: {  	v24 =	vadd.f32 v25, v24;
	_ =	sdelay $0x1  }
0x430: {  	[tilespmem:s25+$0xFFFFFFA0] =	vst v24  }
0x431: {  	v24 =	vld [tilespmem:s24+$0x8CA0]  }
0x432: {  	v25 =	vld [tilespmem:s24+$0x8C20]  }
0x433: {  	v26 =	vld [tilespmem:s24+$0x8D20]  }
0x434: {  	v27 =	vld [tilespmem:s24+$0x8DA0]  }
0x435: {  	v28 =	vld [tilespmem:s24+$0x8E20]  }
0x436: {  	v24 =	vmul.f32 v24, v19;
	v29 =	vld [tilespmem:s24+$0x8EA0]  }
0x437: {  	v25 =	vmul.f32 v25, v18;
	v30 =	vld [tilespmem:s24+$0x8F20]  }
0x438: {  	v31 =	vld [tilespmem:s24+$0x8FA0]  }
0x439: {  	v24 =	vadd.f32 v24, v25;
	v25 =	vmul.f32 v26, v16;
	_ =	sdelay $0x1  }
0x43a: {  	v24 =	vadd.f32 v25, v24;
	v25 =	vmul.f32 v27, v17;
	_ =	sdelay $0x1  }
0x43b: {  	v24 =	vadd.f32 v25, v24;
	v25 =	vmul.f32 v28, v20;
	_ =	sdelay $0x1  }
0x43c: {  	v24 =	vadd.f32 v25, v24;
	v25 =	vmul.f32 v29, v21;
	_ =	sdelay $0x1  }
0x43d: {  	v24 =	vadd.f32 v25, v24;
	v25 =	vmul.f32 v30, v22;
	_ =	sdelay $0x1  }
0x43e: {  	v24 =	vadd.f32 v25, v24;
	v25 =	vmul.f32 v31, v23;
	_ =	sdelay $0x1  }
0x43f: {  	v24 =	vadd.f32 v25, v24;
	_ =	sdelay $0x1  }
0x440: {  	[tilespmem:s25+$0xFFFFFFB0] =	vst v24  }
0x441: {  	v24 =	vld [tilespmem:s24+$0x8C30]  }
0x442: {  	v25 =	vld [tilespmem:s24+$0x8CB0]  }
0x443: {  	v26 =	vld [tilespmem:s24+$0x8D30]  }
0x444: {  	v27 =	vld [tilespmem:s24+$0x8DB0]  }
0x445: {  	v28 =	vld [tilespmem:s24+$0x8E30]  }
0x446: {  	v24 =	vmul.f32 v24, v18;
	v29 =	vld [tilespmem:s24+$0x8EB0]  }
0x447: {  	v25 =	vmul.f32 v25, v19;
	v30 =	vld [tilespmem:s24+$0x8F30]  }
0x448: {  	v31 =	vld [tilespmem:s24+$0x8FB0]  }
0x449: {  	v24 =	vadd.f32 v25, v24;
	v25 =	vmul.f32 v26, v16;
	_ =	sdelay $0x1  }
0x44a: {  	v24 =	vadd.f32 v25, v24;
	v25 =	vmul.f32 v27, v17;
	_ =	sdelay $0x1  }
0x44b: {  	v24 =	vadd.f32 v25, v24;
	v25 =	vmul.f32 v28, v20;
	_ =	sdelay $0x1  }
0x44c: {  	v24 =	vadd.f32 v25, v24;
	v25 =	vmul.f32 v29, v21;
	_ =	sdelay $0x1  }
0x44d: {  	v24 =	vadd.f32 v25, v24;
	v25 =	vmul.f32 v30, v22;
	_ =	sdelay $0x1  }
0x44e: {  	v24 =	vadd.f32 v25, v24;
	v25 =	vmul.f32 v31, v23;
	_ =	sdelay $0x1  }
0x44f: {  	v24 =	vadd.f32 v25, v24;
	_ =	sdelay $0x1  }
0x450: {  	[tilespmem:s25+$0xFFFFFFC0] =	vst v24  }
0x451: {  	v24 =	vld [tilespmem:s24+$0x8CC0]  }
0x452: {  	v25 =	vld [tilespmem:s24+$0x8C40]  }
0x453: {  	v26 =	vld [tilespmem:s24+$0x8D40]  }
0x454: {  	v27 =	vld [tilespmem:s24+$0x8DC0]  }
0x455: {  	v28 =	vld [tilespmem:s24+$0x8E40]  }
0x456: {  	v24 =	vmul.f32 v24, v19;
	v29 =	vld [tilespmem:s24+$0x8EC0]  }
0x457: {  	v25 =	vmul.f32 v25, v18;
	v30 =	vld [tilespmem:s24+$0x8F40]  }
0x458: {  	v26 =	vmul.f32 v26, v16;
	v31 =	vld [tilespmem:s24+$0x8FC0]  }
0x459: {  	v24 =	vadd.f32 v24, v25  }
0x45a: {  	v25 =	vmul.f32 v27, v17  }
0x45b: {  	v24 =	vadd.f32 v26, v24;
	_ =	sdelay $0x1  }
0x45c: {  	v24 =	vadd.f32 v25, v24;
	v25 =	vmul.f32 v28, v20;
	_ =	sdelay $0x1  }
0x45d: {  	v24 =	vadd.f32 v25, v24;
	v25 =	vmul.f32 v29, v21;
	_ =	sdelay $0x1  }
0x45e: {  	v24 =	vadd.f32 v25, v24;
	v25 =	vmul.f32 v30, v22;
	_ =	sdelay $0x1  }
0x45f: {  	v24 =	vadd.f32 v25, v24;
	v25 =	vmul.f32 v31, v23;
	_ =	sdelay $0x1  }
0x460: {  	v24 =	vadd.f32 v25, v24;
	_ =	sdelay $0x1  }
0x461: {  	[tilespmem:s25+$0xFFFFFFD0] =	vst v24  }
0x462: {  	v24 =	vld [tilespmem:s24+$0x8C50]  }
0x463: {  	v25 =	vld [tilespmem:s24+$0x8CD0]  }
0x464: {  	v26 =	vld [tilespmem:s24+$0x8D50]  }
0x465: {  	v27 =	vld [tilespmem:s24+$0x8DD0]  }
0x466: {  	v28 =	vld [tilespmem:s24+$0x8E50]  }
0x467: {  	v24 =	vmul.f32 v24, v18;
	v29 =	vld [tilespmem:s24+$0x8ED0]  }
0x468: {  	v25 =	vmul.f32 v25, v19;
	v30 =	vld [tilespmem:s24+$0x8F50]  }
0x469: {  	v31 =	vld [tilespmem:s24+$0x8FD0]  }
0x46a: {  	v24 =	vadd.f32 v25, v24;
	v25 =	vmul.f32 v26, v16;
	_ =	sdelay $0x1  }
0x46b: {  	v24 =	vadd.f32 v25, v24;
	v25 =	vmul.f32 v27, v17;
	_ =	sdelay $0x1  }
0x46c: {  	v24 =	vadd.f32 v25, v24;
	v25 =	vmul.f32 v28, v20;
	_ =	sdelay $0x1  }
0x46d: {  	v24 =	vadd.f32 v25, v24;
	v25 =	vmul.f32 v29, v21;
	_ =	sdelay $0x1  }
0x46e: {  	v24 =	vadd.f32 v25, v24;
	v25 =	vmul.f32 v30, v22;
	_ =	sdelay $0x1  }
0x46f: {  	v24 =	vadd.f32 v25, v24;
	v25 =	vmul.f32 v31, v23;
	_ =	sdelay $0x1  }
0x470: {  	v24 =	vadd.f32 v25, v24;
	_ =	sdelay $0x1  }
0x471: {  	[tilespmem:s25+$0xFFFFFFE0] =	vst v24  }
0x472: {  	v24 =	vld [tilespmem:s24+$0x8C60]  }
0x473: {  	v25 =	vld [tilespmem:s24+$0x8D60]  }
0x474: {  	v26 =	vld [tilespmem:s24+$0x8CE0]  }
0x475: {  	v27 =	vld [tilespmem:s24+$0x8DE0]  }
0x476: {  	v28 =	vld [tilespmem:s24+$0x8E60]  }
0x477: {  	v29 =	vld [tilespmem:s24+$0x8EE0]  }
0x478: {  	v30 =	vld [tilespmem:s24+$0x8F60]  }
0x479: {  	v24 =	vmul.f32 v24, v18;
	v26 =	vmul.f32 v26, v19;
	v31 =	vld [tilespmem:s24+$0x8FE0];
	_ =	sdelay $0x1  }
0x47a: {  	v25 =	vmul.f32 v25, v16;
	v24 =	vadd.f32 v26, v24;
	_ =	sdelay $0x1  }
0x47b: {  	v24 =	vadd.f32 v25, v24;
	v25 =	vmul.f32 v27, v17;
	_ =	sdelay $0x1  }
0x47c: {  	v24 =	vadd.f32 v25, v24;
	v25 =	vmul.f32 v28, v20;
	_ =	sdelay $0x1  }
0x47d: {  	v24 =	vadd.f32 v25, v24;
	v25 =	vmul.f32 v29, v21;
	_ =	sdelay $0x1  }
.Ltmp4:
0x47e: {  	v24 =	vadd.f32 v25, v24;
	v25 =	vmul.f32 v30, v22;
	(pc) =	sbr.rel @p0 .LBB2_9-.Ltmp4, $3  }
0x47f: {  	_ = 	snop  }
0x480: {  	v24 =	vadd.f32 v25, v24;
	v25 =	vmul.f32 v31, v23;
	_ =	sdelay $0x1  }
0x481: {  	v24 =	vadd.f32 v25, v24  }
0x482: {  	_ = 	snop  }
0x483: {  	[tilespmem:s26+$0xFFFFFFF0] =	vst v24  }
0x484: {  	v24 =	vld [tilespmem:s24+$0x8C70]  }
0x485: {  	v25 =	vld [tilespmem:s24+$0x8CF0];
	_ =	sdelay $0x1  }
0x486: {  	v26 =	vld [tilespmem:s24+$0x8D70];
	_ =	sdelay $0x1  }
0x487: {  	v27 =	vld [tilespmem:s24+$0x8DF0]  }
0x488: {  	v18 =	vmul.f32 v24, v18;
	v19 =	vmul.f32 v25, v19  }
0x489: {  	v60 =	vld [tilespmem:s24+$0x8E70]  }
0x48a: {  	v16 =	vmul.f32 v26, v16;
	v18 =	vadd.f32 v19, v18  }
0x48b: {  	v61 =	vld [tilespmem:s24+$0x8EF0]  }
0x48c: {  	v17 =	vmul.f32 v27, v17;
	v16 =	vadd.f32 v16, v18  }
0x48d: {  	v62 =	vld [tilespmem:s24+$0x8F70]  }
0x48e: {  	v16 =	vadd.f32 v17, v16;
	v17 =	vmul.f32 v60, v20  }
0x48f: {  	v63 =	vld [tilespmem:s24+$0x8FF0]  }
0x490: {  	v16 =	vadd.f32 v17, v16;
	v17 =	vmul.f32 v61, v21;
	_ =	sdelay $0x1  }
0x491: {  	v16 =	vadd.f32 v17, v16;
	v17 =	vmul.f32 v62, v22;
	_ =	sdelay $0x1  }
0x492: {  	p0 =	sne.s32 s22, $0x24;
	v16 =	vadd.f32 v17, v16;
	v17 =	vmul.f32 v63, v23  }
.Ltmp5:
0x493: {  	s23 =	sshll.u32 s23, $0xB;
	(pc) =	sbr.rel @p0 .LBB2_2-.Ltmp5, $4  }
0x494: {  	s23 =	sadd.s32 s7, s23;
	v16 =	vadd.f32 v17, v16  }
0x495: {  	s23 =	sshrl.u32 s23, $0x3  }
0x496: {  	s20 =	sadd.s32 $0x100, s20;
	s21 =	sadd.s32 $0x100, s21;
	s23 =	sadd.s32 s4, s23;
	[tilespmem:s26+$0x0] =	vst v16  }
0x497: {  	[hbm4b:s23+s3] =	stream.linear.scatter [tilespmem:s17], [sflag:$0x4], $0x800, $0x38;
	[tilespmem:$0xD800] =	vst v63  }
0x498: {  	s19 =	sadd.s32 $0x1, s19  }
0x499: {  	_ =	swait.ge [sflag:s18], $0x800;
	p0 =	sne.s32 s19, s8  }
.Ltmp6:
0x49a: {  	[sflag:s18] =	ssyncset.done $0x0;
	(pc) =	sbr.rel @p0 .LBB2_1-.Ltmp6, $4  }
0x49b: {  	[sflag:s18] =	ssyncadd.s32 $0xFFFFF800  }
0x49c: {  	_ =	swait.ge [sflag:s16], $0x800  }
0x49d: {  	[sflag:s16] =	ssyncset.done $0x0  }
0x49e: {  	[sflag:s16] =	ssyncadd.s32 $0xFFFFF800  }
0x49f: {  	_ =	sfence.sel $0x180000  }
0x4a0: {  	[bflag:$0x0] =	sbarrier.arrive $0xFFFF  }
0x4a1: {  	p0 =	sne.s32 s0, $0x0;
	_ =	strace $0x90000047  }
0x4a2: {  	s0 =	sadd.s32 @!p0 $0x100000, s2;
	[bflag:$0x2] =	sbarrier.arrive $0xFFFF  }
0x4a3: {  	[sflag:s0] =	ssyncadd.tile.s32 @!p0 $0x1;
	_ =	shalt  }
.Lfunc_end2:
_tile_overlayer_lowered:
.L_overlay_start_2:
0x4a4: {  	(tag) =	ssettag $0x2  }
0x4a5: {  	s0 =	rddreg [dreg:$0x0];
	s2 =	stileid.u32  }
0x4a6: {  	s1 =	rddreg [dreg:$0x1];
	p0 =	sne.s32 s2, $0x0  }
0x4a7: {  	s3 =	rddreg [dreg:$0x2];
	[bflag:$0x3] =	sbarrier.arrive $0xFFFF;
	s2 =	simm.s32 @!p0 $0x1C05  }
0x4a8: {  	[timem:s3], [sflag:s2] =	dma.local @!p0 [hbm:s0], s1  }
0x4a9: {  	s0 =	simm.s32 @!p0 $0x5  }
0x4aa: {  	_ =	swait.ge @!p0 [sflag:s0], s1  }
0x4ab: {  	s1 =	ssub.s32 @!p0 $0x0, s1;
	[sflag:s0] =	ssyncset.done @!p0 $0x0  }
0x4ac: {  	[sflag:s0] =	ssyncadd.s32 @!p0 s1  }
0x4ad: {  	[bflag:$0x3] =	sbarrier.arrive $0xFFFF  }
0x4ae: {  	_ =	shalt  }

</sc_bundles>
